<compile_context>
chip_gen: v7x
topology: tpu7x:2x2x1
jax: 0.10.2.dev20260603
libtpu: 0.0.44.dev20260713+nightly
codegen_flags: <defaults>
</compile_context>

<pallas_src>
import functools
import math

import jax
import jax.numpy as jnp
import numpy as np
from jax import lax
from jax.experimental import pallas as pl
from jax.experimental.pallas import tpu as pltpu
from jax.experimental.pallas import tpu_sc as plsc

B = 8
N = 4096
S = 1024
K = 32
R2 = 0.4 ** 2
C0 = 64
C1 = 64
C2 = 128
STILE = 128
RROWS = STILE * K
MTOT = B * S * K
NSTEP = S // STILE

_SQ = S // 4
_GCH = MTOT // 32 // 128
_KP = K + 16


def _gelu(x):
    return x * 0.5 * (1.0 + lax.erf(x * np.float32(1.0 / math.sqrt(2.0))))


def _fps_body(x3_ref, far0_ref, nxt_ref):
    x = x3_ref[0]
    y = x3_ref[1]
    z = x3_ref[2]
    col = lax.broadcasted_iota(jnp.int32, (B, N), 1)
    scol = lax.broadcasted_iota(jnp.int32, (3, B, S), 2)

    def body(i, carry):
        dist, far = carry
        m = col == far
        cx = jnp.sum(jnp.where(m, x, 0.0), axis=1, keepdims=True)
        cy = jnp.sum(jnp.where(m, y, 0.0), axis=1, keepdims=True)
        cz = jnp.sum(jnp.where(m, z, 0.0), axis=1, keepdims=True)
        c3 = jnp.concatenate([cx[None], cy[None], cz[None]], axis=0)
        nxt_ref[...] = jnp.where(scol == i, jnp.broadcast_to(c3, (3, B, S)),
                                 nxt_ref[...])
        d = (x - cx) ** 2 + (y - cy) ** 2 + (z - cz) ** 2
        dist = jnp.minimum(dist, d)
        mx = jnp.max(dist, axis=1, keepdims=True)
        far = jnp.min(jnp.where(dist == mx, col, N), axis=1, keepdims=True)
        return dist, far

    dist0 = jnp.full((B, N), 1e10, dtype=jnp.float32)
    far0 = far0_ref[...]
    lax.fori_loop(0, S, body, (dist0, far0))


def _fps(x3, far0):
    return pl.pallas_call(
        _fps_body,
        out_shape=jax.ShapeDtypeStruct((3, B, S), jnp.float32),
    )(x3, far0)


def _z_body(xyz_ref, pts_ref, w_ref, z_ref):
    A = w_ref[:, :3]
    P = w_ref[:, 3:]
    xyzb = xyz_ref[0]
    ptsb = pts_ref[0]
    z1 = lax.dot_general(xyzb, A, (((1,), (1,)), ((), ())),
                         preferred_element_type=jnp.float32)
    z2 = lax.dot_general(ptsb, P, (((1,), (1,)), ((), ())),
                         preferred_element_type=jnp.float32)
    z_ref[0] = jnp.concatenate(
        [z1 + z2, jnp.zeros((N, 128 - C0), jnp.float32)], axis=1)


def _zcall(xyz, pts_t, cw0):
    return pl.pallas_call(
        _z_body,
        grid=(B,),
        in_specs=[
            pl.BlockSpec((1, N, 3), lambda b: (b, 0, 0)),
            pl.BlockSpec((1, N, 64), lambda b: (b, 0, 0)),
            pl.BlockSpec((C0, 67), lambda b: (0, 0)),
        ],
        out_specs=pl.BlockSpec((1, N, 128), lambda b: (b, 0, 0)),
        out_shape=jax.ShapeDtypeStruct((B, N, 128), jnp.float32),
    )(xyz, pts_t, cw0)


def _prep_body(te_ref, tw0_ref, tb0_ref, cw0_ref, cb0_ref,
               tw1_ref, tb1_ref, cw1_ref, cb1_ref,
               tw2_ref, tb2_ref, cw2_ref, cb2_ref,
               u0_ref, u1_ref, u2_ref):
    ge = _gelu(te_ref[...])

    def mk(tw, tb, cw, cb):
        t = lax.dot_general(ge, tw[...], (((1,), (1,)), ((), ())),
                            preferred_element_type=jnp.float32) + tb[...]
        return lax.dot_general(t, cw[...], (((1,), (1,)), ((), ())),
                               preferred_element_type=jnp.float32) + cb[...]

    u0_ref[...] = mk(tw0_ref, tb0_ref, cw0_ref, cb0_ref)
    u1_ref[...] = mk(tw1_ref, tb1_ref, cw1_ref, cb1_ref)
    u2_ref[...] = mk(tw2_ref, tb2_ref, cw2_ref, cb2_ref)


def _prep(te, tw0, tb0, cw0, cb0, tw1, tb1, cw1, cb1, tw2, tb2, cw2, cb2):
    return pl.pallas_call(
        _prep_body,
        out_shape=[
            jax.ShapeDtypeStruct((B, C0), jnp.float32),
            jax.ShapeDtypeStruct((B, C1), jnp.float32),
            jax.ShapeDtypeStruct((B, C2), jnp.float32),
        ],
    )(te, tw0, tb0.reshape(1, -1), cw0, cb0.reshape(1, -1),
      tw1, tb1.reshape(1, -1), cw1, cb1.reshape(1, -1),
      tw2, tb2.reshape(1, -1), cw2, cb2.reshape(1, -1))


def _bq_body(xyz_hbm, nxt_hbm, out_hbm, xv, yv, zv, cxs, cys, czs, idxv, obuf):
    c = lax.axis_index("c")
    s = lax.axis_index("s")
    wid = s * 2 + c
    b = wid // 4
    q = wid % 4
    pltpu.sync_copy(xyz_hbm.at[pl.dslice((b * 3 + 0) * N, N)], xv)
    pltpu.sync_copy(xyz_hbm.at[pl.dslice((b * 3 + 1) * N, N)], yv)
    pltpu.sync_copy(xyz_hbm.at[pl.dslice((b * 3 + 2) * N, N)], zv)
    pltpu.sync_copy(nxt_hbm.at[pl.dslice(0 * B * S + b * S + q * _SQ, _SQ)], cxs)
    pltpu.sync_copy(nxt_hbm.at[pl.dslice(1 * B * S + b * S + q * _SQ, _SQ)], cys)
    pltpu.sync_copy(nxt_hbm.at[pl.dslice(2 * B * S + b * S + q * _SQ, _SQ)], czs)
    lane = lax.iota(jnp.int32, 16)
    gbase = b * N

    def do_group(jg, _):
        cxv = cxs[pl.dslice(jg * 16, 16)]
        cyv = cys[pl.dslice(jg * 16, 16)]
        czv = czs[pl.dslice(jg * 16, 16)]
        for l in range(16):
            _one_cent(jg * 16 + l, cxv[l], cyv[l], czv[l])
        return 0

    def _one_cent(j, cx, cy, cz):
        def chunk(g, i, cnt):
            n0 = g * 16 + i
            xs = xv[pl.dslice(n0 * 16, 16)]
            ys = yv[pl.dslice(n0 * 16, 16)]
            zs = zv[pl.dslice(n0 * 16, 16)]
            dx = xs - cx
            dy = ys - cy
            dz = zs - cz
            d = dx * dx + dy * dy + dz * dz
            m = d <= R2
            gdx = lane + (n0 * 16 + gbase)
            off = jnp.minimum(cnt, K)
            plsc.store_compressed(idxv.at[pl.dslice(j * _KP + off, 16)],
                                  gdx, mask=m)
            return cnt + plsc.all_reduce_population_count(m)[0]

        def sup(g, cnt):
            def work(c):
                return lax.fori_loop(0, 16, lambda i, c2: chunk(g, i, c2), c)
            return lax.cond(cnt < K, work, lambda c: c, cnt)

        cnt = lax.fori_loop(0, N // 256, sup, 0)
        cntc = jnp.minimum(cnt, K)
        row0 = idxv[pl.dslice(j * _KP, 16)]
        first = jnp.sum(jnp.where(lane == 0, row0, 0))
        for h in range(K // 16):
            cur = idxv[pl.dslice(j * _KP + h * 16, 16)]
            ln = lane + (h * 16)
            obuf[pl.dslice(j * K + h * 16, 16)] = jnp.where(ln < cntc, cur, first)

    lax.fori_loop(0, _SQ // 16, do_group, 0)
    pltpu.sync_copy(obuf, out_hbm.at[pl.dslice((b * S + q * _SQ) * K, _SQ * K)])


def _bq(xyz_t, nxt):
    mesh = plsc.VectorSubcoreMesh(core_axis_name="c", subcore_axis_name="s")
    fn = functools.partial(
        pl.kernel,
        mesh=mesh,
        out_type=jax.ShapeDtypeStruct((MTOT,), jnp.int32),
        compiler_params=pltpu.CompilerParams(needs_layout_passes=False),
        scratch_types=[
            pltpu.VMEM((N,), jnp.float32),
            pltpu.VMEM((N,), jnp.float32),
            pltpu.VMEM((N,), jnp.float32),
            pltpu.VMEM((_SQ,), jnp.float32),
            pltpu.VMEM((_SQ,), jnp.float32),
            pltpu.VMEM((_SQ,), jnp.float32),
            pltpu.VMEM((_SQ * _KP,), jnp.int32),
            pltpu.VMEM((_SQ * K,), jnp.int32),
        ],
    )(_bq_body)
    return fn(xyz_t, nxt)


def _gather_body(z_hbm, gidx_hbm, out_hbm, idxv, buf,
                 gs0, gs1, gs2, gs3, os0, os1, os2, os3):
    c = lax.axis_index("c")
    s = lax.axis_index("s")
    wid = s * 2 + c
    cbase = wid * _GCH
    pltpu.sync_copy(gidx_hbm.at[pl.dslice(cbase * 128, _GCH * 128)], idxv)
    gsems = [gs0, gs1, gs2, gs3]
    osems = [os0, os1, os2, os3]

    def gsrc(j):
        return z_hbm.at[idxv.at[pl.dslice(j * 128, 128)]]

    def osrc(slot):
        return buf.at[slot]

    def odst(j):
        return out_hbm.at[pl.dslice((cbase + j) * 128, 128)]

    for slot in range(4):
        pltpu.async_copy(gsrc(slot), buf.at[slot], gsems[slot])

    def body(i, _):
        for slot in range(4):
            j = 4 * i + slot
            pltpu.make_async_copy(gsrc(j), buf.at[slot], gsems[slot]).wait()
            pltpu.async_copy(osrc(slot), odst(j), osems[slot])
            nj = j + 4

            @pl.when(nj < _GCH)
            def _():
                pltpu.make_async_copy(osrc(slot), odst(j), osems[slot]).wait()
                pltpu.async_copy(gsrc(nj), buf.at[slot], gsems[slot])
        return 0

    lax.fori_loop(0, _GCH // 4, body, 0)
    for slot in range(4):
        j = _GCH - 4 + slot
        pltpu.make_async_copy(osrc(slot), odst(j), osems[slot]).wait()


def _gather(zflat, gidx2):
    mesh = plsc.VectorSubcoreMesh(core_axis_name="c", subcore_axis_name="s")
    fn = functools.partial(
        pl.kernel,
        mesh=mesh,
        out_type=jax.ShapeDtypeStruct((MTOT, 128), jnp.float32),
        compiler_params=pltpu.CompilerParams(needs_layout_passes=False),
        scratch_types=[
            pltpu.VMEM((_GCH * 128,), jnp.int32),
            pltpu.VMEM((4, 128, 128), jnp.float32),
            pltpu.SemaphoreType.DMA,
            pltpu.SemaphoreType.DMA,
            pltpu.SemaphoreType.DMA,
            pltpu.SemaphoreType.DMA,
            pltpu.SemaphoreType.DMA,
            pltpu.SemaphoreType.DMA,
            pltpu.SemaphoreType.DMA,
            pltpu.SemaphoreType.DMA,
        ],
    )(_gather_body)
    return fn(zflat, gidx2)


def _y0_tile(g_ref, nx_ref, w_ref, u_ref):
    Gt = g_ref[...][:, :C0]
    nx = nx_ref[0]
    A = w_ref[:, :3]
    v = u_ref[0] - lax.dot_general(nx, A, (((1,), (1,)), ((), ())),
                                     preferred_element_type=jnp.float32)
    vr = jnp.broadcast_to(v[:, None, :], (STILE, K, C0)).reshape(RROWS, C0)
    return Gt + vr


def _first_step():
    return jnp.logical_and(pl.program_id(0) == 0, pl.program_id(1) == 0)


def _stats0_body(g_ref, nx_ref, w_ref, u_ref, sum_ref):
    y0 = _y0_tile(g_ref, nx_ref, w_ref, u_ref)

    @pl.when(_first_step())
    def _():
        sum_ref[...] = jnp.zeros_like(sum_ref)

    s1 = jnp.sum(y0, axis=0, keepdims=True)
    s2 = jnp.sum(y0 * y0, axis=0, keepdims=True)
    sum_ref[...] += jnp.concatenate([s1, s2], axis=0)


def _stats0(g0, nx3, cw0, u0):
    return pl.pallas_call(
        _stats0_body,
        grid=(B, NSTEP),
        in_specs=[
            pl.BlockSpec((RROWS, 128), lambda b, j: (b * NSTEP + j, 0)),
            pl.BlockSpec((1, STILE, 3), lambda b, j: (b, j, 0)),
            pl.BlockSpec((C0, 67), lambda b, j: (0, 0)),
            pl.BlockSpec((1, 1, C0), lambda b, j: (b, 0, 0)),
        ],
        out_specs=pl.BlockSpec((2, C0), lambda b, j: (0, 0)),
        out_shape=jax.ShapeDtypeStruct((2, C0), jnp.float32),
    )(g0, nx3, cw0, u0.reshape(B, 1, C0))


def _l1_body(g_ref, nx_ref, w_ref, u_ref, sc_ref, sh_ref, w1_ref, u1_ref,
             y1_ref, sum_ref):
    y0 = _y0_tile(g_ref, nx_ref, w_ref, u_ref)
    x1 = _gelu(y0 * sc_ref[...] + sh_ref[...])
    y1 = lax.dot_general(x1, w1_ref[...], (((1,), (1,)), ((), ())),
                         preferred_element_type=jnp.float32) + u1_ref[0]
    y1_ref[...] = y1

    @pl.when(_first_step())
    def _():
        sum_ref[...] = jnp.zeros_like(sum_ref)

    s1 = jnp.sum(y1, axis=0, keepdims=True)
    s2 = jnp.sum(y1 * y1, axis=0, keepdims=True)
    sum_ref[...] += jnp.concatenate([s1, s2], axis=0)


def _l1(g0, nx3, cw0, u0, sc0, sh0, cw1, u1):
    return pl.pallas_call(
        _l1_body,
        grid=(B, NSTEP),
        in_specs=[
            pl.BlockSpec((RROWS, 128), lambda b, j: (b * NSTEP + j, 0)),
            pl.BlockSpec((1, STILE, 3), lambda b, j: (b, j, 0)),
            pl.BlockSpec((C0, 67), lambda b, j: (0, 0)),
            pl.BlockSpec((1, 1, C0), lambda b, j: (b, 0, 0)),
            pl.BlockSpec((1, C0), lambda b, j: (0, 0)),
            pl.BlockSpec((1, C0), lambda b, j: (0, 0)),
            pl.BlockSpec((C1, C0), lambda b, j: (0, 0)),
            pl.BlockSpec((1, 1, C1), lambda b, j: (b, 0, 0)),
        ],
        out_specs=[
            pl.BlockSpec((RROWS, C1), lambda b, j: (b * NSTEP + j, 0)),
            pl.BlockSpec((2, C1), lambda b, j: (0, 0)),
        ],
        out_shape=[
            jax.ShapeDtypeStruct((MTOT, C1), jnp.float32),
            jax.ShapeDtypeStruct((2, C1), jnp.float32),
        ],
    )(g0, nx3, cw0, u0.reshape(B, 1, C0), sc0, sh0, cw1, u1.reshape(B, 1, C1))


def _stats2_body(y1_ref, sc_ref, sh_ref, w2_ref, u2_ref, sum_ref):
    x2 = _gelu(y1_ref[...] * sc_ref[...] + sh_ref[...])
    y2 = lax.dot_general(x2, w2_ref[...], (((1,), (1,)), ((), ())),
                         preferred_element_type=jnp.float32) + u2_ref[0]

    @pl.when(_first_step())
    def _():
        sum_ref[...] = jnp.zeros_like(sum_ref)

    s1 = jnp.sum(y2, axis=0, keepdims=True)
    s2 = jnp.sum(y2 * y2, axis=0, keepdims=True)
    sum_ref[...] += jnp.concatenate([s1, s2], axis=0)


def _stats2(y1, sc1, sh1, cw2, u2):
    return pl.pallas_call(
        _stats2_body,
        grid=(B, NSTEP),
        in_specs=[
            pl.BlockSpec((RROWS, C1), lambda b, j: (b * NSTEP + j, 0)),
            pl.BlockSpec((1, C1), lambda b, j: (0, 0)),
            pl.BlockSpec((1, C1), lambda b, j: (0, 0)),
            pl.BlockSpec((C2, C1), lambda b, j: (0, 0)),
            pl.BlockSpec((1, 1, C2), lambda b, j: (b, 0, 0)),
        ],
        out_specs=pl.BlockSpec((2, C2), lambda b, j: (0, 0)),
        out_shape=jax.ShapeDtypeStruct((2, C2), jnp.float32),
    )(y1, sc1, sh1, cw2, u2.reshape(B, 1, C2))


def _final_body(y1_ref, sc_ref, sh_ref, w2_ref, u2_ref, sc2_ref, sh2_ref,
                out_ref):
    x2 = _gelu(y1_ref[...] * sc_ref[...] + sh_ref[...])
    y2 = lax.dot_general(x2, w2_ref[...], (((1,), (1,)), ((), ())),
                         preferred_element_type=jnp.float32) + u2_ref[0]
    z = _gelu(y2 * sc2_ref[...] + sh2_ref[...])
    out_ref[...] = jnp.max(z.reshape(STILE, K, C2), axis=1)


def _final(y1, sc1, sh1, cw2, u2, sc2, sh2):
    return pl.pallas_call(
        _final_body,
        grid=(B, NSTEP),
        in_specs=[
            pl.BlockSpec((RROWS, C1), lambda b, j: (b * NSTEP + j, 0)),
            pl.BlockSpec((1, C1), lambda b, j: (0, 0)),
            pl.BlockSpec((1, C1), lambda b, j: (0, 0)),
            pl.BlockSpec((C2, C1), lambda b, j: (0, 0)),
            pl.BlockSpec((1, 1, C2), lambda b, j: (b, 0, 0)),
            pl.BlockSpec((1, C2), lambda b, j: (0, 0)),
            pl.BlockSpec((1, C2), lambda b, j: (0, 0)),
        ],
        out_specs=pl.BlockSpec((STILE, C2), lambda b, j: (b * NSTEP + j, 0)),
        out_shape=jax.ShapeDtypeStruct((B * S, C2), jnp.float32),
    )(y1, sc1, sh1, cw2, u2.reshape(B, 1, C2), sc2, sh2)


def _scale_shift(sums, gamma, beta):
    mean = sums[0] / MTOT
    var = sums[1] / MTOT - mean * mean
    sc = gamma / jnp.sqrt(var + 1e-5)
    sh = beta - mean * sc
    return sc.reshape(1, -1), sh.reshape(1, -1)


def kernel(xyz, points, t_embed,
           conv_w0, conv_b0, tw0, tb0, gamma0, beta0,
           conv_w1, conv_b1, tw1, tb1, gamma1, beta1,
           conv_w2, conv_b2, tw2, tb2, gamma2, beta2):
    x3 = jnp.transpose(xyz, (2, 0, 1))
    xyz_t = jnp.transpose(xyz, (0, 2, 1))
    pts_t = jnp.transpose(points, (0, 2, 1))
    far0 = jax.random.randint(jax.random.key(42), (B,), 0, N).reshape(B, 1)

    nxt = _fps(x3, far0.astype(jnp.int32))
    nx3 = jnp.transpose(nxt, (1, 2, 0))
    z = _zcall(xyz, pts_t, conv_w0)
    u0, u1, u2 = _prep(t_embed, tw0, tb0, conv_w0, conv_b0,
                       tw1, tb1, conv_w1, conv_b1,
                       tw2, tb2, conv_w2, conv_b2)

    gidx = _bq(xyz_t.reshape(-1), nxt.reshape(-1))
    g0 = _gather(z.reshape(B * N, 128), gidx)

    sums0 = _stats0(g0, nx3, conv_w0, u0)
    sc0, sh0 = _scale_shift(sums0, gamma0, beta0)
    y1, sums1 = _l1(g0, nx3, conv_w0, u0, sc0, sh0, conv_w1, u1)
    sc1, sh1 = _scale_shift(sums1, gamma1, beta1)
    sums2 = _stats2(y1, sc1, sh1, conv_w2, u2)
    sc2, sh2 = _scale_shift(sums2, gamma2, beta2)
    out = _final(y1, sc1, sh1, conv_w2, u2, sc2, sh2)

    new_points = jnp.transpose(out.reshape(B, S, C2), (0, 2, 1))
    return nx3, new_points

# --- scband reference (transcript-rebuilt; emitter-appended) ---
"""Pipeline reference for scband-point-net-set-abstraction-523986010540 (READ-ONLY COPY).

The authoritative reference and input builder live on the scoring server;
editing this copy changes nothing except your own understanding.
"""

import jax, jax.numpy as jnp
import numpy as np

NPOINT = 1024
RADIUS = 0.4
NSAMPLE = 32
IN_CH = 64
MLP = [64, 64, 128]
TDIM = 128


def farthest_point_sample(xyz, npoint):
    B, N, _ = xyz.shape
    farthest0 = jax.random.randint(jax.random.key(42), (B,), 0, N)
    distance0 = jnp.full((B, N), 1e10, dtype=xyz.dtype)
    bidx = jnp.arange(B)

    def body(carry, _):
        distance, farthest = carry
        centroid = xyz[bidx, farthest][:, None, :]
        dist = jnp.sum((xyz - centroid) ** 2, axis=-1)
        distance = jnp.minimum(distance, dist)
        new_far = jnp.argmax(distance, axis=-1)
        return (distance, new_far), farthest

    _, centroids = jax.lax.scan(body, (distance0, farthest0), None, length=npoint)
    return centroids.T  # (B, npoint)


def query_ball_point(radius, nsample, xyz, new_xyz):
    B, N, _ = xyz.shape
    S = new_xyz.shape[1]
    sqrdists = jnp.sum((new_xyz[:, :, None, :] - xyz[:, None, :, :]) ** 2, axis=-1)  # (B,S,N)
    group_idx = jnp.broadcast_to(jnp.arange(N, dtype=jnp.int32)[None, None, :], (B, S, N))
    group_idx = jnp.where(sqrdists > radius ** 2, N, group_idx)
    group_idx = jnp.sort(group_idx, axis=-1)[:, :, :nsample]
    group_first = jnp.broadcast_to(group_idx[:, :, :1], (B, S, nsample))
    group_idx = jnp.where(group_idx == N, group_first, group_idx)
    return group_idx


def cond_conv(x, t_embed, cw, cb, tw, tb, gamma, beta):
    # x: (B, C, L); ConditionalConv1d with kernel_size=1, train-mode BatchNorm1d
    t = jax.nn.gelu(t_embed, approximate=False) @ tw.T + tb  # (B, C_in)
    x = x + t[:, :, None]
    x = jnp.einsum('oc,bcl->bol', cw, x) + cb[None, :, None]
    mean = jnp.mean(x, axis=(0, 2), keepdims=True)
    var = jnp.var(x, axis=(0, 2), keepdims=True)
    x = (x - mean) / jnp.sqrt(var + 1e-5)
    x = x * gamma[None, :, None] + beta[None, :, None]
    return jax.nn.gelu(x, approximate=False)


def setup_inputs(seed: int = 0):
    key = jax.random.key(seed)
    ks = jax.random.split(key, 16)
    B, N = 8, 4096
    out = {
        'xyz': jax.random.normal(ks[0], (B, N, 3), dtype=jnp.float32),
        'points': jax.random.normal(ks[1], (B, IN_CH, N), dtype=jnp.float32),
        't_embed': jax.random.normal(ks[2], (B, TDIM), dtype=jnp.float32),
    }
    last = IN_CH + 3
    ki = 3
    for li, oc in enumerate(MLP):
        out[f'conv_w{li}'] = jax.random.normal(ks[ki], (oc, last), dtype=jnp.float32) / np.sqrt(last); ki += 1
        out[f'conv_b{li}'] = jnp.zeros((oc,), dtype=jnp.float32)
        out[f'tw{li}'] = jax.random.normal(ks[ki], (last, TDIM), dtype=jnp.float32) / np.sqrt(TDIM); ki += 1
        out[f'tb{li}'] = jnp.zeros((last,), dtype=jnp.float32)
        out[f'gamma{li}'] = jnp.ones((oc,), dtype=jnp.float32)
        out[f'beta{li}'] = jnp.zeros((oc,), dtype=jnp.float32)
        last = oc
    return out


def reference(xyz, points, t_embed,
              conv_w0, conv_b0, tw0, tb0, gamma0, beta0,
              conv_w1, conv_b1, tw1, tb1, gamma1, beta1,
              conv_w2, conv_b2, tw2, tb2, gamma2, beta2):
    B, N, _ = xyz.shape
    fps_idx = farthest_point_sample(xyz, NPOINT)  # (B, S)
    bidx2 = jnp.arange(B)[:, None]
    new_xyz = xyz[bidx2, fps_idx]  # (B, S, 3)
    idx = query_ball_point(RADIUS, NSAMPLE, xyz, new_xyz)  # (B, S, K)
    bidx3 = jnp.arange(B)[:, None, None]
    grouped_xyz = xyz[bidx3, idx]  # (B, S, K, 3)
    grouped_xyz_norm = grouped_xyz - new_xyz[:, :, None, :]
    pts = jnp.transpose(points, (0, 2, 1))  # (B, N, C)
    grouped_points = pts[bidx3, idx]  # (B, S, K, C)
    new_points = jnp.concatenate([grouped_xyz_norm, grouped_points], axis=-1)
    new_points = jnp.transpose(new_points, (0, 3, 1, 2))  # (B, C+3, S, K)
    layers = [(conv_w0, conv_b0, tw0, tb0, gamma0, beta0),
              (conv_w1, conv_b1, tw1, tb1, gamma1, beta1),
              (conv_w2, conv_b2, tw2, tb2, gamma2, beta2)]
    for (cw, cb, tw, tb, g, bt) in layers:
        Bc, C, S, K = new_points.shape
        flat = new_points.reshape(Bc, C, S * K)
        flat = cond_conv(flat, t_embed, cw, cb, tw, tb, g, bt)
        new_points = flat.reshape(Bc, -1, S, K)
    new_points = jnp.max(new_points, axis=3)  # (B, mlp[-1], S)
    return (new_xyz, new_points)

if __name__ == "__main__":
    import jax
    _d = setup_inputs()
    print(jax.jit(kernel)(*tuple(_d.values())))

</pallas_src>

<mosaic_0001>
#map = affine_map<(d0, d1) -> (0)>
module attributes {stable_mosaic.version = 14 : i64} {
  func.func @_bq_body(%arg0: i32, %arg1: i32, %arg2: memref<98304xf32, #tpu.memory_space<hbm>>, %arg3: memref<24576xf32, #tpu.memory_space<hbm>>, %arg4: memref<262144xi32, #tpu.memory_space<hbm>>, %arg5: memref<4096xf32, #tpu.memory_space<vmem>>, %arg6: memref<4096xf32, #tpu.memory_space<vmem>>, %arg7: memref<4096xf32, #tpu.memory_space<vmem>>, %arg8: memref<256xf32, #tpu.memory_space<vmem>>, %arg9: memref<256xf32, #tpu.memory_space<vmem>>, %arg10: memref<256xf32, #tpu.memory_space<vmem>>, %arg11: memref<12288xi32, #tpu.memory_space<vmem>>, %arg12: memref<8192xi32, #tpu.memory_space<vmem>>) attributes {dimension_semantics = [#tpu.dimension_semantics<core_parallel>, #tpu.dimension_semantics<subcore_parallel>], iteration_bounds = array<i64: 2, 16>, scalar_prefetch = 0 : i64, scratch_operands = 8 : i64, tpu.core_type = #tpu.core_type<sc_vector_subcore>, window_params = [{transform_indices = #map}, {transform_indices = #map}, {transform_indices = #map}]} {
    %mul3A = arith.constant 2 : i32
    %mul3A_0 = arith.muli %arg1, %mul3A : i32
    %add3A = arith.addi %mul3A_0, %arg0 : i32
    %jit3A = arith.constant 4 : i32
    %div3A = arith.divsi %add3A, %jit3A : i32
    %sign3A = arith.constant 0 : i32
    %sign3A_1 = arith.cmpi sgt, %add3A, %sign3A : i32
    %sign3A_2 = arith.extui %sign3A_1 : i1 to i32
    %sign3A_3 = arith.constant 0 : i32
    %sign3A_4 = arith.cmpi slt, %add3A, %sign3A_3 : i32
    %sign3A_5 = arith.extui %sign3A_4 : i1 to i32
    %sign3A_6 = arith.subi %sign3A_2, %sign3A_5 : i32
    %sign3A_7 = arith.constant 0 : i32
    %sign3A_8 = arith.cmpi sgt, %jit3A, %sign3A_7 : i32
    %sign3A_9 = arith.extui %sign3A_8 : i1 to i32
    %sign3A_10 = arith.constant 0 : i32
    %sign3A_11 = arith.cmpi slt, %jit3A, %sign3A_10 : i32
    %sign3A_12 = arith.extui %sign3A_11 : i1 to i32
    %sign3A_13 = arith.subi %sign3A_9, %sign3A_12 : i32
    %ne3A = arith.cmpi ne, %sign3A_6, %sign3A_13 : i32
    %rem3A = arith.remsi %add3A, %jit3A : i32
    %ne3A_14 = arith.constant 0 : i32
    %ne3A_15 = arith.cmpi ne, %rem3A, %ne3A_14 : i32
    %and3A = arith.andi %ne3A, %ne3A_15 : i1
    %sub3A = arith.constant 1 : i32
    %sub3A_16 = arith.subi %div3A, %sub3A : i32
    %select_n3A = arith.select %and3A, %sub3A_16, %div3A : i32
    %jit3A_17 = arith.constant 4 : i32
    %eq3A = arith.constant 0 : i32
    %eq3A_18 = arith.cmpi eq, %jit3A_17, %eq3A : i32
    %jit3A_19 = arith.constant 1 : i32
    %select_n3A_20 = arith.select %eq3A_18, %jit3A_19, %jit3A_17 : i32
    %rem3A_21 = arith.remsi %add3A, %select_n3A_20 : i32
    %ne3A_22 = arith.constant 0 : i32
    %ne3A_23 = arith.cmpi ne, %rem3A_21, %ne3A_22 : i32
    %lt3A = arith.constant 0 : i32
    %lt3A_24 = arith.cmpi slt, %rem3A_21, %lt3A : i32
    %lt3A_25 = arith.constant 0 : i32
    %lt3A_26 = arith.cmpi slt, %select_n3A_20, %lt3A_25 : i32
    %ne3A_27 = arith.xori %lt3A_24, %lt3A_26 : i1
    %and3A_28 = arith.andi %ne3A_27, %ne3A_23 : i1
    %add3A_29 = arith.addi %rem3A_21, %select_n3A_20 : i32
    %select_n3A_30 = arith.select %and3A_28, %add3A_29, %rem3A_21 : i32
    %mul3A_31 = arith.constant 3 : i32
    %mul3A_32 = arith.muli %select_n3A, %mul3A_31 : i32
    %add3A_33 = arith.constant 0 : i32
    %add3A_34 = arith.addi %mul3A_32, %add3A_33 : i32
    %mul3A_35 = arith.constant 4096 : i32
    %mul3A_36 = arith.muli %add3A_34, %mul3A_35 : i32
    "tpu.region"() ({
      %run_scoped3A = tpu.sem_alloc : memref<!tpu.dma_semaphore, #tpu.memory_space<semaphore_mem>>
      %dma_start3A = tpu.memref_slice %arg2[%mul3A_36] : memref<98304xf32, #tpu.memory_space<hbm>> -> memref<4096xf32, #tpu.memory_space<hbm>>
      %dma_start3A_85 = tpu.memref_slice %arg2[%mul3A_36] : memref<98304xf32, #tpu.memory_space<hbm>> -> memref<4096xf32, #tpu.memory_space<hbm>>
      tpu.enqueue_dma source(%dma_start3A_85 : memref<4096xf32, #tpu.memory_space<hbm>>) target(%arg5 : memref<4096xf32, #tpu.memory_space<vmem>>) target_semaphore(%run_scoped3A : memref<!tpu.dma_semaphore, #tpu.memory_space<semaphore_mem>>)
      %dma_wait3A = tpu.memref_slice %arg2[%mul3A_36] : memref<98304xf32, #tpu.memory_space<hbm>> -> memref<4096xf32, #tpu.memory_space<hbm>>
      %dma_wait3A_86 = tpu.memref_slice %arg2[%mul3A_36] : memref<98304xf32, #tpu.memory_space<hbm>> -> memref<4096xf32, #tpu.memory_space<hbm>>
      tpu.wait_dma2 semaphore(%run_scoped3A : memref<!tpu.dma_semaphore, #tpu.memory_space<semaphore_mem>>) src(%dma_wait3A_86 : memref<4096xf32, #tpu.memory_space<hbm>>) dst(%arg5 : memref<4096xf32, #tpu.memory_space<vmem>>)
      tpu.yield
    }) : () -> ()
    %mul3A_37 = arith.constant 3 : i32
    %mul3A_38 = arith.muli %select_n3A, %mul3A_37 : i32
    %add3A_39 = arith.constant 1 : i32
    %add3A_40 = arith.addi %mul3A_38, %add3A_39 : i32
    %mul3A_41 = arith.constant 4096 : i32
    %mul3A_42 = arith.muli %add3A_40, %mul3A_41 : i32
    "tpu.region"() ({
      %run_scoped3A = tpu.sem_alloc : memref<!tpu.dma_semaphore, #tpu.memory_space<semaphore_mem>>
      %dma_start3A = tpu.memref_slice %arg2[%mul3A_42] : memref<98304xf32, #tpu.memory_space<hbm>> -> memref<4096xf32, #tpu.memory_space<hbm>>
      %dma_start3A_85 = tpu.memref_slice %arg2[%mul3A_42] : memref<98304xf32, #tpu.memory_space<hbm>> -> memref<4096xf32, #tpu.memory_space<hbm>>
      tpu.enqueue_dma source(%dma_start3A_85 : memref<4096xf32, #tpu.memory_space<hbm>>) target(%arg6 : memref<4096xf32, #tpu.memory_space<vmem>>) target_semaphore(%run_scoped3A : memref<!tpu.dma_semaphore, #tpu.memory_space<semaphore_mem>>)
      %dma_wait3A = tpu.memref_slice %arg2[%mul3A_42] : memref<98304xf32, #tpu.memory_space<hbm>> -> memref<4096xf32, #tpu.memory_space<hbm>>
      %dma_wait3A_86 = tpu.memref_slice %arg2[%mul3A_42] : memref<98304xf32, #tpu.memory_space<hbm>> -> memref<4096xf32, #tpu.memory_space<hbm>>
      tpu.wait_dma2 semaphore(%run_scoped3A : memref<!tpu.dma_semaphore, #tpu.memory_space<semaphore_mem>>) src(%dma_wait3A_86 : memref<4096xf32, #tpu.memory_space<hbm>>) dst(%arg6 : memref<4096xf32, #tpu.memory_space<vmem>>)
      tpu.yield
    }) : () -> ()
    %mul3A_43 = arith.constant 3 : i32
    %mul3A_44 = arith.muli %select_n3A, %mul3A_43 : i32
    %add3A_45 = arith.constant 2 : i32
    %add3A_46 = arith.addi %mul3A_44, %add3A_45 : i32
    %mul3A_47 = arith.constant 4096 : i32
    %mul3A_48 = arith.muli %add3A_46, %mul3A_47 : i32
    "tpu.region"() ({
      %run_scoped3A = tpu.sem_alloc : memref<!tpu.dma_semaphore, #tpu.memory_space<semaphore_mem>>
      %dma_start3A = tpu.memref_slice %arg2[%mul3A_48] : memref<98304xf32, #tpu.memory_space<hbm>> -> memref<4096xf32, #tpu.memory_space<hbm>>
      %dma_start3A_85 = tpu.memref_slice %arg2[%mul3A_48] : memref<98304xf32, #tpu.memory_space<hbm>> -> memref<4096xf32, #tpu.memory_space<hbm>>
      tpu.enqueue_dma source(%dma_start3A_85 : memref<4096xf32, #tpu.memory_space<hbm>>) target(%arg7 : memref<4096xf32, #tpu.memory_space<vmem>>) target_semaphore(%run_scoped3A : memref<!tpu.dma_semaphore, #tpu.memory_space<semaphore_mem>>)
      %dma_wait3A = tpu.memref_slice %arg2[%mul3A_48] : memref<98304xf32, #tpu.memory_space<hbm>> -> memref<4096xf32, #tpu.memory_space<hbm>>
      %dma_wait3A_86 = tpu.memref_slice %arg2[%mul3A_48] : memref<98304xf32, #tpu.memory_space<hbm>> -> memref<4096xf32, #tpu.memory_space<hbm>>
      tpu.wait_dma2 semaphore(%run_scoped3A : memref<!tpu.dma_semaphore, #tpu.memory_space<semaphore_mem>>) src(%dma_wait3A_86 : memref<4096xf32, #tpu.memory_space<hbm>>) dst(%arg7 : memref<4096xf32, #tpu.memory_space<vmem>>)
      tpu.yield
    }) : () -> ()
    %mul3A_49 = arith.constant 1024 : i32
    %mul3A_50 = arith.muli %select_n3A, %mul3A_49 : i32
    %add3A_51 = arith.constant 0 : i32
    %add3A_52 = arith.addi %add3A_51, %mul3A_50 : i32
    %mul3A_53 = arith.constant 256 : i32
    %mul3A_54 = arith.muli %select_n3A_30, %mul3A_53 : i32
    %add3A_55 = arith.addi %add3A_52, %mul3A_54 : i32
    "tpu.region"() ({
      %run_scoped3A = tpu.sem_alloc : memref<!tpu.dma_semaphore, #tpu.memory_space<semaphore_mem>>
      %dma_start3A = tpu.memref_slice %arg3[%add3A_55] : memref<24576xf32, #tpu.memory_space<hbm>> -> memref<256xf32, #tpu.memory_space<hbm>>
      %dma_start3A_85 = tpu.memref_slice %arg3[%add3A_55] : memref<24576xf32, #tpu.memory_space<hbm>> -> memref<256xf32, #tpu.memory_space<hbm>>
      tpu.enqueue_dma source(%dma_start3A_85 : memref<256xf32, #tpu.memory_space<hbm>>) target(%arg8 : memref<256xf32, #tpu.memory_space<vmem>>) target_semaphore(%run_scoped3A : memref<!tpu.dma_semaphore, #tpu.memory_space<semaphore_mem>>)
      %dma_wait3A = tpu.memref_slice %arg3[%add3A_55] : memref<24576xf32, #tpu.memory_space<hbm>> -> memref<256xf32, #tpu.memory_space<hbm>>
      %dma_wait3A_86 = tpu.memref_slice %arg3[%add3A_55] : memref<24576xf32, #tpu.memory_space<hbm>> -> memref<256xf32, #tpu.memory_space<hbm>>
      tpu.wait_dma2 semaphore(%run_scoped3A : memref<!tpu.dma_semaphore, #tpu.memory_space<semaphore_mem>>) src(%dma_wait3A_86 : memref<256xf32, #tpu.memory_space<hbm>>) dst(%arg8 : memref<256xf32, #tpu.memory_space<vmem>>)
      tpu.yield
    }) : () -> ()
    %mul3A_56 = arith.constant 1024 : i32
    %mul3A_57 = arith.muli %select_n3A, %mul3A_56 : i32
    %add3A_58 = arith.constant 8192 : i32
    %add3A_59 = arith.addi %add3A_58, %mul3A_57 : i32
    %mul3A_60 = arith.constant 256 : i32
    %mul3A_61 = arith.muli %select_n3A_30, %mul3A_60 : i32
    %add3A_62 = arith.addi %add3A_59, %mul3A_61 : i32
    "tpu.region"() ({
      %run_scoped3A = tpu.sem_alloc : memref<!tpu.dma_semaphore, #tpu.memory_space<semaphore_mem>>
      %dma_start3A = tpu.memref_slice %arg3[%add3A_62] : memref<24576xf32, #tpu.memory_space<hbm>> -> memref<256xf32, #tpu.memory_space<hbm>>
      %dma_start3A_85 = tpu.memref_slice %arg3[%add3A_62] : memref<24576xf32, #tpu.memory_space<hbm>> -> memref<256xf32, #tpu.memory_space<hbm>>
      tpu.enqueue_dma source(%dma_start3A_85 : memref<256xf32, #tpu.memory_space<hbm>>) target(%arg9 : memref<256xf32, #tpu.memory_space<vmem>>) target_semaphore(%run_scoped3A : memref<!tpu.dma_semaphore, #tpu.memory_space<semaphore_mem>>)
      %dma_wait3A = tpu.memref_slice %arg3[%add3A_62] : memref<24576xf32, #tpu.memory_space<hbm>> -> memref<256xf32, #tpu.memory_space<hbm>>
      %dma_wait3A_86 = tpu.memref_slice %arg3[%add3A_62] : memref<24576xf32, #tpu.memory_space<hbm>> -> memref<256xf32, #tpu.memory_space<hbm>>
      tpu.wait_dma2 semaphore(%run_scoped3A : memref<!tpu.dma_semaphore, #tpu.memory_space<semaphore_mem>>) src(%dma_wait3A_86 : memref<256xf32, #tpu.memory_space<hbm>>) dst(%arg9 : memref<256xf32, #tpu.memory_space<vmem>>)
      tpu.yield
    }) : () -> ()
    %mul3A_63 = arith.constant 1024 : i32
    %mul3A_64 = arith.muli %select_n3A, %mul3A_63 : i32
    %add3A_65 = arith.constant 16384 : i32
    %add3A_66 = arith.addi %add3A_65, %mul3A_64 : i32
    %mul3A_67 = arith.constant 256 : i32
    %mul3A_68 = arith.muli %select_n3A_30, %mul3A_67 : i32
    %add3A_69 = arith.addi %add3A_66, %mul3A_68 : i32
    "tpu.region"() ({
      %run_scoped3A = tpu.sem_alloc : memref<!tpu.dma_semaphore, #tpu.memory_space<semaphore_mem>>
      %dma_start3A = tpu.memref_slice %arg3[%add3A_69] : memref<24576xf32, #tpu.memory_space<hbm>> -> memref<256xf32, #tpu.memory_space<hbm>>
      %dma_start3A_85 = tpu.memref_slice %arg3[%add3A_69] : memref<24576xf32, #tpu.memory_space<hbm>> -> memref<256xf32, #tpu.memory_space<hbm>>
      tpu.enqueue_dma source(%dma_start3A_85 : memref<256xf32, #tpu.memory_space<hbm>>) target(%arg10 : memref<256xf32, #tpu.memory_space<vmem>>) target_semaphore(%run_scoped3A : memref<!tpu.dma_semaphore, #tpu.memory_space<semaphore_mem>>)
      %dma_wait3A = tpu.memref_slice %arg3[%add3A_69] : memref<24576xf32, #tpu.memory_space<hbm>> -> memref<256xf32, #tpu.memory_space<hbm>>
      %dma_wait3A_86 = tpu.memref_slice %arg3[%add3A_69] : memref<24576xf32, #tpu.memory_space<hbm>> -> memref<256xf32, #tpu.memory_space<hbm>>
      tpu.wait_dma2 semaphore(%run_scoped3A : memref<!tpu.dma_semaphore, #tpu.memory_space<semaphore_mem>>) src(%dma_wait3A_86 : memref<256xf32, #tpu.memory_space<hbm>>) dst(%arg10 : memref<256xf32, #tpu.memory_space<vmem>>)
      tpu.yield
    }) : () -> ()
    %iota3A = tpu.iota {dimensions = array<i32: 0>} : vector<16xi32>
    %mul3A_70 = arith.constant 4096 : i32
    %mul3A_71 = arith.muli %select_n3A, %mul3A_70 : i32
    %scan3A = arith.constant 0 : i32
    %scan3A_72 = arith.constant 0 : i32
    %scan3A_73 = arith.constant 16 : i32
    %scan3A_74 = arith.addi %scan3A_72, %scan3A_73 : i32
    %scan3A_75 = arith.constant 1 : i32
    %scan3A_76 = scf.for %scan3A_85 = %scan3A_72 to %scan3A_74 step %scan3A_75 iter_args(%scan3A_86 = %scan3A) -> (i32)  : i32 {
      %mul3A_87 = arith.constant 16 : i32
      %mul3A_88 = arith.muli %scan3A_85, %mul3A_87 : i32
      %get3A = arith.index_cast %mul3A_88 : i32 to index
      %get3A_89 = tpu.vector_load %arg8[%get3A] {strides = array<i32>} : memref<256xf32, #tpu.memory_space<vmem>>, vector<16xf32>,
      %mul3A_90 = arith.constant 16 : i32
      %mul3A_91 = arith.muli %scan3A_85, %mul3A_90 : i32
      %get3A_92 = arith.index_cast %mul3A_91 : i32 to index
      %get3A_93 = tpu.vector_load %arg9[%get3A_92] {strides = array<i32>} : memref<256xf32, #tpu.memory_space<vmem>>, vector<16xf32>,
      %mul3A_94 = arith.constant 16 : i32
      %mul3A_95 = arith.muli %scan3A_85, %mul3A_94 : i32
      %get3A_96 = arith.index_cast %mul3A_95 : i32 to index
      %get3A_97 = tpu.vector_load %arg10[%get3A_96] {strides = array<i32>} : memref<256xf32, #tpu.memory_space<vmem>>, vector<16xf32>,
      %mul3A_98 = arith.constant 16 : i32
      %mul3A_99 = arith.muli %scan3A_85, %mul3A_98 : i32
      %add3A_100 = arith.constant 0 : i32
      %add3A_101 = arith.addi %mul3A_99, %add3A_100 : i32
      %slice3A = vector.extract_strided_slice %get3A_89 {offsets = [0], sizes = [1], strides = [1]} : vector<16xf32> to vector<1xf32>
      %squeeze3A = vector.extract %slice3A[0] : f32 from vector<1xf32>
      %slice3A_102 = vector.extract_strided_slice %get3A_93 {offsets = [0], sizes = [1], strides = [1]} : vector<16xf32> to vector<1xf32>
      %squeeze3A_103 = vector.extract %slice3A_102[0] : f32 from vector<1xf32>
      %slice3A_104 = vector.extract_strided_slice %get3A_97 {offsets = [0], sizes = [1], strides = [1]} : vector<16xf32> to vector<1xf32>
      %squeeze3A_105 = vector.extract %slice3A_104[0] : f32 from vector<1xf32>
      %scan3A_106 = arith.constant 0 : i32
      %scan3A_107 = arith.constant 0 : i32
      %scan3A_108 = arith.constant 16 : i32
      %scan3A_109 = arith.addi %scan3A_107, %scan3A_108 : i32
      %scan3A_110 = arith.constant 1 : i32
      %scan3A_111 = scf.for %scan3A_1229 = %scan3A_107 to %scan3A_109 step %scan3A_110 iter_args(%scan3A_1230 = %scan3A_106) -> (i32)  : i32 {
        %lt3A_1231 = arith.constant 32 : i32
        %lt3A_1232 = arith.cmpi slt, %scan3A_1230, %lt3A_1231 : i32
        %convert_element_type3A = arith.extui %lt3A_1232 : i1 to i32
        %cond3A = arith.constant 0 : i32
        %cond3A_1233 = arith.cmpi ne, %convert_element_type3A, %cond3A : i32
        %cond3A_1234 = scf.if %cond3A_1233 -> (i32) {
          %scan3A_1235 = arith.constant 0 : i32
          %scan3A_1236 = arith.constant 16 : i32
          %scan3A_1237 = arith.addi %scan3A_1235, %scan3A_1236 : i32
          %scan3A_1238 = arith.constant 1 : i32
          %scan3A_1239 = scf.for %scan3A_1241 = %scan3A_1235 to %scan3A_1237 step %scan3A_1238 iter_args(%scan3A_1242 = %scan3A_1230) -> (i32)  : i32 {
            %mul3A_1243 = arith.constant 16 : i32
            %mul3A_1244 = arith.muli %scan3A_1229, %mul3A_1243 : i32
            %add3A_1245 = arith.addi %mul3A_1244, %scan3A_1241 : i32
            %mul3A_1246 = arith.constant 16 : i32
            %mul3A_1247 = arith.muli %add3A_1245, %mul3A_1246 : i32
            %get3A_1248 = arith.index_cast %mul3A_1247 : i32 to index
            %get3A_1249 = tpu.vector_load %arg5[%get3A_1248] {strides = array<i32>} : memref<4096xf32, #tpu.memory_space<vmem>>, vector<16xf32>,
            %mul3A_1250 = arith.constant 16 : i32
            %mul3A_1251 = arith.muli %add3A_1245, %mul3A_1250 : i32
            %get3A_1252 = arith.index_cast %mul3A_1251 : i32 to index
            %get3A_1253 = tpu.vector_load %arg6[%get3A_1252] {strides = array<i32>} : memref<4096xf32, #tpu.memory_space<vmem>>, vector<16xf32>,
            %mul3A_1254 = arith.constant 16 : i32
            %mul3A_1255 = arith.muli %add3A_1245, %mul3A_1254 : i32
            %get3A_1256 = arith.index_cast %mul3A_1255 : i32 to index
            %get3A_1257 = tpu.vector_load %arg7[%get3A_1256] {strides = array<i32>} : memref<4096xf32, #tpu.memory_space<vmem>>, vector<16xf32>,
            %sub3A_1258 = vector.broadcast %squeeze3A : f32 to vector<16xf32>
            %sub3A_1259 = arith.subf %get3A_1249, %sub3A_1258 : vector<16xf32>
            %sub3A_1260 = vector.broadcast %squeeze3A_103 : f32 to vector<16xf32>
            %sub3A_1261 = arith.subf %get3A_1253, %sub3A_1260 : vector<16xf32>
            %sub3A_1262 = vector.broadcast %squeeze3A_105 : f32 to vector<16xf32>
            %sub3A_1263 = arith.subf %get3A_1257, %sub3A_1262 : vector<16xf32>
            %mul3A_1264 = arith.mulf %sub3A_1259, %sub3A_1259 : vector<16xf32>
            %mul3A_1265 = arith.mulf %sub3A_1261, %sub3A_1261 : vector<16xf32>
            %add3A_1266 = arith.addf %mul3A_1264, %mul3A_1265 : vector<16xf32>
            %mul3A_1267 = arith.mulf %sub3A_1263, %sub3A_1263 : vector<16xf32>
            %add3A_1268 = arith.addf %add3A_1266, %mul3A_1267 : vector<16xf32>
            %le3A = arith.constant 1.600000e-01 : f32
            %le3A_1269 = vector.broadcast %le3A : f32 to vector<16xf32>
            %le3A_1270 = arith.cmpf ole, %add3A_1268, %le3A_1269 : vector<16xf32>
            %mul3A_1271 = arith.constant 16 : i32
            %mul3A_1272 = arith.muli %add3A_1245, %mul3A_1271 : i32
            %add3A_1273 = arith.addi %mul3A_1272, %mul3A_71 : i32
            %add3A_1274 = vector.broadcast %add3A_1273 : i32 to vector<16xi32>
            %add3A_1275 = arith.addi %iota3A, %add3A_1274 : vector<16xi32>
            %min3A_1276 = arith.constant 32 : i32
            %min3A_1277 = arith.minsi %scan3A_1242, %min3A_1276 : i32
            %mul3A_1278 = arith.constant 48 : i32
            %mul3A_1279 = arith.muli %add3A_101, %mul3A_1278 : i32
            %add3A_1280 = arith.addi %mul3A_1279, %min3A_1277 : i32
            %swap3A_1281 = arith.index_cast %add3A_1280 : i32 to index
            %swap3A_1282 = tpu.vector_load %arg11[%swap3A_1281] masked %le3A_1270 {strides = array<i32>} : memref<12288xi32, #tpu.memory_space<vmem>>, vector<16xi32>, vector<16xi1>
            tpu.vector_store %arg11[%swap3A_1281], %add3A_1275 masked %le3A_1270 {strides = array<i32>} : memref<12288xi32, #tpu.memory_space<vmem>>, vector<16xi32>, vector<16xi1>
            %all_reduce_population_count3A = tpu.all_reduce %le3A_1270 {dim = 0 : i64, kind = #tpu.reduction_kind<sum>} : vector<16xi1> -> vector<16xi32>
            %slice3A_1283 = vector.extract_strided_slice %all_reduce_population_count3A {offsets = [0], sizes = [1], strides = [1]} : vector<16xi32> to vector<1xi32>
            %squeeze3A_1284 = vector.extract %slice3A_1283[0] : i32 from vector<1xi32>
            %add3A_1285 = arith.addi %scan3A_1242, %squeeze3A_1284 : i32
            scf.yield %add3A_1285 : i32
          }
          %scan3A_1240 = arith.constant 16 : i32
          scf.yield %scan3A_1239 : i32
        } else {
          scf.yield %scan3A_1230 : i32
        }
        scf.yield %cond3A_1234 : i32
      }
      %scan3A_112 = arith.constant 16 : i32
      %min3A = arith.constant 32 : i32
      %min3A_113 = arith.minsi %scan3A_111, %min3A : i32
      %mul3A_114 = arith.constant 48 : i32
      %mul3A_115 = arith.muli %add3A_101, %mul3A_114 : i32
      %get3A_116 = arith.index_cast %mul3A_115 : i32 to index
      %get3A_117 = tpu.vector_load %arg11[%get3A_116] {strides = array<i32>} : memref<12288xi32, #tpu.memory_space<vmem>>, vector<16xi32>,
      %eq3A_118 = arith.constant 0 : i32
      %eq3A_119 = vector.broadcast %eq3A_118 : i32 to vector<16xi32>
      %eq3A_120 = arith.cmpi eq, %iota3A, %eq3A_119 : vector<16xi32>
      %jit3A_121 = arith.constant 0 : i32
      %broadcast_in_dim3A = vector.broadcast %jit3A_121 : i32 to vector<16xi32>
      %select_n3A_122 = arith.select %eq3A_120, %get3A_117, %broadcast_in_dim3A : vector<16xi1>, vector<16xi32>
      %reduce_sum3A = arith.constant true
      %reduce_sum3A_123 = vector.broadcast %reduce_sum3A : i1 to vector<16xi1>
      %reduce_sum3A_124 = tpu.scan <sum>, %select_n3A_122 masked %reduce_sum3A_123 : vector<16xi32>, vector<16xi1> -> vector<16xi32>
      %reduce_sum3A_125 = vector.extract %reduce_sum3A_124[15] : i32 from vector<16xi32>
      %mul3A_126 = arith.constant 48 : i32
      %mul3A_127 = arith.muli %add3A_101, %mul3A_126 : i32
      %add3A_128 = arith.constant 0 : i32
      %add3A_129 = arith.addi %mul3A_127, %add3A_128 : i32
      %get3A_130 = arith.index_cast %add3A_129 : i32 to index
      %get3A_131 = tpu.vector_load %arg11[%get3A_130] {strides = array<i32>} : memref<12288xi32, #tpu.memory_space<vmem>>, vector<16xi32>,
      %add3A_132 = arith.constant 0 : i32
      %add3A_133 = vector.broadcast %add3A_132 : i32 to vector<16xi32>
      %add3A_134 = arith.addi %iota3A, %add3A_133 : vector<16xi32>
      %lt3A_135 = vector.broadcast %min3A_113 : i32 to vector<16xi32>
      %lt3A_136 = arith.cmpi slt, %add3A_134, %lt3A_135 : vector<16xi32>
      %broadcast_in_dim3A_137 = vector.broadcast %reduce_sum3A_125 : i32 to vector<16xi32>
      %select_n3A_138 = arith.select %lt3A_136, %get3A_131, %broadcast_in_dim3A_137 : vector<16xi1>, vector<16xi32>
      %mul3A_139 = arith.constant 32 : i32
      %mul3A_140 = arith.muli %add3A_101, %mul3A_139 : i32
      %add3A_141 = arith.constant 0 : i32
      %add3A_142 = arith.addi %mul3A_140, %add3A_141 : i32
      %swap3A = arith.index_cast %add3A_142 : i32 to index
      %swap3A_143 = tpu.vector_load %arg12[%swap3A] {strides = array<i32>} : memref<8192xi32, #tpu.memory_space<vmem>>, vector<16xi32>,
      tpu.vector_store %arg12[%swap3A], %select_n3A_138 {strides = array<i32>} : memref<8192xi32, #tpu.memory_space<vmem>>, vector<16xi32>,
      %mul3A_144 = arith.constant 48 : i32
      %mul3A_145 = arith.muli %add3A_101, %mul3A_144 : i32
      %add3A_146 = arith.constant 16 : i32
      %add3A_147 = arith.addi %mul3A_145, %add3A_146 : i32
      %get3A_148 = arith.index_cast %add3A_147 : i32 to index
      %get3A_149 = tpu.vector_load %arg11[%get3A_148] {strides = array<i32>} : memref<12288xi32, #tpu.memory_space<vmem>>, vector<16xi32>,
      %add3A_150 = arith.constant 16 : i32
      %add3A_151 = vector.broadcast %add3A_150 : i32 to vector<16xi32>
      %add3A_152 = arith.addi %iota3A, %add3A_151 : vector<16xi32>
      %lt3A_153 = vector.broadcast %min3A_113 : i32 to vector<16xi32>
      %lt3A_154 = arith.cmpi slt, %add3A_152, %lt3A_153 : vector<16xi32>
      %broadcast_in_dim3A_155 = vector.broadcast %reduce_sum3A_125 : i32 to vector<16xi32>
      %select_n3A_156 = arith.select %lt3A_154, %get3A_149, %broadcast_in_dim3A_155 : vector<16xi1>, vector<16xi32>
      %mul3A_157 = arith.constant 32 : i32
      %mul3A_158 = arith.muli %add3A_101, %mul3A_157 : i32
      %add3A_159 = arith.constant 16 : i32
      %add3A_160 = arith.addi %mul3A_158, %add3A_159 : i32
      %swap3A_161 = arith.index_cast %add3A_160 : i32 to index
      %swap3A_162 = tpu.vector_load %arg12[%swap3A_161] {strides = array<i32>} : memref<8192xi32, #tpu.memory_space<vmem>>, vector<16xi32>,
      tpu.vector_store %arg12[%swap3A_161], %select_n3A_156 {strides = array<i32>} : memref<8192xi32, #tpu.memory_space<vmem>>, vector<16xi32>,
      %mul3A_163 = arith.constant 16 : i32
      %mul3A_164 = arith.muli %scan3A_85, %mul3A_163 : i32
      %add3A_165 = arith.constant 1 : i32
      %add3A_166 = arith.addi %mul3A_164, %add3A_165 : i32
      %slice3A_167 = vector.extract_strided_slice %get3A_89 {offsets = [1], sizes = [1], strides = [1]} : vector<16xf32> to vector<1xf32>
      %squeeze3A_168 = vector.extract %slice3A_167[0] : f32 from vector<1xf32>
      %slice3A_169 = vector.extract_strided_slice %get3A_93 {offsets = [1], sizes = [1], strides = [1]} : vector<16xf32> to vector<1xf32>
      %squeeze3A_170 = vector.extract %slice3A_169[0] : f32 from vector<1xf32>
      %slice3A_171 = vector.extract_strided_slice %get3A_97 {offsets = [1], sizes = [1], strides = [1]} : vector<16xf32> to vector<1xf32>
      %squeeze3A_172 = vector.extract %slice3A_171[0] : f32 from vector<1xf32>
      %scan3A_173 = arith.constant 0 : i32
      %scan3A_174 = arith.constant 0 : i32
      %scan3A_175 = arith.constant 16 : i32
      %scan3A_176 = arith.addi %scan3A_174, %scan3A_175 : i32
      %scan3A_177 = arith.constant 1 : i32
      %scan3A_178 = scf.for %scan3A_1229 = %scan3A_174 to %scan3A_176 step %scan3A_177 iter_args(%scan3A_1230 = %scan3A_173) -> (i32)  : i32 {
        %lt3A_1231 = arith.constant 32 : i32
        %lt3A_1232 = arith.cmpi slt, %scan3A_1230, %lt3A_1231 : i32
        %convert_element_type3A = arith.extui %lt3A_1232 : i1 to i32
        %cond3A = arith.constant 0 : i32
        %cond3A_1233 = arith.cmpi ne, %convert_element_type3A, %cond3A : i32
        %cond3A_1234 = scf.if %cond3A_1233 -> (i32) {
          %scan3A_1235 = arith.constant 0 : i32
          %scan3A_1236 = arith.constant 16 : i32
          %scan3A_1237 = arith.addi %scan3A_1235, %scan3A_1236 : i32
          %scan3A_1238 = arith.constant 1 : i32
          %scan3A_1239 = scf.for %scan3A_1241 = %scan3A_1235 to %scan3A_1237 step %scan3A_1238 iter_args(%scan3A_1242 = %scan3A_1230) -> (i32)  : i32 {
            %mul3A_1243 = arith.constant 16 : i32
            %mul3A_1244 = arith.muli %scan3A_1229, %mul3A_1243 : i32
            %add3A_1245 = arith.addi %mul3A_1244, %scan3A_1241 : i32
            %mul3A_1246 = arith.constant 16 : i32
            %mul3A_1247 = arith.muli %add3A_1245, %mul3A_1246 : i32
            %get3A_1248 = arith.index_cast %mul3A_1247 : i32 to index
            %get3A_1249 = tpu.vector_load %arg5[%get3A_1248] {strides = array<i32>} : memref<4096xf32, #tpu.memory_space<vmem>>, vector<16xf32>,
            %mul3A_1250 = arith.constant 16 : i32
            %mul3A_1251 = arith.muli %add3A_1245, %mul3A_1250 : i32
            %get3A_1252 = arith.index_cast %mul3A_1251 : i32 to index
            %get3A_1253 = tpu.vector_load %arg6[%get3A_1252] {strides = array<i32>} : memref<4096xf32, #tpu.memory_space<vmem>>, vector<16xf32>,
            %mul3A_1254 = arith.constant 16 : i32
            %mul3A_1255 = arith.muli %add3A_1245, %mul3A_1254 : i32
            %get3A_1256 = arith.index_cast %mul3A_1255 : i32 to index
            %get3A_1257 = tpu.vector_load %arg7[%get3A_1256] {strides = array<i32>} : memref<4096xf32, #tpu.memory_space<vmem>>, vector<16xf32>,
            %sub3A_1258 = vector.broadcast %squeeze3A_168 : f32 to vector<16xf32>
            %sub3A_1259 = arith.subf %get3A_1249, %sub3A_1258 : vector<16xf32>
            %sub3A_1260 = vector.broadcast %squeeze3A_170 : f32 to vector<16xf32>
            %sub3A_1261 = arith.subf %get3A_1253, %sub3A_1260 : vector<16xf32>
            %sub3A_1262 = vector.broadcast %squeeze3A_172 : f32 to vector<16xf32>
            %sub3A_1263 = arith.subf %get3A_1257, %sub3A_1262 : vector<16xf32>
            %mul3A_1264 = arith.mulf %sub3A_1259, %sub3A_1259 : vector<16xf32>
            %mul3A_1265 = arith.mulf %sub3A_1261, %sub3A_1261 : vector<16xf32>
            %add3A_1266 = arith.addf %mul3A_1264, %mul3A_1265 : vector<16xf32>
            %mul3A_1267 = arith.mulf %sub3A_1263, %sub3A_1263 : vector<16xf32>
            %add3A_1268 = arith.addf %add3A_1266, %mul3A_1267 : vector<16xf32>
            %le3A = arith.constant 1.600000e-01 : f32
            %le3A_1269 = vector.broadcast %le3A : f32 to vector<16xf32>
            %le3A_1270 = arith.cmpf ole, %add3A_1268, %le3A_1269 : vector<16xf32>
            %mul3A_1271 = arith.constant 16 : i32
            %mul3A_1272 = arith.muli %add3A_1245, %mul3A_1271 : i32
            %add3A_1273 = arith.addi %mul3A_1272, %mul3A_71 : i32
            %add3A_1274 = vector.broadcast %add3A_1273 : i32 to vector<16xi32>
            %add3A_1275 = arith.addi %iota3A, %add3A_1274 : vector<16xi32>
            %min3A_1276 = arith.constant 32 : i32
            %min3A_1277 = arith.minsi %scan3A_1242, %min3A_1276 : i32
            %mul3A_1278 = arith.constant 48 : i32
            %mul3A_1279 = arith.muli %add3A_166, %mul3A_1278 : i32
            %add3A_1280 = arith.addi %mul3A_1279, %min3A_1277 : i32
            %swap3A_1281 = arith.index_cast %add3A_1280 : i32 to index
            %swap3A_1282 = tpu.vector_load %arg11[%swap3A_1281] masked %le3A_1270 {strides = array<i32>} : memref<12288xi32, #tpu.memory_space<vmem>>, vector<16xi32>, vector<16xi1>
            tpu.vector_store %arg11[%swap3A_1281], %add3A_1275 masked %le3A_1270 {strides = array<i32>} : memref<12288xi32, #tpu.memory_space<vmem>>, vector<16xi32>, vector<16xi1>
            %all_reduce_population_count3A = tpu.all_reduce %le3A_1270 {dim = 0 : i64, kind = #tpu.reduction_kind<sum>} : vector<16xi1> -> vector<16xi32>
            %slice3A_1283 = vector.extract_strided_slice %all_reduce_population_count3A {offsets = [0], sizes = [1], strides = [1]} : vector<16xi32> to vector<1xi32>
            %squeeze3A_1284 = vector.extract %slice3A_1283[0] : i32 from vector<1xi32>
            %add3A_1285 = arith.addi %scan3A_1242, %squeeze3A_1284 : i32
            scf.yield %add3A_1285 : i32
          }
          %scan3A_1240 = arith.constant 16 : i32
          scf.yield %scan3A_1239 : i32
        } else {
          scf.yield %scan3A_1230 : i32
        }
        scf.yield %cond3A_1234 : i32
      }
      %scan3A_179 = arith.constant 16 : i32
      %min3A_180 = arith.constant 32 : i32
      %min3A_181 = arith.minsi %scan3A_178, %min3A_180 : i32
      %mul3A_182 = arith.constant 48 : i32
      %mul3A_183 = arith.muli %add3A_166, %mul3A_182 : i32
      %get3A_184 = arith.index_cast %mul3A_183 : i32 to index
      %get3A_185 = tpu.vector_load %arg11[%get3A_184] {strides = array<i32>} : memref<12288xi32, #tpu.memory_space<vmem>>, vector<16xi32>,
      %eq3A_186 = arith.constant 0 : i32
      %eq3A_187 = vector.broadcast %eq3A_186 : i32 to vector<16xi32>
      %eq3A_188 = arith.cmpi eq, %iota3A, %eq3A_187 : vector<16xi32>
      %jit3A_189 = arith.constant 0 : i32
      %broadcast_in_dim3A_190 = vector.broadcast %jit3A_189 : i32 to vector<16xi32>
      %select_n3A_191 = arith.select %eq3A_188, %get3A_185, %broadcast_in_dim3A_190 : vector<16xi1>, vector<16xi32>
      %reduce_sum3A_192 = arith.constant true
      %reduce_sum3A_193 = vector.broadcast %reduce_sum3A_192 : i1 to vector<16xi1>
      %reduce_sum3A_194 = tpu.scan <sum>, %select_n3A_191 masked %reduce_sum3A_193 : vector<16xi32>, vector<16xi1> -> vector<16xi32>
      %reduce_sum3A_195 = vector.extract %reduce_sum3A_194[15] : i32 from vector<16xi32>
      %mul3A_196 = arith.constant 48 : i32
      %mul3A_197 = arith.muli %add3A_166, %mul3A_196 : i32
      %add3A_198 = arith.constant 0 : i32
      %add3A_199 = arith.addi %mul3A_197, %add3A_198 : i32
      %get3A_200 = arith.index_cast %add3A_199 : i32 to index
      %get3A_201 = tpu.vector_load %arg11[%get3A_200] {strides = array<i32>} : memref<12288xi32, #tpu.memory_space<vmem>>, vector<16xi32>,
      %add3A_202 = arith.constant 0 : i32
      %add3A_203 = vector.broadcast %add3A_202 : i32 to vector<16xi32>
      %add3A_204 = arith.addi %iota3A, %add3A_203 : vector<16xi32>
      %lt3A_205 = vector.broadcast %min3A_181 : i32 to vector<16xi32>
      %lt3A_206 = arith.cmpi slt, %add3A_204, %lt3A_205 : vector<16xi32>
      %broadcast_in_dim3A_207 = vector.broadcast %reduce_sum3A_195 : i32 to vector<16xi32>
      %select_n3A_208 = arith.select %lt3A_206, %get3A_201, %broadcast_in_dim3A_207 : vector<16xi1>, vector<16xi32>
      %mul3A_209 = arith.constant 32 : i32
      %mul3A_210 = arith.muli %add3A_166, %mul3A_209 : i32
      %add3A_211 = arith.constant 0 : i32
      %add3A_212 = arith.addi %mul3A_210, %add3A_211 : i32
      %swap3A_213 = arith.index_cast %add3A_212 : i32 to index
      %swap3A_214 = tpu.vector_load %arg12[%swap3A_213] {strides = array<i32>} : memref<8192xi32, #tpu.memory_space<vmem>>, vector<16xi32>,
      tpu.vector_store %arg12[%swap3A_213], %select_n3A_208 {strides = array<i32>} : memref<8192xi32, #tpu.memory_space<vmem>>, vector<16xi32>,
      %mul3A_215 = arith.constant 48 : i32
      %mul3A_216 = arith.muli %add3A_166, %mul3A_215 : i32
      %add3A_217 = arith.constant 16 : i32
      %add3A_218 = arith.addi %mul3A_216, %add3A_217 : i32
      %get3A_219 = arith.index_cast %add3A_218 : i32 to index
      %get3A_220 = tpu.vector_load %arg11[%get3A_219] {strides = array<i32>} : memref<12288xi32, #tpu.memory_space<vmem>>, vector<16xi32>,
      %add3A_221 = arith.constant 16 : i32
      %add3A_222 = vector.broadcast %add3A_221 : i32 to vector<16xi32>
      %add3A_223 = arith.addi %iota3A, %add3A_222 : vector<16xi32>
      %lt3A_224 = vector.broadcast %min3A_181 : i32 to vector<16xi32>
      %lt3A_225 = arith.cmpi slt, %add3A_223, %lt3A_224 : vector<16xi32>
      %broadcast_in_dim3A_226 = vector.broadcast %reduce_sum3A_195 : i32 to vector<16xi32>
      %select_n3A_227 = arith.select %lt3A_225, %get3A_220, %broadcast_in_dim3A_226 : vector<16xi1>, vector<16xi32>
      %mul3A_228 = arith.constant 32 : i32
      %mul3A_229 = arith.muli %add3A_166, %mul3A_228 : i32
      %add3A_230 = arith.constant 16 : i32
      %add3A_231 = arith.addi %mul3A_229, %add3A_230 : i32
      %swap3A_232 = arith.index_cast %add3A_231 : i32 to index
      %swap3A_233 = tpu.vector_load %arg12[%swap3A_232] {strides = array<i32>} : memref<8192xi32, #tpu.memory_space<vmem>>, vector<16xi32>,
      tpu.vector_store %arg12[%swap3A_232], %select_n3A_227 {strides = array<i32>} : memref<8192xi32, #tpu.memory_space<vmem>>, vector<16xi32>,
      %mul3A_234 = arith.constant 16 : i32
      %mul3A_235 = arith.muli %scan3A_85, %mul3A_234 : i32
      %add3A_236 = arith.constant 2 : i32
      %add3A_237 = arith.addi %mul3A_235, %add3A_236 : i32
      %slice3A_238 = vector.extract_strided_slice %get3A_89 {offsets = [2], sizes = [1], strides = [1]} : vector<16xf32> to vector<1xf32>
      %squeeze3A_239 = vector.extract %slice3A_238[0] : f32 from vector<1xf32>
      %slice3A_240 = vector.extract_strided_slice %get3A_93 {offsets = [2], sizes = [1], strides = [1]} : vector<16xf32> to vector<1xf32>
      %squeeze3A_241 = vector.extract %slice3A_240[0] : f32 from vector<1xf32>
      %slice3A_242 = vector.extract_strided_slice %get3A_97 {offsets = [2], sizes = [1], strides = [1]} : vector<16xf32> to vector<1xf32>
      %squeeze3A_243 = vector.extract %slice3A_242[0] : f32 from vector<1xf32>
      %scan3A_244 = arith.constant 0 : i32
      %scan3A_245 = arith.constant 0 : i32
      %scan3A_246 = arith.constant 16 : i32
      %scan3A_247 = arith.addi %scan3A_245, %scan3A_246 : i32
      %scan3A_248 = arith.constant 1 : i32
      %scan3A_249 = scf.for %scan3A_1229 = %scan3A_245 to %scan3A_247 step %scan3A_248 iter_args(%scan3A_1230 = %scan3A_244) -> (i32)  : i32 {
        %lt3A_1231 = arith.constant 32 : i32
        %lt3A_1232 = arith.cmpi slt, %scan3A_1230, %lt3A_1231 : i32
        %convert_element_type3A = arith.extui %lt3A_1232 : i1 to i32
        %cond3A = arith.constant 0 : i32
        %cond3A_1233 = arith.cmpi ne, %convert_element_type3A, %cond3A : i32
        %cond3A_1234 = scf.if %cond3A_1233 -> (i32) {
          %scan3A_1235 = arith.constant 0 : i32
          %scan3A_1236 = arith.constant 16 : i32
          %scan3A_1237 = arith.addi %scan3A_1235, %scan3A_1236 : i32
          %scan3A_1238 = arith.constant 1 : i32
          %scan3A_1239 = scf.for %scan3A_1241 = %scan3A_1235 to %scan3A_1237 step %scan3A_1238 iter_args(%scan3A_1242 = %scan3A_1230) -> (i32)  : i32 {
            %mul3A_1243 = arith.constant 16 : i32
            %mul3A_1244 = arith.muli %scan3A_1229, %mul3A_1243 : i32
            %add3A_1245 = arith.addi %mul3A_1244, %scan3A_1241 : i32
            %mul3A_1246 = arith.constant 16 : i32
            %mul3A_1247 = arith.muli %add3A_1245, %mul3A_1246 : i32
            %get3A_1248 = arith.index_cast %mul3A_1247 : i32 to index
            %get3A_1249 = tpu.vector_load %arg5[%get3A_1248] {strides = array<i32>} : memref<4096xf32, #tpu.memory_space<vmem>>, vector<16xf32>,
            %mul3A_1250 = arith.constant 16 : i32
            %mul3A_1251 = arith.muli %add3A_1245, %mul3A_1250 : i32
            %get3A_1252 = arith.index_cast %mul3A_1251 : i32 to index
            %get3A_1253 = tpu.vector_load %arg6[%get3A_1252] {strides = array<i32>} : memref<4096xf32, #tpu.memory_space<vmem>>, vector<16xf32>,
            %mul3A_1254 = arith.constant 16 : i32
            %mul3A_1255 = arith.muli %add3A_1245, %mul3A_1254 : i32
            %get3A_1256 = arith.index_cast %mul3A_1255 : i32 to index
            %get3A_1257 = tpu.vector_load %arg7[%get3A_1256] {strides = array<i32>} : memref<4096xf32, #tpu.memory_space<vmem>>, vector<16xf32>,
            %sub3A_1258 = vector.broadcast %squeeze3A_239 : f32 to vector<16xf32>
            %sub3A_1259 = arith.subf %get3A_1249, %sub3A_1258 : vector<16xf32>
            %sub3A_1260 = vector.broadcast %squeeze3A_241 : f32 to vector<16xf32>
            %sub3A_1261 = arith.subf %get3A_1253, %sub3A_1260 : vector<16xf32>
            %sub3A_1262 = vector.broadcast %squeeze3A_243 : f32 to vector<16xf32>
            %sub3A_1263 = arith.subf %get3A_1257, %sub3A_1262 : vector<16xf32>
            %mul3A_1264 = arith.mulf %sub3A_1259, %sub3A_1259 : vector<16xf32>
            %mul3A_1265 = arith.mulf %sub3A_1261, %sub3A_1261 : vector<16xf32>
            %add3A_1266 = arith.addf %mul3A_1264, %mul3A_1265 : vector<16xf32>
            %mul3A_1267 = arith.mulf %sub3A_1263, %sub3A_1263 : vector<16xf32>
            %add3A_1268 = arith.addf %add3A_1266, %mul3A_1267 : vector<16xf32>
            %le3A = arith.constant 1.600000e-01 : f32
            %le3A_1269 = vector.broadcast %le3A : f32 to vector<16xf32>
            %le3A_1270 = arith.cmpf ole, %add3A_1268, %le3A_1269 : vector<16xf32>
            %mul3A_1271 = arith.constant 16 : i32
            %mul3A_1272 = arith.muli %add3A_1245, %mul3A_1271 : i32
            %add3A_1273 = arith.addi %mul3A_1272, %mul3A_71 : i32
            %add3A_1274 = vector.broadcast %add3A_1273 : i32 to vector<16xi32>
            %add3A_1275 = arith.addi %iota3A, %add3A_1274 : vector<16xi32>
            %min3A_1276 = arith.constant 32 : i32
            %min3A_1277 = arith.minsi %scan3A_1242, %min3A_1276 : i32
            %mul3A_1278 = arith.constant 48 : i32
            %mul3A_1279 = arith.muli %add3A_237, %mul3A_1278 : i32
            %add3A_1280 = arith.addi %mul3A_1279, %min3A_1277 : i32
            %swap3A_1281 = arith.index_cast %add3A_1280 : i32 to index
            %swap3A_1282 = tpu.vector_load %arg11[%swap3A_1281] masked %le3A_1270 {strides = array<i32>} : memref<12288xi32, #tpu.memory_space<vmem>>, vector<16xi32>, vector<16xi1>
            tpu.vector_store %arg11[%swap3A_1281], %add3A_1275 masked %le3A_1270 {strides = array<i32>} : memref<12288xi32, #tpu.memory_space<vmem>>, vector<16xi32>, vector<16xi1>
            %all_reduce_population_count3A = tpu.all_reduce %le3A_1270 {dim = 0 : i64, kind = #tpu.reduction_kind<sum>} : vector<16xi1> -> vector<16xi32>
            %slice3A_1283 = vector.extract_strided_slice %all_reduce_population_count3A {offsets = [0], sizes = [1], strides = [1]} : vector<16xi32> to vector<1xi32>
            %squeeze3A_1284 = vector.extract %slice3A_1283[0] : i32 from vector<1xi32>
            %add3A_1285 = arith.addi %scan3A_1242, %squeeze3A_1284 : i32
            scf.yield %add3A_1285 : i32
          }
          %scan3A_1240 = arith.constant 16 : i32
          scf.yield %scan3A_1239 : i32
        } else {
          scf.yield %scan3A_1230 : i32
        }
        scf.yield %cond3A_1234 : i32
      }
      %scan3A_250 = arith.constant 16 : i32
      %min3A_251 = arith.constant 32 : i32
      %min3A_252 = arith.minsi %scan3A_249, %min3A_251 : i32
      %mul3A_253 = arith.constant 48 : i32
      %mul3A_254 = arith.muli %add3A_237, %mul3A_253 : i32
      %get3A_255 = arith.index_cast %mul3A_254 : i32 to index
      %get3A_256 = tpu.vector_load %arg11[%get3A_255] {strides = array<i32>} : memref<12288xi32, #tpu.memory_space<vmem>>, vector<16xi32>,
      %eq3A_257 = arith.constant 0 : i32
      %eq3A_258 = vector.broadcast %eq3A_257 : i32 to vector<16xi32>
      %eq3A_259 = arith.cmpi eq, %iota3A, %eq3A_258 : vector<16xi32>
      %jit3A_260 = arith.constant 0 : i32
      %broadcast_in_dim3A_261 = vector.broadcast %jit3A_260 : i32 to vector<16xi32>
      %select_n3A_262 = arith.select %eq3A_259, %get3A_256, %broadcast_in_dim3A_261 : vector<16xi1>, vector<16xi32>
      %reduce_sum3A_263 = arith.constant true
      %reduce_sum3A_264 = vector.broadcast %reduce_sum3A_263 : i1 to vector<16xi1>
      %reduce_sum3A_265 = tpu.scan <sum>, %select_n3A_262 masked %reduce_sum3A_264 : vector<16xi32>, vector<16xi1> -> vector<16xi32>
      %reduce_sum3A_266 = vector.extract %reduce_sum3A_265[15] : i32 from vector<16xi32>
      %mul3A_267 = arith.constant 48 : i32
      %mul3A_268 = arith.muli %add3A_237, %mul3A_267 : i32
      %add3A_269 = arith.constant 0 : i32
      %add3A_270 = arith.addi %mul3A_268, %add3A_269 : i32
      %get3A_271 = arith.index_cast %add3A_270 : i32 to index
      %get3A_272 = tpu.vector_load %arg11[%get3A_271] {strides = array<i32>} : memref<12288xi32, #tpu.memory_space<vmem>>, vector<16xi32>,
      %add3A_273 = arith.constant 0 : i32
      %add3A_274 = vector.broadcast %add3A_273 : i32 to vector<16xi32>
      %add3A_275 = arith.addi %iota3A, %add3A_274 : vector<16xi32>
      %lt3A_276 = vector.broadcast %min3A_252 : i32 to vector<16xi32>
      %lt3A_277 = arith.cmpi slt, %add3A_275, %lt3A_276 : vector<16xi32>
      %broadcast_in_dim3A_278 = vector.broadcast %reduce_sum3A_266 : i32 to vector<16xi32>
      %select_n3A_279 = arith.select %lt3A_277, %get3A_272, %broadcast_in_dim3A_278 : vector<16xi1>, vector<16xi32>
      %mul3A_280 = arith.constant 32 : i32
      %mul3A_281 = arith.muli %add3A_237, %mul3A_280 : i32
      %add3A_282 = arith.constant 0 : i32
      %add3A_283 = arith.addi %mul3A_281, %add3A_282 : i32
      %swap3A_284 = arith.index_cast %add3A_283 : i32 to index
      %swap3A_285 = tpu.vector_load %arg12[%swap3A_284] {strides = array<i32>} : memref<8192xi32, #tpu.memory_space<vmem>>, vector<16xi32>,
      tpu.vector_store %arg12[%swap3A_284], %select_n3A_279 {strides = array<i32>} : memref<8192xi32, #tpu.memory_space<vmem>>, vector<16xi32>,
      %mul3A_286 = arith.constant 48 : i32
      %mul3A_287 = arith.muli %add3A_237, %mul3A_286 : i32
      %add3A_288 = arith.constant 16 : i32
      %add3A_289 = arith.addi %mul3A_287, %add3A_288 : i32
      %get3A_290 = arith.index_cast %add3A_289 : i32 to index
      %get3A_291 = tpu.vector_load %arg11[%get3A_290] {strides = array<i32>} : memref<12288xi32, #tpu.memory_space<vmem>>, vector<16xi32>,
      %add3A_292 = arith.constant 16 : i32
      %add3A_293 = vector.broadcast %add3A_292 : i32 to vector<16xi32>
      %add3A_294 = arith.addi %iota3A, %add3A_293 : vector<16xi32>
      %lt3A_295 = vector.broadcast %min3A_252 : i32 to vector<16xi32>
      %lt3A_296 = arith.cmpi slt, %add3A_294, %lt3A_295 : vector<16xi32>
      %broadcast_in_dim3A_297 = vector.broadcast %reduce_sum3A_266 : i32 to vector<16xi32>
      %select_n3A_298 = arith.select %lt3A_296, %get3A_291, %broadcast_in_dim3A_297 : vector<16xi1>, vector<16xi32>
      %mul3A_299 = arith.constant 32 : i32
      %mul3A_300 = arith.muli %add3A_237, %mul3A_299 : i32
      %add3A_301 = arith.constant 16 : i32
      %add3A_302 = arith.addi %mul3A_300, %add3A_301 : i32
      %swap3A_303 = arith.index_cast %add3A_302 : i32 to index
      %swap3A_304 = tpu.vector_load %arg12[%swap3A_303] {strides = array<i32>} : memref<8192xi32, #tpu.memory_space<vmem>>, vector<16xi32>,
      tpu.vector_store %arg12[%swap3A_303], %select_n3A_298 {strides = array<i32>} : memref<8192xi32, #tpu.memory_space<vmem>>, vector<16xi32>,
      %mul3A_305 = arith.constant 16 : i32
      %mul3A_306 = arith.muli %scan3A_85, %mul3A_305 : i32
      %add3A_307 = arith.constant 3 : i32
      %add3A_308 = arith.addi %mul3A_306, %add3A_307 : i32
      %slice3A_309 = vector.extract_strided_slice %get3A_89 {offsets = [3], sizes = [1], strides = [1]} : vector<16xf32> to vector<1xf32>
      %squeeze3A_310 = vector.extract %slice3A_309[0] : f32 from vector<1xf32>
      %slice3A_311 = vector.extract_strided_slice %get3A_93 {offsets = [3], sizes = [1], strides = [1]} : vector<16xf32> to vector<1xf32>
      %squeeze3A_312 = vector.extract %slice3A_311[0] : f32 from vector<1xf32>
      %slice3A_313 = vector.extract_strided_slice %get3A_97 {offsets = [3], sizes = [1], strides = [1]} : vector<16xf32> to vector<1xf32>
      %squeeze3A_314 = vector.extract %slice3A_313[0] : f32 from vector<1xf32>
      %scan3A_315 = arith.constant 0 : i32
      %scan3A_316 = arith.constant 0 : i32
      %scan3A_317 = arith.constant 16 : i32
      %scan3A_318 = arith.addi %scan3A_316, %scan3A_317 : i32
      %scan3A_319 = arith.constant 1 : i32
      %scan3A_320 = scf.for %scan3A_1229 = %scan3A_316 to %scan3A_318 step %scan3A_319 iter_args(%scan3A_1230 = %scan3A_315) -> (i32)  : i32 {
        %lt3A_1231 = arith.constant 32 : i32
        %lt3A_1232 = arith.cmpi slt, %scan3A_1230, %lt3A_1231 : i32
        %convert_element_type3A = arith.extui %lt3A_1232 : i1 to i32
        %cond3A = arith.constant 0 : i32
        %cond3A_1233 = arith.cmpi ne, %convert_element_type3A, %cond3A : i32
        %cond3A_1234 = scf.if %cond3A_1233 -> (i32) {
          %scan3A_1235 = arith.constant 0 : i32
          %scan3A_1236 = arith.constant 16 : i32
          %scan3A_1237 = arith.addi %scan3A_1235, %scan3A_1236 : i32
          %scan3A_1238 = arith.constant 1 : i32
          %scan3A_1239 = scf.for %scan3A_1241 = %scan3A_1235 to %scan3A_1237 step %scan3A_1238 iter_args(%scan3A_1242 = %scan3A_1230) -> (i32)  : i32 {
            %mul3A_1243 = arith.constant 16 : i32
            %mul3A_1244 = arith.muli %scan3A_1229, %mul3A_1243 : i32
            %add3A_1245 = arith.addi %mul3A_1244, %scan3A_1241 : i32
            %mul3A_1246 = arith.constant 16 : i32
            %mul3A_1247 = arith.muli %add3A_1245, %mul3A_1246 : i32
            %get3A_1248 = arith.index_cast %mul3A_1247 : i32 to index
            %get3A_1249 = tpu.vector_load %arg5[%get3A_1248] {strides = array<i32>} : memref<4096xf32, #tpu.memory_space<vmem>>, vector<16xf32>,
            %mul3A_1250 = arith.constant 16 : i32
            %mul3A_1251 = arith.muli %add3A_1245, %mul3A_1250 : i32
            %get3A_1252 = arith.index_cast %mul3A_1251 : i32 to index
            %get3A_1253 = tpu.vector_load %arg6[%get3A_1252] {strides = array<i32>} : memref<4096xf32, #tpu.memory_space<vmem>>, vector<16xf32>,
            %mul3A_1254 = arith.constant 16 : i32
            %mul3A_1255 = arith.muli %add3A_1245, %mul3A_1254 : i32
            %get3A_1256 = arith.index_cast %mul3A_1255 : i32 to index
            %get3A_1257 = tpu.vector_load %arg7[%get3A_1256] {strides = array<i32>} : memref<4096xf32, #tpu.memory_space<vmem>>, vector<16xf32>,
            %sub3A_1258 = vector.broadcast %squeeze3A_310 : f32 to vector<16xf32>
            %sub3A_1259 = arith.subf %get3A_1249, %sub3A_1258 : vector<16xf32>
            %sub3A_1260 = vector.broadcast %squeeze3A_312 : f32 to vector<16xf32>
            %sub3A_1261 = arith.subf %get3A_1253, %sub3A_1260 : vector<16xf32>
            %sub3A_1262 = vector.broadcast %squeeze3A_314 : f32 to vector<16xf32>
            %sub3A_1263 = arith.subf %get3A_1257, %sub3A_1262 : vector<16xf32>
            %mul3A_1264 = arith.mulf %sub3A_1259, %sub3A_1259 : vector<16xf32>
            %mul3A_1265 = arith.mulf %sub3A_1261, %sub3A_1261 : vector<16xf32>
            %add3A_1266 = arith.addf %mul3A_1264, %mul3A_1265 : vector<16xf32>
            %mul3A_1267 = arith.mulf %sub3A_1263, %sub3A_1263 : vector<16xf32>
            %add3A_1268 = arith.addf %add3A_1266, %mul3A_1267 : vector<16xf32>
            %le3A = arith.constant 1.600000e-01 : f32
            %le3A_1269 = vector.broadcast %le3A : f32 to vector<16xf32>
            %le3A_1270 = arith.cmpf ole, %add3A_1268, %le3A_1269 : vector<16xf32>
            %mul3A_1271 = arith.constant 16 : i32
            %mul3A_1272 = arith.muli %add3A_1245, %mul3A_1271 : i32
            %add3A_1273 = arith.addi %mul3A_1272, %mul3A_71 : i32
            %add3A_1274 = vector.broadcast %add3A_1273 : i32 to vector<16xi32>
            %add3A_1275 = arith.addi %iota3A, %add3A_1274 : vector<16xi32>
            %min3A_1276 = arith.constant 32 : i32
            %min3A_1277 = arith.minsi %scan3A_1242, %min3A_1276 : i32
            %mul3A_1278 = arith.constant 48 : i32
            %mul3A_1279 = arith.muli %add3A_308, %mul3A_1278 : i32
            %add3A_1280 = arith.addi %mul3A_1279, %min3A_1277 : i32
            %swap3A_1281 = arith.index_cast %add3A_1280 : i32 to index
            %swap3A_1282 = tpu.vector_load %arg11[%swap3A_1281] masked %le3A_1270 {strides = array<i32>} : memref<12288xi32, #tpu.memory_space<vmem>>, vector<16xi32>, vector<16xi1>
            tpu.vector_store %arg11[%swap3A_1281], %add3A_1275 masked %le3A_1270 {strides = array<i32>} : memref<12288xi32, #tpu.memory_space<vmem>>, vector<16xi32>, vector<16xi1>
            %all_reduce_population_count3A = tpu.all_reduce %le3A_1270 {dim = 0 : i64, kind = #tpu.reduction_kind<sum>} : vector<16xi1> -> vector<16xi32>
            %slice3A_1283 = vector.extract_strided_slice %all_reduce_population_count3A {offsets = [0], sizes = [1], strides = [1]} : vector<16xi32> to vector<1xi32>
            %squeeze3A_1284 = vector.extract %slice3A_1283[0] : i32 from vector<1xi32>
            %add3A_1285 = arith.addi %scan3A_1242, %squeeze3A_1284 : i32
            scf.yield %add3A_1285 : i32
          }
          %scan3A_1240 = arith.constant 16 : i32
          scf.yield %scan3A_1239 : i32
        } else {
          scf.yield %scan3A_1230 : i32
        }
        scf.yield %cond3A_1234 : i32
      }
      %scan3A_321 = arith.constant 16 : i32
      %min3A_322 = arith.constant 32 : i32
      %min3A_323 = arith.minsi %scan3A_320, %min3A_322 : i32
      %mul3A_324 = arith.constant 48 : i32
      %mul3A_325 = arith.muli %add3A_308, %mul3A_324 : i32
      %get3A_326 = arith.index_cast %mul3A_325 : i32 to index
      %get3A_327 = tpu.vector_load %arg11[%get3A_326] {strides = array<i32>} : memref<12288xi32, #tpu.memory_space<vmem>>, vector<16xi32>,
      %eq3A_328 = arith.constant 0 : i32
      %eq3A_329 = vector.broadcast %eq3A_328 : i32 to vector<16xi32>
      %eq3A_330 = arith.cmpi eq, %iota3A, %eq3A_329 : vector<16xi32>
      %jit3A_331 = arith.constant 0 : i32
      %broadcast_in_dim3A_332 = vector.broadcast %jit3A_331 : i32 to vector<16xi32>
      %select_n3A_333 = arith.select %eq3A_330, %get3A_327, %broadcast_in_dim3A_332 : vector<16xi1>, vector<16xi32>
      %reduce_sum3A_334 = arith.constant true
      %reduce_sum3A_335 = vector.broadcast %reduce_sum3A_334 : i1 to vector<16xi1>
      %reduce_sum3A_336 = tpu.scan <sum>, %select_n3A_333 masked %reduce_sum3A_335 : vector<16xi32>, vector<16xi1> -> vector<16xi32>
      %reduce_sum3A_337 = vector.extract %reduce_sum3A_336[15] : i32 from vector<16xi32>
      %mul3A_338 = arith.constant 48 : i32
      %mul3A_339 = arith.muli %add3A_308, %mul3A_338 : i32
      %add3A_340 = arith.constant 0 : i32
      %add3A_341 = arith.addi %mul3A_339, %add3A_340 : i32
      %get3A_342 = arith.index_cast %add3A_341 : i32 to index
      %get3A_343 = tpu.vector_load %arg11[%get3A_342] {strides = array<i32>} : memref<12288xi32, #tpu.memory_space<vmem>>, vector<16xi32>,
      %add3A_344 = arith.constant 0 : i32
      %add3A_345 = vector.broadcast %add3A_344 : i32 to vector<16xi32>
      %add3A_346 = arith.addi %iota3A, %add3A_345 : vector<16xi32>
      %lt3A_347 = vector.broadcast %min3A_323 : i32 to vector<16xi32>
      %lt3A_348 = arith.cmpi slt, %add3A_346, %lt3A_347 : vector<16xi32>
      %broadcast_in_dim3A_349 = vector.broadcast %reduce_sum3A_337 : i32 to vector<16xi32>
      %select_n3A_350 = arith.select %lt3A_348, %get3A_343, %broadcast_in_dim3A_349 : vector<16xi1>, vector<16xi32>
      %mul3A_351 = arith.constant 32 : i32
      %mul3A_352 = arith.muli %add3A_308, %mul3A_351 : i32
      %add3A_353 = arith.constant 0 : i32
      %add3A_354 = arith.addi %mul3A_352, %add3A_353 : i32
      %swap3A_355 = arith.index_cast %add3A_354 : i32 to index
      %swap3A_356 = tpu.vector_load %arg12[%swap3A_355] {strides = array<i32>} : memref<8192xi32, #tpu.memory_space<vmem>>, vector<16xi32>,
      tpu.vector_store %arg12[%swap3A_355], %select_n3A_350 {strides = array<i32>} : memref<8192xi32, #tpu.memory_space<vmem>>, vector<16xi32>,
      %mul3A_357 = arith.constant 48 : i32
      %mul3A_358 = arith.muli %add3A_308, %mul3A_357 : i32
      %add3A_359 = arith.constant 16 : i32
      %add3A_360 = arith.addi %mul3A_358, %add3A_359 : i32
      %get3A_361 = arith.index_cast %add3A_360 : i32 to index
      %get3A_362 = tpu.vector_load %arg11[%get3A_361] {strides = array<i32>} : memref<12288xi32, #tpu.memory_space<vmem>>, vector<16xi32>,
      %add3A_363 = arith.constant 16 : i32
      %add3A_364 = vector.broadcast %add3A_363 : i32 to vector<16xi32>
      %add3A_365 = arith.addi %iota3A, %add3A_364 : vector<16xi32>
      %lt3A_366 = vector.broadcast %min3A_323 : i32 to vector<16xi32>
      %lt3A_367 = arith.cmpi slt, %add3A_365, %lt3A_366 : vector<16xi32>
      %broadcast_in_dim3A_368 = vector.broadcast %reduce_sum3A_337 : i32 to vector<16xi32>
      %select_n3A_369 = arith.select %lt3A_367, %get3A_362, %broadcast_in_dim3A_368 : vector<16xi1>, vector<16xi32>
      %mul3A_370 = arith.constant 32 : i32
      %mul3A_371 = arith.muli %add3A_308, %mul3A_370 : i32
      %add3A_372 = arith.constant 16 : i32
      %add3A_373 = arith.addi %mul3A_371, %add3A_372 : i32
      %swap3A_374 = arith.index_cast %add3A_373 : i32 to index
      %swap3A_375 = tpu.vector_load %arg12[%swap3A_374] {strides = array<i32>} : memref<8192xi32, #tpu.memory_space<vmem>>, vector<16xi32>,
      tpu.vector_store %arg12[%swap3A_374], %select_n3A_369 {strides = array<i32>} : memref<8192xi32, #tpu.memory_space<vmem>>, vector<16xi32>,
      %mul3A_376 = arith.constant 16 : i32
      %mul3A_377 = arith.muli %scan3A_85, %mul3A_376 : i32
      %add3A_378 = arith.constant 4 : i32
      %add3A_379 = arith.addi %mul3A_377, %add3A_378 : i32
      %slice3A_380 = vector.extract_strided_slice %get3A_89 {offsets = [4], sizes = [1], strides = [1]} : vector<16xf32> to vector<1xf32>
      %squeeze3A_381 = vector.extract %slice3A_380[0] : f32 from vector<1xf32>
      %slice3A_382 = vector.extract_strided_slice %get3A_93 {offsets = [4], sizes = [1], strides = [1]} : vector<16xf32> to vector<1xf32>
      %squeeze3A_383 = vector.extract %slice3A_382[0] : f32 from vector<1xf32>
      %slice3A_384 = vector.extract_strided_slice %get3A_97 {offsets = [4], sizes = [1], strides = [1]} : vector<16xf32> to vector<1xf32>
      %squeeze3A_385 = vector.extract %slice3A_384[0] : f32 from vector<1xf32>
      %scan3A_386 = arith.constant 0 : i32
      %scan3A_387 = arith.constant 0 : i32
      %scan3A_388 = arith.constant 16 : i32
      %scan3A_389 = arith.addi %scan3A_387, %scan3A_388 : i32
      %scan3A_390 = arith.constant 1 : i32
      %scan3A_391 = scf.for %scan3A_1229 = %scan3A_387 to %scan3A_389 step %scan3A_390 iter_args(%scan3A_1230 = %scan3A_386) -> (i32)  : i32 {
        %lt3A_1231 = arith.constant 32 : i32
        %lt3A_1232 = arith.cmpi slt, %scan3A_1230, %lt3A_1231 : i32
        %convert_element_type3A = arith.extui %lt3A_1232 : i1 to i32
        %cond3A = arith.constant 0 : i32
        %cond3A_1233 = arith.cmpi ne, %convert_element_type3A, %cond3A : i32
        %cond3A_1234 = scf.if %cond3A_1233 -> (i32) {
          %scan3A_1235 = arith.constant 0 : i32
          %scan3A_1236 = arith.constant 16 : i32
          %scan3A_1237 = arith.addi %scan3A_1235, %scan3A_1236 : i32
          %scan3A_1238 = arith.constant 1 : i32
          %scan3A_1239 = scf.for %scan3A_1241 = %scan3A_1235 to %scan3A_1237 step %scan3A_1238 iter_args(%scan3A_1242 = %scan3A_1230) -> (i32)  : i32 {
            %mul3A_1243 = arith.constant 16 : i32
            %mul3A_1244 = arith.muli %scan3A_1229, %mul3A_1243 : i32
            %add3A_1245 = arith.addi %mul3A_1244, %scan3A_1241 : i32
            %mul3A_1246 = arith.constant 16 : i32
            %mul3A_1247 = arith.muli %add3A_1245, %mul3A_1246 : i32
            %get3A_1248 = arith.index_cast %mul3A_1247 : i32 to index
            %get3A_1249 = tpu.vector_load %arg5[%get3A_1248] {strides = array<i32>} : memref<4096xf32, #tpu.memory_space<vmem>>, vector<16xf32>,
            %mul3A_1250 = arith.constant 16 : i32
            %mul3A_1251 = arith.muli %add3A_1245, %mul3A_1250 : i32
            %get3A_1252 = arith.index_cast %mul3A_1251 : i32 to index
            %get3A_1253 = tpu.vector_load %arg6[%get3A_1252] {strides = array<i32>} : memref<4096xf32, #tpu.memory_space<vmem>>, vector<16xf32>,
            %mul3A_1254 = arith.constant 16 : i32
            %mul3A_1255 = arith.muli %add3A_1245, %mul3A_1254 : i32
            %get3A_1256 = arith.index_cast %mul3A_1255 : i32 to index
            %get3A_1257 = tpu.vector_load %arg7[%get3A_1256] {strides = array<i32>} : memref<4096xf32, #tpu.memory_space<vmem>>, vector<16xf32>,
            %sub3A_1258 = vector.broadcast %squeeze3A_381 : f32 to vector<16xf32>
            %sub3A_1259 = arith.subf %get3A_1249, %sub3A_1258 : vector<16xf32>
            %sub3A_1260 = vector.broadcast %squeeze3A_383 : f32 to vector<16xf32>
            %sub3A_1261 = arith.subf %get3A_1253, %sub3A_1260 : vector<16xf32>
            %sub3A_1262 = vector.broadcast %squeeze3A_385 : f32 to vector<16xf32>
            %sub3A_1263 = arith.subf %get3A_1257, %sub3A_1262 : vector<16xf32>
            %mul3A_1264 = arith.mulf %sub3A_1259, %sub3A_1259 : vector<16xf32>
            %mul3A_1265 = arith.mulf %sub3A_1261, %sub3A_1261 : vector<16xf32>
            %add3A_1266 = arith.addf %mul3A_1264, %mul3A_1265 : vector<16xf32>
            %mul3A_1267 = arith.mulf %sub3A_1263, %sub3A_1263 : vector<16xf32>
            %add3A_1268 = arith.addf %add3A_1266, %mul3A_1267 : vector<16xf32>
            %le3A = arith.constant 1.600000e-01 : f32
            %le3A_1269 = vector.broadcast %le3A : f32 to vector<16xf32>
            %le3A_1270 = arith.cmpf ole, %add3A_1268, %le3A_1269 : vector<16xf32>
            %mul3A_1271 = arith.constant 16 : i32
            %mul3A_1272 = arith.muli %add3A_1245, %mul3A_1271 : i32
            %add3A_1273 = arith.addi %mul3A_1272, %mul3A_71 : i32
            %add3A_1274 = vector.broadcast %add3A_1273 : i32 to vector<16xi32>
            %add3A_1275 = arith.addi %iota3A, %add3A_1274 : vector<16xi32>
            %min3A_1276 = arith.constant 32 : i32
            %min3A_1277 = arith.minsi %scan3A_1242, %min3A_1276 : i32
            %mul3A_1278 = arith.constant 48 : i32
            %mul3A_1279 = arith.muli %add3A_379, %mul3A_1278 : i32
            %add3A_1280 = arith.addi %mul3A_1279, %min3A_1277 : i32
            %swap3A_1281 = arith.index_cast %add3A_1280 : i32 to index
            %swap3A_1282 = tpu.vector_load %arg11[%swap3A_1281] masked %le3A_1270 {strides = array<i32>} : memref<12288xi32, #tpu.memory_space<vmem>>, vector<16xi32>, vector<16xi1>
            tpu.vector_store %arg11[%swap3A_1281], %add3A_1275 masked %le3A_1270 {strides = array<i32>} : memref<12288xi32, #tpu.memory_space<vmem>>, vector<16xi32>, vector<16xi1>
            %all_reduce_population_count3A = tpu.all_reduce %le3A_1270 {dim = 0 : i64, kind = #tpu.reduction_kind<sum>} : vector<16xi1> -> vector<16xi32>
            %slice3A_1283 = vector.extract_strided_slice %all_reduce_population_count3A {offsets = [0], sizes = [1], strides = [1]} : vector<16xi32> to vector<1xi32>
            %squeeze3A_1284 = vector.extract %slice3A_1283[0] : i32 from vector<1xi32>
            %add3A_1285 = arith.addi %scan3A_1242, %squeeze3A_1284 : i32
            scf.yield %add3A_1285 : i32
          }
          %scan3A_1240 = arith.constant 16 : i32
          scf.yield %scan3A_1239 : i32
        } else {
          scf.yield %scan3A_1230 : i32
        }
        scf.yield %cond3A_1234 : i32
      }
      %scan3A_392 = arith.constant 16 : i32
      %min3A_393 = arith.constant 32 : i32
      %min3A_394 = arith.minsi %scan3A_391, %min3A_393 : i32
      %mul3A_395 = arith.constant 48 : i32
      %mul3A_396 = arith.muli %add3A_379, %mul3A_395 : i32
      %get3A_397 = arith.index_cast %mul3A_396 : i32 to index
      %get3A_398 = tpu.vector_load %arg11[%get3A_397] {strides = array<i32>} : memref<12288xi32, #tpu.memory_space<vmem>>, vector<16xi32>,
      %eq3A_399 = arith.constant 0 : i32
      %eq3A_400 = vector.broadcast %eq3A_399 : i32 to vector<16xi32>
      %eq3A_401 = arith.cmpi eq, %iota3A, %eq3A_400 : vector<16xi32>
      %jit3A_402 = arith.constant 0 : i32
      %broadcast_in_dim3A_403 = vector.broadcast %jit3A_402 : i32 to vector<16xi32>
      %select_n3A_404 = arith.select %eq3A_401, %get3A_398, %broadcast_in_dim3A_403 : vector<16xi1>, vector<16xi32>
      %reduce_sum3A_405 = arith.constant true
      %reduce_sum3A_406 = vector.broadcast %reduce_sum3A_405 : i1 to vector<16xi1>
      %reduce_sum3A_407 = tpu.scan <sum>, %select_n3A_404 masked %reduce_sum3A_406 : vector<16xi32>, vector<16xi1> -> vector<16xi32>
      %reduce_sum3A_408 = vector.extract %reduce_sum3A_407[15] : i32 from vector<16xi32>
      %mul3A_409 = arith.constant 48 : i32
      %mul3A_410 = arith.muli %add3A_379, %mul3A_409 : i32
      %add3A_411 = arith.constant 0 : i32
      %add3A_412 = arith.addi %mul3A_410, %add3A_411 : i32
      %get3A_413 = arith.index_cast %add3A_412 : i32 to index
      %get3A_414 = tpu.vector_load %arg11[%get3A_413] {strides = array<i32>} : memref<12288xi32, #tpu.memory_space<vmem>>, vector<16xi32>,
      %add3A_415 = arith.constant 0 : i32
      %add3A_416 = vector.broadcast %add3A_415 : i32 to vector<16xi32>
      %add3A_417 = arith.addi %iota3A, %add3A_416 : vector<16xi32>
      %lt3A_418 = vector.broadcast %min3A_394 : i32 to vector<16xi32>
      %lt3A_419 = arith.cmpi slt, %add3A_417, %lt3A_418 : vector<16xi32>
      %broadcast_in_dim3A_420 = vector.broadcast %reduce_sum3A_408 : i32 to vector<16xi32>
      %select_n3A_421 = arith.select %lt3A_419, %get3A_414, %broadcast_in_dim3A_420 : vector<16xi1>, vector<16xi32>
      %mul3A_422 = arith.constant 32 : i32
      %mul3A_423 = arith.muli %add3A_379, %mul3A_422 : i32
      %add3A_424 = arith.constant 0 : i32
      %add3A_425 = arith.addi %mul3A_423, %add3A_424 : i32
      %swap3A_426 = arith.index_cast %add3A_425 : i32 to index
      %swap3A_427 = tpu.vector_load %arg12[%swap3A_426] {strides = array<i32>} : memref<8192xi32, #tpu.memory_space<vmem>>, vector<16xi32>,
      tpu.vector_store %arg12[%swap3A_426], %select_n3A_421 {strides = array<i32>} : memref<8192xi32, #tpu.memory_space<vmem>>, vector<16xi32>,
      %mul3A_428 = arith.constant 48 : i32
      %mul3A_429 = arith.muli %add3A_379, %mul3A_428 : i32
      %add3A_430 = arith.constant 16 : i32
      %add3A_431 = arith.addi %mul3A_429, %add3A_430 : i32
      %get3A_432 = arith.index_cast %add3A_431 : i32 to index
      %get3A_433 = tpu.vector_load %arg11[%get3A_432] {strides = array<i32>} : memref<12288xi32, #tpu.memory_space<vmem>>, vector<16xi32>,
      %add3A_434 = arith.constant 16 : i32
      %add3A_435 = vector.broadcast %add3A_434 : i32 to vector<16xi32>
      %add3A_436 = arith.addi %iota3A, %add3A_435 : vector<16xi32>
      %lt3A_437 = vector.broadcast %min3A_394 : i32 to vector<16xi32>
      %lt3A_438 = arith.cmpi slt, %add3A_436, %lt3A_437 : vector<16xi32>
      %broadcast_in_dim3A_439 = vector.broadcast %reduce_sum3A_408 : i32 to vector<16xi32>
      %select_n3A_440 = arith.select %lt3A_438, %get3A_433, %broadcast_in_dim3A_439 : vector<16xi1>, vector<16xi32>
      %mul3A_441 = arith.constant 32 : i32
      %mul3A_442 = arith.muli %add3A_379, %mul3A_441 : i32
      %add3A_443 = arith.constant 16 : i32
      %add3A_444 = arith.addi %mul3A_442, %add3A_443 : i32
      %swap3A_445 = arith.index_cast %add3A_444 : i32 to index
      %swap3A_446 = tpu.vector_load %arg12[%swap3A_445] {strides = array<i32>} : memref<8192xi32, #tpu.memory_space<vmem>>, vector<16xi32>,
      tpu.vector_store %arg12[%swap3A_445], %select_n3A_440 {strides = array<i32>} : memref<8192xi32, #tpu.memory_space<vmem>>, vector<16xi32>,
      %mul3A_447 = arith.constant 16 : i32
      %mul3A_448 = arith.muli %scan3A_85, %mul3A_447 : i32
      %add3A_449 = arith.constant 5 : i32
      %add3A_450 = arith.addi %mul3A_448, %add3A_449 : i32
      %slice3A_451 = vector.extract_strided_slice %get3A_89 {offsets = [5], sizes = [1], strides = [1]} : vector<16xf32> to vector<1xf32>
      %squeeze3A_452 = vector.extract %slice3A_451[0] : f32 from vector<1xf32>
      %slice3A_453 = vector.extract_strided_slice %get3A_93 {offsets = [5], sizes = [1], strides = [1]} : vector<16xf32> to vector<1xf32>
      %squeeze3A_454 = vector.extract %slice3A_453[0] : f32 from vector<1xf32>
      %slice3A_455 = vector.extract_strided_slice %get3A_97 {offsets = [5], sizes = [1], strides = [1]} : vector<16xf32> to vector<1xf32>
      %squeeze3A_456 = vector.extract %slice3A_455[0] : f32 from vector<1xf32>
      %scan3A_457 = arith.constant 0 : i32
      %scan3A_458 = arith.constant 0 : i32
      %scan3A_459 = arith.constant 16 : i32
      %scan3A_460 = arith.addi %scan3A_458, %scan3A_459 : i32
      %scan3A_461 = arith.constant 1 : i32
      %scan3A_462 = scf.for %scan3A_1229 = %scan3A_458 to %scan3A_460 step %scan3A_461 iter_args(%scan3A_1230 = %scan3A_457) -> (i32)  : i32 {
        %lt3A_1231 = arith.constant 32 : i32
        %lt3A_1232 = arith.cmpi slt, %scan3A_1230, %lt3A_1231 : i32
        %convert_element_type3A = arith.extui %lt3A_1232 : i1 to i32
        %cond3A = arith.constant 0 : i32
        %cond3A_1233 = arith.cmpi ne, %convert_element_type3A, %cond3A : i32
        %cond3A_1234 = scf.if %cond3A_1233 -> (i32) {
          %scan3A_1235 = arith.constant 0 : i32
          %scan3A_1236 = arith.constant 16 : i32
          %scan3A_1237 = arith.addi %scan3A_1235, %scan3A_1236 : i32
          %scan3A_1238 = arith.constant 1 : i32
          %scan3A_1239 = scf.for %scan3A_1241 = %scan3A_1235 to %scan3A_1237 step %scan3A_1238 iter_args(%scan3A_1242 = %scan3A_1230) -> (i32)  : i32 {
            %mul3A_1243 = arith.constant 16 : i32
            %mul3A_1244 = arith.muli %scan3A_1229, %mul3A_1243 : i32
            %add3A_1245 = arith.addi %mul3A_1244, %scan3A_1241 : i32
            %mul3A_1246 = arith.constant 16 : i32
            %mul3A_1247 = arith.muli %add3A_1245, %mul3A_1246 : i32
            %get3A_1248 = arith.index_cast %mul3A_1247 : i32 to index
            %get3A_1249 = tpu.vector_load %arg5[%get3A_1248] {strides = array<i32>} : memref<4096xf32, #tpu.memory_space<vmem>>, vector<16xf32>,
            %mul3A_1250 = arith.constant 16 : i32
            %mul3A_1251 = arith.muli %add3A_1245, %mul3A_1250 : i32
            %get3A_1252 = arith.index_cast %mul3A_1251 : i32 to index
            %get3A_1253 = tpu.vector_load %arg6[%get3A_1252] {strides = array<i32>} : memref<4096xf32, #tpu.memory_space<vmem>>, vector<16xf32>,
            %mul3A_1254 = arith.constant 16 : i32
            %mul3A_1255 = arith.muli %add3A_1245, %mul3A_1254 : i32
            %get3A_1256 = arith.index_cast %mul3A_1255 : i32 to index
            %get3A_1257 = tpu.vector_load %arg7[%get3A_1256] {strides = array<i32>} : memref<4096xf32, #tpu.memory_space<vmem>>, vector<16xf32>,
            %sub3A_1258 = vector.broadcast %squeeze3A_452 : f32 to vector<16xf32>
            %sub3A_1259 = arith.subf %get3A_1249, %sub3A_1258 : vector<16xf32>
            %sub3A_1260 = vector.broadcast %squeeze3A_454 : f32 to vector<16xf32>
            %sub3A_1261 = arith.subf %get3A_1253, %sub3A_1260 : vector<16xf32>
            %sub3A_1262 = vector.broadcast %squeeze3A_456 : f32 to vector<16xf32>
            %sub3A_1263 = arith.subf %get3A_1257, %sub3A_1262 : vector<16xf32>
            %mul3A_1264 = arith.mulf %sub3A_1259, %sub3A_1259 : vector<16xf32>
            %mul3A_1265 = arith.mulf %sub3A_1261, %sub3A_1261 : vector<16xf32>
            %add3A_1266 = arith.addf %mul3A_1264, %mul3A_1265 : vector<16xf32>
            %mul3A_1267 = arith.mulf %sub3A_1263, %sub3A_1263 : vector<16xf32>
            %add3A_1268 = arith.addf %add3A_1266, %mul3A_1267 : vector<16xf32>
            %le3A = arith.constant 1.600000e-01 : f32
            %le3A_1269 = vector.broadcast %le3A : f32 to vector<16xf32>
            %le3A_1270 = arith.cmpf ole, %add3A_1268, %le3A_1269 : vector<16xf32>
            %mul3A_1271 = arith.constant 16 : i32
            %mul3A_1272 = arith.muli %add3A_1245, %mul3A_1271 : i32
            %add3A_1273 = arith.addi %mul3A_1272, %mul3A_71 : i32
            %add3A_1274 = vector.broadcast %add3A_1273 : i32 to vector<16xi32>
            %add3A_1275 = arith.addi %iota3A, %add3A_1274 : vector<16xi32>
            %min3A_1276 = arith.constant 32 : i32
            %min3A_1277 = arith.minsi %scan3A_1242, %min3A_1276 : i32
            %mul3A_1278 = arith.constant 48 : i32
            %mul3A_1279 = arith.muli %add3A_450, %mul3A_1278 : i32
            %add3A_1280 = arith.addi %mul3A_1279, %min3A_1277 : i32
            %swap3A_1281 = arith.index_cast %add3A_1280 : i32 to index
            %swap3A_1282 = tpu.vector_load %arg11[%swap3A_1281] masked %le3A_1270 {strides = array<i32>} : memref<12288xi32, #tpu.memory_space<vmem>>, vector<16xi32>, vector<16xi1>
            tpu.vector_store %arg11[%swap3A_1281], %add3A_1275 masked %le3A_1270 {strides = array<i32>} : memref<12288xi32, #tpu.memory_space<vmem>>, vector<16xi32>, vector<16xi1>
            %all_reduce_population_count3A = tpu.all_reduce %le3A_1270 {dim = 0 : i64, kind = #tpu.reduction_kind<sum>} : vector<16xi1> -> vector<16xi32>
            %slice3A_1283 = vector.extract_strided_slice %all_reduce_population_count3A {offsets = [0], sizes = [1], strides = [1]} : vector<16xi32> to vector<1xi32>
            %squeeze3A_1284 = vector.extract %slice3A_1283[0] : i32 from vector<1xi32>
            %add3A_1285 = arith.addi %scan3A_1242, %squeeze3A_1284 : i32
            scf.yield %add3A_1285 : i32
          }
          %scan3A_1240 = arith.constant 16 : i32
          scf.yield %scan3A_1239 : i32
        } else {
          scf.yield %scan3A_1230 : i32
        }
        scf.yield %cond3A_1234 : i32
      }
      %scan3A_463 = arith.constant 16 : i32
      %min3A_464 = arith.constant 32 : i32
      %min3A_465 = arith.minsi %scan3A_462, %min3A_464 : i32
      %mul3A_466 = arith.constant 48 : i32
      %mul3A_467 = arith.muli %add3A_450, %mul3A_466 : i32
      %get3A_468 = arith.index_cast %mul3A_467 : i32 to index
      %get3A_469 = tpu.vector_load %arg11[%get3A_468] {strides = array<i32>} : memref<12288xi32, #tpu.memory_space<vmem>>, vector<16xi32>,
      %eq3A_470 = arith.constant 0 : i32
      %eq3A_471 = vector.broadcast %eq3A_470 : i32 to vector<16xi32>
      %eq3A_472 = arith.cmpi eq, %iota3A, %eq3A_471 : vector<16xi32>
      %jit3A_473 = arith.constant 0 : i32
      %broadcast_in_dim3A_474 = vector.broadcast %jit3A_473 : i32 to vector<16xi32>
      %select_n3A_475 = arith.select %eq3A_472, %get3A_469, %broadcast_in_dim3A_474 : vector<16xi1>, vector<16xi32>
      %reduce_sum3A_476 = arith.constant true
      %reduce_sum3A_477 = vector.broadcast %reduce_sum3A_476 : i1 to vector<16xi1>
      %reduce_sum3A_478 = tpu.scan <sum>, %select_n3A_475 masked %reduce_sum3A_477 : vector<16xi32>, vector<16xi1> -> vector<16xi32>
      %reduce_sum3A_479 = vector.extract %reduce_sum3A_478[15] : i32 from vector<16xi32>
      %mul3A_480 = arith.constant 48 : i32
      %mul3A_481 = arith.muli %add3A_450, %mul3A_480 : i32
      %add3A_482 = arith.constant 0 : i32
      %add3A_483 = arith.addi %mul3A_481, %add3A_482 : i32
      %get3A_484 = arith.index_cast %add3A_483 : i32 to index
      %get3A_485 = tpu.vector_load %arg11[%get3A_484] {strides = array<i32>} : memref<12288xi32, #tpu.memory_space<vmem>>, vector<16xi32>,
      %add3A_486 = arith.constant 0 : i32
      %add3A_487 = vector.broadcast %add3A_486 : i32 to vector<16xi32>
      %add3A_488 = arith.addi %iota3A, %add3A_487 : vector<16xi32>
      %lt3A_489 = vector.broadcast %min3A_465 : i32 to vector<16xi32>
      %lt3A_490 = arith.cmpi slt, %add3A_488, %lt3A_489 : vector<16xi32>
      %broadcast_in_dim3A_491 = vector.broadcast %reduce_sum3A_479 : i32 to vector<16xi32>
      %select_n3A_492 = arith.select %lt3A_490, %get3A_485, %broadcast_in_dim3A_491 : vector<16xi1>, vector<16xi32>
      %mul3A_493 = arith.constant 32 : i32
      %mul3A_494 = arith.muli %add3A_450, %mul3A_493 : i32
      %add3A_495 = arith.constant 0 : i32
      %add3A_496 = arith.addi %mul3A_494, %add3A_495 : i32
      %swap3A_497 = arith.index_cast %add3A_496 : i32 to index
      %swap3A_498 = tpu.vector_load %arg12[%swap3A_497] {strides = array<i32>} : memref<8192xi32, #tpu.memory_space<vmem>>, vector<16xi32>,
      tpu.vector_store %arg12[%swap3A_497], %select_n3A_492 {strides = array<i32>} : memref<8192xi32, #tpu.memory_space<vmem>>, vector<16xi32>,
      %mul3A_499 = arith.constant 48 : i32
      %mul3A_500 = arith.muli %add3A_450, %mul3A_499 : i32
      %add3A_501 = arith.constant 16 : i32
      %add3A_502 = arith.addi %mul3A_500, %add3A_501 : i32
      %get3A_503 = arith.index_cast %add3A_502 : i32 to index
      %get3A_504 = tpu.vector_load %arg11[%get3A_503] {strides = array<i32>} : memref<12288xi32, #tpu.memory_space<vmem>>, vector<16xi32>,
      %add3A_505 = arith.constant 16 : i32
      %add3A_506 = vector.broadcast %add3A_505 : i32 to vector<16xi32>
      %add3A_507 = arith.addi %iota3A, %add3A_506 : vector<16xi32>
      %lt3A_508 = vector.broadcast %min3A_465 : i32 to vector<16xi32>
      %lt3A_509 = arith.cmpi slt, %add3A_507, %lt3A_508 : vector<16xi32>
      %broadcast_in_dim3A_510 = vector.broadcast %reduce_sum3A_479 : i32 to vector<16xi32>
      %select_n3A_511 = arith.select %lt3A_509, %get3A_504, %broadcast_in_dim3A_510 : vector<16xi1>, vector<16xi32>
      %mul3A_512 = arith.constant 32 : i32
      %mul3A_513 = arith.muli %add3A_450, %mul3A_512 : i32
      %add3A_514 = arith.constant 16 : i32
      %add3A_515 = arith.addi %mul3A_513, %add3A_514 : i32
      %swap3A_516 = arith.index_cast %add3A_515 : i32 to index
      %swap3A_517 = tpu.vector_load %arg12[%swap3A_516] {strides = array<i32>} : memref<8192xi32, #tpu.memory_space<vmem>>, vector<16xi32>,
      tpu.vector_store %arg12[%swap3A_516], %select_n3A_511 {strides = array<i32>} : memref<8192xi32, #tpu.memory_space<vmem>>, vector<16xi32>,
      %mul3A_518 = arith.constant 16 : i32
      %mul3A_519 = arith.muli %scan3A_85, %mul3A_518 : i32
      %add3A_520 = arith.constant 6 : i32
      %add3A_521 = arith.addi %mul3A_519, %add3A_520 : i32
      %slice3A_522 = vector.extract_strided_slice %get3A_89 {offsets = [6], sizes = [1], strides = [1]} : vector<16xf32> to vector<1xf32>
      %squeeze3A_523 = vector.extract %slice3A_522[0] : f32 from vector<1xf32>
      %slice3A_524 = vector.extract_strided_slice %get3A_93 {offsets = [6], sizes = [1], strides = [1]} : vector<16xf32> to vector<1xf32>
      %squeeze3A_525 = vector.extract %slice3A_524[0] : f32 from vector<1xf32>
      %slice3A_526 = vector.extract_strided_slice %get3A_97 {offsets = [6], sizes = [1], strides = [1]} : vector<16xf32> to vector<1xf32>
      %squeeze3A_527 = vector.extract %slice3A_526[0] : f32 from vector<1xf32>
      %scan3A_528 = arith.constant 0 : i32
      %scan3A_529 = arith.constant 0 : i32
      %scan3A_530 = arith.constant 16 : i32
      %scan3A_531 = arith.addi %scan3A_529, %scan3A_530 : i32
      %scan3A_532 = arith.constant 1 : i32
      %scan3A_533 = scf.for %scan3A_1229 = %scan3A_529 to %scan3A_531 step %scan3A_532 iter_args(%scan3A_1230 = %scan3A_528) -> (i32)  : i32 {
        %lt3A_1231 = arith.constant 32 : i32
        %lt3A_1232 = arith.cmpi slt, %scan3A_1230, %lt3A_1231 : i32
        %convert_element_type3A = arith.extui %lt3A_1232 : i1 to i32
        %cond3A = arith.constant 0 : i32
        %cond3A_1233 = arith.cmpi ne, %convert_element_type3A, %cond3A : i32
        %cond3A_1234 = scf.if %cond3A_1233 -> (i32) {
          %scan3A_1235 = arith.constant 0 : i32
          %scan3A_1236 = arith.constant 16 : i32
          %scan3A_1237 = arith.addi %scan3A_1235, %scan3A_1236 : i32
          %scan3A_1238 = arith.constant 1 : i32
          %scan3A_1239 = scf.for %scan3A_1241 = %scan3A_1235 to %scan3A_1237 step %scan3A_1238 iter_args(%scan3A_1242 = %scan3A_1230) -> (i32)  : i32 {
            %mul3A_1243 = arith.constant 16 : i32
            %mul3A_1244 = arith.muli %scan3A_1229, %mul3A_1243 : i32
            %add3A_1245 = arith.addi %mul3A_1244, %scan3A_1241 : i32
            %mul3A_1246 = arith.constant 16 : i32
            %mul3A_1247 = arith.muli %add3A_1245, %mul3A_1246 : i32
            %get3A_1248 = arith.index_cast %mul3A_1247 : i32 to index
            %get3A_1249 = tpu.vector_load %arg5[%get3A_1248] {strides = array<i32>} : memref<4096xf32, #tpu.memory_space<vmem>>, vector<16xf32>,
            %mul3A_1250 = arith.constant 16 : i32
            %mul3A_1251 = arith.muli %add3A_1245, %mul3A_1250 : i32
            %get3A_1252 = arith.index_cast %mul3A_1251 : i32 to index
            %get3A_1253 = tpu.vector_load %arg6[%get3A_1252] {strides = array<i32>} : memref<4096xf32, #tpu.memory_space<vmem>>, vector<16xf32>,
            %mul3A_1254 = arith.constant 16 : i32
            %mul3A_1255 = arith.muli %add3A_1245, %mul3A_1254 : i32
            %get3A_1256 = arith.index_cast %mul3A_1255 : i32 to index
            %get3A_1257 = tpu.vector_load %arg7[%get3A_1256] {strides = array<i32>} : memref<4096xf32, #tpu.memory_space<vmem>>, vector<16xf32>,
            %sub3A_1258 = vector.broadcast %squeeze3A_523 : f32 to vector<16xf32>
            %sub3A_1259 = arith.subf %get3A_1249, %sub3A_1258 : vector<16xf32>
            %sub3A_1260 = vector.broadcast %squeeze3A_525 : f32 to vector<16xf32>
            %sub3A_1261 = arith.subf %get3A_1253, %sub3A_1260 : vector<16xf32>
            %sub3A_1262 = vector.broadcast %squeeze3A_527 : f32 to vector<16xf32>
            %sub3A_1263 = arith.subf %get3A_1257, %sub3A_1262 : vector<16xf32>
            %mul3A_1264 = arith.mulf %sub3A_1259, %sub3A_1259 : vector<16xf32>
            %mul3A_1265 = arith.mulf %sub3A_1261, %sub3A_1261 : vector<16xf32>
            %add3A_1266 = arith.addf %mul3A_1264, %mul3A_1265 : vector<16xf32>
            %mul3A_1267 = arith.mulf %sub3A_1263, %sub3A_1263 : vector<16xf32>
            %add3A_1268 = arith.addf %add3A_1266, %mul3A_1267 : vector<16xf32>
            %le3A = arith.constant 1.600000e-01 : f32
            %le3A_1269 = vector.broadcast %le3A : f32 to vector<16xf32>
            %le3A_1270 = arith.cmpf ole, %add3A_1268, %le3A_1269 : vector<16xf32>
            %mul3A_1271 = arith.constant 16 : i32
            %mul3A_1272 = arith.muli %add3A_1245, %mul3A_1271 : i32
            %add3A_1273 = arith.addi %mul3A_1272, %mul3A_71 : i32
            %add3A_1274 = vector.broadcast %add3A_1273 : i32 to vector<16xi32>
            %add3A_1275 = arith.addi %iota3A, %add3A_1274 : vector<16xi32>
            %min3A_1276 = arith.constant 32 : i32
            %min3A_1277 = arith.minsi %scan3A_1242, %min3A_1276 : i32
            %mul3A_1278 = arith.constant 48 : i32
            %mul3A_1279 = arith.muli %add3A_521, %mul3A_1278 : i32
            %add3A_1280 = arith.addi %mul3A_1279, %min3A_1277 : i32
            %swap3A_1281 = arith.index_cast %add3A_1280 : i32 to index
            %swap3A_1282 = tpu.vector_load %arg11[%swap3A_1281] masked %le3A_1270 {strides = array<i32>} : memref<12288xi32, #tpu.memory_space<vmem>>, vector<16xi32>, vector<16xi1>
            tpu.vector_store %arg11[%swap3A_1281], %add3A_1275 masked %le3A_1270 {strides = array<i32>} : memref<12288xi32, #tpu.memory_space<vmem>>, vector<16xi32>, vector<16xi1>
            %all_reduce_population_count3A = tpu.all_reduce %le3A_1270 {dim = 0 : i64, kind = #tpu.reduction_kind<sum>} : vector<16xi1> -> vector<16xi32>
            %slice3A_1283 = vector.extract_strided_slice %all_reduce_population_count3A {offsets = [0], sizes = [1], strides = [1]} : vector<16xi32> to vector<1xi32>
            %squeeze3A_1284 = vector.extract %slice3A_1283[0] : i32 from vector<1xi32>
            %add3A_1285 = arith.addi %scan3A_1242, %squeeze3A_1284 : i32
            scf.yield %add3A_1285 : i32
          }
          %scan3A_1240 = arith.constant 16 : i32
          scf.yield %scan3A_1239 : i32
        } else {
          scf.yield %scan3A_1230 : i32
        }
        scf.yield %cond3A_1234 : i32
      }
      %scan3A_534 = arith.constant 16 : i32
      %min3A_535 = arith.constant 32 : i32
      %min3A_536 = arith.minsi %scan3A_533, %min3A_535 : i32
      %mul3A_537 = arith.constant 48 : i32
      %mul3A_538 = arith.muli %add3A_521, %mul3A_537 : i32
      %get3A_539 = arith.index_cast %mul3A_538 : i32 to index
      %get3A_540 = tpu.vector_load %arg11[%get3A_539] {strides = array<i32>} : memref<12288xi32, #tpu.memory_space<vmem>>, vector<16xi32>,
      %eq3A_541 = arith.constant 0 : i32
      %eq3A_542 = vector.broadcast %eq3A_541 : i32 to vector<16xi32>
      %eq3A_543 = arith.cmpi eq, %iota3A, %eq3A_542 : vector<16xi32>
      %jit3A_544 = arith.constant 0 : i32
      %broadcast_in_dim3A_545 = vector.broadcast %jit3A_544 : i32 to vector<16xi32>
      %select_n3A_546 = arith.select %eq3A_543, %get3A_540, %broadcast_in_dim3A_545 : vector<16xi1>, vector<16xi32>
      %reduce_sum3A_547 = arith.constant true
      %reduce_sum3A_548 = vector.broadcast %reduce_sum3A_547 : i1 to vector<16xi1>
      %reduce_sum3A_549 = tpu.scan <sum>, %select_n3A_546 masked %reduce_sum3A_548 : vector<16xi32>, vector<16xi1> -> vector<16xi32>
      %reduce_sum3A_550 = vector.extract %reduce_sum3A_549[15] : i32 from vector<16xi32>
      %mul3A_551 = arith.constant 48 : i32
      %mul3A_552 = arith.muli %add3A_521, %mul3A_551 : i32
      %add3A_553 = arith.constant 0 : i32
      %add3A_554 = arith.addi %mul3A_552, %add3A_553 : i32
      %get3A_555 = arith.index_cast %add3A_554 : i32 to index
      %get3A_556 = tpu.vector_load %arg11[%get3A_555] {strides = array<i32>} : memref<12288xi32, #tpu.memory_space<vmem>>, vector<16xi32>,
      %add3A_557 = arith.constant 0 : i32
      %add3A_558 = vector.broadcast %add3A_557 : i32 to vector<16xi32>
      %add3A_559 = arith.addi %iota3A, %add3A_558 : vector<16xi32>
      %lt3A_560 = vector.broadcast %min3A_536 : i32 to vector<16xi32>
      %lt3A_561 = arith.cmpi slt, %add3A_559, %lt3A_560 : vector<16xi32>
      %broadcast_in_dim3A_562 = vector.broadcast %reduce_sum3A_550 : i32 to vector<16xi32>
      %select_n3A_563 = arith.select %lt3A_561, %get3A_556, %broadcast_in_dim3A_562 : vector<16xi1>, vector<16xi32>
      %mul3A_564 = arith.constant 32 : i32
      %mul3A_565 = arith.muli %add3A_521, %mul3A_564 : i32
      %add3A_566 = arith.constant 0 : i32
      %add3A_567 = arith.addi %mul3A_565, %add3A_566 : i32
      %swap3A_568 = arith.index_cast %add3A_567 : i32 to index
      %swap3A_569 = tpu.vector_load %arg12[%swap3A_568] {strides = array<i32>} : memref<8192xi32, #tpu.memory_space<vmem>>, vector<16xi32>,
      tpu.vector_store %arg12[%swap3A_568], %select_n3A_563 {strides = array<i32>} : memref<8192xi32, #tpu.memory_space<vmem>>, vector<16xi32>,
      %mul3A_570 = arith.constant 48 : i32
      %mul3A_571 = arith.muli %add3A_521, %mul3A_570 : i32
      %add3A_572 = arith.constant 16 : i32
      %add3A_573 = arith.addi %mul3A_571, %add3A_572 : i32
      %get3A_574 = arith.index_cast %add3A_573 : i32 to index
      %get3A_575 = tpu.vector_load %arg11[%get3A_574] {strides = array<i32>} : memref<12288xi32, #tpu.memory_space<vmem>>, vector<16xi32>,
      %add3A_576 = arith.constant 16 : i32
      %add3A_577 = vector.broadcast %add3A_576 : i32 to vector<16xi32>
      %add3A_578 = arith.addi %iota3A, %add3A_577 : vector<16xi32>
      %lt3A_579 = vector.broadcast %min3A_536 : i32 to vector<16xi32>
      %lt3A_580 = arith.cmpi slt, %add3A_578, %lt3A_579 : vector<16xi32>
      %broadcast_in_dim3A_581 = vector.broadcast %reduce_sum3A_550 : i32 to vector<16xi32>
      %select_n3A_582 = arith.select %lt3A_580, %get3A_575, %broadcast_in_dim3A_581 : vector<16xi1>, vector<16xi32>
      %mul3A_583 = arith.constant 32 : i32
      %mul3A_584 = arith.muli %add3A_521, %mul3A_583 : i32
      %add3A_585 = arith.constant 16 : i32
      %add3A_586 = arith.addi %mul3A_584, %add3A_585 : i32
      %swap3A_587 = arith.index_cast %add3A_586 : i32 to index
      %swap3A_588 = tpu.vector_load %arg12[%swap3A_587] {strides = array<i32>} : memref<8192xi32, #tpu.memory_space<vmem>>, vector<16xi32>,
      tpu.vector_store %arg12[%swap3A_587], %select_n3A_582 {strides = array<i32>} : memref<8192xi32, #tpu.memory_space<vmem>>, vector<16xi32>,
      %mul3A_589 = arith.constant 16 : i32
      %mul3A_590 = arith.muli %scan3A_85, %mul3A_589 : i32
      %add3A_591 = arith.constant 7 : i32
      %add3A_592 = arith.addi %mul3A_590, %add3A_591 : i32
      %slice3A_593 = vector.extract_strided_slice %get3A_89 {offsets = [7], sizes = [1], strides = [1]} : vector<16xf32> to vector<1xf32>
      %squeeze3A_594 = vector.extract %slice3A_593[0] : f32 from vector<1xf32>
      %slice3A_595 = vector.extract_strided_slice %get3A_93 {offsets = [7], sizes = [1], strides = [1]} : vector<16xf32> to vector<1xf32>
      %squeeze3A_596 = vector.extract %slice3A_595[0] : f32 from vector<1xf32>
      %slice3A_597 = vector.extract_strided_slice %get3A_97 {offsets = [7], sizes = [1], strides = [1]} : vector<16xf32> to vector<1xf32>
      %squeeze3A_598 = vector.extract %slice3A_597[0] : f32 from vector<1xf32>
      %scan3A_599 = arith.constant 0 : i32
      %scan3A_600 = arith.constant 0 : i32
      %scan3A_601 = arith.constant 16 : i32
      %scan3A_602 = arith.addi %scan3A_600, %scan3A_601 : i32
      %scan3A_603 = arith.constant 1 : i32
      %scan3A_604 = scf.for %scan3A_1229 = %scan3A_600 to %scan3A_602 step %scan3A_603 iter_args(%scan3A_1230 = %scan3A_599) -> (i32)  : i32 {
        %lt3A_1231 = arith.constant 32 : i32
        %lt3A_1232 = arith.cmpi slt, %scan3A_1230, %lt3A_1231 : i32
        %convert_element_type3A = arith.extui %lt3A_1232 : i1 to i32
        %cond3A = arith.constant 0 : i32
        %cond3A_1233 = arith.cmpi ne, %convert_element_type3A, %cond3A : i32
        %cond3A_1234 = scf.if %cond3A_1233 -> (i32) {
          %scan3A_1235 = arith.constant 0 : i32
          %scan3A_1236 = arith.constant 16 : i32
          %scan3A_1237 = arith.addi %scan3A_1235, %scan3A_1236 : i32
          %scan3A_1238 = arith.constant 1 : i32
          %scan3A_1239 = scf.for %scan3A_1241 = %scan3A_1235 to %scan3A_1237 step %scan3A_1238 iter_args(%scan3A_1242 = %scan3A_1230) -> (i32)  : i32 {
            %mul3A_1243 = arith.constant 16 : i32
            %mul3A_1244 = arith.muli %scan3A_1229, %mul3A_1243 : i32
            %add3A_1245 = arith.addi %mul3A_1244, %scan3A_1241 : i32
            %mul3A_1246 = arith.constant 16 : i32
            %mul3A_1247 = arith.muli %add3A_1245, %mul3A_1246 : i32
            %get3A_1248 = arith.index_cast %mul3A_1247 : i32 to index
            %get3A_1249 = tpu.vector_load %arg5[%get3A_1248] {strides = array<i32>} : memref<4096xf32, #tpu.memory_space<vmem>>, vector<16xf32>,
            %mul3A_1250 = arith.constant 16 : i32
            %mul3A_1251 = arith.muli %add3A_1245, %mul3A_1250 : i32
            %get3A_1252 = arith.index_cast %mul3A_1251 : i32 to index
            %get3A_1253 = tpu.vector_load %arg6[%get3A_1252] {strides = array<i32>} : memref<4096xf32, #tpu.memory_space<vmem>>, vector<16xf32>,
            %mul3A_1254 = arith.constant 16 : i32
            %mul3A_1255 = arith.muli %add3A_1245, %mul3A_1254 : i32
            %get3A_1256 = arith.index_cast %mul3A_1255 : i32 to index
            %get3A_1257 = tpu.vector_load %arg7[%get3A_1256] {strides = array<i32>} : memref<4096xf32, #tpu.memory_space<vmem>>, vector<16xf32>,
            %sub3A_1258 = vector.broadcast %squeeze3A_594 : f32 to vector<16xf32>
            %sub3A_1259 = arith.subf %get3A_1249, %sub3A_1258 : vector<16xf32>
            %sub3A_1260 = vector.broadcast %squeeze3A_596 : f32 to vector<16xf32>
            %sub3A_1261 = arith.subf %get3A_1253, %sub3A_1260 : vector<16xf32>
            %sub3A_1262 = vector.broadcast %squeeze3A_598 : f32 to vector<16xf32>
            %sub3A_1263 = arith.subf %get3A_1257, %sub3A_1262 : vector<16xf32>
            %mul3A_1264 = arith.mulf %sub3A_1259, %sub3A_1259 : vector<16xf32>
            %mul3A_1265 = arith.mulf %sub3A_1261, %sub3A_1261 : vector<16xf32>
            %add3A_1266 = arith.addf %mul3A_1264, %mul3A_1265 : vector<16xf32>
            %mul3A_1267 = arith.mulf %sub3A_1263, %sub3A_1263 : vector<16xf32>
            %add3A_1268 = arith.addf %add3A_1266, %mul3A_1267 : vector<16xf32>
            %le3A = arith.constant 1.600000e-01 : f32
            %le3A_1269 = vector.broadcast %le3A : f32 to vector<16xf32>
            %le3A_1270 = arith.cmpf ole, %add3A_1268, %le3A_1269 : vector<16xf32>
            %mul3A_1271 = arith.constant 16 : i32
            %mul3A_1272 = arith.muli %add3A_1245, %mul3A_1271 : i32
            %add3A_1273 = arith.addi %mul3A_1272, %mul3A_71 : i32
            %add3A_1274 = vector.broadcast %add3A_1273 : i32 to vector<16xi32>
            %add3A_1275 = arith.addi %iota3A, %add3A_1274 : vector<16xi32>
            %min3A_1276 = arith.constant 32 : i32
            %min3A_1277 = arith.minsi %scan3A_1242, %min3A_1276 : i32
            %mul3A_1278 = arith.constant 48 : i32
            %mul3A_1279 = arith.muli %add3A_592, %mul3A_1278 : i32
            %add3A_1280 = arith.addi %mul3A_1279, %min3A_1277 : i32
            %swap3A_1281 = arith.index_cast %add3A_1280 : i32 to index
            %swap3A_1282 = tpu.vector_load %arg11[%swap3A_1281] masked %le3A_1270 {strides = array<i32>} : memref<12288xi32, #tpu.memory_space<vmem>>, vector<16xi32>, vector<16xi1>
            tpu.vector_store %arg11[%swap3A_1281], %add3A_1275 masked %le3A_1270 {strides = array<i32>} : memref<12288xi32, #tpu.memory_space<vmem>>, vector<16xi32>, vector<16xi1>
            %all_reduce_population_count3A = tpu.all_reduce %le3A_1270 {dim = 0 : i64, kind = #tpu.reduction_kind<sum>} : vector<16xi1> -> vector<16xi32>
            %slice3A_1283 = vector.extract_strided_slice %all_reduce_population_count3A {offsets = [0], sizes = [1], strides = [1]} : vector<16xi32> to vector<1xi32>
            %squeeze3A_1284 = vector.extract %slice3A_1283[0] : i32 from vector<1xi32>
            %add3A_1285 = arith.addi %scan3A_1242, %squeeze3A_1284 : i32
            scf.yield %add3A_1285 : i32
          }
          %scan3A_1240 = arith.constant 16 : i32
          scf.yield %scan3A_1239 : i32
        } else {
          scf.yield %scan3A_1230 : i32
        }
        scf.yield %cond3A_1234 : i32
      }
      %scan3A_605 = arith.constant 16 : i32
      %min3A_606 = arith.constant 32 : i32
      %min3A_607 = arith.minsi %scan3A_604, %min3A_606 : i32
      %mul3A_608 = arith.constant 48 : i32
      %mul3A_609 = arith.muli %add3A_592, %mul3A_608 : i32
      %get3A_610 = arith.index_cast %mul3A_609 : i32 to index
      %get3A_611 = tpu.vector_load %arg11[%get3A_610] {strides = array<i32>} : memref<12288xi32, #tpu.memory_space<vmem>>, vector<16xi32>,
      %eq3A_612 = arith.constant 0 : i32
      %eq3A_613 = vector.broadcast %eq3A_612 : i32 to vector<16xi32>
      %eq3A_614 = arith.cmpi eq, %iota3A, %eq3A_613 : vector<16xi32>
      %jit3A_615 = arith.constant 0 : i32
      %broadcast_in_dim3A_616 = vector.broadcast %jit3A_615 : i32 to vector<16xi32>
      %select_n3A_617 = arith.select %eq3A_614, %get3A_611, %broadcast_in_dim3A_616 : vector<16xi1>, vector<16xi32>
      %reduce_sum3A_618 = arith.constant true
      %reduce_sum3A_619 = vector.broadcast %reduce_sum3A_618 : i1 to vector<16xi1>
      %reduce_sum3A_620 = tpu.scan <sum>, %select_n3A_617 masked %reduce_sum3A_619 : vector<16xi32>, vector<16xi1> -> vector<16xi32>
      %reduce_sum3A_621 = vector.extract %reduce_sum3A_620[15] : i32 from vector<16xi32>
      %mul3A_622 = arith.constant 48 : i32
      %mul3A_623 = arith.muli %add3A_592, %mul3A_622 : i32
      %add3A_624 = arith.constant 0 : i32
      %add3A_625 = arith.addi %mul3A_623, %add3A_624 : i32
      %get3A_626 = arith.index_cast %add3A_625 : i32 to index
      %get3A_627 = tpu.vector_load %arg11[%get3A_626] {strides = array<i32>} : memref<12288xi32, #tpu.memory_space<vmem>>, vector<16xi32>,
      %add3A_628 = arith.constant 0 : i32
      %add3A_629 = vector.broadcast %add3A_628 : i32 to vector<16xi32>
      %add3A_630 = arith.addi %iota3A, %add3A_629 : vector<16xi32>
      %lt3A_631 = vector.broadcast %min3A_607 : i32 to vector<16xi32>
      %lt3A_632 = arith.cmpi slt, %add3A_630, %lt3A_631 : vector<16xi32>
      %broadcast_in_dim3A_633 = vector.broadcast %reduce_sum3A_621 : i32 to vector<16xi32>
      %select_n3A_634 = arith.select %lt3A_632, %get3A_627, %broadcast_in_dim3A_633 : vector<16xi1>, vector<16xi32>
      %mul3A_635 = arith.constant 32 : i32
      %mul3A_636 = arith.muli %add3A_592, %mul3A_635 : i32
      %add3A_637 = arith.constant 0 : i32
      %add3A_638 = arith.addi %mul3A_636, %add3A_637 : i32
      %swap3A_639 = arith.index_cast %add3A_638 : i32 to index
      %swap3A_640 = tpu.vector_load %arg12[%swap3A_639] {strides = array<i32>} : memref<8192xi32, #tpu.memory_space<vmem>>, vector<16xi32>,
      tpu.vector_store %arg12[%swap3A_639], %select_n3A_634 {strides = array<i32>} : memref<8192xi32, #tpu.memory_space<vmem>>, vector<16xi32>,
      %mul3A_641 = arith.constant 48 : i32
      %mul3A_642 = arith.muli %add3A_592, %mul3A_641 : i32
      %add3A_643 = arith.constant 16 : i32
      %add3A_644 = arith.addi %mul3A_642, %add3A_643 : i32
      %get3A_645 = arith.index_cast %add3A_644 : i32 to index
      %get3A_646 = tpu.vector_load %arg11[%get3A_645] {strides = array<i32>} : memref<12288xi32, #tpu.memory_space<vmem>>, vector<16xi32>,
      %add3A_647 = arith.constant 16 : i32
      %add3A_648 = vector.broadcast %add3A_647 : i32 to vector<16xi32>
      %add3A_649 = arith.addi %iota3A, %add3A_648 : vector<16xi32>
      %lt3A_650 = vector.broadcast %min3A_607 : i32 to vector<16xi32>
      %lt3A_651 = arith.cmpi slt, %add3A_649, %lt3A_650 : vector<16xi32>
      %broadcast_in_dim3A_652 = vector.broadcast %reduce_sum3A_621 : i32 to vector<16xi32>
      %select_n3A_653 = arith.select %lt3A_651, %get3A_646, %broadcast_in_dim3A_652 : vector<16xi1>, vector<16xi32>
      %mul3A_654 = arith.constant 32 : i32
      %mul3A_655 = arith.muli %add3A_592, %mul3A_654 : i32
      %add3A_656 = arith.constant 16 : i32
      %add3A_657 = arith.addi %mul3A_655, %add3A_656 : i32
      %swap3A_658 = arith.index_cast %add3A_657 : i32 to index
      %swap3A_659 = tpu.vector_load %arg12[%swap3A_658] {strides = array<i32>} : memref<8192xi32, #tpu.memory_space<vmem>>, vector<16xi32>,
      tpu.vector_store %arg12[%swap3A_658], %select_n3A_653 {strides = array<i32>} : memref<8192xi32, #tpu.memory_space<vmem>>, vector<16xi32>,
      %mul3A_660 = arith.constant 16 : i32
      %mul3A_661 = arith.muli %scan3A_85, %mul3A_660 : i32
      %add3A_662 = arith.constant 8 : i32
      %add3A_663 = arith.addi %mul3A_661, %add3A_662 : i32
      %slice3A_664 = vector.extract_strided_slice %get3A_89 {offsets = [8], sizes = [1], strides = [1]} : vector<16xf32> to vector<1xf32>
      %squeeze3A_665 = vector.extract %slice3A_664[0] : f32 from vector<1xf32>
      %slice3A_666 = vector.extract_strided_slice %get3A_93 {offsets = [8], sizes = [1], strides = [1]} : vector<16xf32> to vector<1xf32>
      %squeeze3A_667 = vector.extract %slice3A_666[0] : f32 from vector<1xf32>
      %slice3A_668 = vector.extract_strided_slice %get3A_97 {offsets = [8], sizes = [1], strides = [1]} : vector<16xf32> to vector<1xf32>
      %squeeze3A_669 = vector.extract %slice3A_668[0] : f32 from vector<1xf32>
      %scan3A_670 = arith.constant 0 : i32
      %scan3A_671 = arith.constant 0 : i32
      %scan3A_672 = arith.constant 16 : i32
      %scan3A_673 = arith.addi %scan3A_671, %scan3A_672 : i32
      %scan3A_674 = arith.constant 1 : i32
      %scan3A_675 = scf.for %scan3A_1229 = %scan3A_671 to %scan3A_673 step %scan3A_674 iter_args(%scan3A_1230 = %scan3A_670) -> (i32)  : i32 {
        %lt3A_1231 = arith.constant 32 : i32
        %lt3A_1232 = arith.cmpi slt, %scan3A_1230, %lt3A_1231 : i32
        %convert_element_type3A = arith.extui %lt3A_1232 : i1 to i32
        %cond3A = arith.constant 0 : i32
        %cond3A_1233 = arith.cmpi ne, %convert_element_type3A, %cond3A : i32
        %cond3A_1234 = scf.if %cond3A_1233 -> (i32) {
          %scan3A_1235 = arith.constant 0 : i32
          %scan3A_1236 = arith.constant 16 : i32
          %scan3A_1237 = arith.addi %scan3A_1235, %scan3A_1236 : i32
          %scan3A_1238 = arith.constant 1 : i32
          %scan3A_1239 = scf.for %scan3A_1241 = %scan3A_1235 to %scan3A_1237 step %scan3A_1238 iter_args(%scan3A_1242 = %scan3A_1230) -> (i32)  : i32 {
            %mul3A_1243 = arith.constant 16 : i32
            %mul3A_1244 = arith.muli %scan3A_1229, %mul3A_1243 : i32
            %add3A_1245 = arith.addi %mul3A_1244, %scan3A_1241 : i32
            %mul3A_1246 = arith.constant 16 : i32
            %mul3A_1247 = arith.muli %add3A_1245, %mul3A_1246 : i32
            %get3A_1248 = arith.index_cast %mul3A_1247 : i32 to index
            %get3A_1249 = tpu.vector_load %arg5[%get3A_1248] {strides = array<i32>} : memref<4096xf32, #tpu.memory_space<vmem>>, vector<16xf32>,
            %mul3A_1250 = arith.constant 16 : i32
            %mul3A_1251 = arith.muli %add3A_1245, %mul3A_1250 : i32
            %get3A_1252 = arith.index_cast %mul3A_1251 : i32 to index
            %get3A_1253 = tpu.vector_load %arg6[%get3A_1252] {strides = array<i32>} : memref<4096xf32, #tpu.memory_space<vmem>>, vector<16xf32>,
            %mul3A_1254 = arith.constant 16 : i32
            %mul3A_1255 = arith.muli %add3A_1245, %mul3A_1254 : i32
            %get3A_1256 = arith.index_cast %mul3A_1255 : i32 to index
            %get3A_1257 = tpu.vector_load %arg7[%get3A_1256] {strides = array<i32>} : memref<4096xf32, #tpu.memory_space<vmem>>, vector<16xf32>,
            %sub3A_1258 = vector.broadcast %squeeze3A_665 : f32 to vector<16xf32>
            %sub3A_1259 = arith.subf %get3A_1249, %sub3A_1258 : vector<16xf32>
            %sub3A_1260 = vector.broadcast %squeeze3A_667 : f32 to vector<16xf32>
            %sub3A_1261 = arith.subf %get3A_1253, %sub3A_1260 : vector<16xf32>
            %sub3A_1262 = vector.broadcast %squeeze3A_669 : f32 to vector<16xf32>
            %sub3A_1263 = arith.subf %get3A_1257, %sub3A_1262 : vector<16xf32>
            %mul3A_1264 = arith.mulf %sub3A_1259, %sub3A_1259 : vector<16xf32>
            %mul3A_1265 = arith.mulf %sub3A_1261, %sub3A_1261 : vector<16xf32>
            %add3A_1266 = arith.addf %mul3A_1264, %mul3A_1265 : vector<16xf32>
            %mul3A_1267 = arith.mulf %sub3A_1263, %sub3A_1263 : vector<16xf32>
            %add3A_1268 = arith.addf %add3A_1266, %mul3A_1267 : vector<16xf32>
            %le3A = arith.constant 1.600000e-01 : f32
            %le3A_1269 = vector.broadcast %le3A : f32 to vector<16xf32>
            %le3A_1270 = arith.cmpf ole, %add3A_1268, %le3A_1269 : vector<16xf32>
            %mul3A_1271 = arith.constant 16 : i32
            %mul3A_1272 = arith.muli %add3A_1245, %mul3A_1271 : i32
            %add3A_1273 = arith.addi %mul3A_1272, %mul3A_71 : i32
            %add3A_1274 = vector.broadcast %add3A_1273 : i32 to vector<16xi32>
            %add3A_1275 = arith.addi %iota3A, %add3A_1274 : vector<16xi32>
            %min3A_1276 = arith.constant 32 : i32
            %min3A_1277 = arith.minsi %scan3A_1242, %min3A_1276 : i32
            %mul3A_1278 = arith.constant 48 : i32
            %mul3A_1279 = arith.muli %add3A_663, %mul3A_1278 : i32
            %add3A_1280 = arith.addi %mul3A_1279, %min3A_1277 : i32
            %swap3A_1281 = arith.index_cast %add3A_1280 : i32 to index
            %swap3A_1282 = tpu.vector_load %arg11[%swap3A_1281] masked %le3A_1270 {strides = array<i32>} : memref<12288xi32, #tpu.memory_space<vmem>>, vector<16xi32>, vector<16xi1>
            tpu.vector_store %arg11[%swap3A_1281], %add3A_1275 masked %le3A_1270 {strides = array<i32>} : memref<12288xi32, #tpu.memory_space<vmem>>, vector<16xi32>, vector<16xi1>
            %all_reduce_population_count3A = tpu.all_reduce %le3A_1270 {dim = 0 : i64, kind = #tpu.reduction_kind<sum>} : vector<16xi1> -> vector<16xi32>
            %slice3A_1283 = vector.extract_strided_slice %all_reduce_population_count3A {offsets = [0], sizes = [1], strides = [1]} : vector<16xi32> to vector<1xi32>
            %squeeze3A_1284 = vector.extract %slice3A_1283[0] : i32 from vector<1xi32>
            %add3A_1285 = arith.addi %scan3A_1242, %squeeze3A_1284 : i32
            scf.yield %add3A_1285 : i32
          }
          %scan3A_1240 = arith.constant 16 : i32
          scf.yield %scan3A_1239 : i32
        } else {
          scf.yield %scan3A_1230 : i32
        }
        scf.yield %cond3A_1234 : i32
      }
      %scan3A_676 = arith.constant 16 : i32
      %min3A_677 = arith.constant 32 : i32
      %min3A_678 = arith.minsi %scan3A_675, %min3A_677 : i32
      %mul3A_679 = arith.constant 48 : i32
      %mul3A_680 = arith.muli %add3A_663, %mul3A_679 : i32
      %get3A_681 = arith.index_cast %mul3A_680 : i32 to index
      %get3A_682 = tpu.vector_load %arg11[%get3A_681] {strides = array<i32>} : memref<12288xi32, #tpu.memory_space<vmem>>, vector<16xi32>,
      %eq3A_683 = arith.constant 0 : i32
      %eq3A_684 = vector.broadcast %eq3A_683 : i32 to vector<16xi32>
      %eq3A_685 = arith.cmpi eq, %iota3A, %eq3A_684 : vector<16xi32>
      %jit3A_686 = arith.constant 0 : i32
      %broadcast_in_dim3A_687 = vector.broadcast %jit3A_686 : i32 to vector<16xi32>
      %select_n3A_688 = arith.select %eq3A_685, %get3A_682, %broadcast_in_dim3A_687 : vector<16xi1>, vector<16xi32>
      %reduce_sum3A_689 = arith.constant true
      %reduce_sum3A_690 = vector.broadcast %reduce_sum3A_689 : i1 to vector<16xi1>
      %reduce_sum3A_691 = tpu.scan <sum>, %select_n3A_688 masked %reduce_sum3A_690 : vector<16xi32>, vector<16xi1> -> vector<16xi32>
      %reduce_sum3A_692 = vector.extract %reduce_sum3A_691[15] : i32 from vector<16xi32>
      %mul3A_693 = arith.constant 48 : i32
      %mul3A_694 = arith.muli %add3A_663, %mul3A_693 : i32
      %add3A_695 = arith.constant 0 : i32
      %add3A_696 = arith.addi %mul3A_694, %add3A_695 : i32
      %get3A_697 = arith.index_cast %add3A_696 : i32 to index
      %get3A_698 = tpu.vector_load %arg11[%get3A_697] {strides = array<i32>} : memref<12288xi32, #tpu.memory_space<vmem>>, vector<16xi32>,
      %add3A_699 = arith.constant 0 : i32
      %add3A_700 = vector.broadcast %add3A_699 : i32 to vector<16xi32>
      %add3A_701 = arith.addi %iota3A, %add3A_700 : vector<16xi32>
      %lt3A_702 = vector.broadcast %min3A_678 : i32 to vector<16xi32>
      %lt3A_703 = arith.cmpi slt, %add3A_701, %lt3A_702 : vector<16xi32>
      %broadcast_in_dim3A_704 = vector.broadcast %reduce_sum3A_692 : i32 to vector<16xi32>
      %select_n3A_705 = arith.select %lt3A_703, %get3A_698, %broadcast_in_dim3A_704 : vector<16xi1>, vector<16xi32>
      %mul3A_706 = arith.constant 32 : i32
      %mul3A_707 = arith.muli %add3A_663, %mul3A_706 : i32
      %add3A_708 = arith.constant 0 : i32
      %add3A_709 = arith.addi %mul3A_707, %add3A_708 : i32
      %swap3A_710 = arith.index_cast %add3A_709 : i32 to index
      %swap3A_711 = tpu.vector_load %arg12[%swap3A_710] {strides = array<i32>} : memref<8192xi32, #tpu.memory_space<vmem>>, vector<16xi32>,
      tpu.vector_store %arg12[%swap3A_710], %select_n3A_705 {strides = array<i32>} : memref<8192xi32, #tpu.memory_space<vmem>>, vector<16xi32>,
      %mul3A_712 = arith.constant 48 : i32
      %mul3A_713 = arith.muli %add3A_663, %mul3A_712 : i32
      %add3A_714 = arith.constant 16 : i32
      %add3A_715 = arith.addi %mul3A_713, %add3A_714 : i32
      %get3A_716 = arith.index_cast %add3A_715 : i32 to index
      %get3A_717 = tpu.vector_load %arg11[%get3A_716] {strides = array<i32>} : memref<12288xi32, #tpu.memory_space<vmem>>, vector<16xi32>,
      %add3A_718 = arith.constant 16 : i32
      %add3A_719 = vector.broadcast %add3A_718 : i32 to vector<16xi32>
      %add3A_720 = arith.addi %iota3A, %add3A_719 : vector<16xi32>
      %lt3A_721 = vector.broadcast %min3A_678 : i32 to vector<16xi32>
      %lt3A_722 = arith.cmpi slt, %add3A_720, %lt3A_721 : vector<16xi32>
      %broadcast_in_dim3A_723 = vector.broadcast %reduce_sum3A_692 : i32 to vector<16xi32>
      %select_n3A_724 = arith.select %lt3A_722, %get3A_717, %broadcast_in_dim3A_723 : vector<16xi1>, vector<16xi32>
      %mul3A_725 = arith.constant 32 : i32
      %mul3A_726 = arith.muli %add3A_663, %mul3A_725 : i32
      %add3A_727 = arith.constant 16 : i32
      %add3A_728 = arith.addi %mul3A_726, %add3A_727 : i32
      %swap3A_729 = arith.index_cast %add3A_728 : i32 to index
      %swap3A_730 = tpu.vector_load %arg12[%swap3A_729] {strides = array<i32>} : memref<8192xi32, #tpu.memory_space<vmem>>, vector<16xi32>,
      tpu.vector_store %arg12[%swap3A_729], %select_n3A_724 {strides = array<i32>} : memref<8192xi32, #tpu.memory_space<vmem>>, vector<16xi32>,
      %mul3A_731 = arith.constant 16 : i32
      %mul3A_732 = arith.muli %scan3A_85, %mul3A_731 : i32
      %add3A_733 = arith.constant 9 : i32
      %add3A_734 = arith.addi %mul3A_732, %add3A_733 : i32
      %slice3A_735 = vector.extract_strided_slice %get3A_89 {offsets = [9], sizes = [1], strides = [1]} : vector<16xf32> to vector<1xf32>
      %squeeze3A_736 = vector.extract %slice3A_735[0] : f32 from vector<1xf32>
      %slice3A_737 = vector.extract_strided_slice %get3A_93 {offsets = [9], sizes = [1], strides = [1]} : vector<16xf32> to vector<1xf32>
      %squeeze3A_738 = vector.extract %slice3A_737[0] : f32 from vector<1xf32>
      %slice3A_739 = vector.extract_strided_slice %get3A_97 {offsets = [9], sizes = [1], strides = [1]} : vector<16xf32> to vector<1xf32>
      %squeeze3A_740 = vector.extract %slice3A_739[0] : f32 from vector<1xf32>
      %scan3A_741 = arith.constant 0 : i32
      %scan3A_742 = arith.constant 0 : i32
      %scan3A_743 = arith.constant 16 : i32
      %scan3A_744 = arith.addi %scan3A_742, %scan3A_743 : i32
      %scan3A_745 = arith.constant 1 : i32
      %scan3A_746 = scf.for %scan3A_1229 = %scan3A_742 to %scan3A_744 step %scan3A_745 iter_args(%scan3A_1230 = %scan3A_741) -> (i32)  : i32 {
        %lt3A_1231 = arith.constant 32 : i32
        %lt3A_1232 = arith.cmpi slt, %scan3A_1230, %lt3A_1231 : i32
        %convert_element_type3A = arith.extui %lt3A_1232 : i1 to i32
        %cond3A = arith.constant 0 : i32
        %cond3A_1233 = arith.cmpi ne, %convert_element_type3A, %cond3A : i32
        %cond3A_1234 = scf.if %cond3A_1233 -> (i32) {
          %scan3A_1235 = arith.constant 0 : i32
          %scan3A_1236 = arith.constant 16 : i32
          %scan3A_1237 = arith.addi %scan3A_1235, %scan3A_1236 : i32
          %scan3A_1238 = arith.constant 1 : i32
          %scan3A_1239 = scf.for %scan3A_1241 = %scan3A_1235 to %scan3A_1237 step %scan3A_1238 iter_args(%scan3A_1242 = %scan3A_1230) -> (i32)  : i32 {
            %mul3A_1243 = arith.constant 16 : i32
            %mul3A_1244 = arith.muli %scan3A_1229, %mul3A_1243 : i32
            %add3A_1245 = arith.addi %mul3A_1244, %scan3A_1241 : i32
            %mul3A_1246 = arith.constant 16 : i32
            %mul3A_1247 = arith.muli %add3A_1245, %mul3A_1246 : i32
            %get3A_1248 = arith.index_cast %mul3A_1247 : i32 to index
            %get3A_1249 = tpu.vector_load %arg5[%get3A_1248] {strides = array<i32>} : memref<4096xf32, #tpu.memory_space<vmem>>, vector<16xf32>,
            %mul3A_1250 = arith.constant 16 : i32
            %mul3A_1251 = arith.muli %add3A_1245, %mul3A_1250 : i32
            %get3A_1252 = arith.index_cast %mul3A_1251 : i32 to index
            %get3A_1253 = tpu.vector_load %arg6[%get3A_1252] {strides = array<i32>} : memref<4096xf32, #tpu.memory_space<vmem>>, vector<16xf32>,
            %mul3A_1254 = arith.constant 16 : i32
            %mul3A_1255 = arith.muli %add3A_1245, %mul3A_1254 : i32
            %get3A_1256 = arith.index_cast %mul3A_1255 : i32 to index
            %get3A_1257 = tpu.vector_load %arg7[%get3A_1256] {strides = array<i32>} : memref<4096xf32, #tpu.memory_space<vmem>>, vector<16xf32>,
            %sub3A_1258 = vector.broadcast %squeeze3A_736 : f32 to vector<16xf32>
            %sub3A_1259 = arith.subf %get3A_1249, %sub3A_1258 : vector<16xf32>
            %sub3A_1260 = vector.broadcast %squeeze3A_738 : f32 to vector<16xf32>
            %sub3A_1261 = arith.subf %get3A_1253, %sub3A_1260 : vector<16xf32>
            %sub3A_1262 = vector.broadcast %squeeze3A_740 : f32 to vector<16xf32>
            %sub3A_1263 = arith.subf %get3A_1257, %sub3A_1262 : vector<16xf32>
            %mul3A_1264 = arith.mulf %sub3A_1259, %sub3A_1259 : vector<16xf32>
            %mul3A_1265 = arith.mulf %sub3A_1261, %sub3A_1261 : vector<16xf32>
            %add3A_1266 = arith.addf %mul3A_1264, %mul3A_1265 : vector<16xf32>
            %mul3A_1267 = arith.mulf %sub3A_1263, %sub3A_1263 : vector<16xf32>
            %add3A_1268 = arith.addf %add3A_1266, %mul3A_1267 : vector<16xf32>
            %le3A = arith.constant 1.600000e-01 : f32
            %le3A_1269 = vector.broadcast %le3A : f32 to vector<16xf32>
            %le3A_1270 = arith.cmpf ole, %add3A_1268, %le3A_1269 : vector<16xf32>
            %mul3A_1271 = arith.constant 16 : i32
            %mul3A_1272 = arith.muli %add3A_1245, %mul3A_1271 : i32
            %add3A_1273 = arith.addi %mul3A_1272, %mul3A_71 : i32
            %add3A_1274 = vector.broadcast %add3A_1273 : i32 to vector<16xi32>
            %add3A_1275 = arith.addi %iota3A, %add3A_1274 : vector<16xi32>
            %min3A_1276 = arith.constant 32 : i32
            %min3A_1277 = arith.minsi %scan3A_1242, %min3A_1276 : i32
            %mul3A_1278 = arith.constant 48 : i32
            %mul3A_1279 = arith.muli %add3A_734, %mul3A_1278 : i32
            %add3A_1280 = arith.addi %mul3A_1279, %min3A_1277 : i32
            %swap3A_1281 = arith.index_cast %add3A_1280 : i32 to index
            %swap3A_1282 = tpu.vector_load %arg11[%swap3A_1281] masked %le3A_1270 {strides = array<i32>} : memref<12288xi32, #tpu.memory_space<vmem>>, vector<16xi32>, vector<16xi1>
            tpu.vector_store %arg11[%swap3A_1281], %add3A_1275 masked %le3A_1270 {strides = array<i32>} : memref<12288xi32, #tpu.memory_space<vmem>>, vector<16xi32>, vector<16xi1>
            %all_reduce_population_count3A = tpu.all_reduce %le3A_1270 {dim = 0 : i64, kind = #tpu.reduction_kind<sum>} : vector<16xi1> -> vector<16xi32>
            %slice3A_1283 = vector.extract_strided_slice %all_reduce_population_count3A {offsets = [0], sizes = [1], strides = [1]} : vector<16xi32> to vector<1xi32>
            %squeeze3A_1284 = vector.extract %slice3A_1283[0] : i32 from vector<1xi32>
            %add3A_1285 = arith.addi %scan3A_1242, %squeeze3A_1284 : i32
            scf.yield %add3A_1285 : i32
          }
          %scan3A_1240 = arith.constant 16 : i32
          scf.yield %scan3A_1239 : i32
        } else {
          scf.yield %scan3A_1230 : i32
        }
        scf.yield %cond3A_1234 : i32
      }
      %scan3A_747 = arith.constant 16 : i32
      %min3A_748 = arith.constant 32 : i32
      %min3A_749 = arith.minsi %scan3A_746, %min3A_748 : i32
      %mul3A_750 = arith.constant 48 : i32
      %mul3A_751 = arith.muli %add3A_734, %mul3A_750 : i32
      %get3A_752 = arith.index_cast %mul3A_751 : i32 to index
      %get3A_753 = tpu.vector_load %arg11[%get3A_752] {strides = array<i32>} : memref<12288xi32, #tpu.memory_space<vmem>>, vector<16xi32>,
      %eq3A_754 = arith.constant 0 : i32
      %eq3A_755 = vector.broadcast %eq3A_754 : i32 to vector<16xi32>
      %eq3A_756 = arith.cmpi eq, %iota3A, %eq3A_755 : vector<16xi32>
      %jit3A_757 = arith.constant 0 : i32
      %broadcast_in_dim3A_758 = vector.broadcast %jit3A_757 : i32 to vector<16xi32>
      %select_n3A_759 = arith.select %eq3A_756, %get3A_753, %broadcast_in_dim3A_758 : vector<16xi1>, vector<16xi32>
      %reduce_sum3A_760 = arith.constant true
      %reduce_sum3A_761 = vector.broadcast %reduce_sum3A_760 : i1 to vector<16xi1>
      %reduce_sum3A_762 = tpu.scan <sum>, %select_n3A_759 masked %reduce_sum3A_761 : vector<16xi32>, vector<16xi1> -> vector<16xi32>
      %reduce_sum3A_763 = vector.extract %reduce_sum3A_762[15] : i32 from vector<16xi32>
      %mul3A_764 = arith.constant 48 : i32
      %mul3A_765 = arith.muli %add3A_734, %mul3A_764 : i32
      %add3A_766 = arith.constant 0 : i32
      %add3A_767 = arith.addi %mul3A_765, %add3A_766 : i32
      %get3A_768 = arith.index_cast %add3A_767 : i32 to index
      %get3A_769 = tpu.vector_load %arg11[%get3A_768] {strides = array<i32>} : memref<12288xi32, #tpu.memory_space<vmem>>, vector<16xi32>,
      %add3A_770 = arith.constant 0 : i32
      %add3A_771 = vector.broadcast %add3A_770 : i32 to vector<16xi32>
      %add3A_772 = arith.addi %iota3A, %add3A_771 : vector<16xi32>
      %lt3A_773 = vector.broadcast %min3A_749 : i32 to vector<16xi32>
      %lt3A_774 = arith.cmpi slt, %add3A_772, %lt3A_773 : vector<16xi32>
      %broadcast_in_dim3A_775 = vector.broadcast %reduce_sum3A_763 : i32 to vector<16xi32>
      %select_n3A_776 = arith.select %lt3A_774, %get3A_769, %broadcast_in_dim3A_775 : vector<16xi1>, vector<16xi32>
      %mul3A_777 = arith.constant 32 : i32
      %mul3A_778 = arith.muli %add3A_734, %mul3A_777 : i32
      %add3A_779 = arith.constant 0 : i32
      %add3A_780 = arith.addi %mul3A_778, %add3A_779 : i32
      %swap3A_781 = arith.index_cast %add3A_780 : i32 to index
      %swap3A_782 = tpu.vector_load %arg12[%swap3A_781] {strides = array<i32>} : memref<8192xi32, #tpu.memory_space<vmem>>, vector<16xi32>,
      tpu.vector_store %arg12[%swap3A_781], %select_n3A_776 {strides = array<i32>} : memref<8192xi32, #tpu.memory_space<vmem>>, vector<16xi32>,
      %mul3A_783 = arith.constant 48 : i32
      %mul3A_784 = arith.muli %add3A_734, %mul3A_783 : i32
      %add3A_785 = arith.constant 16 : i32
      %add3A_786 = arith.addi %mul3A_784, %add3A_785 : i32
      %get3A_787 = arith.index_cast %add3A_786 : i32 to index
      %get3A_788 = tpu.vector_load %arg11[%get3A_787] {strides = array<i32>} : memref<12288xi32, #tpu.memory_space<vmem>>, vector<16xi32>,
      %add3A_789 = arith.constant 16 : i32
      %add3A_790 = vector.broadcast %add3A_789 : i32 to vector<16xi32>
      %add3A_791 = arith.addi %iota3A, %add3A_790 : vector<16xi32>
      %lt3A_792 = vector.broadcast %min3A_749 : i32 to vector<16xi32>
      %lt3A_793 = arith.cmpi slt, %add3A_791, %lt3A_792 : vector<16xi32>
      %broadcast_in_dim3A_794 = vector.broadcast %reduce_sum3A_763 : i32 to vector<16xi32>
      %select_n3A_795 = arith.select %lt3A_793, %get3A_788, %broadcast_in_dim3A_794 : vector<16xi1>, vector<16xi32>
      %mul3A_796 = arith.constant 32 : i32
      %mul3A_797 = arith.muli %add3A_734, %mul3A_796 : i32
      %add3A_798 = arith.constant 16 : i32
      %add3A_799 = arith.addi %mul3A_797, %add3A_798 : i32
      %swap3A_800 = arith.index_cast %add3A_799 : i32 to index
      %swap3A_801 = tpu.vector_load %arg12[%swap3A_800] {strides = array<i32>} : memref<8192xi32, #tpu.memory_space<vmem>>, vector<16xi32>,
      tpu.vector_store %arg12[%swap3A_800], %select_n3A_795 {strides = array<i32>} : memref<8192xi32, #tpu.memory_space<vmem>>, vector<16xi32>,
      %mul3A_802 = arith.constant 16 : i32
      %mul3A_803 = arith.muli %scan3A_85, %mul3A_802 : i32
      %add3A_804 = arith.constant 10 : i32
      %add3A_805 = arith.addi %mul3A_803, %add3A_804 : i32
      %slice3A_806 = vector.extract_strided_slice %get3A_89 {offsets = [10], sizes = [1], strides = [1]} : vector<16xf32> to vector<1xf32>
      %squeeze3A_807 = vector.extract %slice3A_806[0] : f32 from vector<1xf32>
      %slice3A_808 = vector.extract_strided_slice %get3A_93 {offsets = [10], sizes = [1], strides = [1]} : vector<16xf32> to vector<1xf32>
      %squeeze3A_809 = vector.extract %slice3A_808[0] : f32 from vector<1xf32>
      %slice3A_810 = vector.extract_strided_slice %get3A_97 {offsets = [10], sizes = [1], strides = [1]} : vector<16xf32> to vector<1xf32>
      %squeeze3A_811 = vector.extract %slice3A_810[0] : f32 from vector<1xf32>
      %scan3A_812 = arith.constant 0 : i32
      %scan3A_813 = arith.constant 0 : i32
      %scan3A_814 = arith.constant 16 : i32
      %scan3A_815 = arith.addi %scan3A_813, %scan3A_814 : i32
      %scan3A_816 = arith.constant 1 : i32
      %scan3A_817 = scf.for %scan3A_1229 = %scan3A_813 to %scan3A_815 step %scan3A_816 iter_args(%scan3A_1230 = %scan3A_812) -> (i32)  : i32 {
        %lt3A_1231 = arith.constant 32 : i32
        %lt3A_1232 = arith.cmpi slt, %scan3A_1230, %lt3A_1231 : i32
        %convert_element_type3A = arith.extui %lt3A_1232 : i1 to i32
        %cond3A = arith.constant 0 : i32
        %cond3A_1233 = arith.cmpi ne, %convert_element_type3A, %cond3A : i32
        %cond3A_1234 = scf.if %cond3A_1233 -> (i32) {
          %scan3A_1235 = arith.constant 0 : i32
          %scan3A_1236 = arith.constant 16 : i32
          %scan3A_1237 = arith.addi %scan3A_1235, %scan3A_1236 : i32
          %scan3A_1238 = arith.constant 1 : i32
          %scan3A_1239 = scf.for %scan3A_1241 = %scan3A_1235 to %scan3A_1237 step %scan3A_1238 iter_args(%scan3A_1242 = %scan3A_1230) -> (i32)  : i32 {
            %mul3A_1243 = arith.constant 16 : i32
            %mul3A_1244 = arith.muli %scan3A_1229, %mul3A_1243 : i32
            %add3A_1245 = arith.addi %mul3A_1244, %scan3A_1241 : i32
            %mul3A_1246 = arith.constant 16 : i32
            %mul3A_1247 = arith.muli %add3A_1245, %mul3A_1246 : i32
            %get3A_1248 = arith.index_cast %mul3A_1247 : i32 to index
            %get3A_1249 = tpu.vector_load %arg5[%get3A_1248] {strides = array<i32>} : memref<4096xf32, #tpu.memory_space<vmem>>, vector<16xf32>,
            %mul3A_1250 = arith.constant 16 : i32
            %mul3A_1251 = arith.muli %add3A_1245, %mul3A_1250 : i32
            %get3A_1252 = arith.index_cast %mul3A_1251 : i32 to index
            %get3A_1253 = tpu.vector_load %arg6[%get3A_1252] {strides = array<i32>} : memref<4096xf32, #tpu.memory_space<vmem>>, vector<16xf32>,
            %mul3A_1254 = arith.constant 16 : i32
            %mul3A_1255 = arith.muli %add3A_1245, %mul3A_1254 : i32
            %get3A_1256 = arith.index_cast %mul3A_1255 : i32 to index
            %get3A_1257 = tpu.vector_load %arg7[%get3A_1256] {strides = array<i32>} : memref<4096xf32, #tpu.memory_space<vmem>>, vector<16xf32>,
            %sub3A_1258 = vector.broadcast %squeeze3A_807 : f32 to vector<16xf32>
            %sub3A_1259 = arith.subf %get3A_1249, %sub3A_1258 : vector<16xf32>
            %sub3A_1260 = vector.broadcast %squeeze3A_809 : f32 to vector<16xf32>
            %sub3A_1261 = arith.subf %get3A_1253, %sub3A_1260 : vector<16xf32>
            %sub3A_1262 = vector.broadcast %squeeze3A_811 : f32 to vector<16xf32>
            %sub3A_1263 = arith.subf %get3A_1257, %sub3A_1262 : vector<16xf32>
            %mul3A_1264 = arith.mulf %sub3A_1259, %sub3A_1259 : vector<16xf32>
            %mul3A_1265 = arith.mulf %sub3A_1261, %sub3A_1261 : vector<16xf32>
            %add3A_1266 = arith.addf %mul3A_1264, %mul3A_1265 : vector<16xf32>
            %mul3A_1267 = arith.mulf %sub3A_1263, %sub3A_1263 : vector<16xf32>
            %add3A_1268 = arith.addf %add3A_1266, %mul3A_1267 : vector<16xf32>
            %le3A = arith.constant 1.600000e-01 : f32
            %le3A_1269 = vector.broadcast %le3A : f32 to vector<16xf32>
            %le3A_1270 = arith.cmpf ole, %add3A_1268, %le3A_1269 : vector<16xf32>
            %mul3A_1271 = arith.constant 16 : i32
            %mul3A_1272 = arith.muli %add3A_1245, %mul3A_1271 : i32
            %add3A_1273 = arith.addi %mul3A_1272, %mul3A_71 : i32
            %add3A_1274 = vector.broadcast %add3A_1273 : i32 to vector<16xi32>
            %add3A_1275 = arith.addi %iota3A, %add3A_1274 : vector<16xi32>
            %min3A_1276 = arith.constant 32 : i32
            %min3A_1277 = arith.minsi %scan3A_1242, %min3A_1276 : i32
            %mul3A_1278 = arith.constant 48 : i32
            %mul3A_1279 = arith.muli %add3A_805, %mul3A_1278 : i32
            %add3A_1280 = arith.addi %mul3A_1279, %min3A_1277 : i32
            %swap3A_1281 = arith.index_cast %add3A_1280 : i32 to index
            %swap3A_1282 = tpu.vector_load %arg11[%swap3A_1281] masked %le3A_1270 {strides = array<i32>} : memref<12288xi32, #tpu.memory_space<vmem>>, vector<16xi32>, vector<16xi1>
            tpu.vector_store %arg11[%swap3A_1281], %add3A_1275 masked %le3A_1270 {strides = array<i32>} : memref<12288xi32, #tpu.memory_space<vmem>>, vector<16xi32>, vector<16xi1>
            %all_reduce_population_count3A = tpu.all_reduce %le3A_1270 {dim = 0 : i64, kind = #tpu.reduction_kind<sum>} : vector<16xi1> -> vector<16xi32>
            %slice3A_1283 = vector.extract_strided_slice %all_reduce_population_count3A {offsets = [0], sizes = [1], strides = [1]} : vector<16xi32> to vector<1xi32>
            %squeeze3A_1284 = vector.extract %slice3A_1283[0] : i32 from vector<1xi32>
            %add3A_1285 = arith.addi %scan3A_1242, %squeeze3A_1284 : i32
            scf.yield %add3A_1285 : i32
          }
          %scan3A_1240 = arith.constant 16 : i32
          scf.yield %scan3A_1239 : i32
        } else {
          scf.yield %scan3A_1230 : i32
        }
        scf.yield %cond3A_1234 : i32
      }
      %scan3A_818 = arith.constant 16 : i32
      %min3A_819 = arith.constant 32 : i32
      %min3A_820 = arith.minsi %scan3A_817, %min3A_819 : i32
      %mul3A_821 = arith.constant 48 : i32
      %mul3A_822 = arith.muli %add3A_805, %mul3A_821 : i32
      %get3A_823 = arith.index_cast %mul3A_822 : i32 to index
      %get3A_824 = tpu.vector_load %arg11[%get3A_823] {strides = array<i32>} : memref<12288xi32, #tpu.memory_space<vmem>>, vector<16xi32>,
      %eq3A_825 = arith.constant 0 : i32
      %eq3A_826 = vector.broadcast %eq3A_825 : i32 to vector<16xi32>
      %eq3A_827 = arith.cmpi eq, %iota3A, %eq3A_826 : vector<16xi32>
      %jit3A_828 = arith.constant 0 : i32
      %broadcast_in_dim3A_829 = vector.broadcast %jit3A_828 : i32 to vector<16xi32>
      %select_n3A_830 = arith.select %eq3A_827, %get3A_824, %broadcast_in_dim3A_829 : vector<16xi1>, vector<16xi32>
      %reduce_sum3A_831 = arith.constant true
      %reduce_sum3A_832 = vector.broadcast %reduce_sum3A_831 : i1 to vector<16xi1>
      %reduce_sum3A_833 = tpu.scan <sum>, %select_n3A_830 masked %reduce_sum3A_832 : vector<16xi32>, vector<16xi1> -> vector<16xi32>
      %reduce_sum3A_834 = vector.extract %reduce_sum3A_833[15] : i32 from vector<16xi32>
      %mul3A_835 = arith.constant 48 : i32
      %mul3A_836 = arith.muli %add3A_805, %mul3A_835 : i32
      %add3A_837 = arith.constant 0 : i32
      %add3A_838 = arith.addi %mul3A_836, %add3A_837 : i32
      %get3A_839 = arith.index_cast %add3A_838 : i32 to index
      %get3A_840 = tpu.vector_load %arg11[%get3A_839] {strides = array<i32>} : memref<12288xi32, #tpu.memory_space<vmem>>, vector<16xi32>,
      %add3A_841 = arith.constant 0 : i32
      %add3A_842 = vector.broadcast %add3A_841 : i32 to vector<16xi32>
      %add3A_843 = arith.addi %iota3A, %add3A_842 : vector<16xi32>
      %lt3A_844 = vector.broadcast %min3A_820 : i32 to vector<16xi32>
      %lt3A_845 = arith.cmpi slt, %add3A_843, %lt3A_844 : vector<16xi32>
      %broadcast_in_dim3A_846 = vector.broadcast %reduce_sum3A_834 : i32 to vector<16xi32>
      %select_n3A_847 = arith.select %lt3A_845, %get3A_840, %broadcast_in_dim3A_846 : vector<16xi1>, vector<16xi32>
      %mul3A_848 = arith.constant 32 : i32
      %mul3A_849 = arith.muli %add3A_805, %mul3A_848 : i32
      %add3A_850 = arith.constant 0 : i32
      %add3A_851 = arith.addi %mul3A_849, %add3A_850 : i32
      %swap3A_852 = arith.index_cast %add3A_851 : i32 to index
      %swap3A_853 = tpu.vector_load %arg12[%swap3A_852] {strides = array<i32>} : memref<8192xi32, #tpu.memory_space<vmem>>, vector<16xi32>,
      tpu.vector_store %arg12[%swap3A_852], %select_n3A_847 {strides = array<i32>} : memref<8192xi32, #tpu.memory_space<vmem>>, vector<16xi32>,
      %mul3A_854 = arith.constant 48 : i32
      %mul3A_855 = arith.muli %add3A_805, %mul3A_854 : i32
      %add3A_856 = arith.constant 16 : i32
      %add3A_857 = arith.addi %mul3A_855, %add3A_856 : i32
      %get3A_858 = arith.index_cast %add3A_857 : i32 to index
      %get3A_859 = tpu.vector_load %arg11[%get3A_858] {strides = array<i32>} : memref<12288xi32, #tpu.memory_space<vmem>>, vector<16xi32>,
      %add3A_860 = arith.constant 16 : i32
      %add3A_861 = vector.broadcast %add3A_860 : i32 to vector<16xi32>
      %add3A_862 = arith.addi %iota3A, %add3A_861 : vector<16xi32>
      %lt3A_863 = vector.broadcast %min3A_820 : i32 to vector<16xi32>
      %lt3A_864 = arith.cmpi slt, %add3A_862, %lt3A_863 : vector<16xi32>
      %broadcast_in_dim3A_865 = vector.broadcast %reduce_sum3A_834 : i32 to vector<16xi32>
      %select_n3A_866 = arith.select %lt3A_864, %get3A_859, %broadcast_in_dim3A_865 : vector<16xi1>, vector<16xi32>
      %mul3A_867 = arith.constant 32 : i32
      %mul3A_868 = arith.muli %add3A_805, %mul3A_867 : i32
      %add3A_869 = arith.constant 16 : i32
      %add3A_870 = arith.addi %mul3A_868, %add3A_869 : i32
      %swap3A_871 = arith.index_cast %add3A_870 : i32 to index
      %swap3A_872 = tpu.vector_load %arg12[%swap3A_871] {strides = array<i32>} : memref<8192xi32, #tpu.memory_space<vmem>>, vector<16xi32>,
      tpu.vector_store %arg12[%swap3A_871], %select_n3A_866 {strides = array<i32>} : memref<8192xi32, #tpu.memory_space<vmem>>, vector<16xi32>,
      %mul3A_873 = arith.constant 16 : i32
      %mul3A_874 = arith.muli %scan3A_85, %mul3A_873 : i32
      %add3A_875 = arith.constant 11 : i32
      %add3A_876 = arith.addi %mul3A_874, %add3A_875 : i32
      %slice3A_877 = vector.extract_strided_slice %get3A_89 {offsets = [11], sizes = [1], strides = [1]} : vector<16xf32> to vector<1xf32>
      %squeeze3A_878 = vector.extract %slice3A_877[0] : f32 from vector<1xf32>
      %slice3A_879 = vector.extract_strided_slice %get3A_93 {offsets = [11], sizes = [1], strides = [1]} : vector<16xf32> to vector<1xf32>
      %squeeze3A_880 = vector.extract %slice3A_879[0] : f32 from vector<1xf32>
      %slice3A_881 = vector.extract_strided_slice %get3A_97 {offsets = [11], sizes = [1], strides = [1]} : vector<16xf32> to vector<1xf32>
      %squeeze3A_882 = vector.extract %slice3A_881[0] : f32 from vector<1xf32>
      %scan3A_883 = arith.constant 0 : i32
      %scan3A_884 = arith.constant 0 : i32
      %scan3A_885 = arith.constant 16 : i32
      %scan3A_886 = arith.addi %scan3A_884, %scan3A_885 : i32
      %scan3A_887 = arith.constant 1 : i32
      %scan3A_888 = scf.for %scan3A_1229 = %scan3A_884 to %scan3A_886 step %scan3A_887 iter_args(%scan3A_1230 = %scan3A_883) -> (i32)  : i32 {
        %lt3A_1231 = arith.constant 32 : i32
        %lt3A_1232 = arith.cmpi slt, %scan3A_1230, %lt3A_1231 : i32
        %convert_element_type3A = arith.extui %lt3A_1232 : i1 to i32
        %cond3A = arith.constant 0 : i32
        %cond3A_1233 = arith.cmpi ne, %convert_element_type3A, %cond3A : i32
        %cond3A_1234 = scf.if %cond3A_1233 -> (i32) {
          %scan3A_1235 = arith.constant 0 : i32
          %scan3A_1236 = arith.constant 16 : i32
          %scan3A_1237 = arith.addi %scan3A_1235, %scan3A_1236 : i32
          %scan3A_1238 = arith.constant 1 : i32
          %scan3A_1239 = scf.for %scan3A_1241 = %scan3A_1235 to %scan3A_1237 step %scan3A_1238 iter_args(%scan3A_1242 = %scan3A_1230) -> (i32)  : i32 {
            %mul3A_1243 = arith.constant 16 : i32
            %mul3A_1244 = arith.muli %scan3A_1229, %mul3A_1243 : i32
            %add3A_1245 = arith.addi %mul3A_1244, %scan3A_1241 : i32
            %mul3A_1246 = arith.constant 16 : i32
            %mul3A_1247 = arith.muli %add3A_1245, %mul3A_1246 : i32
            %get3A_1248 = arith.index_cast %mul3A_1247 : i32 to index
            %get3A_1249 = tpu.vector_load %arg5[%get3A_1248] {strides = array<i32>} : memref<4096xf32, #tpu.memory_space<vmem>>, vector<16xf32>,
            %mul3A_1250 = arith.constant 16 : i32
            %mul3A_1251 = arith.muli %add3A_1245, %mul3A_1250 : i32
            %get3A_1252 = arith.index_cast %mul3A_1251 : i32 to index
            %get3A_1253 = tpu.vector_load %arg6[%get3A_1252] {strides = array<i32>} : memref<4096xf32, #tpu.memory_space<vmem>>, vector<16xf32>,
            %mul3A_1254 = arith.constant 16 : i32
            %mul3A_1255 = arith.muli %add3A_1245, %mul3A_1254 : i32
            %get3A_1256 = arith.index_cast %mul3A_1255 : i32 to index
            %get3A_1257 = tpu.vector_load %arg7[%get3A_1256] {strides = array<i32>} : memref<4096xf32, #tpu.memory_space<vmem>>, vector<16xf32>,
            %sub3A_1258 = vector.broadcast %squeeze3A_878 : f32 to vector<16xf32>
            %sub3A_1259 = arith.subf %get3A_1249, %sub3A_1258 : vector<16xf32>
            %sub3A_1260 = vector.broadcast %squeeze3A_880 : f32 to vector<16xf32>
            %sub3A_1261 = arith.subf %get3A_1253, %sub3A_1260 : vector<16xf32>
            %sub3A_1262 = vector.broadcast %squeeze3A_882 : f32 to vector<16xf32>
            %sub3A_1263 = arith.subf %get3A_1257, %sub3A_1262 : vector<16xf32>
            %mul3A_1264 = arith.mulf %sub3A_1259, %sub3A_1259 : vector<16xf32>
            %mul3A_1265 = arith.mulf %sub3A_1261, %sub3A_1261 : vector<16xf32>
            %add3A_1266 = arith.addf %mul3A_1264, %mul3A_1265 : vector<16xf32>
            %mul3A_1267 = arith.mulf %sub3A_1263, %sub3A_1263 : vector<16xf32>
            %add3A_1268 = arith.addf %add3A_1266, %mul3A_1267 : vector<16xf32>
            %le3A = arith.constant 1.600000e-01 : f32
            %le3A_1269 = vector.broadcast %le3A : f32 to vector<16xf32>
            %le3A_1270 = arith.cmpf ole, %add3A_1268, %le3A_1269 : vector<16xf32>
            %mul3A_1271 = arith.constant 16 : i32
            %mul3A_1272 = arith.muli %add3A_1245, %mul3A_1271 : i32
            %add3A_1273 = arith.addi %mul3A_1272, %mul3A_71 : i32
            %add3A_1274 = vector.broadcast %add3A_1273 : i32 to vector<16xi32>
            %add3A_1275 = arith.addi %iota3A, %add3A_1274 : vector<16xi32>
            %min3A_1276 = arith.constant 32 : i32
            %min3A_1277 = arith.minsi %scan3A_1242, %min3A_1276 : i32
            %mul3A_1278 = arith.constant 48 : i32
            %mul3A_1279 = arith.muli %add3A_876, %mul3A_1278 : i32
            %add3A_1280 = arith.addi %mul3A_1279, %min3A_1277 : i32
            %swap3A_1281 = arith.index_cast %add3A_1280 : i32 to index
            %swap3A_1282 = tpu.vector_load %arg11[%swap3A_1281] masked %le3A_1270 {strides = array<i32>} : memref<12288xi32, #tpu.memory_space<vmem>>, vector<16xi32>, vector<16xi1>
            tpu.vector_store %arg11[%swap3A_1281], %add3A_1275 masked %le3A_1270 {strides = array<i32>} : memref<12288xi32, #tpu.memory_space<vmem>>, vector<16xi32>, vector<16xi1>
            %all_reduce_population_count3A = tpu.all_reduce %le3A_1270 {dim = 0 : i64, kind = #tpu.reduction_kind<sum>} : vector<16xi1> -> vector<16xi32>
            %slice3A_1283 = vector.extract_strided_slice %all_reduce_population_count3A {offsets = [0], sizes = [1], strides = [1]} : vector<16xi32> to vector<1xi32>
            %squeeze3A_1284 = vector.extract %slice3A_1283[0] : i32 from vector<1xi32>
            %add3A_1285 = arith.addi %scan3A_1242, %squeeze3A_1284 : i32
            scf.yield %add3A_1285 : i32
          }
          %scan3A_1240 = arith.constant 16 : i32
          scf.yield %scan3A_1239 : i32
        } else {
          scf.yield %scan3A_1230 : i32
        }
        scf.yield %cond3A_1234 : i32
      }
      %scan3A_889 = arith.constant 16 : i32
      %min3A_890 = arith.constant 32 : i32
      %min3A_891 = arith.minsi %scan3A_888, %min3A_890 : i32
      %mul3A_892 = arith.constant 48 : i32
      %mul3A_893 = arith.muli %add3A_876, %mul3A_892 : i32
      %get3A_894 = arith.index_cast %mul3A_893 : i32 to index
      %get3A_895 = tpu.vector_load %arg11[%get3A_894] {strides = array<i32>} : memref<12288xi32, #tpu.memory_space<vmem>>, vector<16xi32>,
      %eq3A_896 = arith.constant 0 : i32
      %eq3A_897 = vector.broadcast %eq3A_896 : i32 to vector<16xi32>
      %eq3A_898 = arith.cmpi eq, %iota3A, %eq3A_897 : vector<16xi32>
      %jit3A_899 = arith.constant 0 : i32
      %broadcast_in_dim3A_900 = vector.broadcast %jit3A_899 : i32 to vector<16xi32>
      %select_n3A_901 = arith.select %eq3A_898, %get3A_895, %broadcast_in_dim3A_900 : vector<16xi1>, vector<16xi32>
      %reduce_sum3A_902 = arith.constant true
      %reduce_sum3A_903 = vector.broadcast %reduce_sum3A_902 : i1 to vector<16xi1>
      %reduce_sum3A_904 = tpu.scan <sum>, %select_n3A_901 masked %reduce_sum3A_903 : vector<16xi32>, vector<16xi1> -> vector<16xi32>
      %reduce_sum3A_905 = vector.extract %reduce_sum3A_904[15] : i32 from vector<16xi32>
      %mul3A_906 = arith.constant 48 : i32
      %mul3A_907 = arith.muli %add3A_876, %mul3A_906 : i32
      %add3A_908 = arith.constant 0 : i32
      %add3A_909 = arith.addi %mul3A_907, %add3A_908 : i32
      %get3A_910 = arith.index_cast %add3A_909 : i32 to index
      %get3A_911 = tpu.vector_load %arg11[%get3A_910] {strides = array<i32>} : memref<12288xi32, #tpu.memory_space<vmem>>, vector<16xi32>,
      %add3A_912 = arith.constant 0 : i32
      %add3A_913 = vector.broadcast %add3A_912 : i32 to vector<16xi32>
      %add3A_914 = arith.addi %iota3A, %add3A_913 : vector<16xi32>
      %lt3A_915 = vector.broadcast %min3A_891 : i32 to vector<16xi32>
      %lt3A_916 = arith.cmpi slt, %add3A_914, %lt3A_915 : vector<16xi32>
      %broadcast_in_dim3A_917 = vector.broadcast %reduce_sum3A_905 : i32 to vector<16xi32>
      %select_n3A_918 = arith.select %lt3A_916, %get3A_911, %broadcast_in_dim3A_917 : vector<16xi1>, vector<16xi32>
      %mul3A_919 = arith.constant 32 : i32
      %mul3A_920 = arith.muli %add3A_876, %mul3A_919 : i32
      %add3A_921 = arith.constant 0 : i32
      %add3A_922 = arith.addi %mul3A_920, %add3A_921 : i32
      %swap3A_923 = arith.index_cast %add3A_922 : i32 to index
      %swap3A_924 = tpu.vector_load %arg12[%swap3A_923] {strides = array<i32>} : memref<8192xi32, #tpu.memory_space<vmem>>, vector<16xi32>,
      tpu.vector_store %arg12[%swap3A_923], %select_n3A_918 {strides = array<i32>} : memref<8192xi32, #tpu.memory_space<vmem>>, vector<16xi32>,
      %mul3A_925 = arith.constant 48 : i32
      %mul3A_926 = arith.muli %add3A_876, %mul3A_925 : i32
      %add3A_927 = arith.constant 16 : i32
      %add3A_928 = arith.addi %mul3A_926, %add3A_927 : i32
      %get3A_929 = arith.index_cast %add3A_928 : i32 to index
      %get3A_930 = tpu.vector_load %arg11[%get3A_929] {strides = array<i32>} : memref<12288xi32, #tpu.memory_space<vmem>>, vector<16xi32>,
      %add3A_931 = arith.constant 16 : i32
      %add3A_932 = vector.broadcast %add3A_931 : i32 to vector<16xi32>
      %add3A_933 = arith.addi %iota3A, %add3A_932 : vector<16xi32>
      %lt3A_934 = vector.broadcast %min3A_891 : i32 to vector<16xi32>
      %lt3A_935 = arith.cmpi slt, %add3A_933, %lt3A_934 : vector<16xi32>
      %broadcast_in_dim3A_936 = vector.broadcast %reduce_sum3A_905 : i32 to vector<16xi32>
      %select_n3A_937 = arith.select %lt3A_935, %get3A_930, %broadcast_in_dim3A_936 : vector<16xi1>, vector<16xi32>
      %mul3A_938 = arith.constant 32 : i32
      %mul3A_939 = arith.muli %add3A_876, %mul3A_938 : i32
      %add3A_940 = arith.constant 16 : i32
      %add3A_941 = arith.addi %mul3A_939, %add3A_940 : i32
      %swap3A_942 = arith.index_cast %add3A_941 : i32 to index
      %swap3A_943 = tpu.vector_load %arg12[%swap3A_942] {strides = array<i32>} : memref<8192xi32, #tpu.memory_space<vmem>>, vector<16xi32>,
      tpu.vector_store %arg12[%swap3A_942], %select_n3A_937 {strides = array<i32>} : memref<8192xi32, #tpu.memory_space<vmem>>, vector<16xi32>,
      %mul3A_944 = arith.constant 16 : i32
      %mul3A_945 = arith.muli %scan3A_85, %mul3A_944 : i32
      %add3A_946 = arith.constant 12 : i32
      %add3A_947 = arith.addi %mul3A_945, %add3A_946 : i32
      %slice3A_948 = vector.extract_strided_slice %get3A_89 {offsets = [12], sizes = [1], strides = [1]} : vector<16xf32> to vector<1xf32>
      %squeeze3A_949 = vector.extract %slice3A_948[0] : f32 from vector<1xf32>
      %slice3A_950 = vector.extract_strided_slice %get3A_93 {offsets = [12], sizes = [1], strides = [1]} : vector<16xf32> to vector<1xf32>
      %squeeze3A_951 = vector.extract %slice3A_950[0] : f32 from vector<1xf32>
      %slice3A_952 = vector.extract_strided_slice %get3A_97 {offsets = [12], sizes = [1], strides = [1]} : vector<16xf32> to vector<1xf32>
      %squeeze3A_953 = vector.extract %slice3A_952[0] : f32 from vector<1xf32>
      %scan3A_954 = arith.constant 0 : i32
      %scan3A_955 = arith.constant 0 : i32
      %scan3A_956 = arith.constant 16 : i32
      %scan3A_957 = arith.addi %scan3A_955, %scan3A_956 : i32
      %scan3A_958 = arith.constant 1 : i32
      %scan3A_959 = scf.for %scan3A_1229 = %scan3A_955 to %scan3A_957 step %scan3A_958 iter_args(%scan3A_1230 = %scan3A_954) -> (i32)  : i32 {
        %lt3A_1231 = arith.constant 32 : i32
        %lt3A_1232 = arith.cmpi slt, %scan3A_1230, %lt3A_1231 : i32
        %convert_element_type3A = arith.extui %lt3A_1232 : i1 to i32
        %cond3A = arith.constant 0 : i32
        %cond3A_1233 = arith.cmpi ne, %convert_element_type3A, %cond3A : i32
        %cond3A_1234 = scf.if %cond3A_1233 -> (i32) {
          %scan3A_1235 = arith.constant 0 : i32
          %scan3A_1236 = arith.constant 16 : i32
          %scan3A_1237 = arith.addi %scan3A_1235, %scan3A_1236 : i32
          %scan3A_1238 = arith.constant 1 : i32
          %scan3A_1239 = scf.for %scan3A_1241 = %scan3A_1235 to %scan3A_1237 step %scan3A_1238 iter_args(%scan3A_1242 = %scan3A_1230) -> (i32)  : i32 {
            %mul3A_1243 = arith.constant 16 : i32
            %mul3A_1244 = arith.muli %scan3A_1229, %mul3A_1243 : i32
            %add3A_1245 = arith.addi %mul3A_1244, %scan3A_1241 : i32
            %mul3A_1246 = arith.constant 16 : i32
            %mul3A_1247 = arith.muli %add3A_1245, %mul3A_1246 : i32
            %get3A_1248 = arith.index_cast %mul3A_1247 : i32 to index
            %get3A_1249 = tpu.vector_load %arg5[%get3A_1248] {strides = array<i32>} : memref<4096xf32, #tpu.memory_space<vmem>>, vector<16xf32>,
            %mul3A_1250 = arith.constant 16 : i32
            %mul3A_1251 = arith.muli %add3A_1245, %mul3A_1250 : i32
            %get3A_1252 = arith.index_cast %mul3A_1251 : i32 to index
            %get3A_1253 = tpu.vector_load %arg6[%get3A_1252] {strides = array<i32>} : memref<4096xf32, #tpu.memory_space<vmem>>, vector<16xf32>,
            %mul3A_1254 = arith.constant 16 : i32
            %mul3A_1255 = arith.muli %add3A_1245, %mul3A_1254 : i32
            %get3A_1256 = arith.index_cast %mul3A_1255 : i32 to index
            %get3A_1257 = tpu.vector_load %arg7[%get3A_1256] {strides = array<i32>} : memref<4096xf32, #tpu.memory_space<vmem>>, vector<16xf32>,
            %sub3A_1258 = vector.broadcast %squeeze3A_949 : f32 to vector<16xf32>
            %sub3A_1259 = arith.subf %get3A_1249, %sub3A_1258 : vector<16xf32>
            %sub3A_1260 = vector.broadcast %squeeze3A_951 : f32 to vector<16xf32>
            %sub3A_1261 = arith.subf %get3A_1253, %sub3A_1260 : vector<16xf32>
            %sub3A_1262 = vector.broadcast %squeeze3A_953 : f32 to vector<16xf32>
            %sub3A_1263 = arith.subf %get3A_1257, %sub3A_1262 : vector<16xf32>
            %mul3A_1264 = arith.mulf %sub3A_1259, %sub3A_1259 : vector<16xf32>
            %mul3A_1265 = arith.mulf %sub3A_1261, %sub3A_1261 : vector<16xf32>
            %add3A_1266 = arith.addf %mul3A_1264, %mul3A_1265 : vector<16xf32>
            %mul3A_1267 = arith.mulf %sub3A_1263, %sub3A_1263 : vector<16xf32>
            %add3A_1268 = arith.addf %add3A_1266, %mul3A_1267 : vector<16xf32>
            %le3A = arith.constant 1.600000e-01 : f32
            %le3A_1269 = vector.broadcast %le3A : f32 to vector<16xf32>
            %le3A_1270 = arith.cmpf ole, %add3A_1268, %le3A_1269 : vector<16xf32>
            %mul3A_1271 = arith.constant 16 : i32
            %mul3A_1272 = arith.muli %add3A_1245, %mul3A_1271 : i32
            %add3A_1273 = arith.addi %mul3A_1272, %mul3A_71 : i32
            %add3A_1274 = vector.broadcast %add3A_1273 : i32 to vector<16xi32>
            %add3A_1275 = arith.addi %iota3A, %add3A_1274 : vector<16xi32>
            %min3A_1276 = arith.constant 32 : i32
            %min3A_1277 = arith.minsi %scan3A_1242, %min3A_1276 : i32
            %mul3A_1278 = arith.constant 48 : i32
            %mul3A_1279 = arith.muli %add3A_947, %mul3A_1278 : i32
            %add3A_1280 = arith.addi %mul3A_1279, %min3A_1277 : i32
            %swap3A_1281 = arith.index_cast %add3A_1280 : i32 to index
            %swap3A_1282 = tpu.vector_load %arg11[%swap3A_1281] masked %le3A_1270 {strides = array<i32>} : memref<12288xi32, #tpu.memory_space<vmem>>, vector<16xi32>, vector<16xi1>
            tpu.vector_store %arg11[%swap3A_1281], %add3A_1275 masked %le3A_1270 {strides = array<i32>} : memref<12288xi32, #tpu.memory_space<vmem>>, vector<16xi32>, vector<16xi1>
            %all_reduce_population_count3A = tpu.all_reduce %le3A_1270 {dim = 0 : i64, kind = #tpu.reduction_kind<sum>} : vector<16xi1> -> vector<16xi32>
            %slice3A_1283 = vector.extract_strided_slice %all_reduce_population_count3A {offsets = [0], sizes = [1], strides = [1]} : vector<16xi32> to vector<1xi32>
            %squeeze3A_1284 = vector.extract %slice3A_1283[0] : i32 from vector<1xi32>
            %add3A_1285 = arith.addi %scan3A_1242, %squeeze3A_1284 : i32
            scf.yield %add3A_1285 : i32
          }
          %scan3A_1240 = arith.constant 16 : i32
          scf.yield %scan3A_1239 : i32
        } else {
          scf.yield %scan3A_1230 : i32
        }
        scf.yield %cond3A_1234 : i32
      }
      %scan3A_960 = arith.constant 16 : i32
      %min3A_961 = arith.constant 32 : i32
      %min3A_962 = arith.minsi %scan3A_959, %min3A_961 : i32
      %mul3A_963 = arith.constant 48 : i32
      %mul3A_964 = arith.muli %add3A_947, %mul3A_963 : i32
      %get3A_965 = arith.index_cast %mul3A_964 : i32 to index
      %get3A_966 = tpu.vector_load %arg11[%get3A_965] {strides = array<i32>} : memref<12288xi32, #tpu.memory_space<vmem>>, vector<16xi32>,
      %eq3A_967 = arith.constant 0 : i32
      %eq3A_968 = vector.broadcast %eq3A_967 : i32 to vector<16xi32>
      %eq3A_969 = arith.cmpi eq, %iota3A, %eq3A_968 : vector<16xi32>
      %jit3A_970 = arith.constant 0 : i32
      %broadcast_in_dim3A_971 = vector.broadcast %jit3A_970 : i32 to vector<16xi32>
      %select_n3A_972 = arith.select %eq3A_969, %get3A_966, %broadcast_in_dim3A_971 : vector<16xi1>, vector<16xi32>
      %reduce_sum3A_973 = arith.constant true
      %reduce_sum3A_974 = vector.broadcast %reduce_sum3A_973 : i1 to vector<16xi1>
      %reduce_sum3A_975 = tpu.scan <sum>, %select_n3A_972 masked %reduce_sum3A_974 : vector<16xi32>, vector<16xi1> -> vector<16xi32>
      %reduce_sum3A_976 = vector.extract %reduce_sum3A_975[15] : i32 from vector<16xi32>
      %mul3A_977 = arith.constant 48 : i32
      %mul3A_978 = arith.muli %add3A_947, %mul3A_977 : i32
      %add3A_979 = arith.constant 0 : i32
      %add3A_980 = arith.addi %mul3A_978, %add3A_979 : i32
      %get3A_981 = arith.index_cast %add3A_980 : i32 to index
      %get3A_982 = tpu.vector_load %arg11[%get3A_981] {strides = array<i32>} : memref<12288xi32, #tpu.memory_space<vmem>>, vector<16xi32>,
      %add3A_983 = arith.constant 0 : i32
      %add3A_984 = vector.broadcast %add3A_983 : i32 to vector<16xi32>
      %add3A_985 = arith.addi %iota3A, %add3A_984 : vector<16xi32>
      %lt3A_986 = vector.broadcast %min3A_962 : i32 to vector<16xi32>
      %lt3A_987 = arith.cmpi slt, %add3A_985, %lt3A_986 : vector<16xi32>
      %broadcast_in_dim3A_988 = vector.broadcast %reduce_sum3A_976 : i32 to vector<16xi32>
      %select_n3A_989 = arith.select %lt3A_987, %get3A_982, %broadcast_in_dim3A_988 : vector<16xi1>, vector<16xi32>
      %mul3A_990 = arith.constant 32 : i32
      %mul3A_991 = arith.muli %add3A_947, %mul3A_990 : i32
      %add3A_992 = arith.constant 0 : i32
      %add3A_993 = arith.addi %mul3A_991, %add3A_992 : i32
      %swap3A_994 = arith.index_cast %add3A_993 : i32 to index
      %swap3A_995 = tpu.vector_load %arg12[%swap3A_994] {strides = array<i32>} : memref<8192xi32, #tpu.memory_space<vmem>>, vector<16xi32>,
      tpu.vector_store %arg12[%swap3A_994], %select_n3A_989 {strides = array<i32>} : memref<8192xi32, #tpu.memory_space<vmem>>, vector<16xi32>,
      %mul3A_996 = arith.constant 48 : i32
      %mul3A_997 = arith.muli %add3A_947, %mul3A_996 : i32
      %add3A_998 = arith.constant 16 : i32
      %add3A_999 = arith.addi %mul3A_997, %add3A_998 : i32
      %get3A_1000 = arith.index_cast %add3A_999 : i32 to index
      %get3A_1001 = tpu.vector_load %arg11[%get3A_1000] {strides = array<i32>} : memref<12288xi32, #tpu.memory_space<vmem>>, vector<16xi32>,
      %add3A_1002 = arith.constant 16 : i32
      %add3A_1003 = vector.broadcast %add3A_1002 : i32 to vector<16xi32>
      %add3A_1004 = arith.addi %iota3A, %add3A_1003 : vector<16xi32>
      %lt3A_1005 = vector.broadcast %min3A_962 : i32 to vector<16xi32>
      %lt3A_1006 = arith.cmpi slt, %add3A_1004, %lt3A_1005 : vector<16xi32>
      %broadcast_in_dim3A_1007 = vector.broadcast %reduce_sum3A_976 : i32 to vector<16xi32>
      %select_n3A_1008 = arith.select %lt3A_1006, %get3A_1001, %broadcast_in_dim3A_1007 : vector<16xi1>, vector<16xi32>
      %mul3A_1009 = arith.constant 32 : i32
      %mul3A_1010 = arith.muli %add3A_947, %mul3A_1009 : i32
      %add3A_1011 = arith.constant 16 : i32
      %add3A_1012 = arith.addi %mul3A_1010, %add3A_1011 : i32
      %swap3A_1013 = arith.index_cast %add3A_1012 : i32 to index
      %swap3A_1014 = tpu.vector_load %arg12[%swap3A_1013] {strides = array<i32>} : memref<8192xi32, #tpu.memory_space<vmem>>, vector<16xi32>,
      tpu.vector_store %arg12[%swap3A_1013], %select_n3A_1008 {strides = array<i32>} : memref<8192xi32, #tpu.memory_space<vmem>>, vector<16xi32>,
      %mul3A_1015 = arith.constant 16 : i32
      %mul3A_1016 = arith.muli %scan3A_85, %mul3A_1015 : i32
      %add3A_1017 = arith.constant 13 : i32
      %add3A_1018 = arith.addi %mul3A_1016, %add3A_1017 : i32
      %slice3A_1019 = vector.extract_strided_slice %get3A_89 {offsets = [13], sizes = [1], strides = [1]} : vector<16xf32> to vector<1xf32>
      %squeeze3A_1020 = vector.extract %slice3A_1019[0] : f32 from vector<1xf32>
      %slice3A_1021 = vector.extract_strided_slice %get3A_93 {offsets = [13], sizes = [1], strides = [1]} : vector<16xf32> to vector<1xf32>
      %squeeze3A_1022 = vector.extract %slice3A_1021[0] : f32 from vector<1xf32>
      %slice3A_1023 = vector.extract_strided_slice %get3A_97 {offsets = [13], sizes = [1], strides = [1]} : vector<16xf32> to vector<1xf32>
      %squeeze3A_1024 = vector.extract %slice3A_1023[0] : f32 from vector<1xf32>
      %scan3A_1025 = arith.constant 0 : i32
      %scan3A_1026 = arith.constant 0 : i32
      %scan3A_1027 = arith.constant 16 : i32
      %scan3A_1028 = arith.addi %scan3A_1026, %scan3A_1027 : i32
      %scan3A_1029 = arith.constant 1 : i32
      %scan3A_1030 = scf.for %scan3A_1229 = %scan3A_1026 to %scan3A_1028 step %scan3A_1029 iter_args(%scan3A_1230 = %scan3A_1025) -> (i32)  : i32 {
        %lt3A_1231 = arith.constant 32 : i32
        %lt3A_1232 = arith.cmpi slt, %scan3A_1230, %lt3A_1231 : i32
        %convert_element_type3A = arith.extui %lt3A_1232 : i1 to i32
        %cond3A = arith.constant 0 : i32
        %cond3A_1233 = arith.cmpi ne, %convert_element_type3A, %cond3A : i32
        %cond3A_1234 = scf.if %cond3A_1233 -> (i32) {
          %scan3A_1235 = arith.constant 0 : i32
          %scan3A_1236 = arith.constant 16 : i32
          %scan3A_1237 = arith.addi %scan3A_1235, %scan3A_1236 : i32
          %scan3A_1238 = arith.constant 1 : i32
          %scan3A_1239 = scf.for %scan3A_1241 = %scan3A_1235 to %scan3A_1237 step %scan3A_1238 iter_args(%scan3A_1242 = %scan3A_1230) -> (i32)  : i32 {
            %mul3A_1243 = arith.constant 16 : i32
            %mul3A_1244 = arith.muli %scan3A_1229, %mul3A_1243 : i32
            %add3A_1245 = arith.addi %mul3A_1244, %scan3A_1241 : i32
            %mul3A_1246 = arith.constant 16 : i32
            %mul3A_1247 = arith.muli %add3A_1245, %mul3A_1246 : i32
            %get3A_1248 = arith.index_cast %mul3A_1247 : i32 to index
            %get3A_1249 = tpu.vector_load %arg5[%get3A_1248] {strides = array<i32>} : memref<4096xf32, #tpu.memory_space<vmem>>, vector<16xf32>,
            %mul3A_1250 = arith.constant 16 : i32
            %mul3A_1251 = arith.muli %add3A_1245, %mul3A_1250 : i32
            %get3A_1252 = arith.index_cast %mul3A_1251 : i32 to index
            %get3A_1253 = tpu.vector_load %arg6[%get3A_1252] {strides = array<i32>} : memref<4096xf32, #tpu.memory_space<vmem>>, vector<16xf32>,
            %mul3A_1254 = arith.constant 16 : i32
            %mul3A_1255 = arith.muli %add3A_1245, %mul3A_1254 : i32
            %get3A_1256 = arith.index_cast %mul3A_1255 : i32 to index
            %get3A_1257 = tpu.vector_load %arg7[%get3A_1256] {strides = array<i32>} : memref<4096xf32, #tpu.memory_space<vmem>>, vector<16xf32>,
            %sub3A_1258 = vector.broadcast %squeeze3A_1020 : f32 to vector<16xf32>
            %sub3A_1259 = arith.subf %get3A_1249, %sub3A_1258 : vector<16xf32>
            %sub3A_1260 = vector.broadcast %squeeze3A_1022 : f32 to vector<16xf32>
            %sub3A_1261 = arith.subf %get3A_1253, %sub3A_1260 : vector<16xf32>
            %sub3A_1262 = vector.broadcast %squeeze3A_1024 : f32 to vector<16xf32>
            %sub3A_1263 = arith.subf %get3A_1257, %sub3A_1262 : vector<16xf32>
            %mul3A_1264 = arith.mulf %sub3A_1259, %sub3A_1259 : vector<16xf32>
            %mul3A_1265 = arith.mulf %sub3A_1261, %sub3A_1261 : vector<16xf32>
            %add3A_1266 = arith.addf %mul3A_1264, %mul3A_1265 : vector<16xf32>
            %mul3A_1267 = arith.mulf %sub3A_1263, %sub3A_1263 : vector<16xf32>
            %add3A_1268 = arith.addf %add3A_1266, %mul3A_1267 : vector<16xf32>
            %le3A = arith.constant 1.600000e-01 : f32
            %le3A_1269 = vector.broadcast %le3A : f32 to vector<16xf32>
            %le3A_1270 = arith.cmpf ole, %add3A_1268, %le3A_1269 : vector<16xf32>
            %mul3A_1271 = arith.constant 16 : i32
            %mul3A_1272 = arith.muli %add3A_1245, %mul3A_1271 : i32
            %add3A_1273 = arith.addi %mul3A_1272, %mul3A_71 : i32
            %add3A_1274 = vector.broadcast %add3A_1273 : i32 to vector<16xi32>
            %add3A_1275 = arith.addi %iota3A, %add3A_1274 : vector<16xi32>
            %min3A_1276 = arith.constant 32 : i32
            %min3A_1277 = arith.minsi %scan3A_1242, %min3A_1276 : i32
            %mul3A_1278 = arith.constant 48 : i32
            %mul3A_1279 = arith.muli %add3A_1018, %mul3A_1278 : i32
            %add3A_1280 = arith.addi %mul3A_1279, %min3A_1277 : i32
            %swap3A_1281 = arith.index_cast %add3A_1280 : i32 to index
            %swap3A_1282 = tpu.vector_load %arg11[%swap3A_1281] masked %le3A_1270 {strides = array<i32>} : memref<12288xi32, #tpu.memory_space<vmem>>, vector<16xi32>, vector<16xi1>
            tpu.vector_store %arg11[%swap3A_1281], %add3A_1275 masked %le3A_1270 {strides = array<i32>} : memref<12288xi32, #tpu.memory_space<vmem>>, vector<16xi32>, vector<16xi1>
            %all_reduce_population_count3A = tpu.all_reduce %le3A_1270 {dim = 0 : i64, kind = #tpu.reduction_kind<sum>} : vector<16xi1> -> vector<16xi32>
            %slice3A_1283 = vector.extract_strided_slice %all_reduce_population_count3A {offsets = [0], sizes = [1], strides = [1]} : vector<16xi32> to vector<1xi32>
            %squeeze3A_1284 = vector.extract %slice3A_1283[0] : i32 from vector<1xi32>
            %add3A_1285 = arith.addi %scan3A_1242, %squeeze3A_1284 : i32
            scf.yield %add3A_1285 : i32
          }
          %scan3A_1240 = arith.constant 16 : i32
          scf.yield %scan3A_1239 : i32
        } else {
          scf.yield %scan3A_1230 : i32
        }
        scf.yield %cond3A_1234 : i32
      }
      %scan3A_1031 = arith.constant 16 : i32
      %min3A_1032 = arith.constant 32 : i32
      %min3A_1033 = arith.minsi %scan3A_1030, %min3A_1032 : i32
      %mul3A_1034 = arith.constant 48 : i32
      %mul3A_1035 = arith.muli %add3A_1018, %mul3A_1034 : i32
      %get3A_1036 = arith.index_cast %mul3A_1035 : i32 to index
      %get3A_1037 = tpu.vector_load %arg11[%get3A_1036] {strides = array<i32>} : memref<12288xi32, #tpu.memory_space<vmem>>, vector<16xi32>,
      %eq3A_1038 = arith.constant 0 : i32
      %eq3A_1039 = vector.broadcast %eq3A_1038 : i32 to vector<16xi32>
      %eq3A_1040 = arith.cmpi eq, %iota3A, %eq3A_1039 : vector<16xi32>
      %jit3A_1041 = arith.constant 0 : i32
      %broadcast_in_dim3A_1042 = vector.broadcast %jit3A_1041 : i32 to vector<16xi32>
      %select_n3A_1043 = arith.select %eq3A_1040, %get3A_1037, %broadcast_in_dim3A_1042 : vector<16xi1>, vector<16xi32>
      %reduce_sum3A_1044 = arith.constant true
      %reduce_sum3A_1045 = vector.broadcast %reduce_sum3A_1044 : i1 to vector<16xi1>
      %reduce_sum3A_1046 = tpu.scan <sum>, %select_n3A_1043 masked %reduce_sum3A_1045 : vector<16xi32>, vector<16xi1> -> vector<16xi32>
      %reduce_sum3A_1047 = vector.extract %reduce_sum3A_1046[15] : i32 from vector<16xi32>
      %mul3A_1048 = arith.constant 48 : i32
      %mul3A_1049 = arith.muli %add3A_1018, %mul3A_1048 : i32
      %add3A_1050 = arith.constant 0 : i32
      %add3A_1051 = arith.addi %mul3A_1049, %add3A_1050 : i32
      %get3A_1052 = arith.index_cast %add3A_1051 : i32 to index
      %get3A_1053 = tpu.vector_load %arg11[%get3A_1052] {strides = array<i32>} : memref<12288xi32, #tpu.memory_space<vmem>>, vector<16xi32>,
      %add3A_1054 = arith.constant 0 : i32
      %add3A_1055 = vector.broadcast %add3A_1054 : i32 to vector<16xi32>
      %add3A_1056 = arith.addi %iota3A, %add3A_1055 : vector<16xi32>
      %lt3A_1057 = vector.broadcast %min3A_1033 : i32 to vector<16xi32>
      %lt3A_1058 = arith.cmpi slt, %add3A_1056, %lt3A_1057 : vector<16xi32>
      %broadcast_in_dim3A_1059 = vector.broadcast %reduce_sum3A_1047 : i32 to vector<16xi32>
      %select_n3A_1060 = arith.select %lt3A_1058, %get3A_1053, %broadcast_in_dim3A_1059 : vector<16xi1>, vector<16xi32>
      %mul3A_1061 = arith.constant 32 : i32
      %mul3A_1062 = arith.muli %add3A_1018, %mul3A_1061 : i32
      %add3A_1063 = arith.constant 0 : i32
      %add3A_1064 = arith.addi %mul3A_1062, %add3A_1063 : i32
      %swap3A_1065 = arith.index_cast %add3A_1064 : i32 to index
      %swap3A_1066 = tpu.vector_load %arg12[%swap3A_1065] {strides = array<i32>} : memref<8192xi32, #tpu.memory_space<vmem>>, vector<16xi32>,
      tpu.vector_store %arg12[%swap3A_1065], %select_n3A_1060 {strides = array<i32>} : memref<8192xi32, #tpu.memory_space<vmem>>, vector<16xi32>,
      %mul3A_1067 = arith.constant 48 : i32
      %mul3A_1068 = arith.muli %add3A_1018, %mul3A_1067 : i32
      %add3A_1069 = arith.constant 16 : i32
      %add3A_1070 = arith.addi %mul3A_1068, %add3A_1069 : i32
      %get3A_1071 = arith.index_cast %add3A_1070 : i32 to index
      %get3A_1072 = tpu.vector_load %arg11[%get3A_1071] {strides = array<i32>} : memref<12288xi32, #tpu.memory_space<vmem>>, vector<16xi32>,
      %add3A_1073 = arith.constant 16 : i32
      %add3A_1074 = vector.broadcast %add3A_1073 : i32 to vector<16xi32>
      %add3A_1075 = arith.addi %iota3A, %add3A_1074 : vector<16xi32>
      %lt3A_1076 = vector.broadcast %min3A_1033 : i32 to vector<16xi32>
      %lt3A_1077 = arith.cmpi slt, %add3A_1075, %lt3A_1076 : vector<16xi32>
      %broadcast_in_dim3A_1078 = vector.broadcast %reduce_sum3A_1047 : i32 to vector<16xi32>
      %select_n3A_1079 = arith.select %lt3A_1077, %get3A_1072, %broadcast_in_dim3A_1078 : vector<16xi1>, vector<16xi32>
      %mul3A_1080 = arith.constant 32 : i32
      %mul3A_1081 = arith.muli %add3A_1018, %mul3A_1080 : i32
      %add3A_1082 = arith.constant 16 : i32
      %add3A_1083 = arith.addi %mul3A_1081, %add3A_1082 : i32
      %swap3A_1084 = arith.index_cast %add3A_1083 : i32 to index
      %swap3A_1085 = tpu.vector_load %arg12[%swap3A_1084] {strides = array<i32>} : memref<8192xi32, #tpu.memory_space<vmem>>, vector<16xi32>,
      tpu.vector_store %arg12[%swap3A_1084], %select_n3A_1079 {strides = array<i32>} : memref<8192xi32, #tpu.memory_space<vmem>>, vector<16xi32>,
      %mul3A_1086 = arith.constant 16 : i32
      %mul3A_1087 = arith.muli %scan3A_85, %mul3A_1086 : i32
      %add3A_1088 = arith.constant 14 : i32
      %add3A_1089 = arith.addi %mul3A_1087, %add3A_1088 : i32
      %slice3A_1090 = vector.extract_strided_slice %get3A_89 {offsets = [14], sizes = [1], strides = [1]} : vector<16xf32> to vector<1xf32>
      %squeeze3A_1091 = vector.extract %slice3A_1090[0] : f32 from vector<1xf32>
      %slice3A_1092 = vector.extract_strided_slice %get3A_93 {offsets = [14], sizes = [1], strides = [1]} : vector<16xf32> to vector<1xf32>
      %squeeze3A_1093 = vector.extract %slice3A_1092[0] : f32 from vector<1xf32>
      %slice3A_1094 = vector.extract_strided_slice %get3A_97 {offsets = [14], sizes = [1], strides = [1]} : vector<16xf32> to vector<1xf32>
      %squeeze3A_1095 = vector.extract %slice3A_1094[0] : f32 from vector<1xf32>
      %scan3A_1096 = arith.constant 0 : i32
      %scan3A_1097 = arith.constant 0 : i32
      %scan3A_1098 = arith.constant 16 : i32
      %scan3A_1099 = arith.addi %scan3A_1097, %scan3A_1098 : i32
      %scan3A_1100 = arith.constant 1 : i32
      %scan3A_1101 = scf.for %scan3A_1229 = %scan3A_1097 to %scan3A_1099 step %scan3A_1100 iter_args(%scan3A_1230 = %scan3A_1096) -> (i32)  : i32 {
        %lt3A_1231 = arith.constant 32 : i32
        %lt3A_1232 = arith.cmpi slt, %scan3A_1230, %lt3A_1231 : i32
        %convert_element_type3A = arith.extui %lt3A_1232 : i1 to i32
        %cond3A = arith.constant 0 : i32
        %cond3A_1233 = arith.cmpi ne, %convert_element_type3A, %cond3A : i32
        %cond3A_1234 = scf.if %cond3A_1233 -> (i32) {
          %scan3A_1235 = arith.constant 0 : i32
          %scan3A_1236 = arith.constant 16 : i32
          %scan3A_1237 = arith.addi %scan3A_1235, %scan3A_1236 : i32
          %scan3A_1238 = arith.constant 1 : i32
          %scan3A_1239 = scf.for %scan3A_1241 = %scan3A_1235 to %scan3A_1237 step %scan3A_1238 iter_args(%scan3A_1242 = %scan3A_1230) -> (i32)  : i32 {
            %mul3A_1243 = arith.constant 16 : i32
            %mul3A_1244 = arith.muli %scan3A_1229, %mul3A_1243 : i32
            %add3A_1245 = arith.addi %mul3A_1244, %scan3A_1241 : i32
            %mul3A_1246 = arith.constant 16 : i32
            %mul3A_1247 = arith.muli %add3A_1245, %mul3A_1246 : i32
            %get3A_1248 = arith.index_cast %mul3A_1247 : i32 to index
            %get3A_1249 = tpu.vector_load %arg5[%get3A_1248] {strides = array<i32>} : memref<4096xf32, #tpu.memory_space<vmem>>, vector<16xf32>,
            %mul3A_1250 = arith.constant 16 : i32
            %mul3A_1251 = arith.muli %add3A_1245, %mul3A_1250 : i32
            %get3A_1252 = arith.index_cast %mul3A_1251 : i32 to index
            %get3A_1253 = tpu.vector_load %arg6[%get3A_1252] {strides = array<i32>} : memref<4096xf32, #tpu.memory_space<vmem>>, vector<16xf32>,
            %mul3A_1254 = arith.constant 16 : i32
            %mul3A_1255 = arith.muli %add3A_1245, %mul3A_1254 : i32
            %get3A_1256 = arith.index_cast %mul3A_1255 : i32 to index
            %get3A_1257 = tpu.vector_load %arg7[%get3A_1256] {strides = array<i32>} : memref<4096xf32, #tpu.memory_space<vmem>>, vector<16xf32>,
            %sub3A_1258 = vector.broadcast %squeeze3A_1091 : f32 to vector<16xf32>
            %sub3A_1259 = arith.subf %get3A_1249, %sub3A_1258 : vector<16xf32>
            %sub3A_1260 = vector.broadcast %squeeze3A_1093 : f32 to vector<16xf32>
            %sub3A_1261 = arith.subf %get3A_1253, %sub3A_1260 : vector<16xf32>
            %sub3A_1262 = vector.broadcast %squeeze3A_1095 : f32 to vector<16xf32>
            %sub3A_1263 = arith.subf %get3A_1257, %sub3A_1262 : vector<16xf32>
            %mul3A_1264 = arith.mulf %sub3A_1259, %sub3A_1259 : vector<16xf32>
            %mul3A_1265 = arith.mulf %sub3A_1261, %sub3A_1261 : vector<16xf32>
            %add3A_1266 = arith.addf %mul3A_1264, %mul3A_1265 : vector<16xf32>
            %mul3A_1267 = arith.mulf %sub3A_1263, %sub3A_1263 : vector<16xf32>
            %add3A_1268 = arith.addf %add3A_1266, %mul3A_1267 : vector<16xf32>
            %le3A = arith.constant 1.600000e-01 : f32
            %le3A_1269 = vector.broadcast %le3A : f32 to vector<16xf32>
            %le3A_1270 = arith.cmpf ole, %add3A_1268, %le3A_1269 : vector<16xf32>
            %mul3A_1271 = arith.constant 16 : i32
            %mul3A_1272 = arith.muli %add3A_1245, %mul3A_1271 : i32
            %add3A_1273 = arith.addi %mul3A_1272, %mul3A_71 : i32
            %add3A_1274 = vector.broadcast %add3A_1273 : i32 to vector<16xi32>
            %add3A_1275 = arith.addi %iota3A, %add3A_1274 : vector<16xi32>
            %min3A_1276 = arith.constant 32 : i32
            %min3A_1277 = arith.minsi %scan3A_1242, %min3A_1276 : i32
            %mul3A_1278 = arith.constant 48 : i32
            %mul3A_1279 = arith.muli %add3A_1089, %mul3A_1278 : i32
            %add3A_1280 = arith.addi %mul3A_1279, %min3A_1277 : i32
            %swap3A_1281 = arith.index_cast %add3A_1280 : i32 to index
            %swap3A_1282 = tpu.vector_load %arg11[%swap3A_1281] masked %le3A_1270 {strides = array<i32>} : memref<12288xi32, #tpu.memory_space<vmem>>, vector<16xi32>, vector<16xi1>
            tpu.vector_store %arg11[%swap3A_1281], %add3A_1275 masked %le3A_1270 {strides = array<i32>} : memref<12288xi32, #tpu.memory_space<vmem>>, vector<16xi32>, vector<16xi1>
            %all_reduce_population_count3A = tpu.all_reduce %le3A_1270 {dim = 0 : i64, kind = #tpu.reduction_kind<sum>} : vector<16xi1> -> vector<16xi32>
            %slice3A_1283 = vector.extract_strided_slice %all_reduce_population_count3A {offsets = [0], sizes = [1], strides = [1]} : vector<16xi32> to vector<1xi32>
            %squeeze3A_1284 = vector.extract %slice3A_1283[0] : i32 from vector<1xi32>
            %add3A_1285 = arith.addi %scan3A_1242, %squeeze3A_1284 : i32
            scf.yield %add3A_1285 : i32
          }
          %scan3A_1240 = arith.constant 16 : i32
          scf.yield %scan3A_1239 : i32
        } else {
          scf.yield %scan3A_1230 : i32
        }
        scf.yield %cond3A_1234 : i32
      }
      %scan3A_1102 = arith.constant 16 : i32
      %min3A_1103 = arith.constant 32 : i32
      %min3A_1104 = arith.minsi %scan3A_1101, %min3A_1103 : i32
      %mul3A_1105 = arith.constant 48 : i32
      %mul3A_1106 = arith.muli %add3A_1089, %mul3A_1105 : i32
      %get3A_1107 = arith.index_cast %mul3A_1106 : i32 to index
      %get3A_1108 = tpu.vector_load %arg11[%get3A_1107] {strides = array<i32>} : memref<12288xi32, #tpu.memory_space<vmem>>, vector<16xi32>,
      %eq3A_1109 = arith.constant 0 : i32
      %eq3A_1110 = vector.broadcast %eq3A_1109 : i32 to vector<16xi32>
      %eq3A_1111 = arith.cmpi eq, %iota3A, %eq3A_1110 : vector<16xi32>
      %jit3A_1112 = arith.constant 0 : i32
      %broadcast_in_dim3A_1113 = vector.broadcast %jit3A_1112 : i32 to vector<16xi32>
      %select_n3A_1114 = arith.select %eq3A_1111, %get3A_1108, %broadcast_in_dim3A_1113 : vector<16xi1>, vector<16xi32>
      %reduce_sum3A_1115 = arith.constant true
      %reduce_sum3A_1116 = vector.broadcast %reduce_sum3A_1115 : i1 to vector<16xi1>
      %reduce_sum3A_1117 = tpu.scan <sum>, %select_n3A_1114 masked %reduce_sum3A_1116 : vector<16xi32>, vector<16xi1> -> vector<16xi32>
      %reduce_sum3A_1118 = vector.extract %reduce_sum3A_1117[15] : i32 from vector<16xi32>
      %mul3A_1119 = arith.constant 48 : i32
      %mul3A_1120 = arith.muli %add3A_1089, %mul3A_1119 : i32
      %add3A_1121 = arith.constant 0 : i32
      %add3A_1122 = arith.addi %mul3A_1120, %add3A_1121 : i32
      %get3A_1123 = arith.index_cast %add3A_1122 : i32 to index
      %get3A_1124 = tpu.vector_load %arg11[%get3A_1123] {strides = array<i32>} : memref<12288xi32, #tpu.memory_space<vmem>>, vector<16xi32>,
      %add3A_1125 = arith.constant 0 : i32
      %add3A_1126 = vector.broadcast %add3A_1125 : i32 to vector<16xi32>
      %add3A_1127 = arith.addi %iota3A, %add3A_1126 : vector<16xi32>
      %lt3A_1128 = vector.broadcast %min3A_1104 : i32 to vector<16xi32>
      %lt3A_1129 = arith.cmpi slt, %add3A_1127, %lt3A_1128 : vector<16xi32>
      %broadcast_in_dim3A_1130 = vector.broadcast %reduce_sum3A_1118 : i32 to vector<16xi32>
      %select_n3A_1131 = arith.select %lt3A_1129, %get3A_1124, %broadcast_in_dim3A_1130 : vector<16xi1>, vector<16xi32>
      %mul3A_1132 = arith.constant 32 : i32
      %mul3A_1133 = arith.muli %add3A_1089, %mul3A_1132 : i32
      %add3A_1134 = arith.constant 0 : i32
      %add3A_1135 = arith.addi %mul3A_1133, %add3A_1134 : i32
      %swap3A_1136 = arith.index_cast %add3A_1135 : i32 to index
      %swap3A_1137 = tpu.vector_load %arg12[%swap3A_1136] {strides = array<i32>} : memref<8192xi32, #tpu.memory_space<vmem>>, vector<16xi32>,
      tpu.vector_store %arg12[%swap3A_1136], %select_n3A_1131 {strides = array<i32>} : memref<8192xi32, #tpu.memory_space<vmem>>, vector<16xi32>,
      %mul3A_1138 = arith.constant 48 : i32
      %mul3A_1139 = arith.muli %add3A_1089, %mul3A_1138 : i32
      %add3A_1140 = arith.constant 16 : i32
      %add3A_1141 = arith.addi %mul3A_1139, %add3A_1140 : i32
      %get3A_1142 = arith.index_cast %add3A_1141 : i32 to index
      %get3A_1143 = tpu.vector_load %arg11[%get3A_1142] {strides = array<i32>} : memref<12288xi32, #tpu.memory_space<vmem>>, vector<16xi32>,
      %add3A_1144 = arith.constant 16 : i32
      %add3A_1145 = vector.broadcast %add3A_1144 : i32 to vector<16xi32>
      %add3A_1146 = arith.addi %iota3A, %add3A_1145 : vector<16xi32>
      %lt3A_1147 = vector.broadcast %min3A_1104 : i32 to vector<16xi32>
      %lt3A_1148 = arith.cmpi slt, %add3A_1146, %lt3A_1147 : vector<16xi32>
      %broadcast_in_dim3A_1149 = vector.broadcast %reduce_sum3A_1118 : i32 to vector<16xi32>
      %select_n3A_1150 = arith.select %lt3A_1148, %get3A_1143, %broadcast_in_dim3A_1149 : vector<16xi1>, vector<16xi32>
      %mul3A_1151 = arith.constant 32 : i32
      %mul3A_1152 = arith.muli %add3A_1089, %mul3A_1151 : i32
      %add3A_1153 = arith.constant 16 : i32
      %add3A_1154 = arith.addi %mul3A_1152, %add3A_1153 : i32
      %swap3A_1155 = arith.index_cast %add3A_1154 : i32 to index
      %swap3A_1156 = tpu.vector_load %arg12[%swap3A_1155] {strides = array<i32>} : memref<8192xi32, #tpu.memory_space<vmem>>, vector<16xi32>,
      tpu.vector_store %arg12[%swap3A_1155], %select_n3A_1150 {strides = array<i32>} : memref<8192xi32, #tpu.memory_space<vmem>>, vector<16xi32>,
      %mul3A_1157 = arith.constant 16 : i32
      %mul3A_1158 = arith.muli %scan3A_85, %mul3A_1157 : i32
      %add3A_1159 = arith.constant 15 : i32
      %add3A_1160 = arith.addi %mul3A_1158, %add3A_1159 : i32
      %slice3A_1161 = vector.extract_strided_slice %get3A_89 {offsets = [15], sizes = [1], strides = [1]} : vector<16xf32> to vector<1xf32>
      %squeeze3A_1162 = vector.extract %slice3A_1161[0] : f32 from vector<1xf32>
      %slice3A_1163 = vector.extract_strided_slice %get3A_93 {offsets = [15], sizes = [1], strides = [1]} : vector<16xf32> to vector<1xf32>
      %squeeze3A_1164 = vector.extract %slice3A_1163[0] : f32 from vector<1xf32>
      %slice3A_1165 = vector.extract_strided_slice %get3A_97 {offsets = [15], sizes = [1], strides = [1]} : vector<16xf32> to vector<1xf32>
      %squeeze3A_1166 = vector.extract %slice3A_1165[0] : f32 from vector<1xf32>
      %scan3A_1167 = arith.constant 0 : i32
      %scan3A_1168 = arith.constant 0 : i32
      %scan3A_1169 = arith.constant 16 : i32
      %scan3A_1170 = arith.addi %scan3A_1168, %scan3A_1169 : i32
      %scan3A_1171 = arith.constant 1 : i32
      %scan3A_1172 = scf.for %scan3A_1229 = %scan3A_1168 to %scan3A_1170 step %scan3A_1171 iter_args(%scan3A_1230 = %scan3A_1167) -> (i32)  : i32 {
        %lt3A_1231 = arith.constant 32 : i32
        %lt3A_1232 = arith.cmpi slt, %scan3A_1230, %lt3A_1231 : i32
        %convert_element_type3A = arith.extui %lt3A_1232 : i1 to i32
        %cond3A = arith.constant 0 : i32
        %cond3A_1233 = arith.cmpi ne, %convert_element_type3A, %cond3A : i32
        %cond3A_1234 = scf.if %cond3A_1233 -> (i32) {
          %scan3A_1235 = arith.constant 0 : i32
          %scan3A_1236 = arith.constant 16 : i32
          %scan3A_1237 = arith.addi %scan3A_1235, %scan3A_1236 : i32
          %scan3A_1238 = arith.constant 1 : i32
          %scan3A_1239 = scf.for %scan3A_1241 = %scan3A_1235 to %scan3A_1237 step %scan3A_1238 iter_args(%scan3A_1242 = %scan3A_1230) -> (i32)  : i32 {
            %mul3A_1243 = arith.constant 16 : i32
            %mul3A_1244 = arith.muli %scan3A_1229, %mul3A_1243 : i32
            %add3A_1245 = arith.addi %mul3A_1244, %scan3A_1241 : i32
            %mul3A_1246 = arith.constant 16 : i32
            %mul3A_1247 = arith.muli %add3A_1245, %mul3A_1246 : i32
            %get3A_1248 = arith.index_cast %mul3A_1247 : i32 to index
            %get3A_1249 = tpu.vector_load %arg5[%get3A_1248] {strides = array<i32>} : memref<4096xf32, #tpu.memory_space<vmem>>, vector<16xf32>,
            %mul3A_1250 = arith.constant 16 : i32
            %mul3A_1251 = arith.muli %add3A_1245, %mul3A_1250 : i32
            %get3A_1252 = arith.index_cast %mul3A_1251 : i32 to index
            %get3A_1253 = tpu.vector_load %arg6[%get3A_1252] {strides = array<i32>} : memref<4096xf32, #tpu.memory_space<vmem>>, vector<16xf32>,
            %mul3A_1254 = arith.constant 16 : i32
            %mul3A_1255 = arith.muli %add3A_1245, %mul3A_1254 : i32
            %get3A_1256 = arith.index_cast %mul3A_1255 : i32 to index
            %get3A_1257 = tpu.vector_load %arg7[%get3A_1256] {strides = array<i32>} : memref<4096xf32, #tpu.memory_space<vmem>>, vector<16xf32>,
            %sub3A_1258 = vector.broadcast %squeeze3A_1162 : f32 to vector<16xf32>
            %sub3A_1259 = arith.subf %get3A_1249, %sub3A_1258 : vector<16xf32>
            %sub3A_1260 = vector.broadcast %squeeze3A_1164 : f32 to vector<16xf32>
            %sub3A_1261 = arith.subf %get3A_1253, %sub3A_1260 : vector<16xf32>
            %sub3A_1262 = vector.broadcast %squeeze3A_1166 : f32 to vector<16xf32>
            %sub3A_1263 = arith.subf %get3A_1257, %sub3A_1262 : vector<16xf32>
            %mul3A_1264 = arith.mulf %sub3A_1259, %sub3A_1259 : vector<16xf32>
            %mul3A_1265 = arith.mulf %sub3A_1261, %sub3A_1261 : vector<16xf32>
            %add3A_1266 = arith.addf %mul3A_1264, %mul3A_1265 : vector<16xf32>
            %mul3A_1267 = arith.mulf %sub3A_1263, %sub3A_1263 : vector<16xf32>
            %add3A_1268 = arith.addf %add3A_1266, %mul3A_1267 : vector<16xf32>
            %le3A = arith.constant 1.600000e-01 : f32
            %le3A_1269 = vector.broadcast %le3A : f32 to vector<16xf32>
            %le3A_1270 = arith.cmpf ole, %add3A_1268, %le3A_1269 : vector<16xf32>
            %mul3A_1271 = arith.constant 16 : i32
            %mul3A_1272 = arith.muli %add3A_1245, %mul3A_1271 : i32
            %add3A_1273 = arith.addi %mul3A_1272, %mul3A_71 : i32
            %add3A_1274 = vector.broadcast %add3A_1273 : i32 to vector<16xi32>
            %add3A_1275 = arith.addi %iota3A, %add3A_1274 : vector<16xi32>
            %min3A_1276 = arith.constant 32 : i32
            %min3A_1277 = arith.minsi %scan3A_1242, %min3A_1276 : i32
            %mul3A_1278 = arith.constant 48 : i32
            %mul3A_1279 = arith.muli %add3A_1160, %mul3A_1278 : i32
            %add3A_1280 = arith.addi %mul3A_1279, %min3A_1277 : i32
            %swap3A_1281 = arith.index_cast %add3A_1280 : i32 to index
            %swap3A_1282 = tpu.vector_load %arg11[%swap3A_1281] masked %le3A_1270 {strides = array<i32>} : memref<12288xi32, #tpu.memory_space<vmem>>, vector<16xi32>, vector<16xi1>
            tpu.vector_store %arg11[%swap3A_1281], %add3A_1275 masked %le3A_1270 {strides = array<i32>} : memref<12288xi32, #tpu.memory_space<vmem>>, vector<16xi32>, vector<16xi1>
            %all_reduce_population_count3A = tpu.all_reduce %le3A_1270 {dim = 0 : i64, kind = #tpu.reduction_kind<sum>} : vector<16xi1> -> vector<16xi32>
            %slice3A_1283 = vector.extract_strided_slice %all_reduce_population_count3A {offsets = [0], sizes = [1], strides = [1]} : vector<16xi32> to vector<1xi32>
            %squeeze3A_1284 = vector.extract %slice3A_1283[0] : i32 from vector<1xi32>
            %add3A_1285 = arith.addi %scan3A_1242, %squeeze3A_1284 : i32
            scf.yield %add3A_1285 : i32
          }
          %scan3A_1240 = arith.constant 16 : i32
          scf.yield %scan3A_1239 : i32
        } else {
          scf.yield %scan3A_1230 : i32
        }
        scf.yield %cond3A_1234 : i32
      }
      %scan3A_1173 = arith.constant 16 : i32
      %min3A_1174 = arith.constant 32 : i32
      %min3A_1175 = arith.minsi %scan3A_1172, %min3A_1174 : i32
      %mul3A_1176 = arith.constant 48 : i32
      %mul3A_1177 = arith.muli %add3A_1160, %mul3A_1176 : i32
      %get3A_1178 = arith.index_cast %mul3A_1177 : i32 to index
      %get3A_1179 = tpu.vector_load %arg11[%get3A_1178] {strides = array<i32>} : memref<12288xi32, #tpu.memory_space<vmem>>, vector<16xi32>,
      %eq3A_1180 = arith.constant 0 : i32
      %eq3A_1181 = vector.broadcast %eq3A_1180 : i32 to vector<16xi32>
      %eq3A_1182 = arith.cmpi eq, %iota3A, %eq3A_1181 : vector<16xi32>
      %jit3A_1183 = arith.constant 0 : i32
      %broadcast_in_dim3A_1184 = vector.broadcast %jit3A_1183 : i32 to vector<16xi32>
      %select_n3A_1185 = arith.select %eq3A_1182, %get3A_1179, %broadcast_in_dim3A_1184 : vector<16xi1>, vector<16xi32>
      %reduce_sum3A_1186 = arith.constant true
      %reduce_sum3A_1187 = vector.broadcast %reduce_sum3A_1186 : i1 to vector<16xi1>
      %reduce_sum3A_1188 = tpu.scan <sum>, %select_n3A_1185 masked %reduce_sum3A_1187 : vector<16xi32>, vector<16xi1> -> vector<16xi32>
      %reduce_sum3A_1189 = vector.extract %reduce_sum3A_1188[15] : i32 from vector<16xi32>
      %mul3A_1190 = arith.constant 48 : i32
      %mul3A_1191 = arith.muli %add3A_1160, %mul3A_1190 : i32
      %add3A_1192 = arith.constant 0 : i32
      %add3A_1193 = arith.addi %mul3A_1191, %add3A_1192 : i32
      %get3A_1194 = arith.index_cast %add3A_1193 : i32 to index
      %get3A_1195 = tpu.vector_load %arg11[%get3A_1194] {strides = array<i32>} : memref<12288xi32, #tpu.memory_space<vmem>>, vector<16xi32>,
      %add3A_1196 = arith.constant 0 : i32
      %add3A_1197 = vector.broadcast %add3A_1196 : i32 to vector<16xi32>
      %add3A_1198 = arith.addi %iota3A, %add3A_1197 : vector<16xi32>
      %lt3A_1199 = vector.broadcast %min3A_1175 : i32 to vector<16xi32>
      %lt3A_1200 = arith.cmpi slt, %add3A_1198, %lt3A_1199 : vector<16xi32>
      %broadcast_in_dim3A_1201 = vector.broadcast %reduce_sum3A_1189 : i32 to vector<16xi32>
      %select_n3A_1202 = arith.select %lt3A_1200, %get3A_1195, %broadcast_in_dim3A_1201 : vector<16xi1>, vector<16xi32>
      %mul3A_1203 = arith.constant 32 : i32
      %mul3A_1204 = arith.muli %add3A_1160, %mul3A_1203 : i32
      %add3A_1205 = arith.constant 0 : i32
      %add3A_1206 = arith.addi %mul3A_1204, %add3A_1205 : i32
      %swap3A_1207 = arith.index_cast %add3A_1206 : i32 to index
      %swap3A_1208 = tpu.vector_load %arg12[%swap3A_1207] {strides = array<i32>} : memref<8192xi32, #tpu.memory_space<vmem>>, vector<16xi32>,
      tpu.vector_store %arg12[%swap3A_1207], %select_n3A_1202 {strides = array<i32>} : memref<8192xi32, #tpu.memory_space<vmem>>, vector<16xi32>,
      %mul3A_1209 = arith.constant 48 : i32
      %mul3A_1210 = arith.muli %add3A_1160, %mul3A_1209 : i32
      %add3A_1211 = arith.constant 16 : i32
      %add3A_1212 = arith.addi %mul3A_1210, %add3A_1211 : i32
      %get3A_1213 = arith.index_cast %add3A_1212 : i32 to index
      %get3A_1214 = tpu.vector_load %arg11[%get3A_1213] {strides = array<i32>} : memref<12288xi32, #tpu.memory_space<vmem>>, vector<16xi32>,
      %add3A_1215 = arith.constant 16 : i32
      %add3A_1216 = vector.broadcast %add3A_1215 : i32 to vector<16xi32>
      %add3A_1217 = arith.addi %iota3A, %add3A_1216 : vector<16xi32>
      %lt3A_1218 = vector.broadcast %min3A_1175 : i32 to vector<16xi32>
      %lt3A_1219 = arith.cmpi slt, %add3A_1217, %lt3A_1218 : vector<16xi32>
      %broadcast_in_dim3A_1220 = vector.broadcast %reduce_sum3A_1189 : i32 to vector<16xi32>
      %select_n3A_1221 = arith.select %lt3A_1219, %get3A_1214, %broadcast_in_dim3A_1220 : vector<16xi1>, vector<16xi32>
      %mul3A_1222 = arith.constant 32 : i32
      %mul3A_1223 = arith.muli %add3A_1160, %mul3A_1222 : i32
      %add3A_1224 = arith.constant 16 : i32
      %add3A_1225 = arith.addi %mul3A_1223, %add3A_1224 : i32
      %swap3A_1226 = arith.index_cast %add3A_1225 : i32 to index
      %swap3A_1227 = tpu.vector_load %arg12[%swap3A_1226] {strides = array<i32>} : memref<8192xi32, #tpu.memory_space<vmem>>, vector<16xi32>,
      tpu.vector_store %arg12[%swap3A_1226], %select_n3A_1221 {strides = array<i32>} : memref<8192xi32, #tpu.memory_space<vmem>>, vector<16xi32>,
      %scan3A_1228 = arith.constant 0 : i32
      scf.yield %scan3A_1228 : i32
    }
    %scan3A_77 = arith.constant 16 : i32
    %mul3A_78 = arith.constant 1024 : i32
    %mul3A_79 = arith.muli %select_n3A, %mul3A_78 : i32
    %mul3A_80 = arith.constant 256 : i32
    %mul3A_81 = arith.muli %select_n3A_30, %mul3A_80 : i32
    %add3A_82 = arith.addi %mul3A_79, %mul3A_81 : i32
    %mul3A_83 = arith.constant 32 : i32
    %mul3A_84 = arith.muli %add3A_82, %mul3A_83 : i32
    "tpu.region"() ({
      %run_scoped3A = tpu.sem_alloc : memref<!tpu.dma_semaphore, #tpu.memory_space<semaphore_mem>>
      %dma_start3A = tpu.memref_slice %arg4[%mul3A_84] : memref<262144xi32, #tpu.memory_space<hbm>> -> memref<8192xi32, #tpu.memory_space<hbm>>
      %dma_start3A_85 = tpu.memref_slice %arg4[%mul3A_84] : memref<262144xi32, #tpu.memory_space<hbm>> -> memref<8192xi32, #tpu.memory_space<hbm>>
      tpu.enqueue_dma source(%arg12 : memref<8192xi32, #tpu.memory_space<vmem>>) target(%dma_start3A_85 : memref<8192xi32, #tpu.memory_space<hbm>>) target_semaphore(%run_scoped3A : memref<!tpu.dma_semaphore, #tpu.memory_space<semaphore_mem>>)
      %dma_wait3A = tpu.memref_slice %arg4[%mul3A_84] : memref<262144xi32, #tpu.memory_space<hbm>> -> memref<8192xi32, #tpu.memory_space<hbm>>
      %dma_wait3A_86 = tpu.memref_slice %arg4[%mul3A_84] : memref<262144xi32, #tpu.memory_space<hbm>> -> memref<8192xi32, #tpu.memory_space<hbm>>
      tpu.wait_dma2 semaphore(%run_scoped3A : memref<!tpu.dma_semaphore, #tpu.memory_space<semaphore_mem>>) src(%arg12 : memref<8192xi32, #tpu.memory_space<vmem>>) dst(%dma_wait3A_86 : memref<8192xi32, #tpu.memory_space<hbm>>)
      tpu.yield
    }) : () -> ()
    return
  }
}

#map = affine_map<(d0, d1) -> (0, 0)>
#map1 = affine_map<(d0, d1) -> (0)>
module attributes {stable_mosaic.version = 14 : i64} {
  func.func @_gather_body(%arg0: i32, %arg1: i32, %arg2: memref<32768x128xf32, #tpu.memory_space<hbm>>, %arg3: memref<262144xi32, #tpu.memory_space<hbm>>, %arg4: memref<262144x128xf32, #tpu.memory_space<hbm>>, %arg5: memref<8192xi32, #tpu.memory_space<vmem>>, %arg6: memref<4x128x128xf32, #tpu.memory_space<vmem>>, %arg7: memref<!tpu.dma_semaphore, #tpu.memory_space<semaphore_mem>>, %arg8: memref<!tpu.dma_semaphore, #tpu.memory_space<semaphore_mem>>, %arg9: memref<!tpu.dma_semaphore, #tpu.memory_space<semaphore_mem>>, %arg10: memref<!tpu.dma_semaphore, #tpu.memory_space<semaphore_mem>>, %arg11: memref<!tpu.dma_semaphore, #tpu.memory_space<semaphore_mem>>, %arg12: memref<!tpu.dma_semaphore, #tpu.memory_space<semaphore_mem>>, %arg13: memref<!tpu.dma_semaphore, #tpu.memory_space<semaphore_mem>>, %arg14: memref<!tpu.dma_semaphore, #tpu.memory_space<semaphore_mem>>) attributes {dimension_semantics = [#tpu.dimension_semantics<core_parallel>, #tpu.dimension_semantics<subcore_parallel>], iteration_bounds = array<i64: 2, 16>, scalar_prefetch = 0 : i64, scratch_operands = 10 : i64, tpu.core_type = #tpu.core_type<sc_vector_subcore>, window_params = [{transform_indices = #map}, {transform_indices = #map1}, {transform_indices = #map}]} {
    %mul3A = arith.constant 2 : i32
    %mul3A_0 = arith.muli %arg1, %mul3A : i32
    %add3A = arith.addi %mul3A_0, %arg0 : i32
    %mul3A_1 = arith.constant 64 : i32
    %mul3A_2 = arith.muli %add3A, %mul3A_1 : i32
    %mul3A_3 = arith.constant 128 : i32
    %mul3A_4 = arith.muli %mul3A_2, %mul3A_3 : i32
    "tpu.region"() ({
      %run_scoped3A = tpu.sem_alloc : memref<!tpu.dma_semaphore, #tpu.memory_space<semaphore_mem>>
      %dma_start3A_117 = tpu.memref_slice %arg3[%mul3A_4] : memref<262144xi32, #tpu.memory_space<hbm>> -> memref<8192xi32, #tpu.memory_space<hbm>>
      %dma_start3A_118 = tpu.memref_slice %arg3[%mul3A_4] : memref<262144xi32, #tpu.memory_space<hbm>> -> memref<8192xi32, #tpu.memory_space<hbm>>
      tpu.enqueue_dma source(%dma_start3A_118 : memref<8192xi32, #tpu.memory_space<hbm>>) target(%arg5 : memref<8192xi32, #tpu.memory_space<vmem>>) target_semaphore(%run_scoped3A : memref<!tpu.dma_semaphore, #tpu.memory_space<semaphore_mem>>)
      %dma_wait3A_119 = tpu.memref_slice %arg3[%mul3A_4] : memref<262144xi32, #tpu.memory_space<hbm>> -> memref<8192xi32, #tpu.memory_space<hbm>>
      %dma_wait3A_120 = tpu.memref_slice %arg3[%mul3A_4] : memref<262144xi32, #tpu.memory_space<hbm>> -> memref<8192xi32, #tpu.memory_space<hbm>>
      tpu.wait_dma2 semaphore(%run_scoped3A : memref<!tpu.dma_semaphore, #tpu.memory_space<semaphore_mem>>) src(%dma_wait3A_120 : memref<8192xi32, #tpu.memory_space<hbm>>) dst(%arg5 : memref<8192xi32, #tpu.memory_space<vmem>>)
      tpu.yield
    }) : () -> ()
    %dma_start3A = arith.constant 0 : i32
    %dma_start3A_5 = arith.constant 0 : i32
    %dma_start3A_6 = arith.constant 0 : i32
    %dma_start3A_7 = tpu.memref_slice %arg6[%dma_start3A, %dma_start3A_5, %dma_start3A_6] : memref<4x128x128xf32, #tpu.memory_space<vmem>> -> memref<1x128x128xf32, #tpu.memory_space<vmem>>
    %dma_start3A_8 = tpu.memref_squeeze %dma_start3A_7 : memref<1x128x128xf32, #tpu.memory_space<vmem>> -> memref<128x128xf32, #tpu.memory_space<vmem>>
    %dma_start3A_9 = arith.constant 0 : i32
    %dma_start3A_10 = tpu.memref_slice %arg5[%dma_start3A_9] : memref<8192xi32, #tpu.memory_space<vmem>> -> memref<128xi32, #tpu.memory_space<vmem>>
    %dma_start3A_11 = arith.constant 0 : i32
    %dma_start3A_12 = arith.constant 0 : i32
    %dma_start3A_13 = tpu.memref_slice %arg2[%dma_start3A_11, %dma_start3A_12] : memref<32768x128xf32, #tpu.memory_space<hbm>> -> memref<32768x128xf32, #tpu.memory_space<hbm>>
    tpu.enqueue_indirect_dma source(%dma_start3A_13 : memref<32768x128xf32, #tpu.memory_space<hbm>>) target(%dma_start3A_8 : memref<128x128xf32, #tpu.memory_space<vmem>>) offsets(%dma_start3A_10 : memref<128xi32, #tpu.memory_space<vmem>>) semaphore(%arg7 : memref<!tpu.dma_semaphore, #tpu.memory_space<semaphore_mem>>)
    %dma_start3A_14 = arith.constant 1 : i32
    %dma_start3A_15 = arith.constant 0 : i32
    %dma_start3A_16 = arith.constant 0 : i32
    %dma_start3A_17 = tpu.memref_slice %arg6[%dma_start3A_14, %dma_start3A_15, %dma_start3A_16] : memref<4x128x128xf32, #tpu.memory_space<vmem>> -> memref<1x128x128xf32, #tpu.memory_space<vmem>>
    %dma_start3A_18 = tpu.memref_squeeze %dma_start3A_17 : memref<1x128x128xf32, #tpu.memory_space<vmem>> -> memref<128x128xf32, #tpu.memory_space<vmem>>
    %dma_start3A_19 = arith.constant 128 : i32
    %dma_start3A_20 = tpu.memref_slice %arg5[%dma_start3A_19] : memref<8192xi32, #tpu.memory_space<vmem>> -> memref<128xi32, #tpu.memory_space<vmem>>
    %dma_start3A_21 = arith.constant 0 : i32
    %dma_start3A_22 = arith.constant 0 : i32
    %dma_start3A_23 = tpu.memref_slice %arg2[%dma_start3A_21, %dma_start3A_22] : memref<32768x128xf32, #tpu.memory_space<hbm>> -> memref<32768x128xf32, #tpu.memory_space<hbm>>
    tpu.enqueue_indirect_dma source(%dma_start3A_23 : memref<32768x128xf32, #tpu.memory_space<hbm>>) target(%dma_start3A_18 : memref<128x128xf32, #tpu.memory_space<vmem>>) offsets(%dma_start3A_20 : memref<128xi32, #tpu.memory_space<vmem>>) semaphore(%arg8 : memref<!tpu.dma_semaphore, #tpu.memory_space<semaphore_mem>>)
    %dma_start3A_24 = arith.constant 2 : i32
    %dma_start3A_25 = arith.constant 0 : i32
    %dma_start3A_26 = arith.constant 0 : i32
    %dma_start3A_27 = tpu.memref_slice %arg6[%dma_start3A_24, %dma_start3A_25, %dma_start3A_26] : memref<4x128x128xf32, #tpu.memory_space<vmem>> -> memref<1x128x128xf32, #tpu.memory_space<vmem>>
    %dma_start3A_28 = tpu.memref_squeeze %dma_start3A_27 : memref<1x128x128xf32, #tpu.memory_space<vmem>> -> memref<128x128xf32, #tpu.memory_space<vmem>>
    %dma_start3A_29 = arith.constant 256 : i32
    %dma_start3A_30 = tpu.memref_slice %arg5[%dma_start3A_29] : memref<8192xi32, #tpu.memory_space<vmem>> -> memref<128xi32, #tpu.memory_space<vmem>>
    %dma_start3A_31 = arith.constant 0 : i32
    %dma_start3A_32 = arith.constant 0 : i32
    %dma_start3A_33 = tpu.memref_slice %arg2[%dma_start3A_31, %dma_start3A_32] : memref<32768x128xf32, #tpu.memory_space<hbm>> -> memref<32768x128xf32, #tpu.memory_space<hbm>>
    tpu.enqueue_indirect_dma source(%dma_start3A_33 : memref<32768x128xf32, #tpu.memory_space<hbm>>) target(%dma_start3A_28 : memref<128x128xf32, #tpu.memory_space<vmem>>) offsets(%dma_start3A_30 : memref<128xi32, #tpu.memory_space<vmem>>) semaphore(%arg9 : memref<!tpu.dma_semaphore, #tpu.memory_space<semaphore_mem>>)
    %dma_start3A_34 = arith.constant 3 : i32
    %dma_start3A_35 = arith.constant 0 : i32
    %dma_start3A_36 = arith.constant 0 : i32
    %dma_start3A_37 = tpu.memref_slice %arg6[%dma_start3A_34, %dma_start3A_35, %dma_start3A_36] : memref<4x128x128xf32, #tpu.memory_space<vmem>> -> memref<1x128x128xf32, #tpu.memory_space<vmem>>
    %dma_start3A_38 = tpu.memref_squeeze %dma_start3A_37 : memref<1x128x128xf32, #tpu.memory_space<vmem>> -> memref<128x128xf32, #tpu.memory_space<vmem>>
    %dma_start3A_39 = arith.constant 384 : i32
    %dma_start3A_40 = tpu.memref_slice %arg5[%dma_start3A_39] : memref<8192xi32, #tpu.memory_space<vmem>> -> memref<128xi32, #tpu.memory_space<vmem>>
    %dma_start3A_41 = arith.constant 0 : i32
    %dma_start3A_42 = arith.constant 0 : i32
    %dma_start3A_43 = tpu.memref_slice %arg2[%dma_start3A_41, %dma_start3A_42] : memref<32768x128xf32, #tpu.memory_space<hbm>> -> memref<32768x128xf32, #tpu.memory_space<hbm>>
    tpu.enqueue_indirect_dma source(%dma_start3A_43 : memref<32768x128xf32, #tpu.memory_space<hbm>>) target(%dma_start3A_38 : memref<128x128xf32, #tpu.memory_space<vmem>>) offsets(%dma_start3A_40 : memref<128xi32, #tpu.memory_space<vmem>>) semaphore(%arg10 : memref<!tpu.dma_semaphore, #tpu.memory_space<semaphore_mem>>)
    %scan3A = arith.constant 0 : i32
    %scan3A_44 = arith.constant 0 : i32
    %scan3A_45 = arith.constant 16 : i32
    %scan3A_46 = arith.addi %scan3A_44, %scan3A_45 : i32
    %scan3A_47 = arith.constant 1 : i32
    %scan3A_48 = scf.for %scan3A_117 = %scan3A_44 to %scan3A_46 step %scan3A_47 iter_args(%scan3A_118 = %scan3A) -> (i32)  : i32 {
      %mul3A_119 = arith.constant 4 : i32
      %mul3A_120 = arith.muli %mul3A_119, %scan3A_117 : i32
      %add3A_121 = arith.constant 0 : i32
      %add3A_122 = arith.addi %mul3A_120, %add3A_121 : i32
      %mul3A_123 = arith.constant 128 : i32
      %mul3A_124 = arith.muli %add3A_122, %mul3A_123 : i32
      %dma_wait3A_125 = arith.constant 0 : i32
      %dma_wait3A_126 = arith.constant 0 : i32
      %dma_wait3A_127 = arith.constant 0 : i32
      %dma_wait3A_128 = tpu.memref_slice %arg6[%dma_wait3A_125, %dma_wait3A_126, %dma_wait3A_127] : memref<4x128x128xf32, #tpu.memory_space<vmem>> -> memref<1x128x128xf32, #tpu.memory_space<vmem>>
      %dma_wait3A_129 = tpu.memref_squeeze %dma_wait3A_128 : memref<1x128x128xf32, #tpu.memory_space<vmem>> -> memref<128x128xf32, #tpu.memory_space<vmem>>
      %dma_wait3A_130 = tpu.memref_slice %arg5[%mul3A_124] : memref<8192xi32, #tpu.memory_space<vmem>> -> memref<128xi32, #tpu.memory_space<vmem>>
      %dma_wait3A_131 = arith.constant 0 : i32
      %dma_wait3A_132 = arith.constant 0 : i32
      %dma_wait3A_133 = tpu.memref_slice %arg2[%dma_wait3A_131, %dma_wait3A_132] : memref<32768x128xf32, #tpu.memory_space<hbm>> -> memref<32768x128xf32, #tpu.memory_space<hbm>>
      tpu.wait_indirect_dma semaphore(%arg7 : memref<!tpu.dma_semaphore, #tpu.memory_space<semaphore_mem>>) src(%dma_wait3A_133 : memref<32768x128xf32, #tpu.memory_space<hbm>>) dst(%dma_wait3A_129 : memref<128x128xf32, #tpu.memory_space<vmem>>)
      %add3A_134 = arith.addi %mul3A_2, %add3A_122 : i32
      %mul3A_135 = arith.constant 128 : i32
      %mul3A_136 = arith.muli %add3A_134, %mul3A_135 : i32
      %dma_start3A_137 = arith.constant 0 : i32
      %dma_start3A_138 = arith.constant 0 : i32
      %dma_start3A_139 = arith.constant 0 : i32
      %dma_start3A_140 = tpu.memref_slice %arg6[%dma_start3A_137, %dma_start3A_138, %dma_start3A_139] : memref<4x128x128xf32, #tpu.memory_space<vmem>> -> memref<1x128x128xf32, #tpu.memory_space<vmem>>
      %dma_start3A_141 = tpu.memref_squeeze %dma_start3A_140 : memref<1x128x128xf32, #tpu.memory_space<vmem>> -> memref<128x128xf32, #tpu.memory_space<vmem>>
      %dma_start3A_142 = arith.constant 0 : i32
      %dma_start3A_143 = tpu.memref_slice %arg4[%mul3A_136, %dma_start3A_142] : memref<262144x128xf32, #tpu.memory_space<hbm>> -> memref<128x128xf32, #tpu.memory_space<hbm>>
      %dma_start3A_144 = arith.constant 0 : i32
      %dma_start3A_145 = tpu.memref_slice %arg4[%mul3A_136, %dma_start3A_144] : memref<262144x128xf32, #tpu.memory_space<hbm>> -> memref<128x128xf32, #tpu.memory_space<hbm>>
      %dma_start3A_146 = arith.constant 0 : i32
      %dma_start3A_147 = arith.constant 0 : i32
      %dma_start3A_148 = tpu.memref_slice %arg6[%dma_start3A_137, %dma_start3A_146, %dma_start3A_147] : memref<4x128x128xf32, #tpu.memory_space<vmem>> -> memref<1x128x128xf32, #tpu.memory_space<vmem>>
      %dma_start3A_149 = tpu.memref_squeeze %dma_start3A_148 : memref<1x128x128xf32, #tpu.memory_space<vmem>> -> memref<128x128xf32, #tpu.memory_space<vmem>>
      tpu.enqueue_dma source(%dma_start3A_149 : memref<128x128xf32, #tpu.memory_space<vmem>>) target(%dma_start3A_145 : memref<128x128xf32, #tpu.memory_space<hbm>>) target_semaphore(%arg11 : memref<!tpu.dma_semaphore, #tpu.memory_space<semaphore_mem>>)
      %add3A_150 = arith.constant 4 : i32
      %add3A_151 = arith.addi %add3A_122, %add3A_150 : i32
      %lt3A = arith.constant 64 : i32
      %lt3A_152 = arith.cmpi slt, %add3A_151, %lt3A : i32
      %convert_element_type3A = arith.extui %lt3A_152 : i1 to i32
      %cond3A = arith.constant 0 : i32
      %cond3A_153 = arith.cmpi ne, %convert_element_type3A, %cond3A : i32
      scf.if %cond3A_153 {
        %add3A_269 = arith.addi %mul3A_2, %add3A_122 : i32
        %mul3A_270 = arith.constant 128 : i32
        %mul3A_271 = arith.muli %add3A_269, %mul3A_270 : i32
        %dma_wait3A_272 = arith.constant 0 : i32
        %dma_wait3A_273 = arith.constant 0 : i32
        %dma_wait3A_274 = arith.constant 0 : i32
        %dma_wait3A_275 = tpu.memref_slice %arg6[%dma_wait3A_272, %dma_wait3A_273, %dma_wait3A_274] : memref<4x128x128xf32, #tpu.memory_space<vmem>> -> memref<1x128x128xf32, #tpu.memory_space<vmem>>
        %dma_wait3A_276 = tpu.memref_squeeze %dma_wait3A_275 : memref<1x128x128xf32, #tpu.memory_space<vmem>> -> memref<128x128xf32, #tpu.memory_space<vmem>>
        %dma_wait3A_277 = arith.constant 0 : i32
        %dma_wait3A_278 = tpu.memref_slice %arg4[%mul3A_271, %dma_wait3A_277] : memref<262144x128xf32, #tpu.memory_space<hbm>> -> memref<128x128xf32, #tpu.memory_space<hbm>>
        %dma_wait3A_279 = arith.constant 0 : i32
        %dma_wait3A_280 = tpu.memref_slice %arg4[%mul3A_271, %dma_wait3A_279] : memref<262144x128xf32, #tpu.memory_space<hbm>> -> memref<128x128xf32, #tpu.memory_space<hbm>>
        %dma_wait3A_281 = arith.constant 0 : i32
        %dma_wait3A_282 = arith.constant 0 : i32
        %dma_wait3A_283 = tpu.memref_slice %arg6[%dma_wait3A_272, %dma_wait3A_281, %dma_wait3A_282] : memref<4x128x128xf32, #tpu.memory_space<vmem>> -> memref<1x128x128xf32, #tpu.memory_space<vmem>>
        %dma_wait3A_284 = tpu.memref_squeeze %dma_wait3A_283 : memref<1x128x128xf32, #tpu.memory_space<vmem>> -> memref<128x128xf32, #tpu.memory_space<vmem>>
        tpu.wait_dma2 semaphore(%arg11 : memref<!tpu.dma_semaphore, #tpu.memory_space<semaphore_mem>>) src(%dma_wait3A_284 : memref<128x128xf32, #tpu.memory_space<vmem>>) dst(%dma_wait3A_280 : memref<128x128xf32, #tpu.memory_space<hbm>>)
        %mul3A_285 = arith.constant 128 : i32
        %mul3A_286 = arith.muli %add3A_151, %mul3A_285 : i32
        %dma_start3A_287 = arith.constant 0 : i32
        %dma_start3A_288 = arith.constant 0 : i32
        %dma_start3A_289 = arith.constant 0 : i32
        %dma_start3A_290 = tpu.memref_slice %arg6[%dma_start3A_287, %dma_start3A_288, %dma_start3A_289] : memref<4x128x128xf32, #tpu.memory_space<vmem>> -> memref<1x128x128xf32, #tpu.memory_space<vmem>>
        %dma_start3A_291 = tpu.memref_squeeze %dma_start3A_290 : memref<1x128x128xf32, #tpu.memory_space<vmem>> -> memref<128x128xf32, #tpu.memory_space<vmem>>
        %dma_start3A_292 = tpu.memref_slice %arg5[%mul3A_286] : memref<8192xi32, #tpu.memory_space<vmem>> -> memref<128xi32, #tpu.memory_space<vmem>>
        %dma_start3A_293 = arith.constant 0 : i32
        %dma_start3A_294 = arith.constant 0 : i32
        %dma_start3A_295 = tpu.memref_slice %arg2[%dma_start3A_293, %dma_start3A_294] : memref<32768x128xf32, #tpu.memory_space<hbm>> -> memref<32768x128xf32, #tpu.memory_space<hbm>>
        tpu.enqueue_indirect_dma source(%dma_start3A_295 : memref<32768x128xf32, #tpu.memory_space<hbm>>) target(%dma_start3A_291 : memref<128x128xf32, #tpu.memory_space<vmem>>) offsets(%dma_start3A_292 : memref<128xi32, #tpu.memory_space<vmem>>) semaphore(%arg7 : memref<!tpu.dma_semaphore, #tpu.memory_space<semaphore_mem>>)
      } else {
      }
      %mul3A_154 = arith.constant 4 : i32
      %mul3A_155 = arith.muli %mul3A_154, %scan3A_117 : i32
      %add3A_156 = arith.constant 1 : i32
      %add3A_157 = arith.addi %mul3A_155, %add3A_156 : i32
      %mul3A_158 = arith.constant 128 : i32
      %mul3A_159 = arith.muli %add3A_157, %mul3A_158 : i32
      %dma_wait3A_160 = arith.constant 1 : i32
      %dma_wait3A_161 = arith.constant 0 : i32
      %dma_wait3A_162 = arith.constant 0 : i32
      %dma_wait3A_163 = tpu.memref_slice %arg6[%dma_wait3A_160, %dma_wait3A_161, %dma_wait3A_162] : memref<4x128x128xf32, #tpu.memory_space<vmem>> -> memref<1x128x128xf32, #tpu.memory_space<vmem>>
      %dma_wait3A_164 = tpu.memref_squeeze %dma_wait3A_163 : memref<1x128x128xf32, #tpu.memory_space<vmem>> -> memref<128x128xf32, #tpu.memory_space<vmem>>
      %dma_wait3A_165 = tpu.memref_slice %arg5[%mul3A_159] : memref<8192xi32, #tpu.memory_space<vmem>> -> memref<128xi32, #tpu.memory_space<vmem>>
      %dma_wait3A_166 = arith.constant 0 : i32
      %dma_wait3A_167 = arith.constant 0 : i32
      %dma_wait3A_168 = tpu.memref_slice %arg2[%dma_wait3A_166, %dma_wait3A_167] : memref<32768x128xf32, #tpu.memory_space<hbm>> -> memref<32768x128xf32, #tpu.memory_space<hbm>>
      tpu.wait_indirect_dma semaphore(%arg8 : memref<!tpu.dma_semaphore, #tpu.memory_space<semaphore_mem>>) src(%dma_wait3A_168 : memref<32768x128xf32, #tpu.memory_space<hbm>>) dst(%dma_wait3A_164 : memref<128x128xf32, #tpu.memory_space<vmem>>)
      %add3A_169 = arith.addi %mul3A_2, %add3A_157 : i32
      %mul3A_170 = arith.constant 128 : i32
      %mul3A_171 = arith.muli %add3A_169, %mul3A_170 : i32
      %dma_start3A_172 = arith.constant 1 : i32
      %dma_start3A_173 = arith.constant 0 : i32
      %dma_start3A_174 = arith.constant 0 : i32
      %dma_start3A_175 = tpu.memref_slice %arg6[%dma_start3A_172, %dma_start3A_173, %dma_start3A_174] : memref<4x128x128xf32, #tpu.memory_space<vmem>> -> memref<1x128x128xf32, #tpu.memory_space<vmem>>
      %dma_start3A_176 = tpu.memref_squeeze %dma_start3A_175 : memref<1x128x128xf32, #tpu.memory_space<vmem>> -> memref<128x128xf32, #tpu.memory_space<vmem>>
      %dma_start3A_177 = arith.constant 0 : i32
      %dma_start3A_178 = tpu.memref_slice %arg4[%mul3A_171, %dma_start3A_177] : memref<262144x128xf32, #tpu.memory_space<hbm>> -> memref<128x128xf32, #tpu.memory_space<hbm>>
      %dma_start3A_179 = arith.constant 0 : i32
      %dma_start3A_180 = tpu.memref_slice %arg4[%mul3A_171, %dma_start3A_179] : memref<262144x128xf32, #tpu.memory_space<hbm>> -> memref<128x128xf32, #tpu.memory_space<hbm>>
      %dma_start3A_181 = arith.constant 0 : i32
      %dma_start3A_182 = arith.constant 0 : i32
      %dma_start3A_183 = tpu.memref_slice %arg6[%dma_start3A_172, %dma_start3A_181, %dma_start3A_182] : memref<4x128x128xf32, #tpu.memory_space<vmem>> -> memref<1x128x128xf32, #tpu.memory_space<vmem>>
      %dma_start3A_184 = tpu.memref_squeeze %dma_start3A_183 : memref<1x128x128xf32, #tpu.memory_space<vmem>> -> memref<128x128xf32, #tpu.memory_space<vmem>>
      tpu.enqueue_dma source(%dma_start3A_184 : memref<128x128xf32, #tpu.memory_space<vmem>>) target(%dma_start3A_180 : memref<128x128xf32, #tpu.memory_space<hbm>>) target_semaphore(%arg12 : memref<!tpu.dma_semaphore, #tpu.memory_space<semaphore_mem>>)
      %add3A_185 = arith.constant 4 : i32
      %add3A_186 = arith.addi %add3A_157, %add3A_185 : i32
      %lt3A_187 = arith.constant 64 : i32
      %lt3A_188 = arith.cmpi slt, %add3A_186, %lt3A_187 : i32
      %convert_element_type3A_189 = arith.extui %lt3A_188 : i1 to i32
      %cond3A_190 = arith.constant 0 : i32
      %cond3A_191 = arith.cmpi ne, %convert_element_type3A_189, %cond3A_190 : i32
      scf.if %cond3A_191 {
        %add3A_269 = arith.addi %mul3A_2, %add3A_157 : i32
        %mul3A_270 = arith.constant 128 : i32
        %mul3A_271 = arith.muli %add3A_269, %mul3A_270 : i32
        %dma_wait3A_272 = arith.constant 1 : i32
        %dma_wait3A_273 = arith.constant 0 : i32
        %dma_wait3A_274 = arith.constant 0 : i32
        %dma_wait3A_275 = tpu.memref_slice %arg6[%dma_wait3A_272, %dma_wait3A_273, %dma_wait3A_274] : memref<4x128x128xf32, #tpu.memory_space<vmem>> -> memref<1x128x128xf32, #tpu.memory_space<vmem>>
        %dma_wait3A_276 = tpu.memref_squeeze %dma_wait3A_275 : memref<1x128x128xf32, #tpu.memory_space<vmem>> -> memref<128x128xf32, #tpu.memory_space<vmem>>
        %dma_wait3A_277 = arith.constant 0 : i32
        %dma_wait3A_278 = tpu.memref_slice %arg4[%mul3A_271, %dma_wait3A_277] : memref<262144x128xf32, #tpu.memory_space<hbm>> -> memref<128x128xf32, #tpu.memory_space<hbm>>
        %dma_wait3A_279 = arith.constant 0 : i32
        %dma_wait3A_280 = tpu.memref_slice %arg4[%mul3A_271, %dma_wait3A_279] : memref<262144x128xf32, #tpu.memory_space<hbm>> -> memref<128x128xf32, #tpu.memory_space<hbm>>
        %dma_wait3A_281 = arith.constant 0 : i32
        %dma_wait3A_282 = arith.constant 0 : i32
        %dma_wait3A_283 = tpu.memref_slice %arg6[%dma_wait3A_272, %dma_wait3A_281, %dma_wait3A_282] : memref<4x128x128xf32, #tpu.memory_space<vmem>> -> memref<1x128x128xf32, #tpu.memory_space<vmem>>
        %dma_wait3A_284 = tpu.memref_squeeze %dma_wait3A_283 : memref<1x128x128xf32, #tpu.memory_space<vmem>> -> memref<128x128xf32, #tpu.memory_space<vmem>>
        tpu.wait_dma2 semaphore(%arg12 : memref<!tpu.dma_semaphore, #tpu.memory_space<semaphore_mem>>) src(%dma_wait3A_284 : memref<128x128xf32, #tpu.memory_space<vmem>>) dst(%dma_wait3A_280 : memref<128x128xf32, #tpu.memory_space<hbm>>)
        %mul3A_285 = arith.constant 128 : i32
        %mul3A_286 = arith.muli %add3A_186, %mul3A_285 : i32
        %dma_start3A_287 = arith.constant 1 : i32
        %dma_start3A_288 = arith.constant 0 : i32
        %dma_start3A_289 = arith.constant 0 : i32
        %dma_start3A_290 = tpu.memref_slice %arg6[%dma_start3A_287, %dma_start3A_288, %dma_start3A_289] : memref<4x128x128xf32, #tpu.memory_space<vmem>> -> memref<1x128x128xf32, #tpu.memory_space<vmem>>
        %dma_start3A_291 = tpu.memref_squeeze %dma_start3A_290 : memref<1x128x128xf32, #tpu.memory_space<vmem>> -> memref<128x128xf32, #tpu.memory_space<vmem>>
        %dma_start3A_292 = tpu.memref_slice %arg5[%mul3A_286] : memref<8192xi32, #tpu.memory_space<vmem>> -> memref<128xi32, #tpu.memory_space<vmem>>
        %dma_start3A_293 = arith.constant 0 : i32
        %dma_start3A_294 = arith.constant 0 : i32
        %dma_start3A_295 = tpu.memref_slice %arg2[%dma_start3A_293, %dma_start3A_294] : memref<32768x128xf32, #tpu.memory_space<hbm>> -> memref<32768x128xf32, #tpu.memory_space<hbm>>
        tpu.enqueue_indirect_dma source(%dma_start3A_295 : memref<32768x128xf32, #tpu.memory_space<hbm>>) target(%dma_start3A_291 : memref<128x128xf32, #tpu.memory_space<vmem>>) offsets(%dma_start3A_292 : memref<128xi32, #tpu.memory_space<vmem>>) semaphore(%arg8 : memref<!tpu.dma_semaphore, #tpu.memory_space<semaphore_mem>>)
      } else {
      }
      %mul3A_192 = arith.constant 4 : i32
      %mul3A_193 = arith.muli %mul3A_192, %scan3A_117 : i32
      %add3A_194 = arith.constant 2 : i32
      %add3A_195 = arith.addi %mul3A_193, %add3A_194 : i32
      %mul3A_196 = arith.constant 128 : i32
      %mul3A_197 = arith.muli %add3A_195, %mul3A_196 : i32
      %dma_wait3A_198 = arith.constant 2 : i32
      %dma_wait3A_199 = arith.constant 0 : i32
      %dma_wait3A_200 = arith.constant 0 : i32
      %dma_wait3A_201 = tpu.memref_slice %arg6[%dma_wait3A_198, %dma_wait3A_199, %dma_wait3A_200] : memref<4x128x128xf32, #tpu.memory_space<vmem>> -> memref<1x128x128xf32, #tpu.memory_space<vmem>>
      %dma_wait3A_202 = tpu.memref_squeeze %dma_wait3A_201 : memref<1x128x128xf32, #tpu.memory_space<vmem>> -> memref<128x128xf32, #tpu.memory_space<vmem>>
      %dma_wait3A_203 = tpu.memref_slice %arg5[%mul3A_197] : memref<8192xi32, #tpu.memory_space<vmem>> -> memref<128xi32, #tpu.memory_space<vmem>>
      %dma_wait3A_204 = arith.constant 0 : i32
      %dma_wait3A_205 = arith.constant 0 : i32
      %dma_wait3A_206 = tpu.memref_slice %arg2[%dma_wait3A_204, %dma_wait3A_205] : memref<32768x128xf32, #tpu.memory_space<hbm>> -> memref<32768x128xf32, #tpu.memory_space<hbm>>
      tpu.wait_indirect_dma semaphore(%arg9 : memref<!tpu.dma_semaphore, #tpu.memory_space<semaphore_mem>>) src(%dma_wait3A_206 : memref<32768x128xf32, #tpu.memory_space<hbm>>) dst(%dma_wait3A_202 : memref<128x128xf32, #tpu.memory_space<vmem>>)
      %add3A_207 = arith.addi %mul3A_2, %add3A_195 : i32
      %mul3A_208 = arith.constant 128 : i32
      %mul3A_209 = arith.muli %add3A_207, %mul3A_208 : i32
      %dma_start3A_210 = arith.constant 2 : i32
      %dma_start3A_211 = arith.constant 0 : i32
      %dma_start3A_212 = arith.constant 0 : i32
      %dma_start3A_213 = tpu.memref_slice %arg6[%dma_start3A_210, %dma_start3A_211, %dma_start3A_212] : memref<4x128x128xf32, #tpu.memory_space<vmem>> -> memref<1x128x128xf32, #tpu.memory_space<vmem>>
      %dma_start3A_214 = tpu.memref_squeeze %dma_start3A_213 : memref<1x128x128xf32, #tpu.memory_space<vmem>> -> memref<128x128xf32, #tpu.memory_space<vmem>>
      %dma_start3A_215 = arith.constant 0 : i32
      %dma_start3A_216 = tpu.memref_slice %arg4[%mul3A_209, %dma_start3A_215] : memref<262144x128xf32, #tpu.memory_space<hbm>> -> memref<128x128xf32, #tpu.memory_space<hbm>>
      %dma_start3A_217 = arith.constant 0 : i32
      %dma_start3A_218 = tpu.memref_slice %arg4[%mul3A_209, %dma_start3A_217] : memref<262144x128xf32, #tpu.memory_space<hbm>> -> memref<128x128xf32, #tpu.memory_space<hbm>>
      %dma_start3A_219 = arith.constant 0 : i32
      %dma_start3A_220 = arith.constant 0 : i32
      %dma_start3A_221 = tpu.memref_slice %arg6[%dma_start3A_210, %dma_start3A_219, %dma_start3A_220] : memref<4x128x128xf32, #tpu.memory_space<vmem>> -> memref<1x128x128xf32, #tpu.memory_space<vmem>>
      %dma_start3A_222 = tpu.memref_squeeze %dma_start3A_221 : memref<1x128x128xf32, #tpu.memory_space<vmem>> -> memref<128x128xf32, #tpu.memory_space<vmem>>
      tpu.enqueue_dma source(%dma_start3A_222 : memref<128x128xf32, #tpu.memory_space<vmem>>) target(%dma_start3A_218 : memref<128x128xf32, #tpu.memory_space<hbm>>) target_semaphore(%arg13 : memref<!tpu.dma_semaphore, #tpu.memory_space<semaphore_mem>>)
      %add3A_223 = arith.constant 4 : i32
      %add3A_224 = arith.addi %add3A_195, %add3A_223 : i32
      %lt3A_225 = arith.constant 64 : i32
      %lt3A_226 = arith.cmpi slt, %add3A_224, %lt3A_225 : i32
      %convert_element_type3A_227 = arith.extui %lt3A_226 : i1 to i32
      %cond3A_228 = arith.constant 0 : i32
      %cond3A_229 = arith.cmpi ne, %convert_element_type3A_227, %cond3A_228 : i32
      scf.if %cond3A_229 {
        %add3A_269 = arith.addi %mul3A_2, %add3A_195 : i32
        %mul3A_270 = arith.constant 128 : i32
        %mul3A_271 = arith.muli %add3A_269, %mul3A_270 : i32
        %dma_wait3A_272 = arith.constant 2 : i32
        %dma_wait3A_273 = arith.constant 0 : i32
        %dma_wait3A_274 = arith.constant 0 : i32
        %dma_wait3A_275 = tpu.memref_slice %arg6[%dma_wait3A_272, %dma_wait3A_273, %dma_wait3A_274] : memref<4x128x128xf32, #tpu.memory_space<vmem>> -> memref<1x128x128xf32, #tpu.memory_space<vmem>>
        %dma_wait3A_276 = tpu.memref_squeeze %dma_wait3A_275 : memref<1x128x128xf32, #tpu.memory_space<vmem>> -> memref<128x128xf32, #tpu.memory_space<vmem>>
        %dma_wait3A_277 = arith.constant 0 : i32
        %dma_wait3A_278 = tpu.memref_slice %arg4[%mul3A_271, %dma_wait3A_277] : memref<262144x128xf32, #tpu.memory_space<hbm>> -> memref<128x128xf32, #tpu.memory_space<hbm>>
        %dma_wait3A_279 = arith.constant 0 : i32
        %dma_wait3A_280 = tpu.memref_slice %arg4[%mul3A_271, %dma_wait3A_279] : memref<262144x128xf32, #tpu.memory_space<hbm>> -> memref<128x128xf32, #tpu.memory_space<hbm>>
        %dma_wait3A_281 = arith.constant 0 : i32
        %dma_wait3A_282 = arith.constant 0 : i32
        %dma_wait3A_283 = tpu.memref_slice %arg6[%dma_wait3A_272, %dma_wait3A_281, %dma_wait3A_282] : memref<4x128x128xf32, #tpu.memory_space<vmem>> -> memref<1x128x128xf32, #tpu.memory_space<vmem>>
        %dma_wait3A_284 = tpu.memref_squeeze %dma_wait3A_283 : memref<1x128x128xf32, #tpu.memory_space<vmem>> -> memref<128x128xf32, #tpu.memory_space<vmem>>
        tpu.wait_dma2 semaphore(%arg13 : memref<!tpu.dma_semaphore, #tpu.memory_space<semaphore_mem>>) src(%dma_wait3A_284 : memref<128x128xf32, #tpu.memory_space<vmem>>) dst(%dma_wait3A_280 : memref<128x128xf32, #tpu.memory_space<hbm>>)
        %mul3A_285 = arith.constant 128 : i32
        %mul3A_286 = arith.muli %add3A_224, %mul3A_285 : i32
        %dma_start3A_287 = arith.constant 2 : i32
        %dma_start3A_288 = arith.constant 0 : i32
        %dma_start3A_289 = arith.constant 0 : i32
        %dma_start3A_290 = tpu.memref_slice %arg6[%dma_start3A_287, %dma_start3A_288, %dma_start3A_289] : memref<4x128x128xf32, #tpu.memory_space<vmem>> -> memref<1x128x128xf32, #tpu.memory_space<vmem>>
        %dma_start3A_291 = tpu.memref_squeeze %dma_start3A_290 : memref<1x128x128xf32, #tpu.memory_space<vmem>> -> memref<128x128xf32, #tpu.memory_space<vmem>>
        %dma_start3A_292 = tpu.memref_slice %arg5[%mul3A_286] : memref<8192xi32, #tpu.memory_space<vmem>> -> memref<128xi32, #tpu.memory_space<vmem>>
        %dma_start3A_293 = arith.constant 0 : i32
        %dma_start3A_294 = arith.constant 0 : i32
        %dma_start3A_295 = tpu.memref_slice %arg2[%dma_start3A_293, %dma_start3A_294] : memref<32768x128xf32, #tpu.memory_space<hbm>> -> memref<32768x128xf32, #tpu.memory_space<hbm>>
        tpu.enqueue_indirect_dma source(%dma_start3A_295 : memref<32768x128xf32, #tpu.memory_space<hbm>>) target(%dma_start3A_291 : memref<128x128xf32, #tpu.memory_space<vmem>>) offsets(%dma_start3A_292 : memref<128xi32, #tpu.memory_space<vmem>>) semaphore(%arg9 : memref<!tpu.dma_semaphore, #tpu.memory_space<semaphore_mem>>)
      } else {
      }
      %mul3A_230 = arith.constant 4 : i32
      %mul3A_231 = arith.muli %mul3A_230, %scan3A_117 : i32
      %add3A_232 = arith.constant 3 : i32
      %add3A_233 = arith.addi %mul3A_231, %add3A_232 : i32
      %mul3A_234 = arith.constant 128 : i32
      %mul3A_235 = arith.muli %add3A_233, %mul3A_234 : i32
      %dma_wait3A_236 = arith.constant 3 : i32
      %dma_wait3A_237 = arith.constant 0 : i32
      %dma_wait3A_238 = arith.constant 0 : i32
      %dma_wait3A_239 = tpu.memref_slice %arg6[%dma_wait3A_236, %dma_wait3A_237, %dma_wait3A_238] : memref<4x128x128xf32, #tpu.memory_space<vmem>> -> memref<1x128x128xf32, #tpu.memory_space<vmem>>
      %dma_wait3A_240 = tpu.memref_squeeze %dma_wait3A_239 : memref<1x128x128xf32, #tpu.memory_space<vmem>> -> memref<128x128xf32, #tpu.memory_space<vmem>>
      %dma_wait3A_241 = tpu.memref_slice %arg5[%mul3A_235] : memref<8192xi32, #tpu.memory_space<vmem>> -> memref<128xi32, #tpu.memory_space<vmem>>
      %dma_wait3A_242 = arith.constant 0 : i32
      %dma_wait3A_243 = arith.constant 0 : i32
      %dma_wait3A_244 = tpu.memref_slice %arg2[%dma_wait3A_242, %dma_wait3A_243] : memref<32768x128xf32, #tpu.memory_space<hbm>> -> memref<32768x128xf32, #tpu.memory_space<hbm>>
      tpu.wait_indirect_dma semaphore(%arg10 : memref<!tpu.dma_semaphore, #tpu.memory_space<semaphore_mem>>) src(%dma_wait3A_244 : memref<32768x128xf32, #tpu.memory_space<hbm>>) dst(%dma_wait3A_240 : memref<128x128xf32, #tpu.memory_space<vmem>>)
      %add3A_245 = arith.addi %mul3A_2, %add3A_233 : i32
      %mul3A_246 = arith.constant 128 : i32
      %mul3A_247 = arith.muli %add3A_245, %mul3A_246 : i32
      %dma_start3A_248 = arith.constant 3 : i32
      %dma_start3A_249 = arith.constant 0 : i32
      %dma_start3A_250 = arith.constant 0 : i32
      %dma_start3A_251 = tpu.memref_slice %arg6[%dma_start3A_248, %dma_start3A_249, %dma_start3A_250] : memref<4x128x128xf32, #tpu.memory_space<vmem>> -> memref<1x128x128xf32, #tpu.memory_space<vmem>>
      %dma_start3A_252 = tpu.memref_squeeze %dma_start3A_251 : memref<1x128x128xf32, #tpu.memory_space<vmem>> -> memref<128x128xf32, #tpu.memory_space<vmem>>
      %dma_start3A_253 = arith.constant 0 : i32
      %dma_start3A_254 = tpu.memref_slice %arg4[%mul3A_247, %dma_start3A_253] : memref<262144x128xf32, #tpu.memory_space<hbm>> -> memref<128x128xf32, #tpu.memory_space<hbm>>
      %dma_start3A_255 = arith.constant 0 : i32
      %dma_start3A_256 = tpu.memref_slice %arg4[%mul3A_247, %dma_start3A_255] : memref<262144x128xf32, #tpu.memory_space<hbm>> -> memref<128x128xf32, #tpu.memory_space<hbm>>
      %dma_start3A_257 = arith.constant 0 : i32
      %dma_start3A_258 = arith.constant 0 : i32
      %dma_start3A_259 = tpu.memref_slice %arg6[%dma_start3A_248, %dma_start3A_257, %dma_start3A_258] : memref<4x128x128xf32, #tpu.memory_space<vmem>> -> memref<1x128x128xf32, #tpu.memory_space<vmem>>
      %dma_start3A_260 = tpu.memref_squeeze %dma_start3A_259 : memref<1x128x128xf32, #tpu.memory_space<vmem>> -> memref<128x128xf32, #tpu.memory_space<vmem>>
      tpu.enqueue_dma source(%dma_start3A_260 : memref<128x128xf32, #tpu.memory_space<vmem>>) target(%dma_start3A_256 : memref<128x128xf32, #tpu.memory_space<hbm>>) target_semaphore(%arg14 : memref<!tpu.dma_semaphore, #tpu.memory_space<semaphore_mem>>)
      %add3A_261 = arith.constant 4 : i32
      %add3A_262 = arith.addi %add3A_233, %add3A_261 : i32
      %lt3A_263 = arith.constant 64 : i32
      %lt3A_264 = arith.cmpi slt, %add3A_262, %lt3A_263 : i32
      %convert_element_type3A_265 = arith.extui %lt3A_264 : i1 to i32
      %cond3A_266 = arith.constant 0 : i32
      %cond3A_267 = arith.cmpi ne, %convert_element_type3A_265, %cond3A_266 : i32
      scf.if %cond3A_267 {
        %add3A_269 = arith.addi %mul3A_2, %add3A_233 : i32
        %mul3A_270 = arith.constant 128 : i32
        %mul3A_271 = arith.muli %add3A_269, %mul3A_270 : i32
        %dma_wait3A_272 = arith.constant 3 : i32
        %dma_wait3A_273 = arith.constant 0 : i32
        %dma_wait3A_274 = arith.constant 0 : i32
        %dma_wait3A_275 = tpu.memref_slice %arg6[%dma_wait3A_272, %dma_wait3A_273, %dma_wait3A_274] : memref<4x128x128xf32, #tpu.memory_space<vmem>> -> memref<1x128x128xf32, #tpu.memory_space<vmem>>
        %dma_wait3A_276 = tpu.memref_squeeze %dma_wait3A_275 : memref<1x128x128xf32, #tpu.memory_space<vmem>> -> memref<128x128xf32, #tpu.memory_space<vmem>>
        %dma_wait3A_277 = arith.constant 0 : i32
        %dma_wait3A_278 = tpu.memref_slice %arg4[%mul3A_271, %dma_wait3A_277] : memref<262144x128xf32, #tpu.memory_space<hbm>> -> memref<128x128xf32, #tpu.memory_space<hbm>>
        %dma_wait3A_279 = arith.constant 0 : i32
        %dma_wait3A_280 = tpu.memref_slice %arg4[%mul3A_271, %dma_wait3A_279] : memref<262144x128xf32, #tpu.memory_space<hbm>> -> memref<128x128xf32, #tpu.memory_space<hbm>>
        %dma_wait3A_281 = arith.constant 0 : i32
        %dma_wait3A_282 = arith.constant 0 : i32
        %dma_wait3A_283 = tpu.memref_slice %arg6[%dma_wait3A_272, %dma_wait3A_281, %dma_wait3A_282] : memref<4x128x128xf32, #tpu.memory_space<vmem>> -> memref<1x128x128xf32, #tpu.memory_space<vmem>>
        %dma_wait3A_284 = tpu.memref_squeeze %dma_wait3A_283 : memref<1x128x128xf32, #tpu.memory_space<vmem>> -> memref<128x128xf32, #tpu.memory_space<vmem>>
        tpu.wait_dma2 semaphore(%arg14 : memref<!tpu.dma_semaphore, #tpu.memory_space<semaphore_mem>>) src(%dma_wait3A_284 : memref<128x128xf32, #tpu.memory_space<vmem>>) dst(%dma_wait3A_280 : memref<128x128xf32, #tpu.memory_space<hbm>>)
        %mul3A_285 = arith.constant 128 : i32
        %mul3A_286 = arith.muli %add3A_262, %mul3A_285 : i32
        %dma_start3A_287 = arith.constant 3 : i32
        %dma_start3A_288 = arith.constant 0 : i32
        %dma_start3A_289 = arith.constant 0 : i32
        %dma_start3A_290 = tpu.memref_slice %arg6[%dma_start3A_287, %dma_start3A_288, %dma_start3A_289] : memref<4x128x128xf32, #tpu.memory_space<vmem>> -> memref<1x128x128xf32, #tpu.memory_space<vmem>>
        %dma_start3A_291 = tpu.memref_squeeze %dma_start3A_290 : memref<1x128x128xf32, #tpu.memory_space<vmem>> -> memref<128x128xf32, #tpu.memory_space<vmem>>
        %dma_start3A_292 = tpu.memref_slice %arg5[%mul3A_286] : memref<8192xi32, #tpu.memory_space<vmem>> -> memref<128xi32, #tpu.memory_space<vmem>>
        %dma_start3A_293 = arith.constant 0 : i32
        %dma_start3A_294 = arith.constant 0 : i32
        %dma_start3A_295 = tpu.memref_slice %arg2[%dma_start3A_293, %dma_start3A_294] : memref<32768x128xf32, #tpu.memory_space<hbm>> -> memref<32768x128xf32, #tpu.memory_space<hbm>>
        tpu.enqueue_indirect_dma source(%dma_start3A_295 : memref<32768x128xf32, #tpu.memory_space<hbm>>) target(%dma_start3A_291 : memref<128x128xf32, #tpu.memory_space<vmem>>) offsets(%dma_start3A_292 : memref<128xi32, #tpu.memory_space<vmem>>) semaphore(%arg10 : memref<!tpu.dma_semaphore, #tpu.memory_space<semaphore_mem>>)
      } else {
      }
      %scan3A_268 = arith.constant 0 : i32
      scf.yield %scan3A_268 : i32
    }
    %scan3A_49 = arith.constant 16 : i32
    %add3A_50 = arith.constant 60 : i32
    %add3A_51 = arith.addi %mul3A_2, %add3A_50 : i32
    %mul3A_52 = arith.constant 128 : i32
    %mul3A_53 = arith.muli %add3A_51, %mul3A_52 : i32
    %dma_wait3A = arith.constant 0 : i32
    %dma_wait3A_54 = arith.constant 0 : i32
    %dma_wait3A_55 = arith.constant 0 : i32
    %dma_wait3A_56 = tpu.memref_slice %arg6[%dma_wait3A, %dma_wait3A_54, %dma_wait3A_55] : memref<4x128x128xf32, #tpu.memory_space<vmem>> -> memref<1x128x128xf32, #tpu.memory_space<vmem>>
    %dma_wait3A_57 = tpu.memref_squeeze %dma_wait3A_56 : memref<1x128x128xf32, #tpu.memory_space<vmem>> -> memref<128x128xf32, #tpu.memory_space<vmem>>
    %dma_wait3A_58 = arith.constant 0 : i32
    %dma_wait3A_59 = tpu.memref_slice %arg4[%mul3A_53, %dma_wait3A_58] : memref<262144x128xf32, #tpu.memory_space<hbm>> -> memref<128x128xf32, #tpu.memory_space<hbm>>
    %dma_wait3A_60 = arith.constant 0 : i32
    %dma_wait3A_61 = tpu.memref_slice %arg4[%mul3A_53, %dma_wait3A_60] : memref<262144x128xf32, #tpu.memory_space<hbm>> -> memref<128x128xf32, #tpu.memory_space<hbm>>
    %dma_wait3A_62 = arith.constant 0 : i32
    %dma_wait3A_63 = arith.constant 0 : i32
    %dma_wait3A_64 = tpu.memref_slice %arg6[%dma_wait3A, %dma_wait3A_62, %dma_wait3A_63] : memref<4x128x128xf32, #tpu.memory_space<vmem>> -> memref<1x128x128xf32, #tpu.memory_space<vmem>>
    %dma_wait3A_65 = tpu.memref_squeeze %dma_wait3A_64 : memref<1x128x128xf32, #tpu.memory_space<vmem>> -> memref<128x128xf32, #tpu.memory_space<vmem>>
    tpu.wait_dma2 semaphore(%arg11 : memref<!tpu.dma_semaphore, #tpu.memory_space<semaphore_mem>>) src(%dma_wait3A_65 : memref<128x128xf32, #tpu.memory_space<vmem>>) dst(%dma_wait3A_61 : memref<128x128xf32, #tpu.memory_space<hbm>>)
    %add3A_66 = arith.constant 61 : i32
    %add3A_67 = arith.addi %mul3A_2, %add3A_66 : i32
    %mul3A_68 = arith.constant 128 : i32
    %mul3A_69 = arith.muli %add3A_67, %mul3A_68 : i32
    %dma_wait3A_70 = arith.constant 1 : i32
    %dma_wait3A_71 = arith.constant 0 : i32
    %dma_wait3A_72 = arith.constant 0 : i32
    %dma_wait3A_73 = tpu.memref_slice %arg6[%dma_wait3A_70, %dma_wait3A_71, %dma_wait3A_72] : memref<4x128x128xf32, #tpu.memory_space<vmem>> -> memref<1x128x128xf32, #tpu.memory_space<vmem>>
    %dma_wait3A_74 = tpu.memref_squeeze %dma_wait3A_73 : memref<1x128x128xf32, #tpu.memory_space<vmem>> -> memref<128x128xf32, #tpu.memory_space<vmem>>
    %dma_wait3A_75 = arith.constant 0 : i32
    %dma_wait3A_76 = tpu.memref_slice %arg4[%mul3A_69, %dma_wait3A_75] : memref<262144x128xf32, #tpu.memory_space<hbm>> -> memref<128x128xf32, #tpu.memory_space<hbm>>
    %dma_wait3A_77 = arith.constant 0 : i32
    %dma_wait3A_78 = tpu.memref_slice %arg4[%mul3A_69, %dma_wait3A_77] : memref<262144x128xf32, #tpu.memory_space<hbm>> -> memref<128x128xf32, #tpu.memory_space<hbm>>
    %dma_wait3A_79 = arith.constant 0 : i32
    %dma_wait3A_80 = arith.constant 0 : i32
    %dma_wait3A_81 = tpu.memref_slice %arg6[%dma_wait3A_70, %dma_wait3A_79, %dma_wait3A_80] : memref<4x128x128xf32, #tpu.memory_space<vmem>> -> memref<1x128x128xf32, #tpu.memory_space<vmem>>
    %dma_wait3A_82 = tpu.memref_squeeze %dma_wait3A_81 : memref<1x128x128xf32, #tpu.memory_space<vmem>> -> memref<128x128xf32, #tpu.memory_space<vmem>>
    tpu.wait_dma2 semaphore(%arg12 : memref<!tpu.dma_semaphore, #tpu.memory_space<semaphore_mem>>) src(%dma_wait3A_82 : memref<128x128xf32, #tpu.memory_space<vmem>>) dst(%dma_wait3A_78 : memref<128x128xf32, #tpu.memory_space<hbm>>)
    %add3A_83 = arith.constant 62 : i32
    %add3A_84 = arith.addi %mul3A_2, %add3A_83 : i32
    %mul3A_85 = arith.constant 128 : i32
    %mul3A_86 = arith.muli %add3A_84, %mul3A_85 : i32
    %dma_wait3A_87 = arith.constant 2 : i32
    %dma_wait3A_88 = arith.constant 0 : i32
    %dma_wait3A_89 = arith.constant 0 : i32
    %dma_wait3A_90 = tpu.memref_slice %arg6[%dma_wait3A_87, %dma_wait3A_88, %dma_wait3A_89] : memref<4x128x128xf32, #tpu.memory_space<vmem>> -> memref<1x128x128xf32, #tpu.memory_space<vmem>>
    %dma_wait3A_91 = tpu.memref_squeeze %dma_wait3A_90 : memref<1x128x128xf32, #tpu.memory_space<vmem>> -> memref<128x128xf32, #tpu.memory_space<vmem>>
    %dma_wait3A_92 = arith.constant 0 : i32
    %dma_wait3A_93 = tpu.memref_slice %arg4[%mul3A_86, %dma_wait3A_92] : memref<262144x128xf32, #tpu.memory_space<hbm>> -> memref<128x128xf32, #tpu.memory_space<hbm>>
    %dma_wait3A_94 = arith.constant 0 : i32
    %dma_wait3A_95 = tpu.memref_slice %arg4[%mul3A_86, %dma_wait3A_94] : memref<262144x128xf32, #tpu.memory_space<hbm>> -> memref<128x128xf32, #tpu.memory_space<hbm>>
    %dma_wait3A_96 = arith.constant 0 : i32
    %dma_wait3A_97 = arith.constant 0 : i32
    %dma_wait3A_98 = tpu.memref_slice %arg6[%dma_wait3A_87, %dma_wait3A_96, %dma_wait3A_97] : memref<4x128x128xf32, #tpu.memory_space<vmem>> -> memref<1x128x128xf32, #tpu.memory_space<vmem>>
    %dma_wait3A_99 = tpu.memref_squeeze %dma_wait3A_98 : memref<1x128x128xf32, #tpu.memory_space<vmem>> -> memref<128x128xf32, #tpu.memory_space<vmem>>
    tpu.wait_dma2 semaphore(%arg13 : memref<!tpu.dma_semaphore, #tpu.memory_space<semaphore_mem>>) src(%dma_wait3A_99 : memref<128x128xf32, #tpu.memory_space<vmem>>) dst(%dma_wait3A_95 : memref<128x128xf32, #tpu.memory_space<hbm>>)
    %add3A_100 = arith.constant 63 : i32
    %add3A_101 = arith.addi %mul3A_2, %add3A_100 : i32
    %mul3A_102 = arith.constant 128 : i32
    %mul3A_103 = arith.muli %add3A_101, %mul3A_102 : i32
    %dma_wait3A_104 = arith.constant 3 : i32
    %dma_wait3A_105 = arith.constant 0 : i32
    %dma_wait3A_106 = arith.constant 0 : i32
    %dma_wait3A_107 = tpu.memref_slice %arg6[%dma_wait3A_104, %dma_wait3A_105, %dma_wait3A_106] : memref<4x128x128xf32, #tpu.memory_space<vmem>> -> memref<1x128x128xf32, #tpu.memory_space<vmem>>
    %dma_wait3A_108 = tpu.memref_squeeze %dma_wait3A_107 : memref<1x128x128xf32, #tpu.memory_space<vmem>> -> memref<128x128xf32, #tpu.memory_space<vmem>>
    %dma_wait3A_109 = arith.constant 0 : i32
    %dma_wait3A_110 = tpu.memref_slice %arg4[%mul3A_103, %dma_wait3A_109] : memref<262144x128xf32, #tpu.memory_space<hbm>> -> memref<128x128xf32, #tpu.memory_space<hbm>>
    %dma_wait3A_111 = arith.constant 0 : i32
    %dma_wait3A_112 = tpu.memref_slice %arg4[%mul3A_103, %dma_wait3A_111] : memref<262144x128xf32, #tpu.memory_space<hbm>> -> memref<128x128xf32, #tpu.memory_space<hbm>>
    %dma_wait3A_113 = arith.constant 0 : i32
    %dma_wait3A_114 = arith.constant 0 : i32
    %dma_wait3A_115 = tpu.memref_slice %arg6[%dma_wait3A_104, %dma_wait3A_113, %dma_wait3A_114] : memref<4x128x128xf32, #tpu.memory_space<vmem>> -> memref<1x128x128xf32, #tpu.memory_space<vmem>>
    %dma_wait3A_116 = tpu.memref_squeeze %dma_wait3A_115 : memref<1x128x128xf32, #tpu.memory_space<vmem>> -> memref<128x128xf32, #tpu.memory_space<vmem>>
    tpu.wait_dma2 semaphore(%arg14 : memref<!tpu.dma_semaphore, #tpu.memory_space<semaphore_mem>>) src(%dma_wait3A_116 : memref<128x128xf32, #tpu.memory_space<vmem>>) dst(%dma_wait3A_112 : memref<128x128xf32, #tpu.memory_space<hbm>>)
    return
  }
}

module attributes {stable_mosaic.version = 14 : i64} {
  func.func @_fps_body(%arg0: memref<3x8x4096xf32, #tpu.memory_space<vmem>>, %arg1: memref<8x1xi32, #tpu.memory_space<vmem>>, %arg2: memref<3x8x1024xf32, #tpu.memory_space<vmem>>) attributes {dimension_semantics = [], scalar_prefetch = 0 : i64, scratch_operands = 0 : i64, tpu.core_type = #tpu.core_type<tc>} {
    %get3A = arith.constant 0 : index
    %get3A_0 = arith.constant 0 : index
    %get3A_1 = arith.constant 0 : index
    %get3A_2 = vector.load %arg0[%get3A, %get3A_0, %get3A_1] : memref<3x8x4096xf32, #tpu.memory_space<vmem>>, vector<1x8x4096xf32>
    %get3A_3 = vector.shape_cast %get3A_2 : vector<1x8x4096xf32> to vector<8x4096xf32>
    %get3A_4 = arith.constant 1 : index
    %get3A_5 = arith.constant 0 : index
    %get3A_6 = arith.constant 0 : index
    %get3A_7 = vector.load %arg0[%get3A_4, %get3A_5, %get3A_6] : memref<3x8x4096xf32, #tpu.memory_space<vmem>>, vector<1x8x4096xf32>
    %get3A_8 = vector.shape_cast %get3A_7 : vector<1x8x4096xf32> to vector<8x4096xf32>
    %get3A_9 = arith.constant 2 : index
    %get3A_10 = arith.constant 0 : index
    %get3A_11 = arith.constant 0 : index
    %get3A_12 = vector.load %arg0[%get3A_9, %get3A_10, %get3A_11] : memref<3x8x4096xf32, #tpu.memory_space<vmem>>, vector<1x8x4096xf32>
    %get3A_13 = vector.shape_cast %get3A_12 : vector<1x8x4096xf32> to vector<8x4096xf32>
    %iota3A = tpu.iota {dimensions = array<i32: 1>} : vector<8x4096xi32>
    %iota3A_14 = tpu.iota {dimensions = array<i32: 2>} : vector<3x8x1024xi32>
    %broadcast_in_dim3A = arith.constant 1.000000e+10 : f32
    %broadcast_in_dim3A_15 = vector.broadcast %broadcast_in_dim3A : f32 to vector<8x4096xf32>
    %get3A_16 = arith.constant 0 : index
    %get3A_17 = arith.constant 0 : index
    %get3A_18 = vector.load %arg1[%get3A_16, %get3A_17] : memref<8x1xi32, #tpu.memory_space<vmem>>, vector<8x1xi32>
    %scan3A = arith.constant 0 : i32
    %scan3A_19 = arith.constant 1024 : i32
    %scan3A_20 = arith.addi %scan3A, %scan3A_19 : i32
    %scan3A_21 = arith.constant 1 : i32
    %scan3A_22:2 = scf.for %scan3A_24 = %scan3A to %scan3A_20 step %scan3A_21 iter_args(%scan3A_25 = %broadcast_in_dim3A_15, %scan3A_26 = %get3A_18) -> (vector<8x4096xf32>, vector<8x1xi32>)  : i32 {
      %eq3A = vector.broadcast %scan3A_26 : vector<8x1xi32> to vector<8x4096xi32>
      %eq3A_27 = arith.cmpi eq, %iota3A, %eq3A : vector<8x4096xi32>
      %jit3A = arith.constant 0.000000e+00 : f32
      %broadcast_in_dim3A_28 = vector.broadcast %jit3A : f32 to vector<8x4096xf32>
      %select_n3A = arith.select %eq3A_27, %get3A_3, %broadcast_in_dim3A_28 : vector<8x4096xi1>, vector<8x4096xf32>
      %reduce_sum3A = arith.constant dense<0.000000e+00> : vector<8xf32>
      %reduce_sum3A_29 = vector.multi_reduction <add>, %select_n3A, %reduce_sum3A [1] : vector<8x4096xf32> to vector<8xf32>
      %broadcast_in_dim3A_30 = vector.shape_cast %reduce_sum3A_29 : vector<8xf32> to vector<8x1xf32>
      %jit3A_31 = arith.constant 0.000000e+00 : f32
      %broadcast_in_dim3A_32 = vector.broadcast %jit3A_31 : f32 to vector<8x4096xf32>
      %select_n3A_33 = arith.select %eq3A_27, %get3A_8, %broadcast_in_dim3A_32 : vector<8x4096xi1>, vector<8x4096xf32>
      %reduce_sum3A_34 = arith.constant dense<0.000000e+00> : vector<8xf32>
      %reduce_sum3A_35 = vector.multi_reduction <add>, %select_n3A_33, %reduce_sum3A_34 [1] : vector<8x4096xf32> to vector<8xf32>
      %broadcast_in_dim3A_36 = vector.shape_cast %reduce_sum3A_35 : vector<8xf32> to vector<8x1xf32>
      %jit3A_37 = arith.constant 0.000000e+00 : f32
      %broadcast_in_dim3A_38 = vector.broadcast %jit3A_37 : f32 to vector<8x4096xf32>
      %select_n3A_39 = arith.select %eq3A_27, %get3A_13, %broadcast_in_dim3A_38 : vector<8x4096xi1>, vector<8x4096xf32>
      %reduce_sum3A_40 = arith.constant dense<0.000000e+00> : vector<8xf32>
      %reduce_sum3A_41 = vector.multi_reduction <add>, %select_n3A_39, %reduce_sum3A_40 [1] : vector<8x4096xf32> to vector<8xf32>
      %broadcast_in_dim3A_42 = vector.shape_cast %reduce_sum3A_41 : vector<8xf32> to vector<8x1xf32>
      %broadcast_in_dim3A_43 = vector.shape_cast %broadcast_in_dim3A_30 : vector<8x1xf32> to vector<1x8x1xf32>
      %broadcast_in_dim3A_44 = vector.shape_cast %broadcast_in_dim3A_36 : vector<8x1xf32> to vector<1x8x1xf32>
      %broadcast_in_dim3A_45 = vector.shape_cast %broadcast_in_dim3A_42 : vector<8x1xf32> to vector<1x8x1xf32>
      %concatenate3A = tpu.concatenate %broadcast_in_dim3A_43, %broadcast_in_dim3A_44, %broadcast_in_dim3A_45 in 0 : vector<1x8x1xf32>, vector<1x8x1xf32>, vector<1x8x1xf32> -> vector<3x8x1xf32>
      %eq3A_46 = vector.broadcast %scan3A_24 : i32 to vector<3x8x1024xi32>
      %eq3A_47 = arith.cmpi eq, %iota3A_14, %eq3A_46 : vector<3x8x1024xi32>
      %broadcast_in_dim3A_48 = vector.shape_cast %concatenate3A : vector<3x8x1xf32> to vector<3x8x1xf32>
      %broadcast_in_dim3A_49 = vector.broadcast %broadcast_in_dim3A_48 : vector<3x8x1xf32> to vector<3x8x1024xf32>
      %get3A_50 = arith.constant 0 : index
      %get3A_51 = arith.constant 0 : index
      %get3A_52 = arith.constant 0 : index
      %get3A_53 = vector.load %arg2[%get3A_50, %get3A_51, %get3A_52] : memref<3x8x1024xf32, #tpu.memory_space<vmem>>, vector<3x8x1024xf32>
      %select_n3A_54 = arith.select %eq3A_47, %broadcast_in_dim3A_49, %get3A_53 : vector<3x8x1024xi1>, vector<3x8x1024xf32>
      %swap3A = arith.constant 0 : index
      %swap3A_55 = arith.constant 0 : index
      %swap3A_56 = arith.constant 0 : index
      %swap3A_57 = vector.load %arg2[%swap3A, %swap3A_55, %swap3A_56] : memref<3x8x1024xf32, #tpu.memory_space<vmem>>, vector<3x8x1024xf32>
      tpu.vector_store %arg2[%swap3A, %swap3A_55, %swap3A_56], %select_n3A_54 {strides = array<i32>} : memref<3x8x1024xf32, #tpu.memory_space<vmem>>, vector<3x8x1024xf32>,
      %sub3A = vector.broadcast %broadcast_in_dim3A_30 : vector<8x1xf32> to vector<8x4096xf32>
      %sub3A_58 = arith.subf %get3A_3, %sub3A : vector<8x4096xf32>
      %integer_pow3A = arith.mulf %sub3A_58, %sub3A_58 : vector<8x4096xf32>
      %sub3A_59 = vector.broadcast %broadcast_in_dim3A_36 : vector<8x1xf32> to vector<8x4096xf32>
      %sub3A_60 = arith.subf %get3A_8, %sub3A_59 : vector<8x4096xf32>
      %integer_pow3A_61 = arith.mulf %sub3A_60, %sub3A_60 : vector<8x4096xf32>
      %add3A = arith.addf %integer_pow3A, %integer_pow3A_61 : vector<8x4096xf32>
      %sub3A_62 = vector.broadcast %broadcast_in_dim3A_42 : vector<8x1xf32> to vector<8x4096xf32>
      %sub3A_63 = arith.subf %get3A_13, %sub3A_62 : vector<8x4096xf32>
      %integer_pow3A_64 = arith.mulf %sub3A_63, %sub3A_63 : vector<8x4096xf32>
      %add3A_65 = arith.addf %add3A, %integer_pow3A_64 : vector<8x4096xf32>
      %min3A = arith.minimumf %scan3A_25, %add3A_65 : vector<8x4096xf32>
      %reduce_max3A = arith.constant dense<0xFF800000> : vector<8xf32>
      %reduce_max3A_66 = vector.multi_reduction <maximumf>, %min3A, %reduce_max3A [1] : vector<8x4096xf32> to vector<8xf32>
      %broadcast_in_dim3A_67 = vector.shape_cast %reduce_max3A_66 : vector<8xf32> to vector<8x1xf32>
      %eq3A_68 = vector.broadcast %broadcast_in_dim3A_67 : vector<8x1xf32> to vector<8x4096xf32>
      %eq3A_69 = arith.cmpf oeq, %min3A, %eq3A_68 : vector<8x4096xf32>
      %jit3A_70 = arith.constant 4096 : i32
      %broadcast_in_dim3A_71 = vector.broadcast %jit3A_70 : i32 to vector<8x4096xi32>
      %select_n3A_72 = arith.select %eq3A_69, %iota3A, %broadcast_in_dim3A_71 : vector<8x4096xi1>, vector<8x4096xi32>
      %reduce_min3A = arith.constant dense<2147483647> : vector<8xi32>
      %reduce_min3A_73 = vector.multi_reduction <minsi>, %select_n3A_72, %reduce_min3A [1] : vector<8x4096xi32> to vector<8xi32>
      %broadcast_in_dim3A_74 = vector.shape_cast %reduce_min3A_73 : vector<8xi32> to vector<8x1xi32>
      scf.yield %min3A, %broadcast_in_dim3A_74 : vector<8x4096xf32>, vector<8x1xi32>
    }
    %scan3A_23 = arith.constant 1024 : i32
    return
  }
}

module attributes {stable_mosaic.version = 14 : i64} {
  func.func @_z_body(%arg0: i32, %arg1: memref<1x4096x3xf32, #tpu.memory_space<vmem>>, %arg2: memref<1x4096x64xf32, #tpu.memory_space<vmem>>, %arg3: memref<64x67xf32, #tpu.memory_space<vmem>>, %arg4: memref<1x4096x128xf32, #tpu.memory_space<vmem>>) attributes {dimension_semantics = [#tpu.dimension_semantics<arbitrary>], iteration_bounds = array<i64: 8>, scalar_prefetch = 0 : i64, scratch_operands = 0 : i64, tpu.core_type = #tpu.core_type<tc>, window_params = [{transform_indices = @transform_0, window_bounds = array<i64: 1, 4096, 3>}, {transform_indices = @transform_1, window_bounds = array<i64: 1, 4096, 64>}, {pipeline_mode = #tpu.pipeline_mode<synchronous>, transform_indices = @transform_2, window_bounds = array<i64: 64, 67>}, {transform_indices = @transform_3, window_bounds = array<i64: 1, 4096, 128>}]} {
    %get3A = arith.constant 0 : index
    %get3A_0 = arith.constant 0 : index
    %get3A_1 = vector.load %arg3[%get3A, %get3A_0] : memref<64x67xf32, #tpu.memory_space<vmem>>, vector<64x3xf32>
    %get3A_2 = arith.constant 0 : index
    %get3A_3 = arith.constant 3 : index
    %get3A_4 = vector.load %arg3[%get3A_2, %get3A_3] : memref<64x67xf32, #tpu.memory_space<vmem>>, vector<64x64xf32>
    %get3A_5 = arith.constant 0 : index
    %get3A_6 = arith.constant 0 : index
    %get3A_7 = arith.constant 0 : index
    %get3A_8 = vector.load %arg1[%get3A_5, %get3A_6, %get3A_7] : memref<1x4096x3xf32, #tpu.memory_space<vmem>>, vector<1x4096x3xf32>
    %get3A_9 = vector.shape_cast %get3A_8 : vector<1x4096x3xf32> to vector<4096x3xf32>
    %get3A_10 = arith.constant 0 : index
    %get3A_11 = arith.constant 0 : index
    %get3A_12 = arith.constant 0 : index
    %get3A_13 = vector.load %arg2[%get3A_10, %get3A_11, %get3A_12] : memref<1x4096x64xf32, #tpu.memory_space<vmem>>, vector<1x4096x64xf32>
    %get3A_14 = vector.shape_cast %get3A_13 : vector<1x4096x64xf32> to vector<4096x64xf32>
    %dot_general3A = arith.constant dense<0.000000e+00> : vector<4096x64xf32>
    %dot_general3A_15 = tpu.matmul %get3A_9, %get3A_1, %dot_general3A {dimension_numbers = #tpu.dot_dimension_numbers<[1], [1], [0], [0], [0, 0, 1, 0], [], []>, transpose_lhs_hint = false} : vector<4096x3xf32>, vector<64x3xf32>, vector<4096x64xf32> -> vector<4096x64xf32>
    %dot_general3A_16 = arith.constant dense<0.000000e+00> : vector<4096x64xf32>
    %dot_general3A_17 = tpu.matmul %get3A_14, %get3A_4, %dot_general3A_16 {dimension_numbers = #tpu.dot_dimension_numbers<[1], [1], [0], [0], [0, 0, 1, 0], [], []>, transpose_lhs_hint = false} : vector<4096x64xf32>, vector<64x64xf32>, vector<4096x64xf32> -> vector<4096x64xf32>
    %add3A = arith.addf %dot_general3A_15, %dot_general3A_17 : vector<4096x64xf32>
    %broadcast_in_dim3A = arith.constant 0.000000e+00 : f32
    %broadcast_in_dim3A_18 = vector.broadcast %broadcast_in_dim3A : f32 to vector<4096x64xf32>
    %concatenate3A = tpu.concatenate %add3A, %broadcast_in_dim3A_18 in 1 : vector<4096x64xf32>, vector<4096x64xf32> -> vector<4096x128xf32>
    %swap3A = arith.constant 0 : index
    %swap3A_19 = arith.constant 0 : index
    %swap3A_20 = arith.constant 0 : index
    %swap3A_21 = vector.load %arg4[%swap3A, %swap3A_19, %swap3A_20] : memref<1x4096x128xf32, #tpu.memory_space<vmem>>, vector<1x4096x128xf32>
    %swap3A_22 = vector.shape_cast %swap3A_21 : vector<1x4096x128xf32> to vector<4096x128xf32>
    %swap3A_23 = vector.shape_cast %concatenate3A : vector<4096x128xf32> to vector<1x4096x128xf32>
    tpu.vector_store %arg4[%swap3A, %swap3A_19, %swap3A_20], %swap3A_23 {strides = array<i32>} : memref<1x4096x128xf32, #tpu.memory_space<vmem>>, vector<1x4096x128xf32>,
    return
  }
  func.func @transform_0(%arg0: i32) -> (i32, i32, i32) {
    %c0_i32 = arith.constant 0 : i32
    %c0_i32_0 = arith.constant 0 : i32
    %c0_i32_1 = arith.constant 0 : i32
    return %arg0, %c0_i32, %c0_i32_0 : i32, i32, i32
  }
  func.func @transform_1(%arg0: i32) -> (i32, i32, i32) {
    %c0_i32 = arith.constant 0 : i32
    %c0_i32_0 = arith.constant 0 : i32
    %c0_i32_1 = arith.constant 0 : i32
    return %arg0, %c0_i32, %c0_i32_0 : i32, i32, i32
  }
  func.func @transform_2(%arg0: i32) -> (i32, i32) {
    %c0_i32 = arith.constant 0 : i32
    %c0_i32_0 = arith.constant 0 : i32
    %c0_i32_1 = arith.constant 0 : i32
    return %c0_i32, %c0_i32_0 : i32, i32
  }
  func.func @transform_3(%arg0: i32) -> (i32, i32, i32) {
    %c0_i32 = arith.constant 0 : i32
    %c0_i32_0 = arith.constant 0 : i32
    %c0_i32_1 = arith.constant 0 : i32
    return %arg0, %c0_i32, %c0_i32_0 : i32, i32, i32
  }
}

module attributes {stable_mosaic.version = 14 : i64} {
  func.func @_prep_body(%arg0: memref<8x128xf32, #tpu.memory_space<vmem>>, %arg1: memref<67x128xf32, #tpu.memory_space<vmem>>, %arg2: memref<1x67xf32, #tpu.memory_space<vmem>>, %arg3: memref<64x67xf32, #tpu.memory_space<vmem>>, %arg4: memref<1x64xf32, #tpu.memory_space<vmem>>, %arg5: memref<64x128xf32, #tpu.memory_space<vmem>>, %arg6: memref<1x64xf32, #tpu.memory_space<vmem>>, %arg7: memref<64x64xf32, #tpu.memory_space<vmem>>, %arg8: memref<1x64xf32, #tpu.memory_space<vmem>>, %arg9: memref<64x128xf32, #tpu.memory_space<vmem>>, %arg10: memref<1x64xf32, #tpu.memory_space<vmem>>, %arg11: memref<128x64xf32, #tpu.memory_space<vmem>>, %arg12: memref<1x128xf32, #tpu.memory_space<vmem>>, %arg13: memref<8x64xf32, #tpu.memory_space<vmem>>, %arg14: memref<8x64xf32, #tpu.memory_space<vmem>>, %arg15: memref<8x128xf32, #tpu.memory_space<vmem>>) attributes {dimension_semantics = [], scalar_prefetch = 0 : i64, scratch_operands = 0 : i64, tpu.core_type = #tpu.core_type<tc>} {
    %get3A = arith.constant 0 : index
    %get3A_0 = arith.constant 0 : index
    %get3A_1 = vector.load %arg0[%get3A, %get3A_0] : memref<8x128xf32, #tpu.memory_space<vmem>>, vector<8x128xf32>
    %mul3A = arith.constant 5.000000e-01 : f32
    %mul3A_2 = vector.broadcast %mul3A : f32 to vector<8x128xf32>
    %mul3A_3 = arith.mulf %get3A_1, %mul3A_2 : vector<8x128xf32>
    %mul3A_4 = arith.constant 0.707106769 : f32
    %mul3A_5 = vector.broadcast %mul3A_4 : f32 to vector<8x128xf32>
    %mul3A_6 = arith.mulf %get3A_1, %mul3A_5 : vector<8x128xf32>
    %erf3A = math.erf %mul3A_6 : vector<8x128xf32>
    %add3A = arith.constant 1.000000e+00 : f32
    %add3A_7 = vector.broadcast %add3A : f32 to vector<8x128xf32>
    %add3A_8 = arith.addf %add3A_7, %erf3A : vector<8x128xf32>
    %mul3A_9 = arith.mulf %mul3A_3, %add3A_8 : vector<8x128xf32>
    %get3A_10 = arith.constant 0 : index
    %get3A_11 = arith.constant 0 : index
    %get3A_12 = vector.load %arg1[%get3A_10, %get3A_11] : memref<67x128xf32, #tpu.memory_space<vmem>>, vector<67x128xf32>
    %dot_general3A = arith.constant dense<0.000000e+00> : vector<8x67xf32>
    %dot_general3A_13 = tpu.matmul %mul3A_9, %get3A_12, %dot_general3A {dimension_numbers = #tpu.dot_dimension_numbers<[1], [1], [0], [0], [0, 0, 1, 0], [], []>, transpose_lhs_hint = false} : vector<8x128xf32>, vector<67x128xf32>, vector<8x67xf32> -> vector<8x67xf32>
    %get3A_14 = arith.constant 0 : index
    %get3A_15 = arith.constant 0 : index
    %get3A_16 = vector.load %arg2[%get3A_14, %get3A_15] : memref<1x67xf32, #tpu.memory_space<vmem>>, vector<1x67xf32>
    %add3A_17 = vector.broadcast %get3A_16 : vector<1x67xf32> to vector<8x67xf32>
    %add3A_18 = arith.addf %dot_general3A_13, %add3A_17 : vector<8x67xf32>
    %get3A_19 = arith.constant 0 : index
    %get3A_20 = arith.constant 0 : index
    %get3A_21 = vector.load %arg3[%get3A_19, %get3A_20] : memref<64x67xf32, #tpu.memory_space<vmem>>, vector<64x67xf32>
    %dot_general3A_22 = arith.constant dense<0.000000e+00> : vector<8x64xf32>
    %dot_general3A_23 = tpu.matmul %add3A_18, %get3A_21, %dot_general3A_22 {dimension_numbers = #tpu.dot_dimension_numbers<[1], [1], [0], [0], [0, 0, 1, 0], [], []>, transpose_lhs_hint = false} : vector<8x67xf32>, vector<64x67xf32>, vector<8x64xf32> -> vector<8x64xf32>
    %get3A_24 = arith.constant 0 : index
    %get3A_25 = arith.constant 0 : index
    %get3A_26 = vector.load %arg4[%get3A_24, %get3A_25] : memref<1x64xf32, #tpu.memory_space<vmem>>, vector<1x64xf32>
    %add3A_27 = vector.broadcast %get3A_26 : vector<1x64xf32> to vector<8x64xf32>
    %add3A_28 = arith.addf %dot_general3A_23, %add3A_27 : vector<8x64xf32>
    %swap3A = arith.constant 0 : index
    %swap3A_29 = arith.constant 0 : index
    %swap3A_30 = vector.load %arg13[%swap3A, %swap3A_29] : memref<8x64xf32, #tpu.memory_space<vmem>>, vector<8x64xf32>
    tpu.vector_store %arg13[%swap3A, %swap3A_29], %add3A_28 {strides = array<i32>} : memref<8x64xf32, #tpu.memory_space<vmem>>, vector<8x64xf32>,
    %get3A_31 = arith.constant 0 : index
    %get3A_32 = arith.constant 0 : index
    %get3A_33 = vector.load %arg5[%get3A_31, %get3A_32] : memref<64x128xf32, #tpu.memory_space<vmem>>, vector<64x128xf32>
    %dot_general3A_34 = arith.constant dense<0.000000e+00> : vector<8x64xf32>
    %dot_general3A_35 = tpu.matmul %mul3A_9, %get3A_33, %dot_general3A_34 {dimension_numbers = #tpu.dot_dimension_numbers<[1], [1], [0], [0], [0, 0, 1, 0], [], []>, transpose_lhs_hint = false} : vector<8x128xf32>, vector<64x128xf32>, vector<8x64xf32> -> vector<8x64xf32>
    %get3A_36 = arith.constant 0 : index
    %get3A_37 = arith.constant 0 : index
    %get3A_38 = vector.load %arg6[%get3A_36, %get3A_37] : memref<1x64xf32, #tpu.memory_space<vmem>>, vector<1x64xf32>
    %add3A_39 = vector.broadcast %get3A_38 : vector<1x64xf32> to vector<8x64xf32>
    %add3A_40 = arith.addf %dot_general3A_35, %add3A_39 : vector<8x64xf32>
    %get3A_41 = arith.constant 0 : index
    %get3A_42 = arith.constant 0 : index
    %get3A_43 = vector.load %arg7[%get3A_41, %get3A_42] : memref<64x64xf32, #tpu.memory_space<vmem>>, vector<64x64xf32>
    %dot_general3A_44 = arith.constant dense<0.000000e+00> : vector<8x64xf32>
    %dot_general3A_45 = tpu.matmul %add3A_40, %get3A_43, %dot_general3A_44 {dimension_numbers = #tpu.dot_dimension_numbers<[1], [1], [0], [0], [0, 0, 1, 0], [], []>, transpose_lhs_hint = false} : vector<8x64xf32>, vector<64x64xf32>, vector<8x64xf32> -> vector<8x64xf32>
    %get3A_46 = arith.constant 0 : index
    %get3A_47 = arith.constant 0 : index
    %get3A_48 = vector.load %arg8[%get3A_46, %get3A_47] : memref<1x64xf32, #tpu.memory_space<vmem>>, vector<1x64xf32>
    %add3A_49 = vector.broadcast %get3A_48 : vector<1x64xf32> to vector<8x64xf32>
    %add3A_50 = arith.addf %dot_general3A_45, %add3A_49 : vector<8x64xf32>
    %swap3A_51 = arith.constant 0 : index
    %swap3A_52 = arith.constant 0 : index
    %swap3A_53 = vector.load %arg14[%swap3A_51, %swap3A_52] : memref<8x64xf32, #tpu.memory_space<vmem>>, vector<8x64xf32>
    tpu.vector_store %arg14[%swap3A_51, %swap3A_52], %add3A_50 {strides = array<i32>} : memref<8x64xf32, #tpu.memory_space<vmem>>, vector<8x64xf32>,
    %get3A_54 = arith.constant 0 : index
    %get3A_55 = arith.constant 0 : index
    %get3A_56 = vector.load %arg9[%get3A_54, %get3A_55] : memref<64x128xf32, #tpu.memory_space<vmem>>, vector<64x128xf32>
    %dot_general3A_57 = arith.constant dense<0.000000e+00> : vector<8x64xf32>
    %dot_general3A_58 = tpu.matmul %mul3A_9, %get3A_56, %dot_general3A_57 {dimension_numbers = #tpu.dot_dimension_numbers<[1], [1], [0], [0], [0, 0, 1, 0], [], []>, transpose_lhs_hint = false} : vector<8x128xf32>, vector<64x128xf32>, vector<8x64xf32> -> vector<8x64xf32>
    %get3A_59 = arith.constant 0 : index
    %get3A_60 = arith.constant 0 : index
    %get3A_61 = vector.load %arg10[%get3A_59, %get3A_60] : memref<1x64xf32, #tpu.memory_space<vmem>>, vector<1x64xf32>
    %add3A_62 = vector.broadcast %get3A_61 : vector<1x64xf32> to vector<8x64xf32>
    %add3A_63 = arith.addf %dot_general3A_58, %add3A_62 : vector<8x64xf32>
    %get3A_64 = arith.constant 0 : index
    %get3A_65 = arith.constant 0 : index
    %get3A_66 = vector.load %arg11[%get3A_64, %get3A_65] : memref<128x64xf32, #tpu.memory_space<vmem>>, vector<128x64xf32>
    %dot_general3A_67 = arith.constant dense<0.000000e+00> : vector<8x128xf32>
    %dot_general3A_68 = tpu.matmul %add3A_63, %get3A_66, %dot_general3A_67 {dimension_numbers = #tpu.dot_dimension_numbers<[1], [1], [0], [0], [0, 0, 1, 0], [], []>, transpose_lhs_hint = false} : vector<8x64xf32>, vector<128x64xf32>, vector<8x128xf32> -> vector<8x128xf32>
    %get3A_69 = arith.constant 0 : index
    %get3A_70 = arith.constant 0 : index
    %get3A_71 = vector.load %arg12[%get3A_69, %get3A_70] : memref<1x128xf32, #tpu.memory_space<vmem>>, vector<1x128xf32>
    %add3A_72 = vector.broadcast %get3A_71 : vector<1x128xf32> to vector<8x128xf32>
    %add3A_73 = arith.addf %dot_general3A_68, %add3A_72 : vector<8x128xf32>
    %swap3A_74 = arith.constant 0 : index
    %swap3A_75 = arith.constant 0 : index
    %swap3A_76 = vector.load %arg15[%swap3A_74, %swap3A_75] : memref<8x128xf32, #tpu.memory_space<vmem>>, vector<8x128xf32>
    tpu.vector_store %arg15[%swap3A_74, %swap3A_75], %add3A_73 {strides = array<i32>} : memref<8x128xf32, #tpu.memory_space<vmem>>, vector<8x128xf32>,
    return
  }
}

module attributes {stable_mosaic.version = 14 : i64} {
  func.func @_stats0_body(%arg0: i32, %arg1: i32, %arg2: memref<4096x128xf32, #tpu.memory_space<vmem>>, %arg3: memref<1x128x3xf32, #tpu.memory_space<vmem>>, %arg4: memref<64x67xf32, #tpu.memory_space<vmem>>, %arg5: memref<1x1x64xf32, #tpu.memory_space<vmem>>, %arg6: memref<2x64xf32, #tpu.memory_space<vmem>>) attributes {dimension_semantics = [#tpu.dimension_semantics<arbitrary>, #tpu.dimension_semantics<arbitrary>], iteration_bounds = array<i64: 8, 8>, scalar_prefetch = 0 : i64, scratch_operands = 0 : i64, tpu.core_type = #tpu.core_type<tc>, window_params = [{transform_indices = @transform_0, window_bounds = array<i64: 4096, 128>}, {transform_indices = @transform_1, window_bounds = array<i64: 1, 128, 3>}, {pipeline_mode = #tpu.pipeline_mode<synchronous>, transform_indices = @transform_2, window_bounds = array<i64: 64, 67>}, {transform_indices = @transform_3, window_bounds = array<i64: 1, 1, 64>}, {pipeline_mode = #tpu.pipeline_mode<synchronous>, transform_indices = @transform_4, window_bounds = array<i64: 2, 64>}]} {
    %get3A = arith.constant 0 : index
    %get3A_0 = arith.constant 0 : index
    %get3A_1 = vector.load %arg2[%get3A, %get3A_0] : memref<4096x128xf32, #tpu.memory_space<vmem>>, vector<4096x128xf32>
    %slice3A = vector.extract_strided_slice %get3A_1 {offsets = [0, 0], sizes = [4096, 64], strides = [1, 1]} : vector<4096x128xf32> to vector<4096x64xf32>
    %get3A_2 = arith.constant 0 : index
    %get3A_3 = arith.constant 0 : index
    %get3A_4 = arith.constant 0 : index
    %get3A_5 = vector.load %arg3[%get3A_2, %get3A_3, %get3A_4] : memref<1x128x3xf32, #tpu.memory_space<vmem>>, vector<1x128x3xf32>
    %get3A_6 = vector.shape_cast %get3A_5 : vector<1x128x3xf32> to vector<128x3xf32>
    %get3A_7 = arith.constant 0 : index
    %get3A_8 = arith.constant 0 : index
    %get3A_9 = vector.load %arg4[%get3A_7, %get3A_8] : memref<64x67xf32, #tpu.memory_space<vmem>>, vector<64x3xf32>
    %get3A_10 = arith.constant 0 : index
    %get3A_11 = arith.constant 0 : index
    %get3A_12 = arith.constant 0 : index
    %get3A_13 = vector.load %arg5[%get3A_10, %get3A_11, %get3A_12] : memref<1x1x64xf32, #tpu.memory_space<vmem>>, vector<1x1x64xf32>
    %get3A_14 = vector.shape_cast %get3A_13 : vector<1x1x64xf32> to vector<1x64xf32>
    %dot_general3A = arith.constant dense<0.000000e+00> : vector<128x64xf32>
    %dot_general3A_15 = tpu.matmul %get3A_6, %get3A_9, %dot_general3A {dimension_numbers = #tpu.dot_dimension_numbers<[1], [1], [0], [0], [0, 0, 1, 0], [], []>, transpose_lhs_hint = false} : vector<128x3xf32>, vector<64x3xf32>, vector<128x64xf32> -> vector<128x64xf32>
    %sub3A = vector.broadcast %get3A_14 : vector<1x64xf32> to vector<128x64xf32>
    %sub3A_16 = arith.subf %sub3A, %dot_general3A_15 : vector<128x64xf32>
    %broadcast_in_dim3A = vector.shape_cast %sub3A_16 : vector<128x64xf32> to vector<128x1x64xf32>
    %broadcast_in_dim3A_17 = vector.shape_cast %broadcast_in_dim3A : vector<128x1x64xf32> to vector<128x1x64xf32>
    %broadcast_in_dim3A_18 = vector.broadcast %broadcast_in_dim3A_17 : vector<128x1x64xf32> to vector<128x32x64xf32>
    %reshape3A = vector.shape_cast %broadcast_in_dim3A_18 : vector<128x32x64xf32> to vector<4096x64xf32>
    %add3A = arith.addf %slice3A, %reshape3A : vector<4096x64xf32>
    %eq3A = arith.constant 0 : i32
    %eq3A_19 = arith.cmpi eq, %arg0, %eq3A : i32
    %eq3A_20 = arith.constant 0 : i32
    %eq3A_21 = arith.cmpi eq, %arg1, %eq3A_20 : i32
    %and3A = arith.andi %eq3A_19, %eq3A_21 : i1
    %convert_element_type3A = arith.extui %and3A : i1 to i32
    %cond3A = arith.constant 0 : i32
    %cond3A_22 = arith.cmpi ne, %convert_element_type3A, %cond3A : i32
    scf.if %cond3A_22 {
      %broadcast_in_dim3A_34 = arith.constant 0.000000e+00 : f32
      %broadcast_in_dim3A_35 = vector.broadcast %broadcast_in_dim3A_34 : f32 to vector<2x64xf32>
      %swap3A_36 = arith.constant 0 : index
      %swap3A_37 = arith.constant 0 : index
      %swap3A_38 = vector.load %arg6[%swap3A_36, %swap3A_37] : memref<2x64xf32, #tpu.memory_space<vmem>>, vector<2x64xf32>
      tpu.vector_store %arg6[%swap3A_36, %swap3A_37], %broadcast_in_dim3A_35 {strides = array<i32>} : memref<2x64xf32, #tpu.memory_space<vmem>>, vector<2x64xf32>,
    } else {
    }
    %reduce_sum3A = arith.constant dense<0.000000e+00> : vector<64xf32>
    %reduce_sum3A_23 = vector.multi_reduction <add>, %add3A, %reduce_sum3A [0] : vector<4096x64xf32> to vector<64xf32>
    %broadcast_in_dim3A_24 = vector.shape_cast %reduce_sum3A_23 : vector<64xf32> to vector<1x64xf32>
    %mul3A = arith.mulf %add3A, %add3A : vector<4096x64xf32>
    %reduce_sum3A_25 = arith.constant dense<0.000000e+00> : vector<64xf32>
    %reduce_sum3A_26 = vector.multi_reduction <add>, %mul3A, %reduce_sum3A_25 [0] : vector<4096x64xf32> to vector<64xf32>
    %broadcast_in_dim3A_27 = vector.shape_cast %reduce_sum3A_26 : vector<64xf32> to vector<1x64xf32>
    %get3A_28 = arith.constant 0 : index
    %get3A_29 = arith.constant 0 : index
    %get3A_30 = vector.load %arg6[%get3A_28, %get3A_29] : memref<2x64xf32, #tpu.memory_space<vmem>>, vector<2x64xf32>
    %concatenate3A = tpu.concatenate %broadcast_in_dim3A_24, %broadcast_in_dim3A_27 in 0 : vector<1x64xf32>, vector<1x64xf32> -> vector<2x64xf32>
    %add3A_31 = arith.addf %get3A_30, %concatenate3A : vector<2x64xf32>
    %swap3A = arith.constant 0 : index
    %swap3A_32 = arith.constant 0 : index
    %swap3A_33 = vector.load %arg6[%swap3A, %swap3A_32] : memref<2x64xf32, #tpu.memory_space<vmem>>, vector<2x64xf32>
    tpu.vector_store %arg6[%swap3A, %swap3A_32], %add3A_31 {strides = array<i32>} : memref<2x64xf32, #tpu.memory_space<vmem>>, vector<2x64xf32>,
    return
  }
  func.func @transform_0(%arg0: i32, %arg1: i32) -> (i32, i32) {
    %mul3A = arith.constant 8 : i32
    %mul3A_0 = arith.muli %arg0, %mul3A : i32
    %add3A = arith.addi %mul3A_0, %arg1 : i32
    %c0_i32 = arith.constant 0 : i32
    %c0_i32_1 = arith.constant 0 : i32
    return %add3A, %c0_i32 : i32, i32
  }
  func.func @transform_1(%arg0: i32, %arg1: i32) -> (i32, i32, i32) {
    %c0_i32 = arith.constant 0 : i32
    %c0_i32_0 = arith.constant 0 : i32
    return %arg0, %arg1, %c0_i32 : i32, i32, i32
  }
  func.func @transform_2(%arg0: i32, %arg1: i32) -> (i32, i32) {
    %c0_i32 = arith.constant 0 : i32
    %c0_i32_0 = arith.constant 0 : i32
    %c0_i32_1 = arith.constant 0 : i32
    return %c0_i32, %c0_i32_0 : i32, i32
  }
  func.func @transform_3(%arg0: i32, %arg1: i32) -> (i32, i32, i32) {
    %c0_i32 = arith.constant 0 : i32
    %c0_i32_0 = arith.constant 0 : i32
    %c0_i32_1 = arith.constant 0 : i32
    return %arg0, %c0_i32, %c0_i32_0 : i32, i32, i32
  }
  func.func @transform_4(%arg0: i32, %arg1: i32) -> (i32, i32) {
    %c0_i32 = arith.constant 0 : i32
    %c0_i32_0 = arith.constant 0 : i32
    %c0_i32_1 = arith.constant 0 : i32
    return %c0_i32, %c0_i32_0 : i32, i32
  }
}

module attributes {stable_mosaic.version = 14 : i64} {
  func.func @_l1_body(%arg0: i32, %arg1: i32, %arg2: memref<4096x128xf32, #tpu.memory_space<vmem>>, %arg3: memref<1x128x3xf32, #tpu.memory_space<vmem>>, %arg4: memref<64x67xf32, #tpu.memory_space<vmem>>, %arg5: memref<1x1x64xf32, #tpu.memory_space<vmem>>, %arg6: memref<1x64xf32, #tpu.memory_space<vmem>>, %arg7: memref<1x64xf32, #tpu.memory_space<vmem>>, %arg8: memref<64x64xf32, #tpu.memory_space<vmem>>, %arg9: memref<1x1x64xf32, #tpu.memory_space<vmem>>, %arg10: memref<4096x64xf32, #tpu.memory_space<vmem>>, %arg11: memref<2x64xf32, #tpu.memory_space<vmem>>) attributes {dimension_semantics = [#tpu.dimension_semantics<arbitrary>, #tpu.dimension_semantics<arbitrary>], iteration_bounds = array<i64: 8, 8>, scalar_prefetch = 0 : i64, scratch_operands = 0 : i64, tpu.core_type = #tpu.core_type<tc>, window_params = [{transform_indices = @transform_0, window_bounds = array<i64: 4096, 128>}, {transform_indices = @transform_1, window_bounds = array<i64: 1, 128, 3>}, {pipeline_mode = #tpu.pipeline_mode<synchronous>, transform_indices = @transform_2, window_bounds = array<i64: 64, 67>}, {transform_indices = @transform_3, window_bounds = array<i64: 1, 1, 64>}, {pipeline_mode = #tpu.pipeline_mode<synchronous>, transform_indices = @transform_4, window_bounds = array<i64: 1, 64>}, {pipeline_mode = #tpu.pipeline_mode<synchronous>, transform_indices = @transform_5, window_bounds = array<i64: 1, 64>}, {pipeline_mode = #tpu.pipeline_mode<synchronous>, transform_indices = @transform_6, window_bounds = array<i64: 64, 64>}, {transform_indices = @transform_7, window_bounds = array<i64: 1, 1, 64>}, {transform_indices = @transform_8, window_bounds = array<i64: 4096, 64>}, {pipeline_mode = #tpu.pipeline_mode<synchronous>, transform_indices = @transform_9, window_bounds = array<i64: 2, 64>}]} {
    %get3A = arith.constant 0 : index
    %get3A_0 = arith.constant 0 : index
    %get3A_1 = vector.load %arg2[%get3A, %get3A_0] : memref<4096x128xf32, #tpu.memory_space<vmem>>, vector<4096x128xf32>
    %slice3A = vector.extract_strided_slice %get3A_1 {offsets = [0, 0], sizes = [4096, 64], strides = [1, 1]} : vector<4096x128xf32> to vector<4096x64xf32>
    %get3A_2 = arith.constant 0 : index
    %get3A_3 = arith.constant 0 : index
    %get3A_4 = arith.constant 0 : index
    %get3A_5 = vector.load %arg3[%get3A_2, %get3A_3, %get3A_4] : memref<1x128x3xf32, #tpu.memory_space<vmem>>, vector<1x128x3xf32>
    %get3A_6 = vector.shape_cast %get3A_5 : vector<1x128x3xf32> to vector<128x3xf32>
    %get3A_7 = arith.constant 0 : index
    %get3A_8 = arith.constant 0 : index
    %get3A_9 = vector.load %arg4[%get3A_7, %get3A_8] : memref<64x67xf32, #tpu.memory_space<vmem>>, vector<64x3xf32>
    %get3A_10 = arith.constant 0 : index
    %get3A_11 = arith.constant 0 : index
    %get3A_12 = arith.constant 0 : index
    %get3A_13 = vector.load %arg5[%get3A_10, %get3A_11, %get3A_12] : memref<1x1x64xf32, #tpu.memory_space<vmem>>, vector<1x1x64xf32>
    %get3A_14 = vector.shape_cast %get3A_13 : vector<1x1x64xf32> to vector<1x64xf32>
    %dot_general3A = arith.constant dense<0.000000e+00> : vector<128x64xf32>
    %dot_general3A_15 = tpu.matmul %get3A_6, %get3A_9, %dot_general3A {dimension_numbers = #tpu.dot_dimension_numbers<[1], [1], [0], [0], [0, 0, 1, 0], [], []>, transpose_lhs_hint = false} : vector<128x3xf32>, vector<64x3xf32>, vector<128x64xf32> -> vector<128x64xf32>
    %sub3A = vector.broadcast %get3A_14 : vector<1x64xf32> to vector<128x64xf32>
    %sub3A_16 = arith.subf %sub3A, %dot_general3A_15 : vector<128x64xf32>
    %broadcast_in_dim3A = vector.shape_cast %sub3A_16 : vector<128x64xf32> to vector<128x1x64xf32>
    %broadcast_in_dim3A_17 = vector.shape_cast %broadcast_in_dim3A : vector<128x1x64xf32> to vector<128x1x64xf32>
    %broadcast_in_dim3A_18 = vector.broadcast %broadcast_in_dim3A_17 : vector<128x1x64xf32> to vector<128x32x64xf32>
    %reshape3A = vector.shape_cast %broadcast_in_dim3A_18 : vector<128x32x64xf32> to vector<4096x64xf32>
    %add3A = arith.addf %slice3A, %reshape3A : vector<4096x64xf32>
    %get3A_19 = arith.constant 0 : index
    %get3A_20 = arith.constant 0 : index
    %get3A_21 = vector.load %arg6[%get3A_19, %get3A_20] : memref<1x64xf32, #tpu.memory_space<vmem>>, vector<1x64xf32>
    %mul3A = vector.broadcast %get3A_21 : vector<1x64xf32> to vector<4096x64xf32>
    %mul3A_22 = arith.mulf %add3A, %mul3A : vector<4096x64xf32>
    %get3A_23 = arith.constant 0 : index
    %get3A_24 = arith.constant 0 : index
    %get3A_25 = vector.load %arg7[%get3A_23, %get3A_24] : memref<1x64xf32, #tpu.memory_space<vmem>>, vector<1x64xf32>
    %add3A_26 = vector.broadcast %get3A_25 : vector<1x64xf32> to vector<4096x64xf32>
    %add3A_27 = arith.addf %mul3A_22, %add3A_26 : vector<4096x64xf32>
    %mul3A_28 = arith.constant 5.000000e-01 : f32
    %mul3A_29 = vector.broadcast %mul3A_28 : f32 to vector<4096x64xf32>
    %mul3A_30 = arith.mulf %add3A_27, %mul3A_29 : vector<4096x64xf32>
    %mul3A_31 = arith.constant 0.707106769 : f32
    %mul3A_32 = vector.broadcast %mul3A_31 : f32 to vector<4096x64xf32>
    %mul3A_33 = arith.mulf %add3A_27, %mul3A_32 : vector<4096x64xf32>
    %erf3A = math.erf %mul3A_33 : vector<4096x64xf32>
    %add3A_34 = arith.constant 1.000000e+00 : f32
    %add3A_35 = vector.broadcast %add3A_34 : f32 to vector<4096x64xf32>
    %add3A_36 = arith.addf %add3A_35, %erf3A : vector<4096x64xf32>
    %mul3A_37 = arith.mulf %mul3A_30, %add3A_36 : vector<4096x64xf32>
    %get3A_38 = arith.constant 0 : index
    %get3A_39 = arith.constant 0 : index
    %get3A_40 = vector.load %arg8[%get3A_38, %get3A_39] : memref<64x64xf32, #tpu.memory_space<vmem>>, vector<64x64xf32>
    %dot_general3A_41 = arith.constant dense<0.000000e+00> : vector<4096x64xf32>
    %dot_general3A_42 = tpu.matmul %mul3A_37, %get3A_40, %dot_general3A_41 {dimension_numbers = #tpu.dot_dimension_numbers<[1], [1], [0], [0], [0, 0, 1, 0], [], []>, transpose_lhs_hint = false} : vector<4096x64xf32>, vector<64x64xf32>, vector<4096x64xf32> -> vector<4096x64xf32>
    %get3A_43 = arith.constant 0 : index
    %get3A_44 = arith.constant 0 : index
    %get3A_45 = arith.constant 0 : index
    %get3A_46 = vector.load %arg9[%get3A_43, %get3A_44, %get3A_45] : memref<1x1x64xf32, #tpu.memory_space<vmem>>, vector<1x1x64xf32>
    %get3A_47 = vector.shape_cast %get3A_46 : vector<1x1x64xf32> to vector<1x64xf32>
    %add3A_48 = vector.broadcast %get3A_47 : vector<1x64xf32> to vector<4096x64xf32>
    %add3A_49 = arith.addf %dot_general3A_42, %add3A_48 : vector<4096x64xf32>
    %swap3A = arith.constant 0 : index
    %swap3A_50 = arith.constant 0 : index
    %swap3A_51 = vector.load %arg10[%swap3A, %swap3A_50] : memref<4096x64xf32, #tpu.memory_space<vmem>>, vector<4096x64xf32>
    tpu.vector_store %arg10[%swap3A, %swap3A_50], %add3A_49 {strides = array<i32>} : memref<4096x64xf32, #tpu.memory_space<vmem>>, vector<4096x64xf32>,
    %eq3A = arith.constant 0 : i32
    %eq3A_52 = arith.cmpi eq, %arg0, %eq3A : i32
    %eq3A_53 = arith.constant 0 : i32
    %eq3A_54 = arith.cmpi eq, %arg1, %eq3A_53 : i32
    %and3A = arith.andi %eq3A_52, %eq3A_54 : i1
    %convert_element_type3A = arith.extui %and3A : i1 to i32
    %cond3A = arith.constant 0 : i32
    %cond3A_55 = arith.cmpi ne, %convert_element_type3A, %cond3A : i32
    scf.if %cond3A_55 {
      %broadcast_in_dim3A_69 = arith.constant 0.000000e+00 : f32
      %broadcast_in_dim3A_70 = vector.broadcast %broadcast_in_dim3A_69 : f32 to vector<2x64xf32>
      %swap3A_71 = arith.constant 0 : index
      %swap3A_72 = arith.constant 0 : index
      %swap3A_73 = vector.load %arg11[%swap3A_71, %swap3A_72] : memref<2x64xf32, #tpu.memory_space<vmem>>, vector<2x64xf32>
      tpu.vector_store %arg11[%swap3A_71, %swap3A_72], %broadcast_in_dim3A_70 {strides = array<i32>} : memref<2x64xf32, #tpu.memory_space<vmem>>, vector<2x64xf32>,
    } else {
    }
    %reduce_sum3A = arith.constant dense<0.000000e+00> : vector<64xf32>
    %reduce_sum3A_56 = vector.multi_reduction <add>, %add3A_49, %reduce_sum3A [0] : vector<4096x64xf32> to vector<64xf32>
    %broadcast_in_dim3A_57 = vector.shape_cast %reduce_sum3A_56 : vector<64xf32> to vector<1x64xf32>
    %mul3A_58 = arith.mulf %add3A_49, %add3A_49 : vector<4096x64xf32>
    %reduce_sum3A_59 = arith.constant dense<0.000000e+00> : vector<64xf32>
    %reduce_sum3A_60 = vector.multi_reduction <add>, %mul3A_58, %reduce_sum3A_59 [0] : vector<4096x64xf32> to vector<64xf32>
    %broadcast_in_dim3A_61 = vector.shape_cast %reduce_sum3A_60 : vector<64xf32> to vector<1x64xf32>
    %get3A_62 = arith.constant 0 : index
    %get3A_63 = arith.constant 0 : index
    %get3A_64 = vector.load %arg11[%get3A_62, %get3A_63] : memref<2x64xf32, #tpu.memory_space<vmem>>, vector<2x64xf32>
    %concatenate3A = tpu.concatenate %broadcast_in_dim3A_57, %broadcast_in_dim3A_61 in 0 : vector<1x64xf32>, vector<1x64xf32> -> vector<2x64xf32>
    %add3A_65 = arith.addf %get3A_64, %concatenate3A : vector<2x64xf32>
    %swap3A_66 = arith.constant 0 : index
    %swap3A_67 = arith.constant 0 : index
    %swap3A_68 = vector.load %arg11[%swap3A_66, %swap3A_67] : memref<2x64xf32, #tpu.memory_space<vmem>>, vector<2x64xf32>
    tpu.vector_store %arg11[%swap3A_66, %swap3A_67], %add3A_65 {strides = array<i32>} : memref<2x64xf32, #tpu.memory_space<vmem>>, vector<2x64xf32>,
    return
  }
  func.func @transform_0(%arg0: i32, %arg1: i32) -> (i32, i32) {
    %mul3A = arith.constant 8 : i32
    %mul3A_0 = arith.muli %arg0, %mul3A : i32
    %add3A = arith.addi %mul3A_0, %arg1 : i32
    %c0_i32 = arith.constant 0 : i32
    %c0_i32_1 = arith.constant 0 : i32
    return %add3A, %c0_i32 : i32, i32
  }
  func.func @transform_1(%arg0: i32, %arg1: i32) -> (i32, i32, i32) {
    %c0_i32 = arith.constant 0 : i32
    %c0_i32_0 = arith.constant 0 : i32
    return %arg0, %arg1, %c0_i32 : i32, i32, i32
  }
  func.func @transform_2(%arg0: i32, %arg1: i32) -> (i32, i32) {
    %c0_i32 = arith.constant 0 : i32
    %c0_i32_0 = arith.constant 0 : i32
    %c0_i32_1 = arith.constant 0 : i32
    return %c0_i32, %c0_i32_0 : i32, i32
  }
  func.func @transform_3(%arg0: i32, %arg1: i32) -> (i32, i32, i32) {
    %c0_i32 = arith.constant 0 : i32
    %c0_i32_0 = arith.constant 0 : i32
    %c0_i32_1 = arith.constant 0 : i32
    return %arg0, %c0_i32, %c0_i32_0 : i32, i32, i32
  }
  func.func @transform_4(%arg0: i32, %arg1: i32) -> (i32, i32) {
    %c0_i32 = arith.constant 0 : i32
    %c0_i32_0 = arith.constant 0 : i32
    %c0_i32_1 = arith.constant 0 : i32
    return %c0_i32, %c0_i32_0 : i32, i32
  }
  func.func @transform_5(%arg0: i32, %arg1: i32) -> (i32, i32) {
    %c0_i32 = arith.constant 0 : i32
    %c0_i32_0 = arith.constant 0 : i32
    %c0_i32_1 = arith.constant 0 : i32
    return %c0_i32, %c0_i32_0 : i32, i32
  }
  func.func @transform_6(%arg0: i32, %arg1: i32) -> (i32, i32) {
    %c0_i32 = arith.constant 0 : i32
    %c0_i32_0 = arith.constant 0 : i32
    %c0_i32_1 = arith.constant 0 : i32
    return %c0_i32, %c0_i32_0 : i32, i32
  }
  func.func @transform_7(%arg0: i32, %arg1: i32) -> (i32, i32, i32) {
    %c0_i32 = arith.constant 0 : i32
    %c0_i32_0 = arith.constant 0 : i32
    %c0_i32_1 = arith.constant 0 : i32
    return %arg0, %c0_i32, %c0_i32_0 : i32, i32, i32
  }
  func.func @transform_8(%arg0: i32, %arg1: i32) -> (i32, i32) {
    %mul3A = arith.constant 8 : i32
    %mul3A_0 = arith.muli %arg0, %mul3A : i32
    %add3A = arith.addi %mul3A_0, %arg1 : i32
    %c0_i32 = arith.constant 0 : i32
    %c0_i32_1 = arith.constant 0 : i32
    return %add3A, %c0_i32 : i32, i32
  }
  func.func @transform_9(%arg0: i32, %arg1: i32) -> (i32, i32) {
    %c0_i32 = arith.constant 0 : i32
    %c0_i32_0 = arith.constant 0 : i32
    %c0_i32_1 = arith.constant 0 : i32
    return %c0_i32, %c0_i32_0 : i32, i32
  }
}

module attributes {stable_mosaic.version = 14 : i64} {
  func.func @_stats2_body(%arg0: i32, %arg1: i32, %arg2: memref<4096x64xf32, #tpu.memory_space<vmem>>, %arg3: memref<1x64xf32, #tpu.memory_space<vmem>>, %arg4: memref<1x64xf32, #tpu.memory_space<vmem>>, %arg5: memref<128x64xf32, #tpu.memory_space<vmem>>, %arg6: memref<1x1x128xf32, #tpu.memory_space<vmem>>, %arg7: memref<2x128xf32, #tpu.memory_space<vmem>>) attributes {dimension_semantics = [#tpu.dimension_semantics<arbitrary>, #tpu.dimension_semantics<arbitrary>], iteration_bounds = array<i64: 8, 8>, scalar_prefetch = 0 : i64, scratch_operands = 0 : i64, tpu.core_type = #tpu.core_type<tc>, window_params = [{transform_indices = @transform_0, window_bounds = array<i64: 4096, 64>}, {pipeline_mode = #tpu.pipeline_mode<synchronous>, transform_indices = @transform_1, window_bounds = array<i64: 1, 64>}, {pipeline_mode = #tpu.pipeline_mode<synchronous>, transform_indices = @transform_2, window_bounds = array<i64: 1, 64>}, {pipeline_mode = #tpu.pipeline_mode<synchronous>, transform_indices = @transform_3, window_bounds = array<i64: 128, 64>}, {transform_indices = @transform_4, window_bounds = array<i64: 1, 1, 128>}, {pipeline_mode = #tpu.pipeline_mode<synchronous>, transform_indices = @transform_5, window_bounds = array<i64: 2, 128>}]} {
    %get3A = arith.constant 0 : index
    %get3A_0 = arith.constant 0 : index
    %get3A_1 = vector.load %arg2[%get3A, %get3A_0] : memref<4096x64xf32, #tpu.memory_space<vmem>>, vector<4096x64xf32>
    %get3A_2 = arith.constant 0 : index
    %get3A_3 = arith.constant 0 : index
    %get3A_4 = vector.load %arg3[%get3A_2, %get3A_3] : memref<1x64xf32, #tpu.memory_space<vmem>>, vector<1x64xf32>
    %mul3A = vector.broadcast %get3A_4 : vector<1x64xf32> to vector<4096x64xf32>
    %mul3A_5 = arith.mulf %get3A_1, %mul3A : vector<4096x64xf32>
    %get3A_6 = arith.constant 0 : index
    %get3A_7 = arith.constant 0 : index
    %get3A_8 = vector.load %arg4[%get3A_6, %get3A_7] : memref<1x64xf32, #tpu.memory_space<vmem>>, vector<1x64xf32>
    %add3A = vector.broadcast %get3A_8 : vector<1x64xf32> to vector<4096x64xf32>
    %add3A_9 = arith.addf %mul3A_5, %add3A : vector<4096x64xf32>
    %mul3A_10 = arith.constant 5.000000e-01 : f32
    %mul3A_11 = vector.broadcast %mul3A_10 : f32 to vector<4096x64xf32>
    %mul3A_12 = arith.mulf %add3A_9, %mul3A_11 : vector<4096x64xf32>
    %mul3A_13 = arith.constant 0.707106769 : f32
    %mul3A_14 = vector.broadcast %mul3A_13 : f32 to vector<4096x64xf32>
    %mul3A_15 = arith.mulf %add3A_9, %mul3A_14 : vector<4096x64xf32>
    %erf3A = math.erf %mul3A_15 : vector<4096x64xf32>
    %add3A_16 = arith.constant 1.000000e+00 : f32
    %add3A_17 = vector.broadcast %add3A_16 : f32 to vector<4096x64xf32>
    %add3A_18 = arith.addf %add3A_17, %erf3A : vector<4096x64xf32>
    %mul3A_19 = arith.mulf %mul3A_12, %add3A_18 : vector<4096x64xf32>
    %get3A_20 = arith.constant 0 : index
    %get3A_21 = arith.constant 0 : index
    %get3A_22 = vector.load %arg5[%get3A_20, %get3A_21] : memref<128x64xf32, #tpu.memory_space<vmem>>, vector<128x64xf32>
    %dot_general3A = arith.constant dense<0.000000e+00> : vector<4096x128xf32>
    %dot_general3A_23 = tpu.matmul %mul3A_19, %get3A_22, %dot_general3A {dimension_numbers = #tpu.dot_dimension_numbers<[1], [1], [0], [0], [0, 0, 1, 0], [], []>, transpose_lhs_hint = false} : vector<4096x64xf32>, vector<128x64xf32>, vector<4096x128xf32> -> vector<4096x128xf32>
    %get3A_24 = arith.constant 0 : index
    %get3A_25 = arith.constant 0 : index
    %get3A_26 = arith.constant 0 : index
    %get3A_27 = vector.load %arg6[%get3A_24, %get3A_25, %get3A_26] : memref<1x1x128xf32, #tpu.memory_space<vmem>>, vector<1x1x128xf32>
    %get3A_28 = vector.shape_cast %get3A_27 : vector<1x1x128xf32> to vector<1x128xf32>
    %add3A_29 = vector.broadcast %get3A_28 : vector<1x128xf32> to vector<4096x128xf32>
    %add3A_30 = arith.addf %dot_general3A_23, %add3A_29 : vector<4096x128xf32>
    %eq3A = arith.constant 0 : i32
    %eq3A_31 = arith.cmpi eq, %arg0, %eq3A : i32
    %eq3A_32 = arith.constant 0 : i32
    %eq3A_33 = arith.cmpi eq, %arg1, %eq3A_32 : i32
    %and3A = arith.andi %eq3A_31, %eq3A_33 : i1
    %convert_element_type3A = arith.extui %and3A : i1 to i32
    %cond3A = arith.constant 0 : i32
    %cond3A_34 = arith.cmpi ne, %convert_element_type3A, %cond3A : i32
    scf.if %cond3A_34 {
      %broadcast_in_dim3A_46 = arith.constant 0.000000e+00 : f32
      %broadcast_in_dim3A_47 = vector.broadcast %broadcast_in_dim3A_46 : f32 to vector<2x128xf32>
      %swap3A_48 = arith.constant 0 : index
      %swap3A_49 = arith.constant 0 : index
      %swap3A_50 = vector.load %arg7[%swap3A_48, %swap3A_49] : memref<2x128xf32, #tpu.memory_space<vmem>>, vector<2x128xf32>
      tpu.vector_store %arg7[%swap3A_48, %swap3A_49], %broadcast_in_dim3A_47 {strides = array<i32>} : memref<2x128xf32, #tpu.memory_space<vmem>>, vector<2x128xf32>,
    } else {
    }
    %reduce_sum3A = arith.constant dense<0.000000e+00> : vector<128xf32>
    %reduce_sum3A_35 = vector.multi_reduction <add>, %add3A_30, %reduce_sum3A [0] : vector<4096x128xf32> to vector<128xf32>
    %broadcast_in_dim3A = vector.shape_cast %reduce_sum3A_35 : vector<128xf32> to vector<1x128xf32>
    %mul3A_36 = arith.mulf %add3A_30, %add3A_30 : vector<4096x128xf32>
    %reduce_sum3A_37 = arith.constant dense<0.000000e+00> : vector<128xf32>
    %reduce_sum3A_38 = vector.multi_reduction <add>, %mul3A_36, %reduce_sum3A_37 [0] : vector<4096x128xf32> to vector<128xf32>
    %broadcast_in_dim3A_39 = vector.shape_cast %reduce_sum3A_38 : vector<128xf32> to vector<1x128xf32>
    %get3A_40 = arith.constant 0 : index
    %get3A_41 = arith.constant 0 : index
    %get3A_42 = vector.load %arg7[%get3A_40, %get3A_41] : memref<2x128xf32, #tpu.memory_space<vmem>>, vector<2x128xf32>
    %concatenate3A = tpu.concatenate %broadcast_in_dim3A, %broadcast_in_dim3A_39 in 0 : vector<1x128xf32>, vector<1x128xf32> -> vector<2x128xf32>
    %add3A_43 = arith.addf %get3A_42, %concatenate3A : vector<2x128xf32>
    %swap3A = arith.constant 0 : index
    %swap3A_44 = arith.constant 0 : index
    %swap3A_45 = vector.load %arg7[%swap3A, %swap3A_44] : memref<2x128xf32, #tpu.memory_space<vmem>>, vector<2x128xf32>
    tpu.vector_store %arg7[%swap3A, %swap3A_44], %add3A_43 {strides = array<i32>} : memref<2x128xf32, #tpu.memory_space<vmem>>, vector<2x128xf32>,
    return
  }
  func.func @transform_0(%arg0: i32, %arg1: i32) -> (i32, i32) {
    %mul3A = arith.constant 8 : i32
    %mul3A_0 = arith.muli %arg0, %mul3A : i32
    %add3A = arith.addi %mul3A_0, %arg1 : i32
    %c0_i32 = arith.constant 0 : i32
    %c0_i32_1 = arith.constant 0 : i32
    return %add3A, %c0_i32 : i32, i32
  }
  func.func @transform_1(%arg0: i32, %arg1: i32) -> (i32, i32) {
    %c0_i32 = arith.constant 0 : i32
    %c0_i32_0 = arith.constant 0 : i32
    %c0_i32_1 = arith.constant 0 : i32
    return %c0_i32, %c0_i32_0 : i32, i32
  }
  func.func @transform_2(%arg0: i32, %arg1: i32) -> (i32, i32) {
    %c0_i32 = arith.constant 0 : i32
    %c0_i32_0 = arith.constant 0 : i32
    %c0_i32_1 = arith.constant 0 : i32
    return %c0_i32, %c0_i32_0 : i32, i32
  }
  func.func @transform_3(%arg0: i32, %arg1: i32) -> (i32, i32) {
    %c0_i32 = arith.constant 0 : i32
    %c0_i32_0 = arith.constant 0 : i32
    %c0_i32_1 = arith.constant 0 : i32
    return %c0_i32, %c0_i32_0 : i32, i32
  }
  func.func @transform_4(%arg0: i32, %arg1: i32) -> (i32, i32, i32) {
    %c0_i32 = arith.constant 0 : i32
    %c0_i32_0 = arith.constant 0 : i32
    %c0_i32_1 = arith.constant 0 : i32
    return %arg0, %c0_i32, %c0_i32_0 : i32, i32, i32
  }
  func.func @transform_5(%arg0: i32, %arg1: i32) -> (i32, i32) {
    %c0_i32 = arith.constant 0 : i32
    %c0_i32_0 = arith.constant 0 : i32
    %c0_i32_1 = arith.constant 0 : i32
    return %c0_i32, %c0_i32_0 : i32, i32
  }
}

module attributes {stable_mosaic.version = 14 : i64} {
  func.func @_final_body(%arg0: i32, %arg1: i32, %arg2: memref<4096x64xf32, #tpu.memory_space<vmem>>, %arg3: memref<1x64xf32, #tpu.memory_space<vmem>>, %arg4: memref<1x64xf32, #tpu.memory_space<vmem>>, %arg5: memref<128x64xf32, #tpu.memory_space<vmem>>, %arg6: memref<1x1x128xf32, #tpu.memory_space<vmem>>, %arg7: memref<1x128xf32, #tpu.memory_space<vmem>>, %arg8: memref<1x128xf32, #tpu.memory_space<vmem>>, %arg9: memref<128x128xf32, #tpu.memory_space<vmem>>) attributes {dimension_semantics = [#tpu.dimension_semantics<arbitrary>, #tpu.dimension_semantics<arbitrary>], iteration_bounds = array<i64: 8, 8>, scalar_prefetch = 0 : i64, scratch_operands = 0 : i64, tpu.core_type = #tpu.core_type<tc>, window_params = [{transform_indices = @transform_0, window_bounds = array<i64: 4096, 64>}, {pipeline_mode = #tpu.pipeline_mode<synchronous>, transform_indices = @transform_1, window_bounds = array<i64: 1, 64>}, {pipeline_mode = #tpu.pipeline_mode<synchronous>, transform_indices = @transform_2, window_bounds = array<i64: 1, 64>}, {pipeline_mode = #tpu.pipeline_mode<synchronous>, transform_indices = @transform_3, window_bounds = array<i64: 128, 64>}, {transform_indices = @transform_4, window_bounds = array<i64: 1, 1, 128>}, {pipeline_mode = #tpu.pipeline_mode<synchronous>, transform_indices = @transform_5, window_bounds = array<i64: 1, 128>}, {pipeline_mode = #tpu.pipeline_mode<synchronous>, transform_indices = @transform_6, window_bounds = array<i64: 1, 128>}, {transform_indices = @transform_7, window_bounds = array<i64: 128, 128>}]} {
    %get3A = arith.constant 0 : index
    %get3A_0 = arith.constant 0 : index
    %get3A_1 = vector.load %arg2[%get3A, %get3A_0] : memref<4096x64xf32, #tpu.memory_space<vmem>>, vector<4096x64xf32>
    %get3A_2 = arith.constant 0 : index
    %get3A_3 = arith.constant 0 : index
    %get3A_4 = vector.load %arg3[%get3A_2, %get3A_3] : memref<1x64xf32, #tpu.memory_space<vmem>>, vector<1x64xf32>
    %mul3A = vector.broadcast %get3A_4 : vector<1x64xf32> to vector<4096x64xf32>
    %mul3A_5 = arith.mulf %get3A_1, %mul3A : vector<4096x64xf32>
    %get3A_6 = arith.constant 0 : index
    %get3A_7 = arith.constant 0 : index
    %get3A_8 = vector.load %arg4[%get3A_6, %get3A_7] : memref<1x64xf32, #tpu.memory_space<vmem>>, vector<1x64xf32>
    %add3A = vector.broadcast %get3A_8 : vector<1x64xf32> to vector<4096x64xf32>
    %add3A_9 = arith.addf %mul3A_5, %add3A : vector<4096x64xf32>
    %mul3A_10 = arith.constant 5.000000e-01 : f32
    %mul3A_11 = vector.broadcast %mul3A_10 : f32 to vector<4096x64xf32>
    %mul3A_12 = arith.mulf %add3A_9, %mul3A_11 : vector<4096x64xf32>
    %mul3A_13 = arith.constant 0.707106769 : f32
    %mul3A_14 = vector.broadcast %mul3A_13 : f32 to vector<4096x64xf32>
    %mul3A_15 = arith.mulf %add3A_9, %mul3A_14 : vector<4096x64xf32>
    %erf3A = math.erf %mul3A_15 : vector<4096x64xf32>
    %add3A_16 = arith.constant 1.000000e+00 : f32
    %add3A_17 = vector.broadcast %add3A_16 : f32 to vector<4096x64xf32>
    %add3A_18 = arith.addf %add3A_17, %erf3A : vector<4096x64xf32>
    %mul3A_19 = arith.mulf %mul3A_12, %add3A_18 : vector<4096x64xf32>
    %get3A_20 = arith.constant 0 : index
    %get3A_21 = arith.constant 0 : index
    %get3A_22 = vector.load %arg5[%get3A_20, %get3A_21] : memref<128x64xf32, #tpu.memory_space<vmem>>, vector<128x64xf32>
    %dot_general3A = arith.constant dense<0.000000e+00> : vector<4096x128xf32>
    %dot_general3A_23 = tpu.matmul %mul3A_19, %get3A_22, %dot_general3A {dimension_numbers = #tpu.dot_dimension_numbers<[1], [1], [0], [0], [0, 0, 1, 0], [], []>, transpose_lhs_hint = false} : vector<4096x64xf32>, vector<128x64xf32>, vector<4096x128xf32> -> vector<4096x128xf32>
    %get3A_24 = arith.constant 0 : index
    %get3A_25 = arith.constant 0 : index
    %get3A_26 = arith.constant 0 : index
    %get3A_27 = vector.load %arg6[%get3A_24, %get3A_25, %get3A_26] : memref<1x1x128xf32, #tpu.memory_space<vmem>>, vector<1x1x128xf32>
    %get3A_28 = vector.shape_cast %get3A_27 : vector<1x1x128xf32> to vector<1x128xf32>
    %add3A_29 = vector.broadcast %get3A_28 : vector<1x128xf32> to vector<4096x128xf32>
    %add3A_30 = arith.addf %dot_general3A_23, %add3A_29 : vector<4096x128xf32>
    %get3A_31 = arith.constant 0 : index
    %get3A_32 = arith.constant 0 : index
    %get3A_33 = vector.load %arg7[%get3A_31, %get3A_32] : memref<1x128xf32, #tpu.memory_space<vmem>>, vector<1x128xf32>
    %mul3A_34 = vector.broadcast %get3A_33 : vector<1x128xf32> to vector<4096x128xf32>
    %mul3A_35 = arith.mulf %add3A_30, %mul3A_34 : vector<4096x128xf32>
    %get3A_36 = arith.constant 0 : index
    %get3A_37 = arith.constant 0 : index
    %get3A_38 = vector.load %arg8[%get3A_36, %get3A_37] : memref<1x128xf32, #tpu.memory_space<vmem>>, vector<1x128xf32>
    %add3A_39 = vector.broadcast %get3A_38 : vector<1x128xf32> to vector<4096x128xf32>
    %add3A_40 = arith.addf %mul3A_35, %add3A_39 : vector<4096x128xf32>
    %mul3A_41 = arith.constant 5.000000e-01 : f32
    %mul3A_42 = vector.broadcast %mul3A_41 : f32 to vector<4096x128xf32>
    %mul3A_43 = arith.mulf %add3A_40, %mul3A_42 : vector<4096x128xf32>
    %mul3A_44 = arith.constant 0.707106769 : f32
    %mul3A_45 = vector.broadcast %mul3A_44 : f32 to vector<4096x128xf32>
    %mul3A_46 = arith.mulf %add3A_40, %mul3A_45 : vector<4096x128xf32>
    %erf3A_47 = math.erf %mul3A_46 : vector<4096x128xf32>
    %add3A_48 = arith.constant 1.000000e+00 : f32
    %add3A_49 = vector.broadcast %add3A_48 : f32 to vector<4096x128xf32>
    %add3A_50 = arith.addf %add3A_49, %erf3A_47 : vector<4096x128xf32>
    %mul3A_51 = arith.mulf %mul3A_43, %add3A_50 : vector<4096x128xf32>
    %reshape3A = vector.shape_cast %mul3A_51 : vector<4096x128xf32> to vector<128x32x128xf32>
    %reduce_max3A = arith.constant dense<0xFF800000> : vector<128x128xf32>
    %reduce_max3A_52 = vector.multi_reduction <maximumf>, %reshape3A, %reduce_max3A [1] : vector<128x32x128xf32> to vector<128x128xf32>
    %swap3A = arith.constant 0 : index
    %swap3A_53 = arith.constant 0 : index
    %swap3A_54 = vector.load %arg9[%swap3A, %swap3A_53] : memref<128x128xf32, #tpu.memory_space<vmem>>, vector<128x128xf32>
    tpu.vector_store %arg9[%swap3A, %swap3A_53], %reduce_max3A_52 {strides = array<i32>} : memref<128x128xf32, #tpu.memory_space<vmem>>, vector<128x128xf32>,
    return
  }
  func.func @transform_0(%arg0: i32, %arg1: i32) -> (i32, i32) {
    %mul3A = arith.constant 8 : i32
    %mul3A_0 = arith.muli %arg0, %mul3A : i32
    %add3A = arith.addi %mul3A_0, %arg1 : i32
    %c0_i32 = arith.constant 0 : i32
    %c0_i32_1 = arith.constant 0 : i32
    return %add3A, %c0_i32 : i32, i32
  }
  func.func @transform_1(%arg0: i32, %arg1: i32) -> (i32, i32) {
    %c0_i32 = arith.constant 0 : i32
    %c0_i32_0 = arith.constant 0 : i32
    %c0_i32_1 = arith.constant 0 : i32
    return %c0_i32, %c0_i32_0 : i32, i32
  }
  func.func @transform_2(%arg0: i32, %arg1: i32) -> (i32, i32) {
    %c0_i32 = arith.constant 0 : i32
    %c0_i32_0 = arith.constant 0 : i32
    %c0_i32_1 = arith.constant 0 : i32
    return %c0_i32, %c0_i32_0 : i32, i32
  }
  func.func @transform_3(%arg0: i32, %arg1: i32) -> (i32, i32) {
    %c0_i32 = arith.constant 0 : i32
    %c0_i32_0 = arith.constant 0 : i32
    %c0_i32_1 = arith.constant 0 : i32
    return %c0_i32, %c0_i32_0 : i32, i32
  }
  func.func @transform_4(%arg0: i32, %arg1: i32) -> (i32, i32, i32) {
    %c0_i32 = arith.constant 0 : i32
    %c0_i32_0 = arith.constant 0 : i32
    %c0_i32_1 = arith.constant 0 : i32
    return %arg0, %c0_i32, %c0_i32_0 : i32, i32, i32
  }
  func.func @transform_5(%arg0: i32, %arg1: i32) -> (i32, i32) {
    %c0_i32 = arith.constant 0 : i32
    %c0_i32_0 = arith.constant 0 : i32
    %c0_i32_1 = arith.constant 0 : i32
    return %c0_i32, %c0_i32_0 : i32, i32
  }
  func.func @transform_6(%arg0: i32, %arg1: i32) -> (i32, i32) {
    %c0_i32 = arith.constant 0 : i32
    %c0_i32_0 = arith.constant 0 : i32
    %c0_i32_1 = arith.constant 0 : i32
    return %c0_i32, %c0_i32_0 : i32, i32
  }
  func.func @transform_7(%arg0: i32, %arg1: i32) -> (i32, i32) {
    %mul3A = arith.constant 8 : i32
    %mul3A_0 = arith.muli %arg0, %mul3A : i32
    %add3A = arith.addi %mul3A_0, %arg1 : i32
    %c0_i32 = arith.constant 0 : i32
    %c0_i32_1 = arith.constant 0 : i32
    return %add3A, %c0_i32 : i32, i32
  }
}

</mosaic_0001>

<sc_bundles>
// kernel: kernel.11.cloned.1.call-start
scs
__scs_entry_jumppad:
0x0: {  	(pc) =	sbr.rel $0x88, $3  }
0x1: {  	(tag) =	ssettag $0x0;
	lr =	simm.s32 $0x1  }
0x2: {  	[smem:$0x3F8C] =	sst lr;
	_ =	strace $0xD0000000  }
0x3: {  	_ = 	snop  }
0x4: {  	_ = 	snop  }
0x5: {  	_ = 	snop  }
0x6: {  	_ = 	snop  }
0x7: {  	_ = 	snop  }
__scs_overlays_trampoline_lowered:
0x8: {  	[smem:$0x3F9B] =	sst s0  }
0x9: {  	[smem:$0x3F9C] =	sst s1  }
0xa: {  	[smem:$0x3F9D] =	sst s2  }
0xb: {  	[smem:$0x3F9E] =	sst s3  }
0xc: {  	[smem:$0x3F9F] =	sst s4  }
0xd: {  	[smem:$0x3FA0] =	sst s5  }
0xe: {  	[smem:$0x3FA1] =	sst s6  }
0xf: {  	[smem:$0x3FA2] =	sst s7  }
0x10: {  	[smem:$0x3FA3] =	sst s8  }
0x11: {  	[smem:$0x3FA4] =	sst s9;
	s0 =	simm.s32 @!p0 $0x0  }
0x12: {  	s1 =	sld [smem:$0x3F8A];
	s0 =	simm.s32 @p0 $0x1  }
0x13: {  	[smem:$0x3FA5] =	sst s0;
	s0 =	simm.s32 @!p1 $0x0  }
0x14: {  	s2 =	sld [smem:$0x3F89];
	s0 =	simm.s32 @p1 $0x1  }
0x15: {  	[smem:$0x3FA6] =	sst s0;
	s0 =	simm.s32 @!p2 $0x0  }
0x16: {  	s3 =	sld [smem:$0x3FDB];
	s0 =	simm.s32 @p2 $0x1  }
0x17: {  	s4 =	simm.s32 $0x1BF5;
	[smem:$0x3FA8] =	sst s0  }
0x18: {  	s0 =	sld [smem:$0x3F8B];
	_ =	swait.ge [sflag:s4], $0x0  }
0x19: {  	s7 =	sld [smem:$0x3F8C]  }
0x1a: {  	s8 =	sadd.s32 $0xFFFFE003, lr  }
0x1b: {  	s9 =	sadd.s32 $0xFFFFFEF7, lr;
	s5 =	simm.s32 $0xFFFFFFFF;
	p2 =	slt.u32 s8, $0xFFFFF086  }
0x1c: {  	p1 =	slt.u32 s9, $0xF7A;
	s5 =	simm.s32 @!p2 $0x0  }
0x1d: {  	s5 =	simm.s32 @p1 $0x1;
	p0 =	seq.s32 s7, s2  }
0x1e: {  	s7 =	smul.u32 @!p0 $0xF7A, s2;
	p2 =	seq.s32 @!p0 s5, $0x0  }
0x1f: {  	s9 =	smul.u32 $0xF7A, s1;
	s8 =	simm.s32 @!p0 $0x1BF5;
	p2 =	por !p2, p0  }
0x20: {  	[sflag:s8] =	ssyncset.s32 @!p0 $0xFFFFF086;
	s6 =	sadd.s32 @!p0 s3, s7;
	s7 =	simm.s32 @!p0 $0x108  }
0x21: {  	s3 =	sadd.s32 s3, s9;
	s6 =	sadd.s32 @!p0 $0x88, s6;
	s7 =	simm.s32 @p2 $0x1082  }
0x22: {  	[simem:s7], [sflag:s8] =	dma.local @!p0 [hbm:s6], $0xF7A  }
0x23: {  	s9 =	sor.u32 $0xD0000000, s2;
	s6 =	simm.s32 $0x108;
	_ =	swait.ge @!p0 [sflag:s8], $0x0  }
0x24: {  	s3 =	sadd.s32 $0x88, s3;
	s6 =	simm.s32 @!p1 $0x1082;
	[sflag:s4] =	ssyncset.s32 $0xFFFFF086  }
0x25: {  	[simem:s6], [sflag:s4] =	dma.local [hbm:s3], $0xF7A  }
0x26: {  	[smem:$0x3F8C] =	sst s1;
	(tag) =	ssettag s2;
	_ =	strace s9  }
0x27: {  	s1 =	sld [smem:$0x3F9C]  }
0x28: {  	s2 =	sld [smem:$0x3F9D]  }
0x29: {  	s4 =	sld [smem:$0x3F9F]  }
0x2a: {  	p0 =	seq.s32 s5, $0x0;
	s5 =	sld [smem:$0x3FA0]  }
0x2b: {  	s6 =	sld [smem:$0x3FA1]  }
0x2c: {  	s7 =	sld [smem:$0x3FA2]  }
0x2d: {  	s3 =	simm.s32 $0x108;
	s8 =	sld [smem:$0x3FA3]  }
0x2e: {  	s3 =	simm.s32 @!p0 $0x1082;
	s9 =	sld [smem:$0x3FA4]  }
0x2f: {  	lr =	sadd.s32 s0, s3;
	s0 =	sld [smem:$0x3F9B]  }
0x30: {  	s3 =	sld [smem:$0x3F9E]  }
0x31: {  	[smem:$0x3FA7] =	sst s10  }
0x32: {  	s10 =	sld [smem:$0x3FA5];
	_ =	sdelay $0x3  }
0x33: {  	p0 =	seq.s32 s10, $0x1;
	s10 =	sld [smem:$0x3FA7];
	_ =	sdelay $0x3  }
0x34: {  	[smem:$0x3FA7] =	sst s10  }
0x35: {  	s10 =	sld [smem:$0x3FA6];
	_ =	sdelay $0x3  }
0x36: {  	p1 =	seq.s32 s10, $0x1;
	s10 =	sld [smem:$0x3FA7];
	_ =	sdelay $0x3  }
0x37: {  	[smem:$0x3FA7] =	sst s10  }
0x38: {  	s10 =	sld [smem:$0x3FA8]  }
0x39: {  	_ = 	snop;
	(pc) =	sbr.ind lr, $3  }
0x3a: {  	_ = 	snop  }
0x3b: {  	_ = 	snop  }
0x3c: {  	p2 =	seq.s32 s10, $0x1;
	s10 =	sld [smem:$0x3FA7]  }
0x3d: {  	_ =	shalt  }
0x3e: {  	_ =	shalt  }
0x3f: {  	_ =	shalt  }
0x40: {  	_ =	shalt  }
0x41: {  	_ =	shalt  }
0x42: {  	_ =	shalt  }
0x43: {  	_ =	shalt  }
0x44: {  	_ =	shalt  }
0x45: {  	_ =	shalt  }
0x46: {  	_ =	shalt  }
0x47: {  	_ =	shalt  }
0x48: {  	_ =	shalt  }
0x49: {  	_ =	shalt  }
0x4a: {  	_ =	shalt  }
0x4b: {  	_ =	shalt  }
0x4c: {  	_ =	shalt  }
0x4d: {  	_ =	shalt  }
0x4e: {  	_ =	shalt  }
0x4f: {  	_ =	shalt  }
0x50: {  	_ =	shalt  }
0x51: {  	_ =	shalt  }
0x52: {  	_ =	shalt  }
0x53: {  	_ =	shalt  }
0x54: {  	_ =	shalt  }
0x55: {  	_ =	shalt  }
0x56: {  	_ =	shalt  }
0x57: {  	_ =	shalt  }
0x58: {  	_ =	shalt  }
0x59: {  	_ =	shalt  }
0x5a: {  	_ =	shalt  }
0x5b: {  	_ =	shalt  }
0x5c: {  	_ =	shalt  }
0x5d: {  	_ =	shalt  }
0x5e: {  	_ =	shalt  }
0x5f: {  	_ =	shalt  }
0x60: {  	_ =	shalt  }
0x61: {  	_ =	shalt  }
0x62: {  	_ =	shalt  }
0x63: {  	_ =	shalt  }
0x64: {  	_ =	shalt  }
0x65: {  	_ =	shalt  }
0x66: {  	_ =	shalt  }
0x67: {  	_ =	shalt  }
0x68: {  	_ =	shalt  }
0x69: {  	_ =	shalt  }
0x6a: {  	_ =	shalt  }
0x6b: {  	_ =	shalt  }
0x6c: {  	_ =	shalt  }
0x6d: {  	_ =	shalt  }
0x6e: {  	_ =	shalt  }
0x6f: {  	_ =	shalt  }
0x70: {  	_ =	shalt  }
0x71: {  	_ =	shalt  }
0x72: {  	_ =	shalt  }
0x73: {  	_ =	shalt  }
0x74: {  	_ =	shalt  }
0x75: {  	_ =	shalt  }
0x76: {  	_ =	shalt  }
0x77: {  	_ =	shalt  }
0x78: {  	_ =	shalt  }
0x79: {  	_ =	shalt  }
0x7a: {  	_ =	shalt  }
0x7b: {  	_ =	shalt  }
0x7c: {  	_ =	shalt  }
0x7d: {  	_ =	shalt  }
0x7e: {  	_ =	shalt  }
0x7f: {  	_ =	shalt  }
0x80: {  	_ =	shalt  }
0x81: {  	_ =	shalt  }
0x82: {  	_ =	shalt  }
0x83: {  	_ =	shalt  }
0x84: {  	_ =	shalt  }
0x85: {  	_ =	shalt  }
0x86: {  	_ =	shalt  }
0x87: {  	_ =	shalt  }
.Lfunc_end0:
.L_simem_size_0:
called_computation_lowered:
.L_overlay_start_0:
0x88: {  	s2 =	sld [smem:$0x3FD9]  }
0x89: {  	s3 =	sld [smem:$0x3FFE];
	_ =	sdelay $0x1  }
0x8a: {  	s1 =	srdreg.scid  }
0x8b: {  	s0 =	sand.u32 $0x1, s1  }
0x8c: {  	s14 =	sshll.u32 s0, $0xA;
	s2 =	sadd.s32 s3, s2  }
0x8d: {  	s2 =	sadd.s32 s2, s14  }
0x8e: {  	[smem:$0x3FB3] =	sst s2  }
0x8f: {  	_ = 	snop  }
0x90: {  	s2 =	sld [smem:$0x3FD0];
	_ =	sdelay $0x2  }
0x91: {  	s15 =	simm.s32 $0xA;
	s4 =	simm.s32 $0x10  }
0x92: {  	[smem:s4], [sflag:s15] =	dma.local [hbm:s2], $0x1  }
0x93: {  	_ =	swait.eq [sflag:s15], $0x1  }
0x94: {  	[sflag:s15] =	ssyncset.done $0x0  }
0x95: {  	[sflag:s15] =	ssyncadd.s32 $0xFFFFFFFF  }
0x96: {  	s16 =	sld [smem:$0x11];
	(tm) =	ssettm $0x1  }
0x97: {  	s17 =	sld [smem:$0x3FFB];
	_ =	sdelay $0x3  }
0x98: {  	_ =	strace s17  }
0x99: {  	s3 =	sld [smem:$0x3FFC];
	_ =	sdelay $0x3  }
0x9a: {  	_ =	strace s3  }
0x9b: {  	s3 =	sld [smem:$0x3FFD];
	_ =	sdelay $0x3  }
0x9c: {  	_ =	strace s3  }
0x9d: {  	_ =	strace $0x8FFFFFFF  }
0x9e: {  	s18 =	sld [smem:$0x3FDB];
	_ =	sdelay $0x1  }
0x9f: {  	s19 =	simm.s32 $_scs_section_size  }
0xa0: {  	s5 =	simm.s32 $_size__tile_overlayer_lowered;
	s6 =	simm.s32 $_tile_overlayer_lowered  }
0xa1: {  	s22 =	simm.s32 $0x1BFF;
	s21 =	sshll.u32 s6, $0x1;
	s3 =	sadd.s32 s19, s18  }
0xa2: {  	s7 =	simm.s32 $0x0;
	s20 =	sshll.u32 s5, $0x1;
	s5 =	sadd.s32 s21, s3  }
0xa3: {  	[timem:s7], [sflag:s22] =	dma.local [hbm:s5], s20  }
0xa4: {  	_ =	swait.ge [sflag:s22], s20  }
0xa5: {  	s4 =	ssub.s32 $0x0, s20;
	[sflag:s22] =	ssyncset.done $0x0  }
0xa6: {  	[sflag:s22] =	ssyncadd.s32 s4;
	_ =	sdelay $0x1  }
0xa7: {  	s23 =	simm.s32 $0x1B8B  }
0xa8: {  	_ =	swait.ge [sflag:s23], $0x1  }
0xa9: {  	[sflag:s23] =	ssyncset.done $0x0  }
0xaa: {  	s25 =	simm.s32 $0x1B8E;
	s24 =	sld [smem:$0x3FFE];
	[sflag:s23] =	ssyncadd.s32 $0xFFFFFFFF  }
0xab: {  	s26 =	simm.s32 $execute0_lowered;
	[smem:$0x3FD2] =	sst s25  }
0xac: {  	s5 =	sshll.u32 s26, $0x1;
	_ =	strace $0x80000046;
	[dreg:$0x1] =	wrdreg $0xFFFFFFFF  }
0xad: {  	s28 =	simm.s32 $_size_execute0_lowered;
	s3 =	sadd.s32 s3, s5;
	[dreg:$0x0] =	wrdreg $0x0  }
0xae: {  	s5 =	sshll.u32 s28, $0x1;
	[dreg:$0x2] =	wrdreg s3  }
0xaf: {  	[dreg:$0x3] =	wrdreg s5  }
0xb0: {  	[dreg:$0x4] =	wrdreg $0xC0  }
0xb1: {  	_ =	task [dreg:s7], $0x5FFFF  }
0xb2: {  	[dreg:$0x1] =	wrdreg $0xFFFFFFFF  }
0xb3: {  	[dreg:$0x0] =	wrdreg $0x60  }
0xb4: {  	[dreg:$0x2] =	wrdreg s24  }
0xb5: {  	[dreg:$0x3] =	wrdreg s16  }
0xb6: {  	[dreg:$0x4] =	wrdreg $0x9  }
0xb7: {  	_ =	task.clear_ibuf [dreg:s7], $0x5FFFF;
	_ =	strace $0x90000046  }
0xb8: {  	s29 =	simm.s32 $0x9;
	_ =	strace $0x80000048  }
0xb9: {  	_ =	swait.ge [sflag:s29], $0x1  }
0xba: {  	[sflag:s29] =	ssyncadd.s32 $0xFFFFFFFF  }
0xbb: {  	_ =	strace $0x90000048  }
0xbc: {  	_ =	sfence  }
0xbd: {  	s30 =	sld [smem:$0x0];
	_ =	sdelay $0x2  }
0xbe: {  	s31 =	sshll.u32 s1, $0xD;
	s1 =	sshrl.u32 s1, $0x2  }
0xbf: {  	s3 =	sand.u32 $0x4000, s31;
	s1 =	sadd.s32 s1, s30  }
0xc0: {  	s0 =	sor.u32 s3, s0;
	s1 =	sshll.u32 s1, $0x11  }
0xc1: {  	s0 =	sor.u32 s1, s0  }
0xc2: {  	s0 =	sadd.s32 $0x8F2B, s0  }
0xc3: {  	[sflag:s0] =	ssyncadd.remote.s32 $0x1  }
0xc4: {  	_ =	sfence.sel $0xFFFF  }
0xc5: {  	[dreg:$0x0] =	wrdreg $0xFFFFFFFF;
	(pc) =	sbr.abs _section_cstart, $3  }
0xc6: {  	[dreg:$0x1] =	wrdreg $0xFFFFFFFF  }
0xc7: {  	_ =	task.clear_ibuf [dreg:s7], $0x2FFFF;
	_ =	strace $0x9FFFFFFF  }
0xc8: {  	(tm) =	ssettm $0x7FFFFFFF  }
0xc9: {  	_ =	shalt  }
tec
execute0_lowered:
.L_overlay_start_1:
0x0: {  	(tag) =	ssettag $0x1  }
0x1: {  	s0 =	rddreg [dreg:$0x0];
	s4 =	stileid.u32  }
0x2: {  	s9 =	rddreg [dreg:$0x1];
	s1 =	srdreg.scid;
	s16 =	simm.s32 $0x3100  }
0x3: {  	s17 =	simm.s32 $0x3200;
	s18 =	simm.s32 $0x6300;
	s19 =	simm.s32 $0x0  }
0x4: {  	s2 =	sshll.u32 s4, $0x1;
	s1 =	sand.u32 $0x1, s1;
	s10 =	sshrl.u32 s4, $0x1  }
0x5: {  	s30 =	sadd.s32 $0x5600, s0;
	s3 =	sand.u32 $0x2, s2;
	s29 =	smul.u32 $0x3000, s10  }
0x6: {  	s2 =	simm.s32 $0x0;
	s4 =	sshll.u32 s10, $0xA;
	s7 =	smul.u32 $0x600, s10  }
0x7: {  	s3 =	sor.u32 s1, s3;
	[smem:$0x7FF] =	sst s2;
	s1 =	ssub.s32 $0x2, s1  }
0x8: {  	s3 =	sshll.u32 s3, $0x8;
	_ =	strace $0x80000047;
	s6 =	sshrl.u32 s1, $0x1  }
0x9: {  	s8 =	sor.u32 s4, s3;
	s3 =	sshrl.u32 s29, $0x3;
	s11 =	ssub.s32 s1, s6  }
.Ltmp0:
0xa: {  	s1 =	sshll.u32 s10, $0xC;
	s5 =	sshrl.u32 s8, $0x3;
	(pc) =	sbr.rel .LBB2_1-.Ltmp0, $4  }
0xb: {  	s31 =	sadd.s32 s30, s3;
	s3 =	sadd.s32 s30, s7;
	s12 =	sshll.u32 s8, $0x2  }
0xc: {  	s11 =	smax.u32 s11, $0x1;
	s0 =	sadd.s32 s5, s0;
	s4 =	sadd.s32 $0x200, s31  }
0xd: {  	v0 =	vlaneseq.u32;
	s5 =	sadd.s32 $0x400, s31;
	s10 =	sadd.s32 s9, s12;
	s12 =	simm.s32 $0x1  }
0xe: {  	vm0 =	vmmov $0x1;
	v1 =	vor.u32 $0x10, v0;
	s6 =	sadd.s32 $0x4A00, s0;
	s7 =	sadd.s32 $0x4E00, s0;
	s8 =	sadd.s32 $0x5200, s0  }
.LBB2_99:
0xf: {  	s19 =	sadd.s32 $0x1, s19  }
0x10: {  	p0 =	sne.s32 s19, s11  }
.Ltmp1:
0x11: {  	_ = 	snop;
	(pc) =	sbr.rel @!p0 .LBB2_100-.Ltmp1, $4  }
0x12: {  	[hbm4b:s10+s2] =	stream.linear.scatter [tilespmem:s18], [sflag:$0x1], $0x2000, $0x38;
	[tilespmem:$0x8300] =	vst v63  }
0x13: {  	_ =	swait.ge [sflag:s12], $0x2000  }
0x14: {  	[sflag:s12] =	ssyncset.done $0x0  }
0x15: {  	[sflag:s12] =	ssyncadd.s32 $0xFFFFE000  }
.LBB2_1:
0x16: {  	[tilespmem:s2], [sflag:$0x1] =	stream.linear.gather [hbm4b:s3+s2], $0x1000, $0x38;
	[tilespmem:$0x8300] =	vst v63  }
0x17: {  	_ =	swait.ge [sflag:s12], $0x1000  }
0x18: {  	[sflag:s12] =	ssyncset.done $0x0  }
0x19: {  	s0 =	simm.s32 $0x1000;
	[sflag:s12] =	ssyncadd.s32 $0xFFFFF000  }
0x1a: {  	[tilespmem:s0], [sflag:$0x1] =	stream.linear.gather [hbm4b:s4+s2], $0x1000, $0x38;
	[tilespmem:$0x8300] =	vst v63  }
0x1b: {  	_ =	swait.ge [sflag:s12], $0x1000  }
0x1c: {  	[sflag:s12] =	ssyncset.done $0x0  }
0x1d: {  	s30 =	simm.s32 $0x2000;
	[sflag:s12] =	ssyncadd.s32 $0xFFFFF000  }
0x1e: {  	[tilespmem:s30], [sflag:$0x1] =	stream.linear.gather [hbm4b:s5+s2], $0x1000, $0x38;
	[tilespmem:$0x8300] =	vst v63  }
0x1f: {  	_ =	swait.ge [sflag:s12], $0x1000  }
0x20: {  	[sflag:s12] =	ssyncset.done $0x0  }
0x21: {  	s31 =	simm.s32 $0x3000;
	[sflag:s12] =	ssyncadd.s32 $0xFFFFF000  }
0x22: {  	[tilespmem:s31], [sflag:$0x1] =	stream.linear.gather [hbm4b:s6+s2], $0x100, $0x38;
	[tilespmem:$0x8300] =	vst v63  }
0x23: {  	_ =	swait.ge [sflag:s12], $0x100  }
0x24: {  	[sflag:s12] =	ssyncset.done $0x0  }
0x25: {  	[sflag:s12] =	ssyncadd.s32 $0xFFFFFF00  }
0x26: {  	[tilespmem:s16], [sflag:$0x1] =	stream.linear.gather [hbm4b:s7+s2], $0x100, $0x38;
	[tilespmem:$0x8300] =	vst v63  }
0x27: {  	_ =	swait.ge [sflag:s12], $0x100  }
0x28: {  	[sflag:s12] =	ssyncset.done $0x0  }
.Ltmp2:
0x29: {  	[sflag:s12] =	ssyncadd.s32 $0xFFFFFF00;
	(pc) =	sbr.rel .LBB2_2-.Ltmp2, $4  }
0x2a: {  	[tilespmem:s17], [sflag:$0x1] =	stream.linear.gather [hbm4b:s8+s2], $0x100, $0x38;
	[tilespmem:$0x8300] =	vst v63  }
0x2b: {  	_ =	swait.ge [sflag:s12], $0x100  }
0x2c: {  	[sflag:s12] =	ssyncset.done $0x0  }
0x2d: {  	s20 =	simm.s32 $0x0;
	[sflag:s12] =	ssyncadd.s32 $0xFFFFFF00  }
.LBB2_98:
0x2e: {  	v2 =	vld [tilespmem:s22+$0x3300];
	_ =	sdelay $0x4  }
0x2f: {  	v3 =	vnsel vm0, $0x0, v2  }
0x30: {  	(xrf0) =	vadd.scan.msk.s32 $0xffff, v3;
	_ =	sdelay $0x4  }
0x31: {  	p0 =	slt.s32 s29, $0x20  }
0x32: {  	s29 =	simm.s32 @!p0 $0x20;
	v3, _, _ =	vpop (xrf0)  }
0x33: {  	v4 =	vmov s29;
	v3 =	vbroadcast v3, $0xF  }
0x34: {  	vm1 =	vgt.s32 v4, v0  }
0x35: {  	s0 =	sshll.u32 s21, $0x5;
	v2 =	vsel vm1, v2, v3  }
0x36: {  	[tilespmem:s0+$0x6300] =	vst v2  }
0x37: {  	s20 =	sadd.s32 $0x1, s20;
	v2 =	vld [tilespmem:s22+$0x3310]  }
0x38: {  	p0 =	sne.s32 s20, $0x10  }
.Ltmp3:
0x39: {  	_ = 	snop;
	(pc) =	sbr.rel @!p0 .LBB2_99-.Ltmp3, $4  }
0x3a: {  	_ = 	snop  }
0x3b: {  	vm1 =	vgt.s32 v4, v1  }
0x3c: {  	s0 =	sor.u32 $0x70, s0;
	v2 =	vsel vm1, v2, v3  }
0x3d: {  	[tilespmem:s0+$0x6300] =	vst v2  }
.LBB2_2:
0x3e: {  	s21 =	sshll.u32 s20, $0x4  }
0x3f: {  	v4 =	vld [tilespmem:s21+$0x3000]  }
0x40: {  	v2 =	vld [tilespmem:s21+$0x3100]  }
0x41: {  	s0 =	smul.u32 $0xC00, s20;
	v3 =	vld [tilespmem:s21+$0x3200]  }
.Ltmp4:
0x42: {  	_ = 	snop;
	(pc) =	sbr.rel .LBB2_3-.Ltmp4, $4  }
0x43: {  	_ = 	snop  }
0x44: {  	s23 =	simm.s32 $0x0;
	s24 =	simm.s32 $0x2000;
	s22 =	sshra.s32 s0, $0x2  }
0x45: {  	s25 =	simm.s32 $0x1000;
	s26 =	smov.u32 s1;
	s0 =	sadd.s32 $0x3300, s22;
	v5 =	vbroadcast v4, $0x0  }
0x46: {  	s28 =	simm.s32 $0x0;
	s29 =	simm.s32 $0x0;
	s30 =	simm.s32 $0x0;
	v8 =	vmov s0;
	v6 =	vbroadcast v2, $0x0;
	v7 =	vbroadcast v3, $0x0  }
.LBB2_6:
0x47: {  	v9 =	vld [tilespmem:s13+$0x0];
	s9 =	sadd.s32 s0, s25  }
0x48: {  	v10 =	vld [tilespmem:s9+$0x0]  }
0x49: {  	s13 =	sadd.s32 s0, s24  }
0x4a: {  	v11 =	vld [tilespmem:s13+$0x0];
	_ =	sdelay $0x2  }
0x4b: {  	v9 =	vsub.f32 v9, v5;
	v10 =	vsub.f32 v10, v6;
	_ =	sdelay $0x1  }
0x4c: {  	v11 =	vsub.f32 v11, v7;
	v9 =	vmul.f32 v9, v9;
	v10 =	vmul.f32 v10, v10;
	_ =	sdelay $0x1  }
0x4d: {  	v9 =	vadd.f32 v10, v9;
	v10 =	vmul.f32 v11, v11;
	_ =	sdelay $0x1  }
0x4e: {  	v9 =	vadd.f32 v10, v9;
	_ =	sdelay $0x1  }
0x4f: {  	vm1 =	vle.f32 v9, $1.599999960e-01  }
0x50: {  	v9 =	vmpcnt.ones.xlane vm1;
	_ =	sdelay $0x1  }
0x51: {  	(v2sf) =	vpush v9, $0x0;
	_ =	sdelay $0xb  }
0x52: {  	s14 =	spop (v2sf)  }
0x53: {  	s0 =	sadd.s32 s29, s14  }
0x54: {  	s15 =	sadd.s32 $0x10, s31;
	p0 =	slt.s32 s0, $0x20;
	s9 =	smov.u32 s0  }
0x55: {  	s9 =	simm.s32 @!p0 $0x20;
	v9 =	vor.u32 s15, v0;
	s31 =	spop (v2sf)  }
0x56: {  	[tilespmem:v8+s9+$0x0 ss:$0x1] =	vst.idx.msk vm1, v9;
	s29 =	sadd.s32 s0, s31  }
.LBB2_7:
0x57: {  	s30 =	sadd.s32 $0x1, s30  }
0x58: {  	p0 =	sne.s32 s30, $0x10  }
.Ltmp5:
0x59: {  	_ = 	snop;
	(pc) =	sbr.rel @!p0 .LBB2_8-.Ltmp5, $3  }
0x5a: {  	_ =	sdelay $0x1  }
0x5b: {  	s24 =	sadd.s32 $0x100, s24  }
0x5c: {  	s25 =	sadd.s32 $0x100, s25;
	s28 =	sadd.s32 $0x100, s28;
	s26 =	sadd.s32 $0x100, s26  }
.LBB2_3:
0x5d: {  	p0 =	sgt.s32 s29, $0x1F  }
.Ltmp6:
0x5e: {  	_ = 	snop;
	(pc) =	sbr.rel @p0 .LBB2_7-.Ltmp6, $1  }
0x5f: {  	_ =	sdelay $0x3  }
0x60: {  	s0 =	sshra.s32 s23, $0x2  }
0x61: {  	s9 =	sadd.s32 s0, s28  }
0x62: {  	s14 =	sadd.s32 s0, s25;
	v9 =	vld [tilespmem:s9+$0x0]  }
0x63: {  	v10 =	vld [tilespmem:s14+$0x0]  }
0x64: {  	s0 =	sadd.s32 s0, s24  }
0x65: {  	v11 =	vld [tilespmem:s0+$0x0];
	_ =	sdelay $0x2  }
0x66: {  	v9 =	vsub.f32 v9, v5;
	v10 =	vsub.f32 v10, v6;
	_ =	sdelay $0x1  }
0x67: {  	v11 =	vsub.f32 v11, v7;
	v9 =	vmul.f32 v9, v9;
	v10 =	vmul.f32 v10, v10;
	_ =	sdelay $0x1  }
0x68: {  	v9 =	vadd.f32 v10, v9;
	v10 =	vmul.f32 v11, v11;
	_ =	sdelay $0x1  }
0x69: {  	v9 =	vadd.f32 v10, v9;
	_ =	sdelay $0x1  }
0x6a: {  	vm1 =	vle.f32 v9, $1.599999960e-01  }
0x6b: {  	v9 =	vmpcnt.ones.xlane vm1;
	_ =	sdelay $0x1  }
0x6c: {  	(v2sf) =	vpush v9, $0x0  }
0x6d: {  	s15 =	sadd.s32 $0x40, s23;
	p0 =	slt.s32 s29, $0x20;
	s14 =	smov.u32 s29  }
0x6e: {  	s0 =	sshra.s32 s15, $0x2;
	s14 =	simm.s32 @!p0 $0x20;
	v10 =	vor.u32 s26, v0  }
0x6f: {  	s31 =	smov.u32 s26;
	s9 =	sadd.s32 $0x40, s15;
	s13 =	sadd.s32 s0, s28;
	[tilespmem:v8+s14+$0x0 ss:$0x1] =	vst.idx.msk vm1, v10  }
.LBB2_5:
0x70: {  	p0 =	sne.s32 s9, $0x3C0;
	v9 =	vld [tilespmem:s13+$0x0];
	s13 =	sadd.s32 s0, s25  }
0x71: {  	v10 =	vld [tilespmem:s13+$0x0]  }
0x72: {  	s0 =	sadd.s32 s0, s24  }
0x73: {  	v11 =	vld [tilespmem:s0+$0x0];
	_ =	sdelay $0x2  }
0x74: {  	v9 =	vsub.f32 v9, v5;
	v10 =	vsub.f32 v10, v6;
	_ =	sdelay $0x1  }
0x75: {  	v9 =	vmul.f32 v9, v9;
	v11 =	vsub.f32 v11, v7;
	v10 =	vmul.f32 v10, v10;
	_ =	sdelay $0x1  }
0x76: {  	v9 =	vadd.f32 v10, v9;
	v10 =	vmul.f32 v11, v11  }
0x77: {  	s0 =	spop (v2sf)  }
0x78: {  	v9 =	vadd.f32 v10, v9;
	s29 =	sadd.s32 s29, s0  }
0x79: {  	p1 =	slt.s32 s29, $0x20;
	s14 =	smov.u32 s29  }
0x7a: {  	vm1 =	vle.f32 v9, $1.599999960e-01;
	s14 =	simm.s32 @!p1 $0x20  }
0x7b: {  	v9 =	vmpcnt.ones.xlane vm1  }
.Ltmp7:
0x7c: {  	(pc) =	sbr.rel @p0 .LBB2_5-.Ltmp7, $4  }
0x7d: {  	(v2sf) =	vpush v9, $0x0  }
0x7e: {  	s31 =	sadd.s32 $0x10, s31  }
0x7f: {  	s0 =	sshra.s32 s9, $0x2;
	v9 =	vor.u32 s31, v0  }
0x80: {  	s9 =	sadd.s32 $0x40, s9;
	s13 =	sadd.s32 s0, s28;
	[tilespmem:v8+s14+$0x0 ss:$0x1] =	vst.idx.msk vm1, v9  }
.Ltmp8:
0x81: {  	_ = 	snop;
	(pc) =	sbr.rel .LBB2_6-.Ltmp8, $1  }
0x82: {  	_ =	sdelay $0x3  }
.LBB2_8:
0x83: {  	v5 =	vld [tilespmem:s22+$0x3300];
	_ =	sdelay $0x4  }
0x84: {  	v6 =	vnsel vm0, $0x0, v5  }
0x85: {  	(xrf0) =	vadd.scan.msk.s32 $0xffff, v6;
	_ =	sdelay $0x4  }
0x86: {  	p0 =	slt.s32 s29, $0x20  }
0x87: {  	s29 =	simm.s32 @!p0 $0x20;
	v6, _, _ =	vpop (xrf0)  }
0x88: {  	v7 =	vmov s29;
	v6 =	vbroadcast v6, $0xF  }
0x89: {  	s0 =	sshll.u32 s20, $0x9;
	vm1 =	vgt.s32 v7, v0  }
0x8a: {  	s0 =	sand.u32 $0x3FFFFE00, s0;
	v5 =	vsel vm1, v5, v6  }
0x8b: {  	[tilespmem:s0+$0x6300] =	vst v5  }
0x8c: {  	v5 =	vld [tilespmem:s22+$0x3310];
	s22 =	sor.u32 $0x1, s21  }
0x8d: {  	s9 =	smul.u32 $0xC0, s22  }
.Ltmp9:
0x8e: {  	_ = 	snop;
	(pc) =	sbr.rel .LBB2_9-.Ltmp9, $4  }
0x8f: {  	_ = 	snop  }
0x90: {  	s24 =	simm.s32 $0x0;
	s25 =	simm.s32 $0x2000;
	vm1 =	vgt.s32 v7, v1;
	s23 =	sshra.s32 s9, $0x2  }
0x91: {  	s26 =	simm.s32 $0x1000;
	s15 =	simm.s32 $0x0;
	v7 =	vbroadcast v3, $0x1;
	s9 =	sadd.s32 $0x3300, s23;
	v6 =	vsel vm1, v5, v6  }
0x92: {  	s31 =	simm.s32 $0x0;
	s29 =	simm.s32 $0x0;
	v5 =	vbroadcast v4, $0x1;
	v8 =	vmov s9;
	s9 =	smov.u32 s1;
	[tilespmem:s0+$0x6310] =	vst v6;
	v6 =	vbroadcast v2, $0x1  }
.LBB2_12:
0x93: {  	v9 =	vld [tilespmem:s14+$0x0];
	s0 =	sadd.s32 s13, s26  }
0x94: {  	v10 =	vld [tilespmem:s0+$0x0]  }
0x95: {  	s13 =	sadd.s32 s13, s25  }
0x96: {  	v11 =	vld [tilespmem:s13+$0x0];
	_ =	sdelay $0x2  }
0x97: {  	v9 =	vsub.f32 v9, v5;
	v10 =	vsub.f32 v10, v6;
	_ =	sdelay $0x1  }
0x98: {  	v11 =	vsub.f32 v11, v7;
	v9 =	vmul.f32 v9, v9;
	v10 =	vmul.f32 v10, v10;
	_ =	sdelay $0x1  }
0x99: {  	v9 =	vadd.f32 v10, v9;
	v10 =	vmul.f32 v11, v11;
	_ =	sdelay $0x1  }
0x9a: {  	v9 =	vadd.f32 v10, v9;
	_ =	sdelay $0x1  }
0x9b: {  	vm1 =	vle.f32 v9, $1.599999960e-01  }
0x9c: {  	v9 =	vmpcnt.ones.xlane vm1;
	_ =	sdelay $0x1  }
0x9d: {  	(v2sf) =	vpush v9, $0x0;
	_ =	sdelay $0xb  }
0x9e: {  	s14 =	spop (v2sf)  }
0x9f: {  	s0 =	sadd.s32 s15, s14  }
0xa0: {  	s28 =	sadd.s32 $0x10, s28;
	p0 =	slt.s32 s0, $0x20;
	s13 =	smov.u32 s0  }
0xa1: {  	s13 =	simm.s32 @!p0 $0x20;
	v9 =	vor.u32 s28, v0;
	s30 =	spop (v2sf)  }
0xa2: {  	[tilespmem:v8+s13+$0x0 ss:$0x1] =	vst.idx.msk vm1, v9;
	s15 =	sadd.s32 s0, s30  }
.LBB2_13:
0xa3: {  	s31 =	sadd.s32 $0x1, s31  }
0xa4: {  	p0 =	sne.s32 s31, $0x10  }
.Ltmp10:
0xa5: {  	_ = 	snop;
	(pc) =	sbr.rel @!p0 .LBB2_14-.Ltmp10, $3  }
0xa6: {  	_ =	sdelay $0x1  }
0xa7: {  	s25 =	sadd.s32 $0x100, s25  }
0xa8: {  	s26 =	sadd.s32 $0x100, s26;
	s29 =	sadd.s32 $0x100, s29;
	s9 =	sadd.s32 $0x100, s9  }
.LBB2_9:
0xa9: {  	p0 =	sgt.s32 s15, $0x1F  }
.Ltmp11:
0xaa: {  	_ = 	snop;
	(pc) =	sbr.rel @p0 .LBB2_13-.Ltmp11, $1  }
0xab: {  	_ =	sdelay $0x3  }
0xac: {  	s0 =	sshra.s32 s24, $0x2  }
0xad: {  	s13 =	sadd.s32 s0, s29  }
0xae: {  	s14 =	sadd.s32 s0, s26;
	v9 =	vld [tilespmem:s13+$0x0]  }
0xaf: {  	v10 =	vld [tilespmem:s14+$0x0]  }
0xb0: {  	s0 =	sadd.s32 s0, s25  }
0xb1: {  	v11 =	vld [tilespmem:s0+$0x0];
	_ =	sdelay $0x2  }
0xb2: {  	v9 =	vsub.f32 v9, v5;
	v10 =	vsub.f32 v10, v6;
	_ =	sdelay $0x1  }
0xb3: {  	v11 =	vsub.f32 v11, v7;
	v9 =	vmul.f32 v9, v9;
	v10 =	vmul.f32 v10, v10;
	_ =	sdelay $0x1  }
0xb4: {  	v9 =	vadd.f32 v10, v9;
	v10 =	vmul.f32 v11, v11;
	_ =	sdelay $0x1  }
0xb5: {  	v9 =	vadd.f32 v10, v9;
	_ =	sdelay $0x1  }
0xb6: {  	vm1 =	vle.f32 v9, $1.599999960e-01  }
0xb7: {  	v9 =	vmpcnt.ones.xlane vm1;
	_ =	sdelay $0x1  }
0xb8: {  	(v2sf) =	vpush v9, $0x0  }
0xb9: {  	s30 =	sadd.s32 $0x40, s24;
	p0 =	slt.s32 s15, $0x20;
	s28 =	smov.u32 s15  }
0xba: {  	s28 =	simm.s32 @!p0 $0x20;
	s13 =	sshra.s32 s30, $0x2;
	v10 =	vor.u32 s9, v0  }
0xbb: {  	s0 =	sadd.s32 $0x40, s30;
	s14 =	sadd.s32 s13, s29;
	[tilespmem:v8+s28+$0x0 ss:$0x1] =	vst.idx.msk vm1, v10;
	s28 =	smov.u32 s9  }
.LBB2_11:
0xbc: {  	p0 =	sne.s32 s0, $0x3C0;
	v9 =	vld [tilespmem:s14+$0x0];
	s14 =	sadd.s32 s13, s26  }
0xbd: {  	v10 =	vld [tilespmem:s14+$0x0]  }
0xbe: {  	s13 =	sadd.s32 s13, s25  }
0xbf: {  	v11 =	vld [tilespmem:s13+$0x0];
	_ =	sdelay $0x2  }
0xc0: {  	v9 =	vsub.f32 v9, v5;
	v10 =	vsub.f32 v10, v6;
	_ =	sdelay $0x1  }
0xc1: {  	v9 =	vmul.f32 v9, v9;
	v11 =	vsub.f32 v11, v7;
	v10 =	vmul.f32 v10, v10;
	_ =	sdelay $0x1  }
0xc2: {  	v9 =	vadd.f32 v10, v9;
	v10 =	vmul.f32 v11, v11  }
0xc3: {  	s13 =	spop (v2sf)  }
0xc4: {  	v9 =	vadd.f32 v10, v9;
	s15 =	sadd.s32 s15, s13  }
0xc5: {  	p1 =	slt.s32 s15, $0x20;
	s30 =	smov.u32 s15  }
0xc6: {  	vm1 =	vle.f32 v9, $1.599999960e-01;
	s30 =	simm.s32 @!p1 $0x20  }
0xc7: {  	v9 =	vmpcnt.ones.xlane vm1  }
.Ltmp12:
0xc8: {  	(pc) =	sbr.rel @p0 .LBB2_11-.Ltmp12, $4  }
0xc9: {  	(v2sf) =	vpush v9, $0x0  }
0xca: {  	s28 =	sadd.s32 $0x10, s28  }
0xcb: {  	s13 =	sshra.s32 s0, $0x2;
	v9 =	vor.u32 s28, v0  }
0xcc: {  	s0 =	sadd.s32 $0x40, s0;
	s14 =	sadd.s32 s13, s29;
	[tilespmem:v8+s30+$0x0 ss:$0x1] =	vst.idx.msk vm1, v9  }
.Ltmp13:
0xcd: {  	_ = 	snop;
	(pc) =	sbr.rel .LBB2_12-.Ltmp13, $1  }
0xce: {  	_ =	sdelay $0x3  }
.LBB2_14:
0xcf: {  	v5 =	vld [tilespmem:s23+$0x3300];
	_ =	sdelay $0x4  }
0xd0: {  	v6 =	vnsel vm0, $0x0, v5  }
0xd1: {  	(xrf0) =	vadd.scan.msk.s32 $0xffff, v6;
	_ =	sdelay $0x4  }
0xd2: {  	p0 =	slt.s32 s15, $0x20  }
0xd3: {  	s15 =	simm.s32 @!p0 $0x20;
	v6, _, _ =	vpop (xrf0)  }
0xd4: {  	v7 =	vmov s15;
	v6 =	vbroadcast v6, $0xF  }
0xd5: {  	vm1 =	vgt.s32 v7, v0  }
0xd6: {  	s0 =	sshll.u32 s22, $0x5;
	v5 =	vsel vm1, v5, v6  }
0xd7: {  	[tilespmem:s0+$0x6300] =	vst v5  }
0xd8: {  	s22 =	sor.u32 $0x2, s21;
	v5 =	vld [tilespmem:s23+$0x3310]  }
0xd9: {  	s9 =	smul.u32 $0xC0, s22  }
.Ltmp14:
0xda: {  	_ = 	snop;
	(pc) =	sbr.rel .LBB2_15-.Ltmp14, $4  }
0xdb: {  	s24 =	simm.s32 $0x2000  }
0xdc: {  	s25 =	simm.s32 $0x1000;
	s26 =	smov.u32 s1;
	s9 =	sshra.s32 s9, $0x2;
	vm1 =	vgt.s32 v7, v1  }
0xdd: {  	s28 =	simm.s32 $0x0;
	s9 =	sadd.s32 $0x3300, s9;
	v7 =	vbroadcast v3, $0x2;
	s0 =	sor.u32 $0x30, s0;
	v6 =	vsel vm1, v5, v6  }
0xde: {  	s29 =	simm.s32 $0x0;
	s30 =	simm.s32 $0x0;
	v8 =	vmov s9;
	s23 =	simm.s32 $0x0;
	v5 =	vbroadcast v4, $0x2;
	[tilespmem:s0+$0x6300] =	vst v6;
	v6 =	vbroadcast v2, $0x2  }
.LBB2_18:
0xdf: {  	v9 =	vld [tilespmem:s14+$0x0];
	s0 =	sadd.s32 s13, s25  }
0xe0: {  	v10 =	vld [tilespmem:s0+$0x0]  }
0xe1: {  	s14 =	sadd.s32 s13, s24  }
0xe2: {  	v11 =	vld [tilespmem:s14+$0x0];
	_ =	sdelay $0x2  }
0xe3: {  	v9 =	vsub.f32 v9, v5;
	v10 =	vsub.f32 v10, v6;
	_ =	sdelay $0x1  }
0xe4: {  	v11 =	vsub.f32 v11, v7;
	v9 =	vmul.f32 v9, v9;
	v10 =	vmul.f32 v10, v10;
	_ =	sdelay $0x1  }
0xe5: {  	v9 =	vadd.f32 v10, v9;
	v10 =	vmul.f32 v11, v11;
	_ =	sdelay $0x1  }
0xe6: {  	v9 =	vadd.f32 v10, v9;
	_ =	sdelay $0x1  }
0xe7: {  	vm1 =	vle.f32 v9, $1.599999960e-01  }
0xe8: {  	v9 =	vmpcnt.ones.xlane vm1;
	_ =	sdelay $0x1  }
0xe9: {  	(v2sf) =	vpush v9, $0x0;
	_ =	sdelay $0xb  }
0xea: {  	s15 =	spop (v2sf)  }
0xeb: {  	s0 =	sadd.s32 s29, s15  }
0xec: {  	s9 =	sadd.s32 $0x10, s9;
	p0 =	slt.s32 s0, $0x20;
	s13 =	smov.u32 s0  }
0xed: {  	s13 =	simm.s32 @!p0 $0x20;
	v9 =	vor.u32 s9, v0;
	s31 =	spop (v2sf)  }
0xee: {  	[tilespmem:v8+s13+$0x0 ss:$0x1] =	vst.idx.msk vm1, v9;
	s29 =	sadd.s32 s0, s31  }
.LBB2_19:
0xef: {  	s30 =	sadd.s32 $0x1, s30  }
0xf0: {  	p0 =	sne.s32 s30, $0x10  }
.Ltmp15:
0xf1: {  	_ = 	snop;
	(pc) =	sbr.rel @!p0 .LBB2_20-.Ltmp15, $3  }
0xf2: {  	_ =	sdelay $0x1  }
0xf3: {  	s24 =	sadd.s32 $0x100, s24  }
0xf4: {  	s25 =	sadd.s32 $0x100, s25;
	s28 =	sadd.s32 $0x100, s28;
	s26 =	sadd.s32 $0x100, s26  }
.LBB2_15:
0xf5: {  	p0 =	sgt.s32 s29, $0x1F  }
.Ltmp16:
0xf6: {  	_ = 	snop;
	(pc) =	sbr.rel @p0 .LBB2_19-.Ltmp16, $1  }
0xf7: {  	_ =	sdelay $0x3  }
0xf8: {  	s0 =	sshra.s32 s23, $0x2  }
0xf9: {  	s9 =	sadd.s32 s0, s28  }
0xfa: {  	s15 =	sadd.s32 s0, s25;
	v9 =	vld [tilespmem:s9+$0x0]  }
0xfb: {  	v10 =	vld [tilespmem:s15+$0x0]  }
0xfc: {  	s0 =	sadd.s32 s0, s24  }
0xfd: {  	v11 =	vld [tilespmem:s0+$0x0];
	_ =	sdelay $0x2  }
0xfe: {  	v9 =	vsub.f32 v9, v5;
	v10 =	vsub.f32 v10, v6;
	_ =	sdelay $0x1  }
0xff: {  	v11 =	vsub.f32 v11, v7;
	v9 =	vmul.f32 v9, v9;
	v10 =	vmul.f32 v10, v10;
	_ =	sdelay $0x1  }
0x100: {  	v9 =	vadd.f32 v10, v9;
	v10 =	vmul.f32 v11, v11;
	_ =	sdelay $0x1  }
0x101: {  	v9 =	vadd.f32 v10, v9;
	_ =	sdelay $0x1  }
0x102: {  	vm1 =	vle.f32 v9, $1.599999960e-01  }
0x103: {  	v9 =	vmpcnt.ones.xlane vm1;
	_ =	sdelay $0x1  }
0x104: {  	(v2sf) =	vpush v9, $0x0  }
0x105: {  	s31 =	sadd.s32 $0x40, s23;
	p0 =	slt.s32 s29, $0x20;
	s9 =	smov.u32 s29  }
0x106: {  	s13 =	sshra.s32 s31, $0x2;
	s9 =	simm.s32 @!p0 $0x20;
	v10 =	vor.u32 s26, v0  }
0x107: {  	s14 =	sadd.s32 s13, s28;
	s0 =	sadd.s32 $0x40, s31;
	[tilespmem:v8+s9+$0x0 ss:$0x1] =	vst.idx.msk vm1, v10;
	s9 =	smov.u32 s26  }
.LBB2_17:
0x108: {  	p0 =	sne.s32 s0, $0x3C0;
	v9 =	vld [tilespmem:s14+$0x0];
	s14 =	sadd.s32 s13, s25  }
0x109: {  	v10 =	vld [tilespmem:s14+$0x0]  }
0x10a: {  	s13 =	sadd.s32 s13, s24  }
0x10b: {  	v11 =	vld [tilespmem:s13+$0x0];
	_ =	sdelay $0x2  }
0x10c: {  	v9 =	vsub.f32 v9, v5;
	v10 =	vsub.f32 v10, v6;
	_ =	sdelay $0x1  }
0x10d: {  	v9 =	vmul.f32 v9, v9;
	v11 =	vsub.f32 v11, v7;
	v10 =	vmul.f32 v10, v10;
	_ =	sdelay $0x1  }
0x10e: {  	v9 =	vadd.f32 v10, v9;
	v10 =	vmul.f32 v11, v11  }
0x10f: {  	s13 =	spop (v2sf)  }
0x110: {  	v9 =	vadd.f32 v10, v9;
	s29 =	sadd.s32 s29, s13  }
0x111: {  	p1 =	slt.s32 s29, $0x20;
	s15 =	smov.u32 s29  }
0x112: {  	vm1 =	vle.f32 v9, $1.599999960e-01;
	s15 =	simm.s32 @!p1 $0x20  }
0x113: {  	v9 =	vmpcnt.ones.xlane vm1  }
.Ltmp17:
0x114: {  	(pc) =	sbr.rel @p0 .LBB2_17-.Ltmp17, $4  }
0x115: {  	(v2sf) =	vpush v9, $0x0  }
0x116: {  	s9 =	sadd.s32 $0x10, s9  }
0x117: {  	s13 =	sshra.s32 s0, $0x2;
	v9 =	vor.u32 s9, v0  }
0x118: {  	s0 =	sadd.s32 $0x40, s0;
	s14 =	sadd.s32 s13, s28;
	[tilespmem:v8+s15+$0x0 ss:$0x1] =	vst.idx.msk vm1, v9  }
.Ltmp18:
0x119: {  	_ = 	snop;
	(pc) =	sbr.rel .LBB2_18-.Ltmp18, $1  }
0x11a: {  	_ =	sdelay $0x3  }
.LBB2_20:
0x11b: {  	s0 =	smul.u32 $0x30, s22;
	_ =	sdelay $0x1  }
0x11c: {  	v5 =	vld [tilespmem:s0+$0x3300];
	_ =	sdelay $0x4  }
0x11d: {  	v6 =	vnsel vm0, $0x0, v5  }
0x11e: {  	(xrf0) =	vadd.scan.msk.s32 $0xffff, v6;
	_ =	sdelay $0x4  }
0x11f: {  	p0 =	slt.s32 s29, $0x20  }
0x120: {  	s29 =	simm.s32 @!p0 $0x20;
	v6, _, _ =	vpop (xrf0)  }
0x121: {  	v7 =	vmov s29;
	v6 =	vbroadcast v6, $0xF  }
0x122: {  	vm1 =	vgt.s32 v7, v0  }
0x123: {  	s9 =	sshll.u32 s22, $0x5;
	v5 =	vsel vm1, v5, v6  }
0x124: {  	s0 =	sor.u32 $0x70, s0;
	[tilespmem:s9+$0x6300] =	vst v5  }
0x125: {  	s22 =	sor.u32 $0x3, s21;
	v5 =	vld [tilespmem:s0+$0x3300]  }
0x126: {  	s13 =	smul.u32 $0xC0, s22  }
.Ltmp19:
0x127: {  	_ = 	snop;
	(pc) =	sbr.rel .LBB2_21-.Ltmp19, $4  }
0x128: {  	s24 =	simm.s32 $0x0  }
0x129: {  	s25 =	simm.s32 $0x2000;
	s26 =	simm.s32 $0x1000;
	s23 =	sshra.s32 s13, $0x2;
	vm1 =	vgt.s32 v7, v1  }
0x12a: {  	s28 =	smov.u32 s1;
	s14 =	sor.u32 $0x50, s9;
	s15 =	sadd.s32 $0x3300, s23;
	v7 =	vbroadcast v3, $0x3;
	v6 =	vsel vm1, v5, v6  }
0x12b: {  	s30 =	simm.s32 $0x0;
	s31 =	simm.s32 $0x0;
	s29 =	simm.s32 $0x0;
	v8 =	vmov s15;
	v5 =	vbroadcast v4, $0x3;
	[tilespmem:s14+$0x6300] =	vst v6;
	v6 =	vbroadcast v2, $0x3  }
.LBB2_24:
0x12c: {  	v9 =	vld [tilespmem:s14+$0x0];
	s0 =	sadd.s32 s13, s26  }
0x12d: {  	v10 =	vld [tilespmem:s0+$0x0]  }
0x12e: {  	s13 =	sadd.s32 s13, s25  }
0x12f: {  	v11 =	vld [tilespmem:s13+$0x0];
	_ =	sdelay $0x2  }
0x130: {  	v9 =	vsub.f32 v9, v5;
	v10 =	vsub.f32 v10, v6;
	_ =	sdelay $0x1  }
0x131: {  	v11 =	vsub.f32 v11, v7;
	v9 =	vmul.f32 v9, v9;
	v10 =	vmul.f32 v10, v10;
	_ =	sdelay $0x1  }
0x132: {  	v9 =	vadd.f32 v10, v9;
	v10 =	vmul.f32 v11, v11;
	_ =	sdelay $0x1  }
0x133: {  	v9 =	vadd.f32 v10, v9;
	_ =	sdelay $0x1  }
0x134: {  	vm1 =	vle.f32 v9, $1.599999960e-01  }
0x135: {  	v9 =	vmpcnt.ones.xlane vm1;
	_ =	sdelay $0x1  }
0x136: {  	(v2sf) =	vpush v9, $0x0;
	_ =	sdelay $0xb  }
0x137: {  	s14 =	spop (v2sf)  }
0x138: {  	s0 =	sadd.s32 s30, s14  }
0x139: {  	s9 =	sadd.s32 $0x10, s9;
	p0 =	slt.s32 s0, $0x20;
	s13 =	smov.u32 s0  }
0x13a: {  	s13 =	simm.s32 @!p0 $0x20;
	v9 =	vor.u32 s9, v0;
	s15 =	spop (v2sf)  }
0x13b: {  	[tilespmem:v8+s13+$0x0 ss:$0x1] =	vst.idx.msk vm1, v9;
	s30 =	sadd.s32 s0, s15  }
.LBB2_25:
0x13c: {  	s31 =	sadd.s32 $0x1, s31  }
0x13d: {  	p0 =	sne.s32 s31, $0x10  }
.Ltmp20:
0x13e: {  	_ = 	snop;
	(pc) =	sbr.rel @!p0 .LBB2_26-.Ltmp20, $3  }
0x13f: {  	_ =	sdelay $0x1  }
0x140: {  	s25 =	sadd.s32 $0x100, s25  }
0x141: {  	s26 =	sadd.s32 $0x100, s26;
	s29 =	sadd.s32 $0x100, s29;
	s28 =	sadd.s32 $0x100, s28  }
.LBB2_21:
0x142: {  	p0 =	sgt.s32 s30, $0x1F  }
.Ltmp21:
0x143: {  	_ = 	snop;
	(pc) =	sbr.rel @p0 .LBB2_25-.Ltmp21, $1  }
0x144: {  	_ =	sdelay $0x3  }
0x145: {  	s0 =	sshra.s32 s24, $0x2  }
0x146: {  	s9 =	sadd.s32 s0, s29  }
0x147: {  	s14 =	sadd.s32 s0, s26;
	v9 =	vld [tilespmem:s9+$0x0]  }
0x148: {  	v10 =	vld [tilespmem:s14+$0x0]  }
0x149: {  	s0 =	sadd.s32 s0, s25  }
0x14a: {  	v11 =	vld [tilespmem:s0+$0x0];
	_ =	sdelay $0x2  }
0x14b: {  	v9 =	vsub.f32 v9, v5;
	v10 =	vsub.f32 v10, v6;
	_ =	sdelay $0x1  }
0x14c: {  	v11 =	vsub.f32 v11, v7;
	v9 =	vmul.f32 v9, v9;
	v10 =	vmul.f32 v10, v10;
	_ =	sdelay $0x1  }
0x14d: {  	v9 =	vadd.f32 v10, v9;
	v10 =	vmul.f32 v11, v11;
	_ =	sdelay $0x1  }
0x14e: {  	v9 =	vadd.f32 v10, v9;
	_ =	sdelay $0x1  }
0x14f: {  	vm1 =	vle.f32 v9, $1.599999960e-01  }
0x150: {  	v9 =	vmpcnt.ones.xlane vm1;
	_ =	sdelay $0x1  }
0x151: {  	(v2sf) =	vpush v9, $0x0  }
0x152: {  	s15 =	sadd.s32 $0x40, s24;
	p0 =	slt.s32 s30, $0x20;
	s9 =	smov.u32 s30  }
0x153: {  	s13 =	sshra.s32 s15, $0x2;
	s9 =	simm.s32 @!p0 $0x20;
	v10 =	vor.u32 s28, v0  }
0x154: {  	s14 =	sadd.s32 s13, s29;
	s0 =	sadd.s32 $0x40, s15;
	[tilespmem:v8+s9+$0x0 ss:$0x1] =	vst.idx.msk vm1, v10;
	s9 =	smov.u32 s28  }
.LBB2_23:
0x155: {  	p0 =	sne.s32 s0, $0x3C0;
	v9 =	vld [tilespmem:s14+$0x0];
	s14 =	sadd.s32 s13, s26  }
0x156: {  	v10 =	vld [tilespmem:s14+$0x0]  }
0x157: {  	s13 =	sadd.s32 s13, s25  }
0x158: {  	v11 =	vld [tilespmem:s13+$0x0];
	_ =	sdelay $0x2  }
0x159: {  	v9 =	vsub.f32 v9, v5;
	v10 =	vsub.f32 v10, v6;
	_ =	sdelay $0x1  }
0x15a: {  	v9 =	vmul.f32 v9, v9;
	v11 =	vsub.f32 v11, v7;
	v10 =	vmul.f32 v10, v10;
	_ =	sdelay $0x1  }
0x15b: {  	v9 =	vadd.f32 v10, v9;
	v10 =	vmul.f32 v11, v11  }
0x15c: {  	s13 =	spop (v2sf)  }
0x15d: {  	v9 =	vadd.f32 v10, v9;
	s30 =	sadd.s32 s30, s13  }
0x15e: {  	p1 =	slt.s32 s30, $0x20;
	s15 =	smov.u32 s30  }
0x15f: {  	vm1 =	vle.f32 v9, $1.599999960e-01;
	s15 =	simm.s32 @!p1 $0x20  }
0x160: {  	v9 =	vmpcnt.ones.xlane vm1  }
.Ltmp22:
0x161: {  	(pc) =	sbr.rel @p0 .LBB2_23-.Ltmp22, $4  }
0x162: {  	(v2sf) =	vpush v9, $0x0  }
0x163: {  	s9 =	sadd.s32 $0x10, s9  }
0x164: {  	s13 =	sshra.s32 s0, $0x2;
	v9 =	vor.u32 s9, v0  }
0x165: {  	s0 =	sadd.s32 $0x40, s0;
	s14 =	sadd.s32 s13, s29;
	[tilespmem:v8+s15+$0x0 ss:$0x1] =	vst.idx.msk vm1, v9  }
.Ltmp23:
0x166: {  	_ = 	snop;
	(pc) =	sbr.rel .LBB2_24-.Ltmp23, $1  }
0x167: {  	_ =	sdelay $0x3  }
.LBB2_26:
0x168: {  	v5 =	vld [tilespmem:s23+$0x3300];
	_ =	sdelay $0x4  }
0x169: {  	v6 =	vnsel vm0, $0x0, v5  }
0x16a: {  	(xrf0) =	vadd.scan.msk.s32 $0xffff, v6;
	_ =	sdelay $0x4  }
0x16b: {  	p0 =	slt.s32 s30, $0x20  }
0x16c: {  	s30 =	simm.s32 @!p0 $0x20;
	v6, _, _ =	vpop (xrf0)  }
0x16d: {  	v7 =	vmov s30;
	v6 =	vbroadcast v6, $0xF  }
0x16e: {  	vm1 =	vgt.s32 v7, v0  }
0x16f: {  	s0 =	sshll.u32 s22, $0x5;
	v5 =	vsel vm1, v5, v6  }
0x170: {  	[tilespmem:s0+$0x6300] =	vst v5  }
0x171: {  	s22 =	sor.u32 $0x4, s21;
	v5 =	vld [tilespmem:s23+$0x3310]  }
0x172: {  	s9 =	smul.u32 $0xC0, s22  }
.Ltmp24:
0x173: {  	_ = 	snop;
	(pc) =	sbr.rel .LBB2_27-.Ltmp24, $4  }
0x174: {  	s24 =	simm.s32 $0x2000  }
0x175: {  	s25 =	simm.s32 $0x1000;
	s26 =	smov.u32 s1;
	s9 =	sshra.s32 s9, $0x2;
	vm1 =	vgt.s32 v7, v1  }
0x176: {  	s28 =	simm.s32 $0x0;
	s9 =	sadd.s32 $0x3300, s9;
	v7 =	vbroadcast v3, $0x4;
	s0 =	sor.u32 $0x70, s0;
	v6 =	vsel vm1, v5, v6  }
0x177: {  	s29 =	simm.s32 $0x0;
	s30 =	simm.s32 $0x0;
	v8 =	vmov s9;
	s23 =	simm.s32 $0x0;
	v5 =	vbroadcast v4, $0x4;
	[tilespmem:s0+$0x6300] =	vst v6;
	v6 =	vbroadcast v2, $0x4  }
.LBB2_30:
0x178: {  	v9 =	vld [tilespmem:s14+$0x0];
	s0 =	sadd.s32 s13, s25  }
0x179: {  	v10 =	vld [tilespmem:s0+$0x0]  }
0x17a: {  	s14 =	sadd.s32 s13, s24  }
0x17b: {  	v11 =	vld [tilespmem:s14+$0x0];
	_ =	sdelay $0x2  }
0x17c: {  	v9 =	vsub.f32 v9, v5;
	v10 =	vsub.f32 v10, v6;
	_ =	sdelay $0x1  }
0x17d: {  	v11 =	vsub.f32 v11, v7;
	v9 =	vmul.f32 v9, v9;
	v10 =	vmul.f32 v10, v10;
	_ =	sdelay $0x1  }
0x17e: {  	v9 =	vadd.f32 v10, v9;
	v10 =	vmul.f32 v11, v11;
	_ =	sdelay $0x1  }
0x17f: {  	v9 =	vadd.f32 v10, v9;
	_ =	sdelay $0x1  }
0x180: {  	vm1 =	vle.f32 v9, $1.599999960e-01  }
0x181: {  	v9 =	vmpcnt.ones.xlane vm1;
	_ =	sdelay $0x1  }
0x182: {  	(v2sf) =	vpush v9, $0x0;
	_ =	sdelay $0xb  }
0x183: {  	s15 =	spop (v2sf)  }
0x184: {  	s0 =	sadd.s32 s29, s15  }
0x185: {  	s9 =	sadd.s32 $0x10, s9;
	p0 =	slt.s32 s0, $0x20;
	s13 =	smov.u32 s0  }
0x186: {  	s13 =	simm.s32 @!p0 $0x20;
	v9 =	vor.u32 s9, v0;
	s31 =	spop (v2sf)  }
0x187: {  	[tilespmem:v8+s13+$0x0 ss:$0x1] =	vst.idx.msk vm1, v9;
	s29 =	sadd.s32 s0, s31  }
.LBB2_31:
0x188: {  	s30 =	sadd.s32 $0x1, s30  }
0x189: {  	p0 =	sne.s32 s30, $0x10  }
.Ltmp25:
0x18a: {  	_ = 	snop;
	(pc) =	sbr.rel @!p0 .LBB2_32-.Ltmp25, $3  }
0x18b: {  	_ =	sdelay $0x1  }
0x18c: {  	s24 =	sadd.s32 $0x100, s24  }
0x18d: {  	s25 =	sadd.s32 $0x100, s25;
	s28 =	sadd.s32 $0x100, s28;
	s26 =	sadd.s32 $0x100, s26  }
.LBB2_27:
0x18e: {  	p0 =	sgt.s32 s29, $0x1F  }
.Ltmp26:
0x18f: {  	_ = 	snop;
	(pc) =	sbr.rel @p0 .LBB2_31-.Ltmp26, $1  }
0x190: {  	_ =	sdelay $0x3  }
0x191: {  	s0 =	sshra.s32 s23, $0x2  }
0x192: {  	s9 =	sadd.s32 s0, s28  }
0x193: {  	s15 =	sadd.s32 s0, s25;
	v9 =	vld [tilespmem:s9+$0x0]  }
0x194: {  	v10 =	vld [tilespmem:s15+$0x0]  }
0x195: {  	s0 =	sadd.s32 s0, s24  }
0x196: {  	v11 =	vld [tilespmem:s0+$0x0];
	_ =	sdelay $0x2  }
0x197: {  	v9 =	vsub.f32 v9, v5;
	v10 =	vsub.f32 v10, v6;
	_ =	sdelay $0x1  }
0x198: {  	v11 =	vsub.f32 v11, v7;
	v9 =	vmul.f32 v9, v9;
	v10 =	vmul.f32 v10, v10;
	_ =	sdelay $0x1  }
0x199: {  	v9 =	vadd.f32 v10, v9;
	v10 =	vmul.f32 v11, v11;
	_ =	sdelay $0x1  }
0x19a: {  	v9 =	vadd.f32 v10, v9;
	_ =	sdelay $0x1  }
0x19b: {  	vm1 =	vle.f32 v9, $1.599999960e-01  }
0x19c: {  	v9 =	vmpcnt.ones.xlane vm1;
	_ =	sdelay $0x1  }
0x19d: {  	(v2sf) =	vpush v9, $0x0  }
0x19e: {  	s31 =	sadd.s32 $0x40, s23;
	p0 =	slt.s32 s29, $0x20;
	s9 =	smov.u32 s29  }
0x19f: {  	s13 =	sshra.s32 s31, $0x2;
	s9 =	simm.s32 @!p0 $0x20;
	v10 =	vor.u32 s26, v0  }
0x1a0: {  	s14 =	sadd.s32 s13, s28;
	s0 =	sadd.s32 $0x40, s31;
	[tilespmem:v8+s9+$0x0 ss:$0x1] =	vst.idx.msk vm1, v10;
	s9 =	smov.u32 s26  }
.LBB2_29:
0x1a1: {  	p0 =	sne.s32 s0, $0x3C0;
	v9 =	vld [tilespmem:s14+$0x0];
	s14 =	sadd.s32 s13, s25  }
0x1a2: {  	v10 =	vld [tilespmem:s14+$0x0]  }
0x1a3: {  	s13 =	sadd.s32 s13, s24  }
0x1a4: {  	v11 =	vld [tilespmem:s13+$0x0];
	_ =	sdelay $0x2  }
0x1a5: {  	v9 =	vsub.f32 v9, v5;
	v10 =	vsub.f32 v10, v6;
	_ =	sdelay $0x1  }
0x1a6: {  	v9 =	vmul.f32 v9, v9;
	v11 =	vsub.f32 v11, v7;
	v10 =	vmul.f32 v10, v10;
	_ =	sdelay $0x1  }
0x1a7: {  	v9 =	vadd.f32 v10, v9;
	v10 =	vmul.f32 v11, v11  }
0x1a8: {  	s13 =	spop (v2sf)  }
0x1a9: {  	v9 =	vadd.f32 v10, v9;
	s29 =	sadd.s32 s29, s13  }
0x1aa: {  	p1 =	slt.s32 s29, $0x20;
	s15 =	smov.u32 s29  }
0x1ab: {  	vm1 =	vle.f32 v9, $1.599999960e-01;
	s15 =	simm.s32 @!p1 $0x20  }
0x1ac: {  	v9 =	vmpcnt.ones.xlane vm1  }
.Ltmp27:
0x1ad: {  	(pc) =	sbr.rel @p0 .LBB2_29-.Ltmp27, $4  }
0x1ae: {  	(v2sf) =	vpush v9, $0x0  }
0x1af: {  	s9 =	sadd.s32 $0x10, s9  }
0x1b0: {  	s13 =	sshra.s32 s0, $0x2;
	v9 =	vor.u32 s9, v0  }
0x1b1: {  	s0 =	sadd.s32 $0x40, s0;
	s14 =	sadd.s32 s13, s28;
	[tilespmem:v8+s15+$0x0 ss:$0x1] =	vst.idx.msk vm1, v9  }
.Ltmp28:
0x1b2: {  	_ = 	snop;
	(pc) =	sbr.rel .LBB2_30-.Ltmp28, $1  }
0x1b3: {  	_ =	sdelay $0x3  }
.LBB2_32:
0x1b4: {  	s0 =	smul.u32 $0x30, s22;
	_ =	sdelay $0x1  }
0x1b5: {  	v5 =	vld [tilespmem:s0+$0x3300];
	_ =	sdelay $0x4  }
0x1b6: {  	v6 =	vnsel vm0, $0x0, v5  }
0x1b7: {  	(xrf0) =	vadd.scan.msk.s32 $0xffff, v6;
	_ =	sdelay $0x4  }
0x1b8: {  	p0 =	slt.s32 s29, $0x20  }
0x1b9: {  	s29 =	simm.s32 @!p0 $0x20;
	v6, _, _ =	vpop (xrf0)  }
0x1ba: {  	v7 =	vmov s29;
	v6 =	vbroadcast v6, $0xF  }
0x1bb: {  	s9 =	sshll.u32 s22, $0x5;
	vm1 =	vgt.s32 v7, v0  }
0x1bc: {  	s9 =	sand.u32 $0x3FFFFFE0, s9;
	v5 =	vsel vm1, v5, v6  }
0x1bd: {  	s0 =	sor.u32 $0x50, s0;
	[tilespmem:s9+$0x6300] =	vst v5  }
0x1be: {  	s22 =	sor.u32 $0x5, s21;
	v5 =	vld [tilespmem:s0+$0x3300]  }
0x1bf: {  	s26 =	smul.u32 $0xC0, s22  }
.Ltmp29:
0x1c0: {  	_ = 	snop;
	(pc) =	sbr.rel .LBB2_33-.Ltmp29, $4  }
0x1c1: {  	_ = 	snop  }
0x1c2: {  	s24 =	simm.s32 $0x0;
	s25 =	simm.s32 $0x2000;
	s23 =	sshra.s32 s26, $0x2;
	vm1 =	vgt.s32 v7, v1  }
0x1c3: {  	s28 =	smov.u32 s1;
	s30 =	simm.s32 $0x0;
	v7 =	vbroadcast v3, $0x5;
	s0 =	sadd.s32 $0x3300, s23;
	v6 =	vsel vm1, v5, v6  }
0x1c4: {  	s31 =	simm.s32 $0x0;
	s29 =	simm.s32 $0x0;
	s26 =	simm.s32 $0x1000;
	v8 =	vmov s0;
	v5 =	vbroadcast v4, $0x5;
	[tilespmem:s9+$0x6310] =	vst v6;
	v6 =	vbroadcast v2, $0x5  }
.LBB2_36:
0x1c5: {  	v9 =	vld [tilespmem:s14+$0x0];
	s0 =	sadd.s32 s13, s26  }
0x1c6: {  	v10 =	vld [tilespmem:s0+$0x0]  }
0x1c7: {  	s13 =	sadd.s32 s13, s25  }
0x1c8: {  	v11 =	vld [tilespmem:s13+$0x0];
	_ =	sdelay $0x2  }
0x1c9: {  	v9 =	vsub.f32 v9, v5;
	v10 =	vsub.f32 v10, v6;
	_ =	sdelay $0x1  }
0x1ca: {  	v11 =	vsub.f32 v11, v7;
	v9 =	vmul.f32 v9, v9;
	v10 =	vmul.f32 v10, v10;
	_ =	sdelay $0x1  }
0x1cb: {  	v9 =	vadd.f32 v10, v9;
	v10 =	vmul.f32 v11, v11;
	_ =	sdelay $0x1  }
0x1cc: {  	v9 =	vadd.f32 v10, v9;
	_ =	sdelay $0x1  }
0x1cd: {  	vm1 =	vle.f32 v9, $1.599999960e-01  }
0x1ce: {  	v9 =	vmpcnt.ones.xlane vm1;
	_ =	sdelay $0x1  }
0x1cf: {  	(v2sf) =	vpush v9, $0x0;
	_ =	sdelay $0xb  }
0x1d0: {  	s14 =	spop (v2sf)  }
0x1d1: {  	s0 =	sadd.s32 s30, s14  }
0x1d2: {  	s9 =	sadd.s32 $0x10, s9;
	p0 =	slt.s32 s0, $0x20;
	s13 =	smov.u32 s0  }
0x1d3: {  	s13 =	simm.s32 @!p0 $0x20;
	v9 =	vor.u32 s9, v0;
	s15 =	spop (v2sf)  }
0x1d4: {  	[tilespmem:v8+s13+$0x0 ss:$0x1] =	vst.idx.msk vm1, v9;
	s30 =	sadd.s32 s0, s15  }
.LBB2_37:
0x1d5: {  	s31 =	sadd.s32 $0x1, s31  }
0x1d6: {  	p0 =	sne.s32 s31, $0x10  }
.Ltmp30:
0x1d7: {  	_ = 	snop;
	(pc) =	sbr.rel @!p0 .LBB2_38-.Ltmp30, $3  }
0x1d8: {  	_ =	sdelay $0x1  }
0x1d9: {  	s25 =	sadd.s32 $0x100, s25  }
0x1da: {  	s26 =	sadd.s32 $0x100, s26;
	s29 =	sadd.s32 $0x100, s29;
	s28 =	sadd.s32 $0x100, s28  }
.LBB2_33:
0x1db: {  	p0 =	sgt.s32 s30, $0x1F  }
.Ltmp31:
0x1dc: {  	_ = 	snop;
	(pc) =	sbr.rel @p0 .LBB2_37-.Ltmp31, $1  }
0x1dd: {  	_ =	sdelay $0x3  }
0x1de: {  	s0 =	sshra.s32 s24, $0x2  }
0x1df: {  	s9 =	sadd.s32 s0, s29  }
0x1e0: {  	s14 =	sadd.s32 s0, s26;
	v9 =	vld [tilespmem:s9+$0x0]  }
0x1e1: {  	v10 =	vld [tilespmem:s14+$0x0]  }
0x1e2: {  	s0 =	sadd.s32 s0, s25  }
0x1e3: {  	v11 =	vld [tilespmem:s0+$0x0];
	_ =	sdelay $0x2  }
0x1e4: {  	v9 =	vsub.f32 v9, v5;
	v10 =	vsub.f32 v10, v6;
	_ =	sdelay $0x1  }
0x1e5: {  	v11 =	vsub.f32 v11, v7;
	v9 =	vmul.f32 v9, v9;
	v10 =	vmul.f32 v10, v10;
	_ =	sdelay $0x1  }
0x1e6: {  	v9 =	vadd.f32 v10, v9;
	v10 =	vmul.f32 v11, v11;
	_ =	sdelay $0x1  }
0x1e7: {  	v9 =	vadd.f32 v10, v9;
	_ =	sdelay $0x1  }
0x1e8: {  	vm1 =	vle.f32 v9, $1.599999960e-01  }
0x1e9: {  	v9 =	vmpcnt.ones.xlane vm1;
	_ =	sdelay $0x1  }
0x1ea: {  	(v2sf) =	vpush v9, $0x0  }
0x1eb: {  	s15 =	sadd.s32 $0x40, s24;
	p0 =	slt.s32 s30, $0x20;
	s9 =	smov.u32 s30  }
0x1ec: {  	s13 =	sshra.s32 s15, $0x2;
	s9 =	simm.s32 @!p0 $0x20;
	v10 =	vor.u32 s28, v0  }
0x1ed: {  	s14 =	sadd.s32 s13, s29;
	s0 =	sadd.s32 $0x40, s15;
	[tilespmem:v8+s9+$0x0 ss:$0x1] =	vst.idx.msk vm1, v10;
	s9 =	smov.u32 s28  }
.LBB2_35:
0x1ee: {  	p0 =	sne.s32 s0, $0x3C0;
	v9 =	vld [tilespmem:s14+$0x0];
	s14 =	sadd.s32 s13, s26  }
0x1ef: {  	v10 =	vld [tilespmem:s14+$0x0]  }
0x1f0: {  	s13 =	sadd.s32 s13, s25  }
0x1f1: {  	v11 =	vld [tilespmem:s13+$0x0];
	_ =	sdelay $0x2  }
0x1f2: {  	v9 =	vsub.f32 v9, v5;
	v10 =	vsub.f32 v10, v6;
	_ =	sdelay $0x1  }
0x1f3: {  	v9 =	vmul.f32 v9, v9;
	v11 =	vsub.f32 v11, v7;
	v10 =	vmul.f32 v10, v10;
	_ =	sdelay $0x1  }
0x1f4: {  	v9 =	vadd.f32 v10, v9;
	v10 =	vmul.f32 v11, v11  }
0x1f5: {  	s13 =	spop (v2sf)  }
0x1f6: {  	v9 =	vadd.f32 v10, v9;
	s30 =	sadd.s32 s30, s13  }
0x1f7: {  	p1 =	slt.s32 s30, $0x20;
	s15 =	smov.u32 s30  }
0x1f8: {  	vm1 =	vle.f32 v9, $1.599999960e-01;
	s15 =	simm.s32 @!p1 $0x20  }
0x1f9: {  	v9 =	vmpcnt.ones.xlane vm1  }
.Ltmp32:
0x1fa: {  	(pc) =	sbr.rel @p0 .LBB2_35-.Ltmp32, $4  }
0x1fb: {  	(v2sf) =	vpush v9, $0x0  }
0x1fc: {  	s9 =	sadd.s32 $0x10, s9  }
0x1fd: {  	s13 =	sshra.s32 s0, $0x2;
	v9 =	vor.u32 s9, v0  }
0x1fe: {  	s0 =	sadd.s32 $0x40, s0;
	s14 =	sadd.s32 s13, s29;
	[tilespmem:v8+s15+$0x0 ss:$0x1] =	vst.idx.msk vm1, v9  }
.Ltmp33:
0x1ff: {  	_ = 	snop;
	(pc) =	sbr.rel .LBB2_36-.Ltmp33, $1  }
0x200: {  	_ =	sdelay $0x3  }
.LBB2_38:
0x201: {  	v5 =	vld [tilespmem:s23+$0x3300];
	_ =	sdelay $0x4  }
0x202: {  	v6 =	vnsel vm0, $0x0, v5  }
0x203: {  	(xrf0) =	vadd.scan.msk.s32 $0xffff, v6;
	_ =	sdelay $0x4  }
0x204: {  	p0 =	slt.s32 s30, $0x20  }
0x205: {  	s30 =	simm.s32 @!p0 $0x20;
	v6, _, _ =	vpop (xrf0)  }
0x206: {  	v7 =	vmov s30;
	v6 =	vbroadcast v6, $0xF  }
0x207: {  	vm1 =	vgt.s32 v7, v0  }
0x208: {  	s0 =	sshll.u32 s22, $0x5;
	v5 =	vsel vm1, v5, v6  }
0x209: {  	[tilespmem:s0+$0x6300] =	vst v5  }
0x20a: {  	s22 =	sor.u32 $0x6, s21;
	v5 =	vld [tilespmem:s23+$0x3310]  }
0x20b: {  	s9 =	smul.u32 $0xC0, s22  }
.Ltmp34:
0x20c: {  	_ = 	snop;
	(pc) =	sbr.rel .LBB2_39-.Ltmp34, $4  }
0x20d: {  	s24 =	simm.s32 $0x2000  }
0x20e: {  	s25 =	simm.s32 $0x1000;
	s26 =	smov.u32 s1;
	s9 =	sshra.s32 s9, $0x2;
	vm1 =	vgt.s32 v7, v1  }
0x20f: {  	s28 =	simm.s32 $0x0;
	s9 =	sadd.s32 $0x3300, s9;
	v7 =	vbroadcast v3, $0x6;
	s0 =	sor.u32 $0x30, s0;
	v6 =	vsel vm1, v5, v6  }
0x210: {  	s29 =	simm.s32 $0x0;
	s30 =	simm.s32 $0x0;
	v8 =	vmov s9;
	s23 =	simm.s32 $0x0;
	v5 =	vbroadcast v4, $0x6;
	[tilespmem:s0+$0x6300] =	vst v6;
	v6 =	vbroadcast v2, $0x6  }
.LBB2_42:
0x211: {  	v9 =	vld [tilespmem:s14+$0x0];
	s0 =	sadd.s32 s13, s25  }
0x212: {  	v10 =	vld [tilespmem:s0+$0x0]  }
0x213: {  	s14 =	sadd.s32 s13, s24  }
0x214: {  	v11 =	vld [tilespmem:s14+$0x0];
	_ =	sdelay $0x2  }
0x215: {  	v9 =	vsub.f32 v9, v5;
	v10 =	vsub.f32 v10, v6;
	_ =	sdelay $0x1  }
0x216: {  	v11 =	vsub.f32 v11, v7;
	v9 =	vmul.f32 v9, v9;
	v10 =	vmul.f32 v10, v10;
	_ =	sdelay $0x1  }
0x217: {  	v9 =	vadd.f32 v10, v9;
	v10 =	vmul.f32 v11, v11;
	_ =	sdelay $0x1  }
0x218: {  	v9 =	vadd.f32 v10, v9;
	_ =	sdelay $0x1  }
0x219: {  	vm1 =	vle.f32 v9, $1.599999960e-01  }
0x21a: {  	v9 =	vmpcnt.ones.xlane vm1;
	_ =	sdelay $0x1  }
0x21b: {  	(v2sf) =	vpush v9, $0x0;
	_ =	sdelay $0xb  }
0x21c: {  	s15 =	spop (v2sf)  }
0x21d: {  	s0 =	sadd.s32 s29, s15  }
0x21e: {  	s9 =	sadd.s32 $0x10, s9;
	p0 =	slt.s32 s0, $0x20;
	s13 =	smov.u32 s0  }
0x21f: {  	s13 =	simm.s32 @!p0 $0x20;
	v9 =	vor.u32 s9, v0;
	s31 =	spop (v2sf)  }
0x220: {  	[tilespmem:v8+s13+$0x0 ss:$0x1] =	vst.idx.msk vm1, v9;
	s29 =	sadd.s32 s0, s31  }
.LBB2_43:
0x221: {  	s30 =	sadd.s32 $0x1, s30  }
0x222: {  	p0 =	sne.s32 s30, $0x10  }
.Ltmp35:
0x223: {  	_ = 	snop;
	(pc) =	sbr.rel @!p0 .LBB2_44-.Ltmp35, $3  }
0x224: {  	_ =	sdelay $0x1  }
0x225: {  	s24 =	sadd.s32 $0x100, s24  }
0x226: {  	s25 =	sadd.s32 $0x100, s25;
	s28 =	sadd.s32 $0x100, s28;
	s26 =	sadd.s32 $0x100, s26  }
.LBB2_39:
0x227: {  	p0 =	sgt.s32 s29, $0x1F  }
.Ltmp36:
0x228: {  	_ = 	snop;
	(pc) =	sbr.rel @p0 .LBB2_43-.Ltmp36, $1  }
0x229: {  	_ =	sdelay $0x3  }
0x22a: {  	s0 =	sshra.s32 s23, $0x2  }
0x22b: {  	s9 =	sadd.s32 s0, s28  }
0x22c: {  	s15 =	sadd.s32 s0, s25;
	v9 =	vld [tilespmem:s9+$0x0]  }
0x22d: {  	v10 =	vld [tilespmem:s15+$0x0]  }
0x22e: {  	s0 =	sadd.s32 s0, s24  }
0x22f: {  	v11 =	vld [tilespmem:s0+$0x0];
	_ =	sdelay $0x2  }
0x230: {  	v9 =	vsub.f32 v9, v5;
	v10 =	vsub.f32 v10, v6;
	_ =	sdelay $0x1  }
0x231: {  	v11 =	vsub.f32 v11, v7;
	v9 =	vmul.f32 v9, v9;
	v10 =	vmul.f32 v10, v10;
	_ =	sdelay $0x1  }
0x232: {  	v9 =	vadd.f32 v10, v9;
	v10 =	vmul.f32 v11, v11;
	_ =	sdelay $0x1  }
0x233: {  	v9 =	vadd.f32 v10, v9;
	_ =	sdelay $0x1  }
0x234: {  	vm1 =	vle.f32 v9, $1.599999960e-01  }
0x235: {  	v9 =	vmpcnt.ones.xlane vm1;
	_ =	sdelay $0x1  }
0x236: {  	(v2sf) =	vpush v9, $0x0  }
0x237: {  	s31 =	sadd.s32 $0x40, s23;
	p0 =	slt.s32 s29, $0x20;
	s9 =	smov.u32 s29  }
0x238: {  	s13 =	sshra.s32 s31, $0x2;
	s9 =	simm.s32 @!p0 $0x20;
	v10 =	vor.u32 s26, v0  }
0x239: {  	s14 =	sadd.s32 s13, s28;
	s0 =	sadd.s32 $0x40, s31;
	[tilespmem:v8+s9+$0x0 ss:$0x1] =	vst.idx.msk vm1, v10;
	s9 =	smov.u32 s26  }
.LBB2_41:
0x23a: {  	p0 =	sne.s32 s0, $0x3C0;
	v9 =	vld [tilespmem:s14+$0x0];
	s14 =	sadd.s32 s13, s25  }
0x23b: {  	v10 =	vld [tilespmem:s14+$0x0]  }
0x23c: {  	s13 =	sadd.s32 s13, s24  }
0x23d: {  	v11 =	vld [tilespmem:s13+$0x0];
	_ =	sdelay $0x2  }
0x23e: {  	v9 =	vsub.f32 v9, v5;
	v10 =	vsub.f32 v10, v6;
	_ =	sdelay $0x1  }
0x23f: {  	v9 =	vmul.f32 v9, v9;
	v11 =	vsub.f32 v11, v7;
	v10 =	vmul.f32 v10, v10;
	_ =	sdelay $0x1  }
0x240: {  	v9 =	vadd.f32 v10, v9;
	v10 =	vmul.f32 v11, v11  }
0x241: {  	s13 =	spop (v2sf)  }
0x242: {  	v9 =	vadd.f32 v10, v9;
	s29 =	sadd.s32 s29, s13  }
0x243: {  	p1 =	slt.s32 s29, $0x20;
	s15 =	smov.u32 s29  }
0x244: {  	vm1 =	vle.f32 v9, $1.599999960e-01;
	s15 =	simm.s32 @!p1 $0x20  }
0x245: {  	v9 =	vmpcnt.ones.xlane vm1  }
.Ltmp37:
0x246: {  	(pc) =	sbr.rel @p0 .LBB2_41-.Ltmp37, $4  }
0x247: {  	(v2sf) =	vpush v9, $0x0  }
0x248: {  	s9 =	sadd.s32 $0x10, s9  }
0x249: {  	s13 =	sshra.s32 s0, $0x2;
	v9 =	vor.u32 s9, v0  }
0x24a: {  	s0 =	sadd.s32 $0x40, s0;
	s14 =	sadd.s32 s13, s28;
	[tilespmem:v8+s15+$0x0 ss:$0x1] =	vst.idx.msk vm1, v9  }
.Ltmp38:
0x24b: {  	_ = 	snop;
	(pc) =	sbr.rel .LBB2_42-.Ltmp38, $1  }
0x24c: {  	_ =	sdelay $0x3  }
.LBB2_44:
0x24d: {  	s0 =	smul.u32 $0x30, s22;
	_ =	sdelay $0x1  }
0x24e: {  	v5 =	vld [tilespmem:s0+$0x3300];
	_ =	sdelay $0x4  }
0x24f: {  	v6 =	vnsel vm0, $0x0, v5  }
0x250: {  	(xrf0) =	vadd.scan.msk.s32 $0xffff, v6;
	_ =	sdelay $0x4  }
0x251: {  	p0 =	slt.s32 s29, $0x20  }
0x252: {  	s29 =	simm.s32 @!p0 $0x20;
	v6, _, _ =	vpop (xrf0)  }
0x253: {  	v7 =	vmov s29;
	v6 =	vbroadcast v6, $0xF  }
0x254: {  	vm1 =	vgt.s32 v7, v0  }
0x255: {  	s9 =	sshll.u32 s22, $0x5;
	v5 =	vsel vm1, v5, v6  }
0x256: {  	s0 =	sor.u32 $0x30, s0;
	[tilespmem:s9+$0x6300] =	vst v5  }
0x257: {  	s22 =	sor.u32 $0x7, s21;
	v5 =	vld [tilespmem:s0+$0x3300]  }
0x258: {  	s13 =	smul.u32 $0xC0, s22  }
.Ltmp39:
0x259: {  	_ = 	snop;
	(pc) =	sbr.rel .LBB2_45-.Ltmp39, $4  }
0x25a: {  	s24 =	simm.s32 $0x0  }
0x25b: {  	s25 =	simm.s32 $0x2000;
	s26 =	simm.s32 $0x1000;
	s23 =	sshra.s32 s13, $0x2;
	vm1 =	vgt.s32 v7, v1  }
0x25c: {  	s28 =	smov.u32 s1;
	s14 =	sor.u32 $0x50, s9;
	s15 =	sadd.s32 $0x3300, s23;
	v7 =	vbroadcast v3, $0x7;
	v6 =	vsel vm1, v5, v6  }
0x25d: {  	s30 =	simm.s32 $0x0;
	s31 =	simm.s32 $0x0;
	s29 =	simm.s32 $0x0;
	v8 =	vmov s15;
	v5 =	vbroadcast v4, $0x7;
	[tilespmem:s14+$0x6300] =	vst v6;
	v6 =	vbroadcast v2, $0x7  }
.LBB2_48:
0x25e: {  	v9 =	vld [tilespmem:s14+$0x0];
	s0 =	sadd.s32 s13, s26  }
0x25f: {  	v10 =	vld [tilespmem:s0+$0x0]  }
0x260: {  	s13 =	sadd.s32 s13, s25  }
0x261: {  	v11 =	vld [tilespmem:s13+$0x0];
	_ =	sdelay $0x2  }
0x262: {  	v9 =	vsub.f32 v9, v5;
	v10 =	vsub.f32 v10, v6;
	_ =	sdelay $0x1  }
0x263: {  	v11 =	vsub.f32 v11, v7;
	v9 =	vmul.f32 v9, v9;
	v10 =	vmul.f32 v10, v10;
	_ =	sdelay $0x1  }
0x264: {  	v9 =	vadd.f32 v10, v9;
	v10 =	vmul.f32 v11, v11;
	_ =	sdelay $0x1  }
0x265: {  	v9 =	vadd.f32 v10, v9;
	_ =	sdelay $0x1  }
0x266: {  	vm1 =	vle.f32 v9, $1.599999960e-01  }
0x267: {  	v9 =	vmpcnt.ones.xlane vm1;
	_ =	sdelay $0x1  }
0x268: {  	(v2sf) =	vpush v9, $0x0;
	_ =	sdelay $0xb  }
0x269: {  	s14 =	spop (v2sf)  }
0x26a: {  	s0 =	sadd.s32 s30, s14  }
0x26b: {  	s9 =	sadd.s32 $0x10, s9;
	p0 =	slt.s32 s0, $0x20;
	s13 =	smov.u32 s0  }
0x26c: {  	s13 =	simm.s32 @!p0 $0x20;
	v9 =	vor.u32 s9, v0;
	s15 =	spop (v2sf)  }
0x26d: {  	[tilespmem:v8+s13+$0x0 ss:$0x1] =	vst.idx.msk vm1, v9;
	s30 =	sadd.s32 s0, s15  }
.LBB2_49:
0x26e: {  	s31 =	sadd.s32 $0x1, s31  }
0x26f: {  	p0 =	sne.s32 s31, $0x10  }
.Ltmp40:
0x270: {  	_ = 	snop;
	(pc) =	sbr.rel @!p0 .LBB2_50-.Ltmp40, $3  }
0x271: {  	_ =	sdelay $0x1  }
0x272: {  	s25 =	sadd.s32 $0x100, s25  }
0x273: {  	s26 =	sadd.s32 $0x100, s26;
	s29 =	sadd.s32 $0x100, s29;
	s28 =	sadd.s32 $0x100, s28  }
.LBB2_45:
0x274: {  	p0 =	sgt.s32 s30, $0x1F  }
.Ltmp41:
0x275: {  	_ = 	snop;
	(pc) =	sbr.rel @p0 .LBB2_49-.Ltmp41, $1  }
0x276: {  	_ =	sdelay $0x3  }
0x277: {  	s0 =	sshra.s32 s24, $0x2  }
0x278: {  	s9 =	sadd.s32 s0, s29  }
0x279: {  	s14 =	sadd.s32 s0, s26;
	v9 =	vld [tilespmem:s9+$0x0]  }
0x27a: {  	v10 =	vld [tilespmem:s14+$0x0]  }
0x27b: {  	s0 =	sadd.s32 s0, s25  }
0x27c: {  	v11 =	vld [tilespmem:s0+$0x0];
	_ =	sdelay $0x2  }
0x27d: {  	v9 =	vsub.f32 v9, v5;
	v10 =	vsub.f32 v10, v6;
	_ =	sdelay $0x1  }
0x27e: {  	v11 =	vsub.f32 v11, v7;
	v9 =	vmul.f32 v9, v9;
	v10 =	vmul.f32 v10, v10;
	_ =	sdelay $0x1  }
0x27f: {  	v9 =	vadd.f32 v10, v9;
	v10 =	vmul.f32 v11, v11;
	_ =	sdelay $0x1  }
0x280: {  	v9 =	vadd.f32 v10, v9;
	_ =	sdelay $0x1  }
0x281: {  	vm1 =	vle.f32 v9, $1.599999960e-01  }
0x282: {  	v9 =	vmpcnt.ones.xlane vm1;
	_ =	sdelay $0x1  }
0x283: {  	(v2sf) =	vpush v9, $0x0  }
0x284: {  	s15 =	sadd.s32 $0x40, s24;
	p0 =	slt.s32 s30, $0x20;
	s9 =	smov.u32 s30  }
0x285: {  	s13 =	sshra.s32 s15, $0x2;
	s9 =	simm.s32 @!p0 $0x20;
	v10 =	vor.u32 s28, v0  }
0x286: {  	s14 =	sadd.s32 s13, s29;
	s0 =	sadd.s32 $0x40, s15;
	[tilespmem:v8+s9+$0x0 ss:$0x1] =	vst.idx.msk vm1, v10;
	s9 =	smov.u32 s28  }
.LBB2_47:
0x287: {  	p0 =	sne.s32 s0, $0x3C0;
	v9 =	vld [tilespmem:s14+$0x0];
	s14 =	sadd.s32 s13, s26  }
0x288: {  	v10 =	vld [tilespmem:s14+$0x0]  }
0x289: {  	s13 =	sadd.s32 s13, s25  }
0x28a: {  	v11 =	vld [tilespmem:s13+$0x0];
	_ =	sdelay $0x2  }
0x28b: {  	v9 =	vsub.f32 v9, v5;
	v10 =	vsub.f32 v10, v6;
	_ =	sdelay $0x1  }
0x28c: {  	v9 =	vmul.f32 v9, v9;
	v11 =	vsub.f32 v11, v7;
	v10 =	vmul.f32 v10, v10;
	_ =	sdelay $0x1  }
0x28d: {  	v9 =	vadd.f32 v10, v9;
	v10 =	vmul.f32 v11, v11  }
0x28e: {  	s13 =	spop (v2sf)  }
0x28f: {  	v9 =	vadd.f32 v10, v9;
	s30 =	sadd.s32 s30, s13  }
0x290: {  	p1 =	slt.s32 s30, $0x20;
	s15 =	smov.u32 s30  }
0x291: {  	vm1 =	vle.f32 v9, $1.599999960e-01;
	s15 =	simm.s32 @!p1 $0x20  }
0x292: {  	v9 =	vmpcnt.ones.xlane vm1  }
.Ltmp42:
0x293: {  	(pc) =	sbr.rel @p0 .LBB2_47-.Ltmp42, $4  }
0x294: {  	(v2sf) =	vpush v9, $0x0  }
0x295: {  	s9 =	sadd.s32 $0x10, s9  }
0x296: {  	s13 =	sshra.s32 s0, $0x2;
	v9 =	vor.u32 s9, v0  }
0x297: {  	s0 =	sadd.s32 $0x40, s0;
	s14 =	sadd.s32 s13, s29;
	[tilespmem:v8+s15+$0x0 ss:$0x1] =	vst.idx.msk vm1, v9  }
.Ltmp43:
0x298: {  	_ = 	snop;
	(pc) =	sbr.rel .LBB2_48-.Ltmp43, $1  }
0x299: {  	_ =	sdelay $0x3  }
.LBB2_50:
0x29a: {  	v5 =	vld [tilespmem:s23+$0x3300];
	_ =	sdelay $0x4  }
0x29b: {  	v6 =	vnsel vm0, $0x0, v5  }
0x29c: {  	(xrf0) =	vadd.scan.msk.s32 $0xffff, v6;
	_ =	sdelay $0x4  }
0x29d: {  	p0 =	slt.s32 s30, $0x20  }
0x29e: {  	s30 =	simm.s32 @!p0 $0x20;
	v6, _, _ =	vpop (xrf0)  }
0x29f: {  	v7 =	vmov s30;
	v6 =	vbroadcast v6, $0xF  }
0x2a0: {  	vm1 =	vgt.s32 v7, v0  }
0x2a1: {  	s0 =	sshll.u32 s22, $0x5;
	v5 =	vsel vm1, v5, v6  }
0x2a2: {  	[tilespmem:s0+$0x6300] =	vst v5  }
0x2a3: {  	v5 =	vld [tilespmem:s23+$0x3310];
	s23 =	sor.u32 $0x8, s21  }
0x2a4: {  	s9 =	smul.u32 $0xC0, s23  }
.Ltmp44:
0x2a5: {  	_ = 	snop;
	(pc) =	sbr.rel .LBB2_51-.Ltmp44, $4  }
0x2a6: {  	s24 =	simm.s32 $0x0  }
0x2a7: {  	s25 =	simm.s32 $0x2000;
	s26 =	simm.s32 $0x1000;
	vm1 =	vgt.s32 v7, v1;
	s22 =	sshra.s32 s9, $0x2  }
0x2a8: {  	s28 =	smov.u32 s1;
	v7 =	vbroadcast v3, $0x8;
	s0 =	sor.u32 $0x70, s0;
	s9 =	sadd.s32 $0x3300, s22;
	v6 =	vsel vm1, v5, v6  }
0x2a9: {  	s29 =	simm.s32 $0x0;
	s31 =	simm.s32 $0x0;
	s30 =	simm.s32 $0x0;
	v5 =	vbroadcast v4, $0x8;
	v8 =	vmov s9;
	[tilespmem:s0+$0x6300] =	vst v6;
	v6 =	vbroadcast v2, $0x8  }
.LBB2_54:
0x2aa: {  	v9 =	vld [tilespmem:s14+$0x0];
	s0 =	sadd.s32 s13, s26  }
0x2ab: {  	v10 =	vld [tilespmem:s0+$0x0]  }
0x2ac: {  	s13 =	sadd.s32 s13, s25  }
0x2ad: {  	v11 =	vld [tilespmem:s13+$0x0];
	_ =	sdelay $0x2  }
0x2ae: {  	v9 =	vsub.f32 v9, v5;
	v10 =	vsub.f32 v10, v6;
	_ =	sdelay $0x1  }
0x2af: {  	v11 =	vsub.f32 v11, v7;
	v9 =	vmul.f32 v9, v9;
	v10 =	vmul.f32 v10, v10;
	_ =	sdelay $0x1  }
0x2b0: {  	v9 =	vadd.f32 v10, v9;
	v10 =	vmul.f32 v11, v11;
	_ =	sdelay $0x1  }
0x2b1: {  	v9 =	vadd.f32 v10, v9;
	_ =	sdelay $0x1  }
0x2b2: {  	vm1 =	vle.f32 v9, $1.599999960e-01  }
0x2b3: {  	v9 =	vmpcnt.ones.xlane vm1;
	_ =	sdelay $0x1  }
0x2b4: {  	(v2sf) =	vpush v9, $0x0;
	_ =	sdelay $0xb  }
0x2b5: {  	s14 =	spop (v2sf)  }
0x2b6: {  	s0 =	sadd.s32 s30, s14  }
0x2b7: {  	s9 =	sadd.s32 $0x10, s9;
	p0 =	slt.s32 s0, $0x20;
	s13 =	smov.u32 s0  }
0x2b8: {  	s13 =	simm.s32 @!p0 $0x20;
	v9 =	vor.u32 s9, v0;
	s15 =	spop (v2sf)  }
0x2b9: {  	[tilespmem:v8+s13+$0x0 ss:$0x1] =	vst.idx.msk vm1, v9;
	s30 =	sadd.s32 s0, s15  }
.LBB2_55:
0x2ba: {  	s31 =	sadd.s32 $0x1, s31  }
0x2bb: {  	p0 =	sne.s32 s31, $0x10  }
.Ltmp45:
0x2bc: {  	_ = 	snop;
	(pc) =	sbr.rel @!p0 .LBB2_56-.Ltmp45, $3  }
0x2bd: {  	_ =	sdelay $0x1  }
0x2be: {  	s25 =	sadd.s32 $0x100, s25  }
0x2bf: {  	s26 =	sadd.s32 $0x100, s26;
	s29 =	sadd.s32 $0x100, s29;
	s28 =	sadd.s32 $0x100, s28  }
.LBB2_51:
0x2c0: {  	p0 =	sgt.s32 s30, $0x1F  }
.Ltmp46:
0x2c1: {  	_ = 	snop;
	(pc) =	sbr.rel @p0 .LBB2_55-.Ltmp46, $1  }
0x2c2: {  	_ =	sdelay $0x3  }
0x2c3: {  	s0 =	sshra.s32 s24, $0x2  }
0x2c4: {  	s9 =	sadd.s32 s0, s29  }
0x2c5: {  	s14 =	sadd.s32 s0, s26;
	v9 =	vld [tilespmem:s9+$0x0]  }
0x2c6: {  	v10 =	vld [tilespmem:s14+$0x0]  }
0x2c7: {  	s0 =	sadd.s32 s0, s25  }
0x2c8: {  	v11 =	vld [tilespmem:s0+$0x0];
	_ =	sdelay $0x2  }
0x2c9: {  	v9 =	vsub.f32 v9, v5;
	v10 =	vsub.f32 v10, v6;
	_ =	sdelay $0x1  }
0x2ca: {  	v11 =	vsub.f32 v11, v7;
	v9 =	vmul.f32 v9, v9;
	v10 =	vmul.f32 v10, v10;
	_ =	sdelay $0x1  }
0x2cb: {  	v9 =	vadd.f32 v10, v9;
	v10 =	vmul.f32 v11, v11;
	_ =	sdelay $0x1  }
0x2cc: {  	v9 =	vadd.f32 v10, v9;
	_ =	sdelay $0x1  }
0x2cd: {  	vm1 =	vle.f32 v9, $1.599999960e-01  }
0x2ce: {  	v9 =	vmpcnt.ones.xlane vm1;
	_ =	sdelay $0x1  }
0x2cf: {  	(v2sf) =	vpush v9, $0x0  }
0x2d0: {  	s15 =	sadd.s32 $0x40, s24;
	p0 =	slt.s32 s30, $0x20;
	s9 =	smov.u32 s30  }
0x2d1: {  	s13 =	sshra.s32 s15, $0x2;
	s9 =	simm.s32 @!p0 $0x20;
	v10 =	vor.u32 s28, v0  }
0x2d2: {  	s14 =	sadd.s32 s13, s29;
	s0 =	sadd.s32 $0x40, s15;
	[tilespmem:v8+s9+$0x0 ss:$0x1] =	vst.idx.msk vm1, v10;
	s9 =	smov.u32 s28  }
.LBB2_53:
0x2d3: {  	p0 =	sne.s32 s0, $0x3C0;
	v9 =	vld [tilespmem:s14+$0x0];
	s14 =	sadd.s32 s13, s26  }
0x2d4: {  	v10 =	vld [tilespmem:s14+$0x0]  }
0x2d5: {  	s13 =	sadd.s32 s13, s25  }
0x2d6: {  	v11 =	vld [tilespmem:s13+$0x0];
	_ =	sdelay $0x2  }
0x2d7: {  	v9 =	vsub.f32 v9, v5;
	v10 =	vsub.f32 v10, v6;
	_ =	sdelay $0x1  }
0x2d8: {  	v9 =	vmul.f32 v9, v9;
	v11 =	vsub.f32 v11, v7;
	v10 =	vmul.f32 v10, v10;
	_ =	sdelay $0x1  }
0x2d9: {  	v9 =	vadd.f32 v10, v9;
	v10 =	vmul.f32 v11, v11  }
0x2da: {  	s13 =	spop (v2sf)  }
0x2db: {  	v9 =	vadd.f32 v10, v9;
	s30 =	sadd.s32 s30, s13  }
0x2dc: {  	p1 =	slt.s32 s30, $0x20;
	s15 =	smov.u32 s30  }
0x2dd: {  	vm1 =	vle.f32 v9, $1.599999960e-01;
	s15 =	simm.s32 @!p1 $0x20  }
0x2de: {  	v9 =	vmpcnt.ones.xlane vm1  }
.Ltmp47:
0x2df: {  	(pc) =	sbr.rel @p0 .LBB2_53-.Ltmp47, $4  }
0x2e0: {  	(v2sf) =	vpush v9, $0x0  }
0x2e1: {  	s9 =	sadd.s32 $0x10, s9  }
0x2e2: {  	s13 =	sshra.s32 s0, $0x2;
	v9 =	vor.u32 s9, v0  }
0x2e3: {  	s0 =	sadd.s32 $0x40, s0;
	s14 =	sadd.s32 s13, s29;
	[tilespmem:v8+s15+$0x0 ss:$0x1] =	vst.idx.msk vm1, v9  }
.Ltmp48:
0x2e4: {  	_ = 	snop;
	(pc) =	sbr.rel .LBB2_54-.Ltmp48, $1  }
0x2e5: {  	_ =	sdelay $0x3  }
.LBB2_56:
0x2e6: {  	v5 =	vld [tilespmem:s22+$0x3300];
	_ =	sdelay $0x4  }
0x2e7: {  	v6 =	vnsel vm0, $0x0, v5  }
0x2e8: {  	(xrf0) =	vadd.scan.msk.s32 $0xffff, v6;
	_ =	sdelay $0x4  }
0x2e9: {  	p0 =	slt.s32 s30, $0x20  }
0x2ea: {  	s30 =	simm.s32 @!p0 $0x20;
	v6, _, _ =	vpop (xrf0)  }
0x2eb: {  	v7 =	vmov s30;
	v6 =	vbroadcast v6, $0xF  }
0x2ec: {  	s0 =	sshll.u32 s23, $0x5;
	vm1 =	vgt.s32 v7, v0  }
0x2ed: {  	s0 =	sand.u32 $0x3FFFFFE0, s0;
	v5 =	vsel vm1, v5, v6  }
0x2ee: {  	[tilespmem:s0+$0x6300] =	vst v5  }
0x2ef: {  	v5 =	vld [tilespmem:s22+$0x3310];
	s22 =	sor.u32 $0x9, s21  }
0x2f0: {  	s9 =	smul.u32 $0xC0, s22  }
.Ltmp49:
0x2f1: {  	_ = 	snop;
	(pc) =	sbr.rel .LBB2_57-.Ltmp49, $4  }
0x2f2: {  	_ = 	snop  }
0x2f3: {  	s24 =	simm.s32 $0x0;
	s25 =	simm.s32 $0x2000;
	vm1 =	vgt.s32 v7, v1;
	s23 =	sshra.s32 s9, $0x2  }
0x2f4: {  	s26 =	simm.s32 $0x1000;
	s28 =	smov.u32 s1;
	v7 =	vbroadcast v3, $0x9;
	s9 =	sadd.s32 $0x3300, s23;
	v6 =	vsel vm1, v5, v6  }
0x2f5: {  	s29 =	simm.s32 $0x0;
	s31 =	simm.s32 $0x0;
	s30 =	simm.s32 $0x0;
	v5 =	vbroadcast v4, $0x9;
	v8 =	vmov s9;
	[tilespmem:s0+$0x6310] =	vst v6;
	v6 =	vbroadcast v2, $0x9  }
.LBB2_60:
0x2f6: {  	v9 =	vld [tilespmem:s14+$0x0];
	s0 =	sadd.s32 s13, s26  }
0x2f7: {  	v10 =	vld [tilespmem:s0+$0x0]  }
0x2f8: {  	s13 =	sadd.s32 s13, s25  }
0x2f9: {  	v11 =	vld [tilespmem:s13+$0x0];
	_ =	sdelay $0x2  }
0x2fa: {  	v9 =	vsub.f32 v9, v5;
	v10 =	vsub.f32 v10, v6;
	_ =	sdelay $0x1  }
0x2fb: {  	v11 =	vsub.f32 v11, v7;
	v9 =	vmul.f32 v9, v9;
	v10 =	vmul.f32 v10, v10;
	_ =	sdelay $0x1  }
0x2fc: {  	v9 =	vadd.f32 v10, v9;
	v10 =	vmul.f32 v11, v11;
	_ =	sdelay $0x1  }
0x2fd: {  	v9 =	vadd.f32 v10, v9;
	_ =	sdelay $0x1  }
0x2fe: {  	vm1 =	vle.f32 v9, $1.599999960e-01  }
0x2ff: {  	v9 =	vmpcnt.ones.xlane vm1;
	_ =	sdelay $0x1  }
0x300: {  	(v2sf) =	vpush v9, $0x0;
	_ =	sdelay $0xb  }
0x301: {  	s14 =	spop (v2sf)  }
0x302: {  	s0 =	sadd.s32 s30, s14  }
0x303: {  	s9 =	sadd.s32 $0x10, s9;
	p0 =	slt.s32 s0, $0x20;
	s13 =	smov.u32 s0  }
0x304: {  	s13 =	simm.s32 @!p0 $0x20;
	v9 =	vor.u32 s9, v0;
	s15 =	spop (v2sf)  }
0x305: {  	[tilespmem:v8+s13+$0x0 ss:$0x1] =	vst.idx.msk vm1, v9;
	s30 =	sadd.s32 s0, s15  }
.LBB2_61:
0x306: {  	s31 =	sadd.s32 $0x1, s31  }
0x307: {  	p0 =	sne.s32 s31, $0x10  }
.Ltmp50:
0x308: {  	_ = 	snop;
	(pc) =	sbr.rel @!p0 .LBB2_62-.Ltmp50, $3  }
0x309: {  	_ =	sdelay $0x1  }
0x30a: {  	s25 =	sadd.s32 $0x100, s25  }
0x30b: {  	s26 =	sadd.s32 $0x100, s26;
	s29 =	sadd.s32 $0x100, s29;
	s28 =	sadd.s32 $0x100, s28  }
.LBB2_57:
0x30c: {  	p0 =	sgt.s32 s30, $0x1F  }
.Ltmp51:
0x30d: {  	_ = 	snop;
	(pc) =	sbr.rel @p0 .LBB2_61-.Ltmp51, $1  }
0x30e: {  	_ =	sdelay $0x3  }
0x30f: {  	s0 =	sshra.s32 s24, $0x2  }
0x310: {  	s9 =	sadd.s32 s0, s29  }
0x311: {  	s14 =	sadd.s32 s0, s26;
	v9 =	vld [tilespmem:s9+$0x0]  }
0x312: {  	v10 =	vld [tilespmem:s14+$0x0]  }
0x313: {  	s0 =	sadd.s32 s0, s25  }
0x314: {  	v11 =	vld [tilespmem:s0+$0x0];
	_ =	sdelay $0x2  }
0x315: {  	v9 =	vsub.f32 v9, v5;
	v10 =	vsub.f32 v10, v6;
	_ =	sdelay $0x1  }
0x316: {  	v11 =	vsub.f32 v11, v7;
	v9 =	vmul.f32 v9, v9;
	v10 =	vmul.f32 v10, v10;
	_ =	sdelay $0x1  }
0x317: {  	v9 =	vadd.f32 v10, v9;
	v10 =	vmul.f32 v11, v11;
	_ =	sdelay $0x1  }
0x318: {  	v9 =	vadd.f32 v10, v9;
	_ =	sdelay $0x1  }
0x319: {  	vm1 =	vle.f32 v9, $1.599999960e-01  }
0x31a: {  	v9 =	vmpcnt.ones.xlane vm1;
	_ =	sdelay $0x1  }
0x31b: {  	(v2sf) =	vpush v9, $0x0  }
0x31c: {  	s15 =	sadd.s32 $0x40, s24;
	p0 =	slt.s32 s30, $0x20;
	s9 =	smov.u32 s30  }
0x31d: {  	s13 =	sshra.s32 s15, $0x2;
	s9 =	simm.s32 @!p0 $0x20;
	v10 =	vor.u32 s28, v0  }
0x31e: {  	s14 =	sadd.s32 s13, s29;
	s0 =	sadd.s32 $0x40, s15;
	[tilespmem:v8+s9+$0x0 ss:$0x1] =	vst.idx.msk vm1, v10;
	s9 =	smov.u32 s28  }
.LBB2_59:
0x31f: {  	p0 =	sne.s32 s0, $0x3C0;
	v9 =	vld [tilespmem:s14+$0x0];
	s14 =	sadd.s32 s13, s26  }
0x320: {  	v10 =	vld [tilespmem:s14+$0x0]  }
0x321: {  	s13 =	sadd.s32 s13, s25  }
0x322: {  	v11 =	vld [tilespmem:s13+$0x0];
	_ =	sdelay $0x2  }
0x323: {  	v9 =	vsub.f32 v9, v5;
	v10 =	vsub.f32 v10, v6;
	_ =	sdelay $0x1  }
0x324: {  	v9 =	vmul.f32 v9, v9;
	v11 =	vsub.f32 v11, v7;
	v10 =	vmul.f32 v10, v10;
	_ =	sdelay $0x1  }
0x325: {  	v9 =	vadd.f32 v10, v9;
	v10 =	vmul.f32 v11, v11  }
0x326: {  	s13 =	spop (v2sf)  }
0x327: {  	v9 =	vadd.f32 v10, v9;
	s30 =	sadd.s32 s30, s13  }
0x328: {  	p1 =	slt.s32 s30, $0x20;
	s15 =	smov.u32 s30  }
0x329: {  	vm1 =	vle.f32 v9, $1.599999960e-01;
	s15 =	simm.s32 @!p1 $0x20  }
0x32a: {  	v9 =	vmpcnt.ones.xlane vm1  }
.Ltmp52:
0x32b: {  	(pc) =	sbr.rel @p0 .LBB2_59-.Ltmp52, $4  }
0x32c: {  	(v2sf) =	vpush v9, $0x0  }
0x32d: {  	s9 =	sadd.s32 $0x10, s9  }
0x32e: {  	s13 =	sshra.s32 s0, $0x2;
	v9 =	vor.u32 s9, v0  }
0x32f: {  	s0 =	sadd.s32 $0x40, s0;
	s14 =	sadd.s32 s13, s29;
	[tilespmem:v8+s15+$0x0 ss:$0x1] =	vst.idx.msk vm1, v9  }
.Ltmp53:
0x330: {  	_ = 	snop;
	(pc) =	sbr.rel .LBB2_60-.Ltmp53, $1  }
0x331: {  	_ =	sdelay $0x3  }
.LBB2_62:
0x332: {  	v5 =	vld [tilespmem:s23+$0x3300];
	_ =	sdelay $0x4  }
0x333: {  	v6 =	vnsel vm0, $0x0, v5  }
0x334: {  	(xrf0) =	vadd.scan.msk.s32 $0xffff, v6;
	_ =	sdelay $0x4  }
0x335: {  	p0 =	slt.s32 s30, $0x20  }
0x336: {  	s30 =	simm.s32 @!p0 $0x20;
	v6, _, _ =	vpop (xrf0)  }
0x337: {  	v7 =	vmov s30;
	v6 =	vbroadcast v6, $0xF  }
0x338: {  	vm1 =	vgt.s32 v7, v0  }
0x339: {  	s0 =	sshll.u32 s22, $0x5;
	v5 =	vsel vm1, v5, v6  }
0x33a: {  	[tilespmem:s0+$0x6300] =	vst v5  }
0x33b: {  	s22 =	sor.u32 $0xA, s21;
	v5 =	vld [tilespmem:s23+$0x3310]  }
0x33c: {  	s9 =	smul.u32 $0xC0, s22  }
.Ltmp54:
0x33d: {  	_ = 	snop;
	(pc) =	sbr.rel .LBB2_63-.Ltmp54, $4  }
0x33e: {  	s24 =	simm.s32 $0x2000  }
0x33f: {  	s25 =	simm.s32 $0x1000;
	s26 =	smov.u32 s1;
	s9 =	sshra.s32 s9, $0x2;
	vm1 =	vgt.s32 v7, v1  }
0x340: {  	s28 =	simm.s32 $0x0;
	s9 =	sadd.s32 $0x3300, s9;
	v7 =	vbroadcast v3, $0xA;
	s0 =	sor.u32 $0x30, s0;
	v6 =	vsel vm1, v5, v6  }
0x341: {  	s29 =	simm.s32 $0x0;
	s30 =	simm.s32 $0x0;
	v8 =	vmov s9;
	s23 =	simm.s32 $0x0;
	v5 =	vbroadcast v4, $0xA;
	[tilespmem:s0+$0x6300] =	vst v6;
	v6 =	vbroadcast v2, $0xA  }
.LBB2_66:
0x342: {  	v9 =	vld [tilespmem:s14+$0x0];
	s0 =	sadd.s32 s13, s25  }
0x343: {  	v10 =	vld [tilespmem:s0+$0x0]  }
0x344: {  	s14 =	sadd.s32 s13, s24  }
0x345: {  	v11 =	vld [tilespmem:s14+$0x0];
	_ =	sdelay $0x2  }
0x346: {  	v9 =	vsub.f32 v9, v5;
	v10 =	vsub.f32 v10, v6;
	_ =	sdelay $0x1  }
0x347: {  	v11 =	vsub.f32 v11, v7;
	v9 =	vmul.f32 v9, v9;
	v10 =	vmul.f32 v10, v10;
	_ =	sdelay $0x1  }
0x348: {  	v9 =	vadd.f32 v10, v9;
	v10 =	vmul.f32 v11, v11;
	_ =	sdelay $0x1  }
0x349: {  	v9 =	vadd.f32 v10, v9;
	_ =	sdelay $0x1  }
0x34a: {  	vm1 =	vle.f32 v9, $1.599999960e-01  }
0x34b: {  	v9 =	vmpcnt.ones.xlane vm1;
	_ =	sdelay $0x1  }
0x34c: {  	(v2sf) =	vpush v9, $0x0;
	_ =	sdelay $0xb  }
0x34d: {  	s15 =	spop (v2sf)  }
0x34e: {  	s0 =	sadd.s32 s29, s15  }
0x34f: {  	s9 =	sadd.s32 $0x10, s9;
	p0 =	slt.s32 s0, $0x20;
	s13 =	smov.u32 s0  }
0x350: {  	s13 =	simm.s32 @!p0 $0x20;
	v9 =	vor.u32 s9, v0;
	s31 =	spop (v2sf)  }
0x351: {  	[tilespmem:v8+s13+$0x0 ss:$0x1] =	vst.idx.msk vm1, v9;
	s29 =	sadd.s32 s0, s31  }
.LBB2_67:
0x352: {  	s30 =	sadd.s32 $0x1, s30  }
0x353: {  	p0 =	sne.s32 s30, $0x10  }
.Ltmp55:
0x354: {  	_ = 	snop;
	(pc) =	sbr.rel @!p0 .LBB2_68-.Ltmp55, $3  }
0x355: {  	_ =	sdelay $0x1  }
0x356: {  	s24 =	sadd.s32 $0x100, s24  }
0x357: {  	s25 =	sadd.s32 $0x100, s25;
	s28 =	sadd.s32 $0x100, s28;
	s26 =	sadd.s32 $0x100, s26  }
.LBB2_63:
0x358: {  	p0 =	sgt.s32 s29, $0x1F  }
.Ltmp56:
0x359: {  	_ = 	snop;
	(pc) =	sbr.rel @p0 .LBB2_67-.Ltmp56, $1  }
0x35a: {  	_ =	sdelay $0x3  }
0x35b: {  	s0 =	sshra.s32 s23, $0x2  }
0x35c: {  	s9 =	sadd.s32 s0, s28  }
0x35d: {  	s15 =	sadd.s32 s0, s25;
	v9 =	vld [tilespmem:s9+$0x0]  }
0x35e: {  	v10 =	vld [tilespmem:s15+$0x0]  }
0x35f: {  	s0 =	sadd.s32 s0, s24  }
0x360: {  	v11 =	vld [tilespmem:s0+$0x0];
	_ =	sdelay $0x2  }
0x361: {  	v9 =	vsub.f32 v9, v5;
	v10 =	vsub.f32 v10, v6;
	_ =	sdelay $0x1  }
0x362: {  	v11 =	vsub.f32 v11, v7;
	v9 =	vmul.f32 v9, v9;
	v10 =	vmul.f32 v10, v10;
	_ =	sdelay $0x1  }
0x363: {  	v9 =	vadd.f32 v10, v9;
	v10 =	vmul.f32 v11, v11;
	_ =	sdelay $0x1  }
0x364: {  	v9 =	vadd.f32 v10, v9;
	_ =	sdelay $0x1  }
0x365: {  	vm1 =	vle.f32 v9, $1.599999960e-01  }
0x366: {  	v9 =	vmpcnt.ones.xlane vm1;
	_ =	sdelay $0x1  }
0x367: {  	(v2sf) =	vpush v9, $0x0  }
0x368: {  	s31 =	sadd.s32 $0x40, s23;
	p0 =	slt.s32 s29, $0x20;
	s9 =	smov.u32 s29  }
0x369: {  	s13 =	sshra.s32 s31, $0x2;
	s9 =	simm.s32 @!p0 $0x20;
	v10 =	vor.u32 s26, v0  }
0x36a: {  	s14 =	sadd.s32 s13, s28;
	s0 =	sadd.s32 $0x40, s31;
	[tilespmem:v8+s9+$0x0 ss:$0x1] =	vst.idx.msk vm1, v10;
	s9 =	smov.u32 s26  }
.LBB2_65:
0x36b: {  	p0 =	sne.s32 s0, $0x3C0;
	v9 =	vld [tilespmem:s14+$0x0];
	s14 =	sadd.s32 s13, s25  }
0x36c: {  	v10 =	vld [tilespmem:s14+$0x0]  }
0x36d: {  	s13 =	sadd.s32 s13, s24  }
0x36e: {  	v11 =	vld [tilespmem:s13+$0x0];
	_ =	sdelay $0x2  }
0x36f: {  	v9 =	vsub.f32 v9, v5;
	v10 =	vsub.f32 v10, v6;
	_ =	sdelay $0x1  }
0x370: {  	v9 =	vmul.f32 v9, v9;
	v11 =	vsub.f32 v11, v7;
	v10 =	vmul.f32 v10, v10;
	_ =	sdelay $0x1  }
0x371: {  	v9 =	vadd.f32 v10, v9;
	v10 =	vmul.f32 v11, v11  }
0x372: {  	s13 =	spop (v2sf)  }
0x373: {  	v9 =	vadd.f32 v10, v9;
	s29 =	sadd.s32 s29, s13  }
0x374: {  	p1 =	slt.s32 s29, $0x20;
	s15 =	smov.u32 s29  }
0x375: {  	vm1 =	vle.f32 v9, $1.599999960e-01;
	s15 =	simm.s32 @!p1 $0x20  }
0x376: {  	v9 =	vmpcnt.ones.xlane vm1  }
.Ltmp57:
0x377: {  	(pc) =	sbr.rel @p0 .LBB2_65-.Ltmp57, $4  }
0x378: {  	(v2sf) =	vpush v9, $0x0  }
0x379: {  	s9 =	sadd.s32 $0x10, s9  }
0x37a: {  	s13 =	sshra.s32 s0, $0x2;
	v9 =	vor.u32 s9, v0  }
0x37b: {  	s0 =	sadd.s32 $0x40, s0;
	s14 =	sadd.s32 s13, s28;
	[tilespmem:v8+s15+$0x0 ss:$0x1] =	vst.idx.msk vm1, v9  }
.Ltmp58:
0x37c: {  	_ = 	snop;
	(pc) =	sbr.rel .LBB2_66-.Ltmp58, $1  }
0x37d: {  	_ =	sdelay $0x3  }
.LBB2_68:
0x37e: {  	s0 =	smul.u32 $0x30, s22;
	_ =	sdelay $0x1  }
0x37f: {  	v5 =	vld [tilespmem:s0+$0x3300];
	_ =	sdelay $0x4  }
0x380: {  	v6 =	vnsel vm0, $0x0, v5  }
0x381: {  	(xrf0) =	vadd.scan.msk.s32 $0xffff, v6;
	_ =	sdelay $0x4  }
0x382: {  	p0 =	slt.s32 s29, $0x20  }
0x383: {  	s29 =	simm.s32 @!p0 $0x20;
	v6, _, _ =	vpop (xrf0)  }
0x384: {  	v7 =	vmov s29;
	v6 =	vbroadcast v6, $0xF  }
0x385: {  	vm1 =	vgt.s32 v7, v0  }
0x386: {  	s9 =	sshll.u32 s22, $0x5;
	v5 =	vsel vm1, v5, v6  }
0x387: {  	s0 =	sor.u32 $0x70, s0;
	[tilespmem:s9+$0x6300] =	vst v5  }
0x388: {  	s22 =	sor.u32 $0xB, s21;
	v5 =	vld [tilespmem:s0+$0x3300]  }
0x389: {  	s13 =	smul.u32 $0xC0, s22  }
.Ltmp59:
0x38a: {  	_ = 	snop;
	(pc) =	sbr.rel .LBB2_69-.Ltmp59, $4  }
0x38b: {  	s24 =	simm.s32 $0x0  }
0x38c: {  	s25 =	simm.s32 $0x2000;
	s26 =	simm.s32 $0x1000;
	s23 =	sshra.s32 s13, $0x2;
	vm1 =	vgt.s32 v7, v1  }
0x38d: {  	s28 =	smov.u32 s1;
	s14 =	sor.u32 $0x50, s9;
	s15 =	sadd.s32 $0x3300, s23;
	v7 =	vbroadcast v3, $0xB;
	v6 =	vsel vm1, v5, v6  }
0x38e: {  	s30 =	simm.s32 $0x0;
	s31 =	simm.s32 $0x0;
	s29 =	simm.s32 $0x0;
	v8 =	vmov s15;
	v5 =	vbroadcast v4, $0xB;
	[tilespmem:s14+$0x6300] =	vst v6;
	v6 =	vbroadcast v2, $0xB  }
.LBB2_72:
0x38f: {  	v9 =	vld [tilespmem:s14+$0x0];
	s0 =	sadd.s32 s13, s26  }
0x390: {  	v10 =	vld [tilespmem:s0+$0x0]  }
0x391: {  	s13 =	sadd.s32 s13, s25  }
0x392: {  	v11 =	vld [tilespmem:s13+$0x0];
	_ =	sdelay $0x2  }
0x393: {  	v9 =	vsub.f32 v9, v5;
	v10 =	vsub.f32 v10, v6;
	_ =	sdelay $0x1  }
0x394: {  	v11 =	vsub.f32 v11, v7;
	v9 =	vmul.f32 v9, v9;
	v10 =	vmul.f32 v10, v10;
	_ =	sdelay $0x1  }
0x395: {  	v9 =	vadd.f32 v10, v9;
	v10 =	vmul.f32 v11, v11;
	_ =	sdelay $0x1  }
0x396: {  	v9 =	vadd.f32 v10, v9;
	_ =	sdelay $0x1  }
0x397: {  	vm1 =	vle.f32 v9, $1.599999960e-01  }
0x398: {  	v9 =	vmpcnt.ones.xlane vm1;
	_ =	sdelay $0x1  }
0x399: {  	(v2sf) =	vpush v9, $0x0;
	_ =	sdelay $0xb  }
0x39a: {  	s14 =	spop (v2sf)  }
0x39b: {  	s0 =	sadd.s32 s30, s14  }
0x39c: {  	s9 =	sadd.s32 $0x10, s9;
	p0 =	slt.s32 s0, $0x20;
	s13 =	smov.u32 s0  }
0x39d: {  	s13 =	simm.s32 @!p0 $0x20;
	v9 =	vor.u32 s9, v0;
	s15 =	spop (v2sf)  }
0x39e: {  	[tilespmem:v8+s13+$0x0 ss:$0x1] =	vst.idx.msk vm1, v9;
	s30 =	sadd.s32 s0, s15  }
.LBB2_73:
0x39f: {  	s31 =	sadd.s32 $0x1, s31  }
0x3a0: {  	p0 =	sne.s32 s31, $0x10  }
.Ltmp60:
0x3a1: {  	_ = 	snop;
	(pc) =	sbr.rel @!p0 .LBB2_74-.Ltmp60, $3  }
0x3a2: {  	_ =	sdelay $0x1  }
0x3a3: {  	s25 =	sadd.s32 $0x100, s25  }
0x3a4: {  	s26 =	sadd.s32 $0x100, s26;
	s29 =	sadd.s32 $0x100, s29;
	s28 =	sadd.s32 $0x100, s28  }
.LBB2_69:
0x3a5: {  	p0 =	sgt.s32 s30, $0x1F  }
.Ltmp61:
0x3a6: {  	_ = 	snop;
	(pc) =	sbr.rel @p0 .LBB2_73-.Ltmp61, $1  }
0x3a7: {  	_ =	sdelay $0x3  }
0x3a8: {  	s0 =	sshra.s32 s24, $0x2  }
0x3a9: {  	s9 =	sadd.s32 s0, s29  }
0x3aa: {  	s14 =	sadd.s32 s0, s26;
	v9 =	vld [tilespmem:s9+$0x0]  }
0x3ab: {  	v10 =	vld [tilespmem:s14+$0x0]  }
0x3ac: {  	s0 =	sadd.s32 s0, s25  }
0x3ad: {  	v11 =	vld [tilespmem:s0+$0x0];
	_ =	sdelay $0x2  }
0x3ae: {  	v9 =	vsub.f32 v9, v5;
	v10 =	vsub.f32 v10, v6;
	_ =	sdelay $0x1  }
0x3af: {  	v11 =	vsub.f32 v11, v7;
	v9 =	vmul.f32 v9, v9;
	v10 =	vmul.f32 v10, v10;
	_ =	sdelay $0x1  }
0x3b0: {  	v9 =	vadd.f32 v10, v9;
	v10 =	vmul.f32 v11, v11;
	_ =	sdelay $0x1  }
0x3b1: {  	v9 =	vadd.f32 v10, v9;
	_ =	sdelay $0x1  }
0x3b2: {  	vm1 =	vle.f32 v9, $1.599999960e-01  }
0x3b3: {  	v9 =	vmpcnt.ones.xlane vm1;
	_ =	sdelay $0x1  }
0x3b4: {  	(v2sf) =	vpush v9, $0x0  }
0x3b5: {  	s15 =	sadd.s32 $0x40, s24;
	p0 =	slt.s32 s30, $0x20;
	s9 =	smov.u32 s30  }
0x3b6: {  	s13 =	sshra.s32 s15, $0x2;
	s9 =	simm.s32 @!p0 $0x20;
	v10 =	vor.u32 s28, v0  }
0x3b7: {  	s14 =	sadd.s32 s13, s29;
	s0 =	sadd.s32 $0x40, s15;
	[tilespmem:v8+s9+$0x0 ss:$0x1] =	vst.idx.msk vm1, v10;
	s9 =	smov.u32 s28  }
.LBB2_71:
0x3b8: {  	p0 =	sne.s32 s0, $0x3C0;
	v9 =	vld [tilespmem:s14+$0x0];
	s14 =	sadd.s32 s13, s26  }
0x3b9: {  	v10 =	vld [tilespmem:s14+$0x0]  }
0x3ba: {  	s13 =	sadd.s32 s13, s25  }
0x3bb: {  	v11 =	vld [tilespmem:s13+$0x0];
	_ =	sdelay $0x2  }
0x3bc: {  	v9 =	vsub.f32 v9, v5;
	v10 =	vsub.f32 v10, v6;
	_ =	sdelay $0x1  }
0x3bd: {  	v9 =	vmul.f32 v9, v9;
	v11 =	vsub.f32 v11, v7;
	v10 =	vmul.f32 v10, v10;
	_ =	sdelay $0x1  }
0x3be: {  	v9 =	vadd.f32 v10, v9;
	v10 =	vmul.f32 v11, v11  }
0x3bf: {  	s13 =	spop (v2sf)  }
0x3c0: {  	v9 =	vadd.f32 v10, v9;
	s30 =	sadd.s32 s30, s13  }
0x3c1: {  	p1 =	slt.s32 s30, $0x20;
	s15 =	smov.u32 s30  }
0x3c2: {  	vm1 =	vle.f32 v9, $1.599999960e-01;
	s15 =	simm.s32 @!p1 $0x20  }
0x3c3: {  	v9 =	vmpcnt.ones.xlane vm1  }
.Ltmp62:
0x3c4: {  	(pc) =	sbr.rel @p0 .LBB2_71-.Ltmp62, $4  }
0x3c5: {  	(v2sf) =	vpush v9, $0x0  }
0x3c6: {  	s9 =	sadd.s32 $0x10, s9  }
0x3c7: {  	s13 =	sshra.s32 s0, $0x2;
	v9 =	vor.u32 s9, v0  }
0x3c8: {  	s0 =	sadd.s32 $0x40, s0;
	s14 =	sadd.s32 s13, s29;
	[tilespmem:v8+s15+$0x0 ss:$0x1] =	vst.idx.msk vm1, v9  }
.Ltmp63:
0x3c9: {  	_ = 	snop;
	(pc) =	sbr.rel .LBB2_72-.Ltmp63, $1  }
0x3ca: {  	_ =	sdelay $0x3  }
.LBB2_74:
0x3cb: {  	v5 =	vld [tilespmem:s23+$0x3300];
	_ =	sdelay $0x4  }
0x3cc: {  	v6 =	vnsel vm0, $0x0, v5  }
0x3cd: {  	(xrf0) =	vadd.scan.msk.s32 $0xffff, v6;
	_ =	sdelay $0x4  }
0x3ce: {  	p0 =	slt.s32 s30, $0x20  }
0x3cf: {  	s30 =	simm.s32 @!p0 $0x20;
	v6, _, _ =	vpop (xrf0)  }
0x3d0: {  	v7 =	vmov s30;
	v6 =	vbroadcast v6, $0xF  }
0x3d1: {  	vm1 =	vgt.s32 v7, v0  }
0x3d2: {  	s0 =	sshll.u32 s22, $0x5;
	v5 =	vsel vm1, v5, v6  }
0x3d3: {  	[tilespmem:s0+$0x6300] =	vst v5  }
0x3d4: {  	s22 =	sor.u32 $0xC, s21;
	v5 =	vld [tilespmem:s23+$0x3310]  }
0x3d5: {  	s9 =	smul.u32 $0xC0, s22  }
.Ltmp64:
0x3d6: {  	_ = 	snop;
	(pc) =	sbr.rel .LBB2_75-.Ltmp64, $4  }
0x3d7: {  	s24 =	simm.s32 $0x2000  }
0x3d8: {  	s25 =	simm.s32 $0x1000;
	s26 =	smov.u32 s1;
	s9 =	sshra.s32 s9, $0x2;
	vm1 =	vgt.s32 v7, v1  }
0x3d9: {  	s28 =	simm.s32 $0x0;
	s9 =	sadd.s32 $0x3300, s9;
	v7 =	vbroadcast v3, $0xC;
	s0 =	sor.u32 $0x70, s0;
	v6 =	vsel vm1, v5, v6  }
0x3da: {  	s29 =	simm.s32 $0x0;
	s30 =	simm.s32 $0x0;
	v8 =	vmov s9;
	s23 =	simm.s32 $0x0;
	v5 =	vbroadcast v4, $0xC;
	[tilespmem:s0+$0x6300] =	vst v6;
	v6 =	vbroadcast v2, $0xC  }
.LBB2_78:
0x3db: {  	v9 =	vld [tilespmem:s14+$0x0];
	s0 =	sadd.s32 s13, s25  }
0x3dc: {  	v10 =	vld [tilespmem:s0+$0x0]  }
0x3dd: {  	s14 =	sadd.s32 s13, s24  }
0x3de: {  	v11 =	vld [tilespmem:s14+$0x0];
	_ =	sdelay $0x2  }
0x3df: {  	v9 =	vsub.f32 v9, v5;
	v10 =	vsub.f32 v10, v6;
	_ =	sdelay $0x1  }
0x3e0: {  	v11 =	vsub.f32 v11, v7;
	v9 =	vmul.f32 v9, v9;
	v10 =	vmul.f32 v10, v10;
	_ =	sdelay $0x1  }
0x3e1: {  	v9 =	vadd.f32 v10, v9;
	v10 =	vmul.f32 v11, v11;
	_ =	sdelay $0x1  }
0x3e2: {  	v9 =	vadd.f32 v10, v9;
	_ =	sdelay $0x1  }
0x3e3: {  	vm1 =	vle.f32 v9, $1.599999960e-01  }
0x3e4: {  	v9 =	vmpcnt.ones.xlane vm1;
	_ =	sdelay $0x1  }
0x3e5: {  	(v2sf) =	vpush v9, $0x0;
	_ =	sdelay $0xb  }
0x3e6: {  	s15 =	spop (v2sf)  }
0x3e7: {  	s0 =	sadd.s32 s29, s15  }
0x3e8: {  	s9 =	sadd.s32 $0x10, s9;
	p0 =	slt.s32 s0, $0x20;
	s13 =	smov.u32 s0  }
0x3e9: {  	s13 =	simm.s32 @!p0 $0x20;
	v9 =	vor.u32 s9, v0;
	s31 =	spop (v2sf)  }
0x3ea: {  	[tilespmem:v8+s13+$0x0 ss:$0x1] =	vst.idx.msk vm1, v9;
	s29 =	sadd.s32 s0, s31  }
.LBB2_79:
0x3eb: {  	s30 =	sadd.s32 $0x1, s30  }
0x3ec: {  	p0 =	sne.s32 s30, $0x10  }
.Ltmp65:
0x3ed: {  	_ = 	snop;
	(pc) =	sbr.rel @!p0 .LBB2_80-.Ltmp65, $3  }
0x3ee: {  	_ =	sdelay $0x1  }
0x3ef: {  	s24 =	sadd.s32 $0x100, s24  }
0x3f0: {  	s25 =	sadd.s32 $0x100, s25;
	s28 =	sadd.s32 $0x100, s28;
	s26 =	sadd.s32 $0x100, s26  }
.LBB2_75:
0x3f1: {  	p0 =	sgt.s32 s29, $0x1F  }
.Ltmp66:
0x3f2: {  	_ = 	snop;
	(pc) =	sbr.rel @p0 .LBB2_79-.Ltmp66, $1  }
0x3f3: {  	_ =	sdelay $0x3  }
0x3f4: {  	s0 =	sshra.s32 s23, $0x2  }
0x3f5: {  	s9 =	sadd.s32 s0, s28  }
0x3f6: {  	s15 =	sadd.s32 s0, s25;
	v9 =	vld [tilespmem:s9+$0x0]  }
0x3f7: {  	v10 =	vld [tilespmem:s15+$0x0]  }
0x3f8: {  	s0 =	sadd.s32 s0, s24  }
0x3f9: {  	v11 =	vld [tilespmem:s0+$0x0];
	_ =	sdelay $0x2  }
0x3fa: {  	v9 =	vsub.f32 v9, v5;
	v10 =	vsub.f32 v10, v6;
	_ =	sdelay $0x1  }
0x3fb: {  	v11 =	vsub.f32 v11, v7;
	v9 =	vmul.f32 v9, v9;
	v10 =	vmul.f32 v10, v10;
	_ =	sdelay $0x1  }
0x3fc: {  	v9 =	vadd.f32 v10, v9;
	v10 =	vmul.f32 v11, v11;
	_ =	sdelay $0x1  }
0x3fd: {  	v9 =	vadd.f32 v10, v9;
	_ =	sdelay $0x1  }
0x3fe: {  	vm1 =	vle.f32 v9, $1.599999960e-01  }
0x3ff: {  	v9 =	vmpcnt.ones.xlane vm1;
	_ =	sdelay $0x1  }
0x400: {  	(v2sf) =	vpush v9, $0x0  }
0x401: {  	s31 =	sadd.s32 $0x40, s23;
	p0 =	slt.s32 s29, $0x20;
	s9 =	smov.u32 s29  }
0x402: {  	s13 =	sshra.s32 s31, $0x2;
	s9 =	simm.s32 @!p0 $0x20;
	v10 =	vor.u32 s26, v0  }
0x403: {  	s14 =	sadd.s32 s13, s28;
	s0 =	sadd.s32 $0x40, s31;
	[tilespmem:v8+s9+$0x0 ss:$0x1] =	vst.idx.msk vm1, v10;
	s9 =	smov.u32 s26  }
.LBB2_77:
0x404: {  	p0 =	sne.s32 s0, $0x3C0;
	v9 =	vld [tilespmem:s14+$0x0];
	s14 =	sadd.s32 s13, s25  }
0x405: {  	v10 =	vld [tilespmem:s14+$0x0]  }
0x406: {  	s13 =	sadd.s32 s13, s24  }
0x407: {  	v11 =	vld [tilespmem:s13+$0x0];
	_ =	sdelay $0x2  }
0x408: {  	v9 =	vsub.f32 v9, v5;
	v10 =	vsub.f32 v10, v6;
	_ =	sdelay $0x1  }
0x409: {  	v9 =	vmul.f32 v9, v9;
	v11 =	vsub.f32 v11, v7;
	v10 =	vmul.f32 v10, v10;
	_ =	sdelay $0x1  }
0x40a: {  	v9 =	vadd.f32 v10, v9;
	v10 =	vmul.f32 v11, v11  }
0x40b: {  	s13 =	spop (v2sf)  }
0x40c: {  	v9 =	vadd.f32 v10, v9;
	s29 =	sadd.s32 s29, s13  }
0x40d: {  	p1 =	slt.s32 s29, $0x20;
	s15 =	smov.u32 s29  }
0x40e: {  	vm1 =	vle.f32 v9, $1.599999960e-01;
	s15 =	simm.s32 @!p1 $0x20  }
0x40f: {  	v9 =	vmpcnt.ones.xlane vm1  }
.Ltmp67:
0x410: {  	(pc) =	sbr.rel @p0 .LBB2_77-.Ltmp67, $4  }
0x411: {  	(v2sf) =	vpush v9, $0x0  }
0x412: {  	s9 =	sadd.s32 $0x10, s9  }
0x413: {  	s13 =	sshra.s32 s0, $0x2;
	v9 =	vor.u32 s9, v0  }
0x414: {  	s0 =	sadd.s32 $0x40, s0;
	s14 =	sadd.s32 s13, s28;
	[tilespmem:v8+s15+$0x0 ss:$0x1] =	vst.idx.msk vm1, v9  }
.Ltmp68:
0x415: {  	_ = 	snop;
	(pc) =	sbr.rel .LBB2_78-.Ltmp68, $1  }
0x416: {  	_ =	sdelay $0x3  }
.LBB2_80:
0x417: {  	s0 =	smul.u32 $0x30, s22;
	_ =	sdelay $0x1  }
0x418: {  	v5 =	vld [tilespmem:s0+$0x3300];
	_ =	sdelay $0x4  }
0x419: {  	v6 =	vnsel vm0, $0x0, v5  }
0x41a: {  	(xrf0) =	vadd.scan.msk.s32 $0xffff, v6;
	_ =	sdelay $0x4  }
0x41b: {  	p0 =	slt.s32 s29, $0x20  }
0x41c: {  	s29 =	simm.s32 @!p0 $0x20;
	v6, _, _ =	vpop (xrf0)  }
0x41d: {  	v7 =	vmov s29;
	v6 =	vbroadcast v6, $0xF  }
0x41e: {  	s9 =	sshll.u32 s22, $0x5;
	vm1 =	vgt.s32 v7, v0  }
0x41f: {  	s9 =	sand.u32 $0x3FFFFFE0, s9;
	v5 =	vsel vm1, v5, v6  }
0x420: {  	s0 =	sor.u32 $0x50, s0;
	[tilespmem:s9+$0x6300] =	vst v5  }
0x421: {  	s22 =	sor.u32 $0xD, s21;
	v5 =	vld [tilespmem:s0+$0x3300]  }
0x422: {  	s26 =	smul.u32 $0xC0, s22  }
.Ltmp69:
0x423: {  	_ = 	snop;
	(pc) =	sbr.rel .LBB2_81-.Ltmp69, $4  }
0x424: {  	_ = 	snop  }
0x425: {  	s24 =	simm.s32 $0x0;
	s25 =	simm.s32 $0x2000;
	s23 =	sshra.s32 s26, $0x2;
	vm1 =	vgt.s32 v7, v1  }
0x426: {  	s28 =	smov.u32 s1;
	s30 =	simm.s32 $0x0;
	v7 =	vbroadcast v3, $0xD;
	s0 =	sadd.s32 $0x3300, s23;
	v6 =	vsel vm1, v5, v6  }
0x427: {  	s31 =	simm.s32 $0x0;
	s29 =	simm.s32 $0x0;
	s26 =	simm.s32 $0x1000;
	v8 =	vmov s0;
	v5 =	vbroadcast v4, $0xD;
	[tilespmem:s9+$0x6310] =	vst v6;
	v6 =	vbroadcast v2, $0xD  }
.LBB2_84:
0x428: {  	v9 =	vld [tilespmem:s14+$0x0];
	s0 =	sadd.s32 s13, s26  }
0x429: {  	v10 =	vld [tilespmem:s0+$0x0]  }
0x42a: {  	s13 =	sadd.s32 s13, s25  }
0x42b: {  	v11 =	vld [tilespmem:s13+$0x0];
	_ =	sdelay $0x2  }
0x42c: {  	v9 =	vsub.f32 v9, v5;
	v10 =	vsub.f32 v10, v6;
	_ =	sdelay $0x1  }
0x42d: {  	v11 =	vsub.f32 v11, v7;
	v9 =	vmul.f32 v9, v9;
	v10 =	vmul.f32 v10, v10;
	_ =	sdelay $0x1  }
0x42e: {  	v9 =	vadd.f32 v10, v9;
	v10 =	vmul.f32 v11, v11;
	_ =	sdelay $0x1  }
0x42f: {  	v9 =	vadd.f32 v10, v9;
	_ =	sdelay $0x1  }
0x430: {  	vm1 =	vle.f32 v9, $1.599999960e-01  }
0x431: {  	v9 =	vmpcnt.ones.xlane vm1;
	_ =	sdelay $0x1  }
0x432: {  	(v2sf) =	vpush v9, $0x0;
	_ =	sdelay $0xb  }
0x433: {  	s14 =	spop (v2sf)  }
0x434: {  	s0 =	sadd.s32 s30, s14  }
0x435: {  	s9 =	sadd.s32 $0x10, s9;
	p0 =	slt.s32 s0, $0x20;
	s13 =	smov.u32 s0  }
0x436: {  	s13 =	simm.s32 @!p0 $0x20;
	v9 =	vor.u32 s9, v0;
	s15 =	spop (v2sf)  }
0x437: {  	[tilespmem:v8+s13+$0x0 ss:$0x1] =	vst.idx.msk vm1, v9;
	s30 =	sadd.s32 s0, s15  }
.LBB2_85:
0x438: {  	s31 =	sadd.s32 $0x1, s31  }
0x439: {  	p0 =	sne.s32 s31, $0x10  }
.Ltmp70:
0x43a: {  	_ = 	snop;
	(pc) =	sbr.rel @!p0 .LBB2_86-.Ltmp70, $3  }
0x43b: {  	_ =	sdelay $0x1  }
0x43c: {  	s25 =	sadd.s32 $0x100, s25  }
0x43d: {  	s26 =	sadd.s32 $0x100, s26;
	s29 =	sadd.s32 $0x100, s29;
	s28 =	sadd.s32 $0x100, s28  }
.LBB2_81:
0x43e: {  	p0 =	sgt.s32 s30, $0x1F  }
.Ltmp71:
0x43f: {  	_ = 	snop;
	(pc) =	sbr.rel @p0 .LBB2_85-.Ltmp71, $1  }
0x440: {  	_ =	sdelay $0x3  }
0x441: {  	s0 =	sshra.s32 s24, $0x2  }
0x442: {  	s9 =	sadd.s32 s0, s29  }
0x443: {  	s14 =	sadd.s32 s0, s26;
	v9 =	vld [tilespmem:s9+$0x0]  }
0x444: {  	v10 =	vld [tilespmem:s14+$0x0]  }
0x445: {  	s0 =	sadd.s32 s0, s25  }
0x446: {  	v11 =	vld [tilespmem:s0+$0x0];
	_ =	sdelay $0x2  }
0x447: {  	v9 =	vsub.f32 v9, v5;
	v10 =	vsub.f32 v10, v6;
	_ =	sdelay $0x1  }
0x448: {  	v11 =	vsub.f32 v11, v7;
	v9 =	vmul.f32 v9, v9;
	v10 =	vmul.f32 v10, v10;
	_ =	sdelay $0x1  }
0x449: {  	v9 =	vadd.f32 v10, v9;
	v10 =	vmul.f32 v11, v11;
	_ =	sdelay $0x1  }
0x44a: {  	v9 =	vadd.f32 v10, v9;
	_ =	sdelay $0x1  }
0x44b: {  	vm1 =	vle.f32 v9, $1.599999960e-01  }
0x44c: {  	v9 =	vmpcnt.ones.xlane vm1;
	_ =	sdelay $0x1  }
0x44d: {  	(v2sf) =	vpush v9, $0x0  }
0x44e: {  	s15 =	sadd.s32 $0x40, s24;
	p0 =	slt.s32 s30, $0x20;
	s9 =	smov.u32 s30  }
0x44f: {  	s13 =	sshra.s32 s15, $0x2;
	s9 =	simm.s32 @!p0 $0x20;
	v10 =	vor.u32 s28, v0  }
0x450: {  	s14 =	sadd.s32 s13, s29;
	s0 =	sadd.s32 $0x40, s15;
	[tilespmem:v8+s9+$0x0 ss:$0x1] =	vst.idx.msk vm1, v10;
	s9 =	smov.u32 s28  }
.LBB2_83:
0x451: {  	p0 =	sne.s32 s0, $0x3C0;
	v9 =	vld [tilespmem:s14+$0x0];
	s14 =	sadd.s32 s13, s26  }
0x452: {  	v10 =	vld [tilespmem:s14+$0x0]  }
0x453: {  	s13 =	sadd.s32 s13, s25  }
0x454: {  	v11 =	vld [tilespmem:s13+$0x0];
	_ =	sdelay $0x2  }
0x455: {  	v9 =	vsub.f32 v9, v5;
	v10 =	vsub.f32 v10, v6;
	_ =	sdelay $0x1  }
0x456: {  	v9 =	vmul.f32 v9, v9;
	v11 =	vsub.f32 v11, v7;
	v10 =	vmul.f32 v10, v10;
	_ =	sdelay $0x1  }
0x457: {  	v9 =	vadd.f32 v10, v9;
	v10 =	vmul.f32 v11, v11  }
0x458: {  	s13 =	spop (v2sf)  }
0x459: {  	v9 =	vadd.f32 v10, v9;
	s30 =	sadd.s32 s30, s13  }
0x45a: {  	p1 =	slt.s32 s30, $0x20;
	s15 =	smov.u32 s30  }
0x45b: {  	vm1 =	vle.f32 v9, $1.599999960e-01;
	s15 =	simm.s32 @!p1 $0x20  }
0x45c: {  	v9 =	vmpcnt.ones.xlane vm1  }
.Ltmp72:
0x45d: {  	(pc) =	sbr.rel @p0 .LBB2_83-.Ltmp72, $4  }
0x45e: {  	(v2sf) =	vpush v9, $0x0  }
0x45f: {  	s9 =	sadd.s32 $0x10, s9  }
0x460: {  	s13 =	sshra.s32 s0, $0x2;
	v9 =	vor.u32 s9, v0  }
0x461: {  	s0 =	sadd.s32 $0x40, s0;
	s14 =	sadd.s32 s13, s29;
	[tilespmem:v8+s15+$0x0 ss:$0x1] =	vst.idx.msk vm1, v9  }
.Ltmp73:
0x462: {  	_ = 	snop;
	(pc) =	sbr.rel .LBB2_84-.Ltmp73, $1  }
0x463: {  	_ =	sdelay $0x3  }
.LBB2_86:
0x464: {  	v5 =	vld [tilespmem:s23+$0x3300];
	_ =	sdelay $0x4  }
0x465: {  	v6 =	vnsel vm0, $0x0, v5  }
0x466: {  	(xrf0) =	vadd.scan.msk.s32 $0xffff, v6;
	_ =	sdelay $0x4  }
0x467: {  	p0 =	slt.s32 s30, $0x20  }
0x468: {  	s30 =	simm.s32 @!p0 $0x20;
	v6, _, _ =	vpop (xrf0)  }
0x469: {  	v7 =	vmov s30;
	v6 =	vbroadcast v6, $0xF  }
0x46a: {  	vm1 =	vgt.s32 v7, v0  }
0x46b: {  	s0 =	sshll.u32 s22, $0x5;
	v5 =	vsel vm1, v5, v6  }
0x46c: {  	[tilespmem:s0+$0x6300] =	vst v5  }
0x46d: {  	s22 =	sor.u32 $0xE, s21;
	v5 =	vld [tilespmem:s23+$0x3310]  }
0x46e: {  	s9 =	smul.u32 $0xC0, s22  }
.Ltmp74:
0x46f: {  	_ = 	snop;
	(pc) =	sbr.rel .LBB2_87-.Ltmp74, $4  }
0x470: {  	s24 =	simm.s32 $0x2000  }
0x471: {  	s25 =	simm.s32 $0x1000;
	s26 =	smov.u32 s1;
	s9 =	sshra.s32 s9, $0x2;
	vm1 =	vgt.s32 v7, v1  }
0x472: {  	s28 =	simm.s32 $0x0;
	s9 =	sadd.s32 $0x3300, s9;
	v7 =	vbroadcast v3, $0xE;
	s0 =	sor.u32 $0x30, s0;
	v6 =	vsel vm1, v5, v6  }
0x473: {  	s29 =	simm.s32 $0x0;
	s30 =	simm.s32 $0x0;
	v8 =	vmov s9;
	s23 =	simm.s32 $0x0;
	v5 =	vbroadcast v4, $0xE;
	[tilespmem:s0+$0x6300] =	vst v6;
	v6 =	vbroadcast v2, $0xE  }
.LBB2_90:
0x474: {  	v9 =	vld [tilespmem:s14+$0x0];
	s0 =	sadd.s32 s13, s25  }
0x475: {  	v10 =	vld [tilespmem:s0+$0x0]  }
0x476: {  	s14 =	sadd.s32 s13, s24  }
0x477: {  	v11 =	vld [tilespmem:s14+$0x0];
	_ =	sdelay $0x2  }
0x478: {  	v9 =	vsub.f32 v9, v5;
	v10 =	vsub.f32 v10, v6;
	_ =	sdelay $0x1  }
0x479: {  	v11 =	vsub.f32 v11, v7;
	v9 =	vmul.f32 v9, v9;
	v10 =	vmul.f32 v10, v10;
	_ =	sdelay $0x1  }
0x47a: {  	v9 =	vadd.f32 v10, v9;
	v10 =	vmul.f32 v11, v11;
	_ =	sdelay $0x1  }
0x47b: {  	v9 =	vadd.f32 v10, v9;
	_ =	sdelay $0x1  }
0x47c: {  	vm1 =	vle.f32 v9, $1.599999960e-01  }
0x47d: {  	v9 =	vmpcnt.ones.xlane vm1;
	_ =	sdelay $0x1  }
0x47e: {  	(v2sf) =	vpush v9, $0x0;
	_ =	sdelay $0xb  }
0x47f: {  	s15 =	spop (v2sf)  }
0x480: {  	s0 =	sadd.s32 s29, s15  }
0x481: {  	s9 =	sadd.s32 $0x10, s9;
	p0 =	slt.s32 s0, $0x20;
	s13 =	smov.u32 s0  }
0x482: {  	s13 =	simm.s32 @!p0 $0x20;
	v9 =	vor.u32 s9, v0;
	s31 =	spop (v2sf)  }
0x483: {  	[tilespmem:v8+s13+$0x0 ss:$0x1] =	vst.idx.msk vm1, v9;
	s29 =	sadd.s32 s0, s31  }
.LBB2_91:
0x484: {  	s30 =	sadd.s32 $0x1, s30  }
0x485: {  	p0 =	sne.s32 s30, $0x10  }
.Ltmp75:
0x486: {  	_ = 	snop;
	(pc) =	sbr.rel @!p0 .LBB2_92-.Ltmp75, $3  }
0x487: {  	_ =	sdelay $0x1  }
0x488: {  	s24 =	sadd.s32 $0x100, s24  }
0x489: {  	s25 =	sadd.s32 $0x100, s25;
	s28 =	sadd.s32 $0x100, s28;
	s26 =	sadd.s32 $0x100, s26  }
.LBB2_87:
0x48a: {  	p0 =	sgt.s32 s29, $0x1F  }
.Ltmp76:
0x48b: {  	_ = 	snop;
	(pc) =	sbr.rel @p0 .LBB2_91-.Ltmp76, $1  }
0x48c: {  	_ =	sdelay $0x3  }
0x48d: {  	s0 =	sshra.s32 s23, $0x2  }
0x48e: {  	s9 =	sadd.s32 s0, s28  }
0x48f: {  	s15 =	sadd.s32 s0, s25;
	v9 =	vld [tilespmem:s9+$0x0]  }
0x490: {  	v10 =	vld [tilespmem:s15+$0x0]  }
0x491: {  	s0 =	sadd.s32 s0, s24  }
0x492: {  	v11 =	vld [tilespmem:s0+$0x0];
	_ =	sdelay $0x2  }
0x493: {  	v9 =	vsub.f32 v9, v5;
	v10 =	vsub.f32 v10, v6;
	_ =	sdelay $0x1  }
0x494: {  	v11 =	vsub.f32 v11, v7;
	v9 =	vmul.f32 v9, v9;
	v10 =	vmul.f32 v10, v10;
	_ =	sdelay $0x1  }
0x495: {  	v9 =	vadd.f32 v10, v9;
	v10 =	vmul.f32 v11, v11;
	_ =	sdelay $0x1  }
0x496: {  	v9 =	vadd.f32 v10, v9;
	_ =	sdelay $0x1  }
0x497: {  	vm1 =	vle.f32 v9, $1.599999960e-01  }
0x498: {  	v9 =	vmpcnt.ones.xlane vm1;
	_ =	sdelay $0x1  }
0x499: {  	(v2sf) =	vpush v9, $0x0  }
0x49a: {  	s31 =	sadd.s32 $0x40, s23;
	p0 =	slt.s32 s29, $0x20;
	s9 =	smov.u32 s29  }
0x49b: {  	s13 =	sshra.s32 s31, $0x2;
	s9 =	simm.s32 @!p0 $0x20;
	v10 =	vor.u32 s26, v0  }
0x49c: {  	s14 =	sadd.s32 s13, s28;
	s0 =	sadd.s32 $0x40, s31;
	[tilespmem:v8+s9+$0x0 ss:$0x1] =	vst.idx.msk vm1, v10;
	s9 =	smov.u32 s26  }
.LBB2_89:
0x49d: {  	p0 =	sne.s32 s0, $0x3C0;
	v9 =	vld [tilespmem:s14+$0x0];
	s14 =	sadd.s32 s13, s25  }
0x49e: {  	v10 =	vld [tilespmem:s14+$0x0]  }
0x49f: {  	s13 =	sadd.s32 s13, s24  }
0x4a0: {  	v11 =	vld [tilespmem:s13+$0x0];
	_ =	sdelay $0x2  }
0x4a1: {  	v9 =	vsub.f32 v9, v5;
	v10 =	vsub.f32 v10, v6;
	_ =	sdelay $0x1  }
0x4a2: {  	v9 =	vmul.f32 v9, v9;
	v11 =	vsub.f32 v11, v7;
	v10 =	vmul.f32 v10, v10;
	_ =	sdelay $0x1  }
0x4a3: {  	v9 =	vadd.f32 v10, v9;
	v10 =	vmul.f32 v11, v11  }
0x4a4: {  	s13 =	spop (v2sf)  }
0x4a5: {  	v9 =	vadd.f32 v10, v9;
	s29 =	sadd.s32 s29, s13  }
0x4a6: {  	p1 =	slt.s32 s29, $0x20;
	s15 =	smov.u32 s29  }
0x4a7: {  	vm1 =	vle.f32 v9, $1.599999960e-01;
	s15 =	simm.s32 @!p1 $0x20  }
0x4a8: {  	v9 =	vmpcnt.ones.xlane vm1  }
.Ltmp77:
0x4a9: {  	(pc) =	sbr.rel @p0 .LBB2_89-.Ltmp77, $4  }
0x4aa: {  	(v2sf) =	vpush v9, $0x0  }
0x4ab: {  	s9 =	sadd.s32 $0x10, s9  }
0x4ac: {  	s13 =	sshra.s32 s0, $0x2;
	v9 =	vor.u32 s9, v0  }
0x4ad: {  	s0 =	sadd.s32 $0x40, s0;
	s14 =	sadd.s32 s13, s28;
	[tilespmem:v8+s15+$0x0 ss:$0x1] =	vst.idx.msk vm1, v9  }
.Ltmp78:
0x4ae: {  	_ = 	snop;
	(pc) =	sbr.rel .LBB2_90-.Ltmp78, $1  }
0x4af: {  	_ =	sdelay $0x3  }
.LBB2_92:
0x4b0: {  	s0 =	smul.u32 $0x30, s22;
	_ =	sdelay $0x1  }
0x4b1: {  	v5 =	vld [tilespmem:s0+$0x3300];
	_ =	sdelay $0x4  }
0x4b2: {  	v6 =	vnsel vm0, $0x0, v5  }
0x4b3: {  	(xrf0) =	vadd.scan.msk.s32 $0xffff, v6;
	_ =	sdelay $0x4  }
0x4b4: {  	p0 =	slt.s32 s29, $0x20  }
0x4b5: {  	s29 =	simm.s32 @!p0 $0x20;
	v6, _, _ =	vpop (xrf0)  }
0x4b6: {  	v7 =	vmov s29;
	v6 =	vbroadcast v6, $0xF  }
0x4b7: {  	vm1 =	vgt.s32 v7, v0  }
0x4b8: {  	s9 =	sshll.u32 s22, $0x5;
	v5 =	vsel vm1, v5, v6  }
0x4b9: {  	s0 =	sor.u32 $0x30, s0;
	[tilespmem:s9+$0x6300] =	vst v5  }
0x4ba: {  	s21 =	sor.u32 $0xF, s21;
	v5 =	vld [tilespmem:s0+$0x3300]  }
0x4bb: {  	s25 =	smul.u32 $0xC0, s21  }
.Ltmp79:
0x4bc: {  	_ = 	snop;
	(pc) =	sbr.rel .LBB2_93-.Ltmp79, $4  }
0x4bd: {  	s23 =	simm.s32 $0x0  }
0x4be: {  	s24 =	simm.s32 $0x2000;
	s28 =	simm.s32 $0x0;
	s22 =	sshra.s32 s25, $0x2;
	vm1 =	vgt.s32 v7, v1  }
0x4bf: {  	v4 =	vbroadcast v4, $0xF;
	s30 =	simm.s32 $0x0;
	s26 =	sor.u32 $0x50, s9;
	s31 =	sadd.s32 $0x3300, s22;
	v5 =	vsel vm1, v5, v6  }
0x4c0: {  	v2 =	vbroadcast v2, $0xF;
	v3 =	vbroadcast v3, $0xF;
	s29 =	simm.s32 $0x0;
	s25 =	simm.s32 $0x1000;
	[tilespmem:s26+$0x6300] =	vst v5;
	v5 =	vmov s31;
	s26 =	smov.u32 s1  }
.LBB2_96:
0x4c1: {  	v6 =	vld [tilespmem:s14+$0x0];
	s0 =	sadd.s32 s13, s25  }
0x4c2: {  	v7 =	vld [tilespmem:s0+$0x0]  }
0x4c3: {  	s14 =	sadd.s32 s13, s24  }
0x4c4: {  	v8 =	vld [tilespmem:s14+$0x0];
	_ =	sdelay $0x2  }
0x4c5: {  	v6 =	vsub.f32 v6, v4;
	v7 =	vsub.f32 v7, v2;
	_ =	sdelay $0x1  }
0x4c6: {  	v8 =	vsub.f32 v8, v3;
	v6 =	vmul.f32 v6, v6;
	v7 =	vmul.f32 v7, v7;
	_ =	sdelay $0x1  }
0x4c7: {  	v6 =	vadd.f32 v7, v6;
	v7 =	vmul.f32 v8, v8;
	_ =	sdelay $0x1  }
0x4c8: {  	v6 =	vadd.f32 v7, v6;
	_ =	sdelay $0x1  }
0x4c9: {  	vm1 =	vle.f32 v6, $1.599999960e-01  }
0x4ca: {  	v6 =	vmpcnt.ones.xlane vm1;
	_ =	sdelay $0x1  }
0x4cb: {  	(v2sf) =	vpush v6, $0x0;
	_ =	sdelay $0xb  }
0x4cc: {  	s15 =	spop (v2sf)  }
0x4cd: {  	s0 =	sadd.s32 s29, s15  }
0x4ce: {  	s9 =	sadd.s32 $0x10, s9;
	p0 =	slt.s32 s0, $0x20;
	s13 =	smov.u32 s0  }
0x4cf: {  	s13 =	simm.s32 @!p0 $0x20;
	v6 =	vor.u32 s9, v0;
	s31 =	spop (v2sf)  }
0x4d0: {  	[tilespmem:v5+s13+$0x0 ss:$0x1] =	vst.idx.msk vm1, v6;
	s29 =	sadd.s32 s0, s31  }
.LBB2_97:
0x4d1: {  	s30 =	sadd.s32 $0x1, s30  }
0x4d2: {  	p0 =	sne.s32 s30, $0x10  }
.Ltmp80:
0x4d3: {  	_ = 	snop;
	(pc) =	sbr.rel @!p0 .LBB2_98-.Ltmp80, $3  }
0x4d4: {  	_ =	sdelay $0x1  }
0x4d5: {  	s24 =	sadd.s32 $0x100, s24  }
0x4d6: {  	s25 =	sadd.s32 $0x100, s25;
	s28 =	sadd.s32 $0x100, s28;
	s26 =	sadd.s32 $0x100, s26  }
.LBB2_93:
0x4d7: {  	p0 =	sgt.s32 s29, $0x1F  }
.Ltmp81:
0x4d8: {  	_ = 	snop;
	(pc) =	sbr.rel @p0 .LBB2_97-.Ltmp81, $1  }
0x4d9: {  	_ =	sdelay $0x3  }
0x4da: {  	s0 =	sshra.s32 s23, $0x2  }
0x4db: {  	s9 =	sadd.s32 s0, s28  }
0x4dc: {  	s15 =	sadd.s32 s0, s25;
	v6 =	vld [tilespmem:s9+$0x0]  }
0x4dd: {  	v7 =	vld [tilespmem:s15+$0x0]  }
0x4de: {  	s0 =	sadd.s32 s0, s24  }
0x4df: {  	v8 =	vld [tilespmem:s0+$0x0];
	_ =	sdelay $0x2  }
0x4e0: {  	v6 =	vsub.f32 v6, v4;
	v7 =	vsub.f32 v7, v2;
	_ =	sdelay $0x1  }
0x4e1: {  	v8 =	vsub.f32 v8, v3;
	v6 =	vmul.f32 v6, v6;
	v7 =	vmul.f32 v7, v7;
	_ =	sdelay $0x1  }
0x4e2: {  	v6 =	vadd.f32 v7, v6;
	v7 =	vmul.f32 v8, v8;
	_ =	sdelay $0x1  }
0x4e3: {  	v6 =	vadd.f32 v7, v6;
	_ =	sdelay $0x1  }
0x4e4: {  	vm1 =	vle.f32 v6, $1.599999960e-01  }
0x4e5: {  	v6 =	vmpcnt.ones.xlane vm1;
	_ =	sdelay $0x1  }
0x4e6: {  	(v2sf) =	vpush v6, $0x0  }
0x4e7: {  	s31 =	sadd.s32 $0x40, s23;
	p0 =	slt.s32 s29, $0x20;
	s9 =	smov.u32 s29  }
0x4e8: {  	s13 =	sshra.s32 s31, $0x2;
	s9 =	simm.s32 @!p0 $0x20;
	v7 =	vor.u32 s26, v0  }
0x4e9: {  	s14 =	sadd.s32 s13, s28;
	s0 =	sadd.s32 $0x40, s31;
	[tilespmem:v5+s9+$0x0 ss:$0x1] =	vst.idx.msk vm1, v7;
	s9 =	smov.u32 s26  }
.LBB2_95:
0x4ea: {  	p0 =	sne.s32 s0, $0x3C0;
	v6 =	vld [tilespmem:s14+$0x0];
	s14 =	sadd.s32 s13, s25  }
0x4eb: {  	v7 =	vld [tilespmem:s14+$0x0]  }
0x4ec: {  	s13 =	sadd.s32 s13, s24  }
0x4ed: {  	v8 =	vld [tilespmem:s13+$0x0];
	_ =	sdelay $0x2  }
0x4ee: {  	v6 =	vsub.f32 v6, v4;
	v7 =	vsub.f32 v7, v2;
	_ =	sdelay $0x1  }
0x4ef: {  	v6 =	vmul.f32 v6, v6;
	v8 =	vsub.f32 v8, v3;
	v7 =	vmul.f32 v7, v7;
	_ =	sdelay $0x1  }
0x4f0: {  	v6 =	vadd.f32 v7, v6;
	v7 =	vmul.f32 v8, v8  }
0x4f1: {  	s13 =	spop (v2sf)  }
0x4f2: {  	v6 =	vadd.f32 v7, v6;
	s29 =	sadd.s32 s29, s13  }
0x4f3: {  	p1 =	slt.s32 s29, $0x20;
	s15 =	smov.u32 s29  }
0x4f4: {  	vm1 =	vle.f32 v6, $1.599999960e-01;
	s15 =	simm.s32 @!p1 $0x20  }
0x4f5: {  	v6 =	vmpcnt.ones.xlane vm1  }
.Ltmp82:
0x4f6: {  	(pc) =	sbr.rel @p0 .LBB2_95-.Ltmp82, $4  }
0x4f7: {  	(v2sf) =	vpush v6, $0x0  }
0x4f8: {  	s9 =	sadd.s32 $0x10, s9  }
0x4f9: {  	s13 =	sshra.s32 s0, $0x2;
	v6 =	vor.u32 s9, v0  }
0x4fa: {  	s0 =	sadd.s32 $0x40, s0;
	s14 =	sadd.s32 s13, s28;
	[tilespmem:v5+s15+$0x0 ss:$0x1] =	vst.idx.msk vm1, v6  }
.Ltmp83:
0x4fb: {  	_ = 	snop;
	(pc) =	sbr.rel .LBB2_96-.Ltmp83, $1  }
0x4fc: {  	_ =	sdelay $0x3  }
.LBB2_100:
0x4fd: {  	_ =	sfence.sel $0x180000  }
0x4fe: {  	[bflag:$0x0] =	sbarrier.arrive $0xFFFF  }
0x4ff: {  	_ =	strace $0x90000047  }
0x500: {  	s0 =	stileid.u32;
	[bflag:$0x2] =	sbarrier.arrive $0xFFFF  }
0x501: {  	p0 =	sne.s32 s0, $0x0;
	s0 =	rddreg [dreg:$0x2]  }
0x502: {  	s0 =	sadd.s32 @!p0 $0x100000, s0  }
0x503: {  	[sflag:s0] =	ssyncadd.tile.s32 @!p0 $0x1;
	_ =	shalt  }
.Lfunc_end2:
_tile_overlayer_lowered:
.L_overlay_start_2:
0x504: {  	(tag) =	ssettag $0x2  }
0x505: {  	s0 =	rddreg [dreg:$0x0];
	s2 =	stileid.u32  }
0x506: {  	s1 =	rddreg [dreg:$0x1];
	p0 =	sne.s32 s2, $0x0  }
0x507: {  	s3 =	rddreg [dreg:$0x2];
	[bflag:$0x3] =	sbarrier.arrive $0xFFFF;
	s2 =	simm.s32 @!p0 $0x1C01  }
0x508: {  	[timem:s3], [sflag:s2] =	dma.local @!p0 [hbm:s0], s1  }
0x509: {  	s0 =	simm.s32 @!p0 $0x1  }
0x50a: {  	_ =	swait.ge @!p0 [sflag:s0], s1  }
0x50b: {  	s1 =	ssub.s32 @!p0 $0x0, s1;
	[sflag:s0] =	ssyncset.done @!p0 $0x0  }
0x50c: {  	[sflag:s0] =	ssyncadd.s32 @!p0 s1  }
0x50d: {  	[bflag:$0x3] =	sbarrier.arrive $0xFFFF  }
0x50e: {  	_ =	shalt  }

// kernel: kernel.14.cloned.1.call-start
scs
__scs_entry_jumppad:
0x0: {  	(pc) =	sbr.rel $0x88, $3  }
0x1: {  	(tag) =	ssettag $0x0;
	lr =	simm.s32 $0x1  }
0x2: {  	[smem:$0x3F8C] =	sst lr;
	_ =	strace $0xD0000000  }
0x3: {  	_ = 	snop  }
0x4: {  	_ = 	snop  }
0x5: {  	_ = 	snop  }
0x6: {  	_ = 	snop  }
0x7: {  	_ = 	snop  }
__scs_overlays_trampoline_lowered:
0x8: {  	[smem:$0x3F9B] =	sst s0  }
0x9: {  	[smem:$0x3F9C] =	sst s1  }
0xa: {  	[smem:$0x3F9D] =	sst s2  }
0xb: {  	[smem:$0x3F9E] =	sst s3  }
0xc: {  	[smem:$0x3F9F] =	sst s4  }
0xd: {  	[smem:$0x3FA0] =	sst s5  }
0xe: {  	[smem:$0x3FA1] =	sst s6  }
0xf: {  	[smem:$0x3FA2] =	sst s7  }
0x10: {  	[smem:$0x3FA3] =	sst s8  }
0x11: {  	[smem:$0x3FA4] =	sst s9;
	s0 =	simm.s32 @!p0 $0x0  }
0x12: {  	s1 =	sld [smem:$0x3F8A];
	s0 =	simm.s32 @p0 $0x1  }
0x13: {  	[smem:$0x3FA5] =	sst s0;
	s0 =	simm.s32 @!p1 $0x0  }
0x14: {  	s2 =	sld [smem:$0x3F89];
	s0 =	simm.s32 @p1 $0x1  }
0x15: {  	[smem:$0x3FA6] =	sst s0;
	s0 =	simm.s32 @!p2 $0x0  }
0x16: {  	s3 =	sld [smem:$0x3FDB];
	s0 =	simm.s32 @p2 $0x1  }
0x17: {  	s4 =	simm.s32 $0x1BF5;
	[smem:$0x3FA8] =	sst s0  }
0x18: {  	s0 =	sld [smem:$0x3F8B];
	_ =	swait.ge [sflag:s4], $0x0  }
0x19: {  	s7 =	sld [smem:$0x3F8C]  }
0x1a: {  	s8 =	sadd.s32 $0xFFFFE003, lr  }
0x1b: {  	s9 =	sadd.s32 $0xFFFFFEF7, lr;
	s5 =	simm.s32 $0xFFFFFFFF;
	p2 =	slt.u32 s8, $0xFFFFF086  }
0x1c: {  	p1 =	slt.u32 s9, $0xF7A;
	s5 =	simm.s32 @!p2 $0x0  }
0x1d: {  	s5 =	simm.s32 @p1 $0x1;
	p0 =	seq.s32 s7, s2  }
0x1e: {  	s7 =	smul.u32 @!p0 $0xF7A, s2;
	p2 =	seq.s32 @!p0 s5, $0x0  }
0x1f: {  	s9 =	smul.u32 $0xF7A, s1;
	s8 =	simm.s32 @!p0 $0x1BF5;
	p2 =	por !p2, p0  }
0x20: {  	[sflag:s8] =	ssyncset.s32 @!p0 $0xFFFFF086;
	s6 =	sadd.s32 @!p0 s3, s7;
	s7 =	simm.s32 @!p0 $0x108  }
0x21: {  	s3 =	sadd.s32 s3, s9;
	s6 =	sadd.s32 @!p0 $0x88, s6;
	s7 =	simm.s32 @p2 $0x1082  }
0x22: {  	[simem:s7], [sflag:s8] =	dma.local @!p0 [hbm:s6], $0xF7A  }
0x23: {  	s9 =	sor.u32 $0xD0000000, s2;
	s6 =	simm.s32 $0x108;
	_ =	swait.ge @!p0 [sflag:s8], $0x0  }
0x24: {  	s3 =	sadd.s32 $0x88, s3;
	s6 =	simm.s32 @!p1 $0x1082;
	[sflag:s4] =	ssyncset.s32 $0xFFFFF086  }
0x25: {  	[simem:s6], [sflag:s4] =	dma.local [hbm:s3], $0xF7A  }
0x26: {  	[smem:$0x3F8C] =	sst s1;
	(tag) =	ssettag s2;
	_ =	strace s9  }
0x27: {  	s1 =	sld [smem:$0x3F9C]  }
0x28: {  	s2 =	sld [smem:$0x3F9D]  }
0x29: {  	s4 =	sld [smem:$0x3F9F]  }
0x2a: {  	p0 =	seq.s32 s5, $0x0;
	s5 =	sld [smem:$0x3FA0]  }
0x2b: {  	s6 =	sld [smem:$0x3FA1]  }
0x2c: {  	s7 =	sld [smem:$0x3FA2]  }
0x2d: {  	s3 =	simm.s32 $0x108;
	s8 =	sld [smem:$0x3FA3]  }
0x2e: {  	s3 =	simm.s32 @!p0 $0x1082;
	s9 =	sld [smem:$0x3FA4]  }
0x2f: {  	lr =	sadd.s32 s0, s3;
	s0 =	sld [smem:$0x3F9B]  }
0x30: {  	s3 =	sld [smem:$0x3F9E]  }
0x31: {  	[smem:$0x3FA7] =	sst s10  }
0x32: {  	s10 =	sld [smem:$0x3FA5];
	_ =	sdelay $0x3  }
0x33: {  	p0 =	seq.s32 s10, $0x1;
	s10 =	sld [smem:$0x3FA7];
	_ =	sdelay $0x3  }
0x34: {  	[smem:$0x3FA7] =	sst s10  }
0x35: {  	s10 =	sld [smem:$0x3FA6];
	_ =	sdelay $0x3  }
0x36: {  	p1 =	seq.s32 s10, $0x1;
	s10 =	sld [smem:$0x3FA7];
	_ =	sdelay $0x3  }
0x37: {  	[smem:$0x3FA7] =	sst s10  }
0x38: {  	s10 =	sld [smem:$0x3FA8]  }
0x39: {  	_ = 	snop;
	(pc) =	sbr.ind lr, $3  }
0x3a: {  	_ = 	snop  }
0x3b: {  	_ = 	snop  }
0x3c: {  	p2 =	seq.s32 s10, $0x1;
	s10 =	sld [smem:$0x3FA7]  }
0x3d: {  	_ =	shalt  }
0x3e: {  	_ =	shalt  }
0x3f: {  	_ =	shalt  }
0x40: {  	_ =	shalt  }
0x41: {  	_ =	shalt  }
0x42: {  	_ =	shalt  }
0x43: {  	_ =	shalt  }
0x44: {  	_ =	shalt  }
0x45: {  	_ =	shalt  }
0x46: {  	_ =	shalt  }
0x47: {  	_ =	shalt  }
0x48: {  	_ =	shalt  }
0x49: {  	_ =	shalt  }
0x4a: {  	_ =	shalt  }
0x4b: {  	_ =	shalt  }
0x4c: {  	_ =	shalt  }
0x4d: {  	_ =	shalt  }
0x4e: {  	_ =	shalt  }
0x4f: {  	_ =	shalt  }
0x50: {  	_ =	shalt  }
0x51: {  	_ =	shalt  }
0x52: {  	_ =	shalt  }
0x53: {  	_ =	shalt  }
0x54: {  	_ =	shalt  }
0x55: {  	_ =	shalt  }
0x56: {  	_ =	shalt  }
0x57: {  	_ =	shalt  }
0x58: {  	_ =	shalt  }
0x59: {  	_ =	shalt  }
0x5a: {  	_ =	shalt  }
0x5b: {  	_ =	shalt  }
0x5c: {  	_ =	shalt  }
0x5d: {  	_ =	shalt  }
0x5e: {  	_ =	shalt  }
0x5f: {  	_ =	shalt  }
0x60: {  	_ =	shalt  }
0x61: {  	_ =	shalt  }
0x62: {  	_ =	shalt  }
0x63: {  	_ =	shalt  }
0x64: {  	_ =	shalt  }
0x65: {  	_ =	shalt  }
0x66: {  	_ =	shalt  }
0x67: {  	_ =	shalt  }
0x68: {  	_ =	shalt  }
0x69: {  	_ =	shalt  }
0x6a: {  	_ =	shalt  }
0x6b: {  	_ =	shalt  }
0x6c: {  	_ =	shalt  }
0x6d: {  	_ =	shalt  }
0x6e: {  	_ =	shalt  }
0x6f: {  	_ =	shalt  }
0x70: {  	_ =	shalt  }
0x71: {  	_ =	shalt  }
0x72: {  	_ =	shalt  }
0x73: {  	_ =	shalt  }
0x74: {  	_ =	shalt  }
0x75: {  	_ =	shalt  }
0x76: {  	_ =	shalt  }
0x77: {  	_ =	shalt  }
0x78: {  	_ =	shalt  }
0x79: {  	_ =	shalt  }
0x7a: {  	_ =	shalt  }
0x7b: {  	_ =	shalt  }
0x7c: {  	_ =	shalt  }
0x7d: {  	_ =	shalt  }
0x7e: {  	_ =	shalt  }
0x7f: {  	_ =	shalt  }
0x80: {  	_ =	shalt  }
0x81: {  	_ =	shalt  }
0x82: {  	_ =	shalt  }
0x83: {  	_ =	shalt  }
0x84: {  	_ =	shalt  }
0x85: {  	_ =	shalt  }
0x86: {  	_ =	shalt  }
0x87: {  	_ =	shalt  }
.Lfunc_end0:
.L_simem_size_0:
called_computation.1_lowered:
.L_overlay_start_0:
0x88: {  	s2 =	sld [smem:$0x3FD9]  }
0x89: {  	s3 =	sld [smem:$0x3FFE];
	_ =	sdelay $0x1  }
0x8a: {  	s1 =	srdreg.scid  }
0x8b: {  	s0 =	sand.u32 $0x1, s1  }
0x8c: {  	s14 =	sshll.u32 s0, $0xA;
	s2 =	sadd.s32 s3, s2  }
0x8d: {  	s2 =	sadd.s32 s2, s14  }
0x8e: {  	[smem:$0x3FB3] =	sst s2  }
0x8f: {  	_ = 	snop  }
0x90: {  	s2 =	sld [smem:$0x3FD0];
	_ =	sdelay $0x2  }
0x91: {  	s15 =	simm.s32 $0xA;
	s4 =	simm.s32 $0x10  }
0x92: {  	[smem:s4], [sflag:s15] =	dma.local [hbm:s2], $0x1  }
0x93: {  	_ =	swait.eq [sflag:s15], $0x1  }
0x94: {  	[sflag:s15] =	ssyncset.done $0x0  }
0x95: {  	[sflag:s15] =	ssyncadd.s32 $0xFFFFFFFF  }
0x96: {  	s16 =	sld [smem:$0x11];
	(tm) =	ssettm $0x1  }
0x97: {  	s17 =	sld [smem:$0x3FFB];
	_ =	sdelay $0x3  }
0x98: {  	_ =	strace s17  }
0x99: {  	s3 =	sld [smem:$0x3FFC];
	_ =	sdelay $0x3  }
0x9a: {  	_ =	strace s3  }
0x9b: {  	s3 =	sld [smem:$0x3FFD];
	_ =	sdelay $0x3  }
0x9c: {  	_ =	strace s3  }
0x9d: {  	_ =	strace $0x8FFFFFFF  }
0x9e: {  	s18 =	sld [smem:$0x3FDB];
	_ =	sdelay $0x1  }
0x9f: {  	s19 =	simm.s32 $_scs_section_size  }
0xa0: {  	s5 =	simm.s32 $_size__tile_overlayer_lowered;
	s6 =	simm.s32 $_tile_overlayer_lowered  }
0xa1: {  	s22 =	simm.s32 $0x1BFF;
	s21 =	sshll.u32 s6, $0x1;
	s3 =	sadd.s32 s19, s18  }
0xa2: {  	s7 =	simm.s32 $0x0;
	s20 =	sshll.u32 s5, $0x1;
	s5 =	sadd.s32 s21, s3  }
0xa3: {  	[timem:s7], [sflag:s22] =	dma.local [hbm:s5], s20  }
0xa4: {  	_ =	swait.ge [sflag:s22], s20  }
0xa5: {  	s4 =	ssub.s32 $0x0, s20;
	[sflag:s22] =	ssyncset.done $0x0  }
0xa6: {  	[sflag:s22] =	ssyncadd.s32 s4;
	_ =	sdelay $0x1  }
0xa7: {  	s23 =	simm.s32 $0x1B8B  }
0xa8: {  	_ =	swait.ge [sflag:s23], $0x1  }
0xa9: {  	[sflag:s23] =	ssyncset.done $0x0  }
0xaa: {  	s25 =	simm.s32 $0x1B8E;
	s24 =	sld [smem:$0x3FFE];
	[sflag:s23] =	ssyncadd.s32 $0xFFFFFFFF  }
0xab: {  	s26 =	simm.s32 $execute0_lowered;
	[smem:$0x3FD2] =	sst s25  }
0xac: {  	s5 =	sshll.u32 s26, $0x1;
	_ =	strace $0x80000049;
	[dreg:$0x1] =	wrdreg $0xFFFFFFFF  }
0xad: {  	s28 =	simm.s32 $_size_execute0_lowered;
	s3 =	sadd.s32 s3, s5;
	[dreg:$0x0] =	wrdreg $0x0  }
0xae: {  	s5 =	sshll.u32 s28, $0x1;
	[dreg:$0x2] =	wrdreg s3  }
0xaf: {  	[dreg:$0x3] =	wrdreg s5  }
0xb0: {  	[dreg:$0x4] =	wrdreg $0xC0  }
0xb1: {  	_ =	task [dreg:s7], $0x5FFFF  }
0xb2: {  	[dreg:$0x1] =	wrdreg $0xFFFFFFFF  }
0xb3: {  	[dreg:$0x0] =	wrdreg $0x60  }
0xb4: {  	[dreg:$0x2] =	wrdreg s24  }
0xb5: {  	[dreg:$0x3] =	wrdreg s16  }
0xb6: {  	[dreg:$0x4] =	wrdreg $0x9  }
0xb7: {  	_ =	task.clear_ibuf [dreg:s7], $0x5FFFF;
	_ =	strace $0x90000049  }
0xb8: {  	s29 =	simm.s32 $0x9;
	_ =	strace $0x8000004B  }
0xb9: {  	_ =	swait.ge [sflag:s29], $0x1  }
0xba: {  	[sflag:s29] =	ssyncadd.s32 $0xFFFFFFFF  }
0xbb: {  	_ =	strace $0x9000004B  }
0xbc: {  	_ =	sfence  }
0xbd: {  	s30 =	sld [smem:$0x0];
	_ =	sdelay $0x2  }
0xbe: {  	s31 =	sshll.u32 s1, $0xD;
	s1 =	sshrl.u32 s1, $0x2  }
0xbf: {  	s3 =	sand.u32 $0x4000, s31;
	s1 =	sadd.s32 s1, s30  }
0xc0: {  	s0 =	sor.u32 s3, s0;
	s1 =	sshll.u32 s1, $0x11  }
0xc1: {  	s0 =	sor.u32 s1, s0  }
0xc2: {  	s0 =	sadd.s32 $0x8F2B, s0  }
0xc3: {  	[sflag:s0] =	ssyncadd.remote.s32 $0x1  }
0xc4: {  	_ =	sfence.sel $0xFFFF  }
0xc5: {  	[dreg:$0x0] =	wrdreg $0xFFFFFFFF;
	(pc) =	sbr.abs _section_cstart, $3  }
0xc6: {  	[dreg:$0x1] =	wrdreg $0xFFFFFFFF  }
0xc7: {  	_ =	task.clear_ibuf [dreg:s7], $0x2FFFF;
	_ =	strace $0x9FFFFFFF  }
0xc8: {  	(tm) =	ssettm $0x7FFFFFFF  }
0xc9: {  	_ =	shalt  }
tec
execute0_lowered:
.L_overlay_start_1:
0x0: {  	(tag) =	ssettag $0x1  }
0x1: {  	s4 =	rddreg [dreg:$0x0]  }
0x2: {  	s5 =	rddreg [dreg:$0x1];
	s1 =	simm.s32 $0x0;
	s2 =	srdreg.scid  }
0x3: {  	s0 =	stileid.u32;
	s12 =	simm.s32 $0x6000;
	s14 =	simm.s32 $0xA000  }
0x4: {  	s15 =	simm.s32 $0x180;
	s16 =	simm.s32 $0xE000;
	s17 =	simm.s32 $0x1  }
0x5: {  	s18 =	simm.s32 $0x2;
	s19 =	simm.s32 $0x3;
	s20 =	simm.s32 $0x4  }
0x6: {  	s21 =	simm.s32 $0x5;
	s22 =	simm.s32 $0x6;
	s23 =	simm.s32 $0x7  }
0x7: {  	s24 =	simm.s32 $0x8;
	s25 =	simm.s32 $0x0;
	[smem:$0x7FF] =	sst s1  }
0x8: {  	s6 =	sand.u32 $0x1, s2;
	s3 =	sadd.s32 $0x8600, s4;
	s8 =	sadd.s32 $0x88600, s4  }
0x9: {  	s9 =	sshll.u32 s0, $0xB;
	s11 =	sshll.u32 s0, $0x12;
	_ =	strace $0x8000004A  }
0xa: {  	s7 =	ssub.s32 $0x2, s6;
	s10 =	sshll.u32 s6, $0xA;
	s6 =	sshll.u32 s6, $0x11  }
.Ltmp0:
0xb: {  	s31 =	sadd.s32 s11, s8;
	s28 =	sshrl.u32 s7, $0x1;
	(pc) =	sbr.rel .LBB2_1-.Ltmp0, $4  }
0xc: {  	s29 =	sor.u32 s10, s9;
	s30 =	sor.u32 s6, s11;
	s6 =	sadd.s32 s6, s31  }
0xd: {  	s9 =	simm.s32 $0x9;
	s10 =	simm.s32 $0x80;
	s11 =	simm.s32 $0x2000  }
0xe: {  	s7 =	ssub.s32 s7, s28;
	s4 =	sadd.s32 s5, s29;
	s8 =	sadd.s32 s30, s8  }
0xf: {  	s5 =	smax.u32 s7, $0x1;
	s7 =	sadd.s32 $0x1800, s8;
	s8 =	sadd.s32 $0x1000, s8  }
.LBB2_4:
0x10: {  	_ =	swait.ge [sflag:s21], $0x4000  }
0x11: {  	[sflag:s21] =	ssyncset.done $0x0  }
0x12: {  	[sflag:s21] =	ssyncadd.s32 $0xFFFFC000  }
0x13: {  	_ =	swait.ge [sflag:s22], $0x4000  }
0x14: {  	[sflag:s22] =	ssyncset.done $0x0  }
0x15: {  	s25 =	sadd.s32 $0x1, s25;
	[sflag:s22] =	ssyncadd.s32 $0xFFFFC000  }
0x16: {  	p0 =	sne.s32 s25, s5;
	_ =	swait.ge [sflag:s23], $0x4000  }
.Ltmp1:
0x17: {  	[sflag:s23] =	ssyncset.done $0x0;
	(pc) =	sbr.rel @!p0 .LBB2_5-.Ltmp1, $4  }
0x18: {  	[sflag:s23] =	ssyncadd.s32 $0xFFFFC000  }
0x19: {  	_ =	swait.ge [sflag:s24], $0x4000  }
0x1a: {  	[sflag:s24] =	ssyncset.done $0x0  }
0x1b: {  	[sflag:s24] =	ssyncadd.s32 $0xFFFFC000  }
.LBB2_1:
0x1c: {  	[tilespmem:s1], [sflag:$0x9] =	stream.linear.gather [hbm4b:s4+s1], $0x2000, $0x38;
	[tilespmem:$0x12000] =	vst v63  }
0x1d: {  	_ =	swait.ge [sflag:s9], $0x2000  }
0x1e: {  	[sflag:s9] =	ssyncset.done $0x0  }
0x1f: {  	[sflag:s9] =	ssyncadd.s32 $0xFFFFE000  }
0x20: {  	[tilespmem:s11], [sflag:$0x1] =	stream.indirect.gather [hbm4b:s3+s10], $0x80, s1, s10, $0xb8;
	[tilespmem:$0x12000] =	vst v63  }
0x21: {  	_ = 	snop  }
0x22: {  	[tilespmem:s12], [sflag:$0x2] =	stream.indirect.gather [hbm4b:s3+s10], $0x80, s10, s10, $0xb8;
	[tilespmem:$0x12000] =	vst v63  }
0x23: {  	s0 =	simm.s32 $0x100;
	s26 =	smov.u32 s8  }
0x24: {  	[tilespmem:s14], [sflag:$0x3] =	stream.indirect.gather [hbm4b:s3+s10], $0x80, s0, s10, $0xb8;
	[tilespmem:$0x12000] =	vst v63  }
0x25: {  	s28 =	smov.u32 s7;
	s29 =	smov.u32 s6;
	s30 =	simm.s32 $0x0  }
0x26: {  	[tilespmem:s16], [sflag:$0x4] =	stream.indirect.gather [hbm4b:s3+s10], $0x80, s15, s10, $0xb8;
	[tilespmem:$0x12000] =	vst v63  }
.LBB2_2:
0x27: {  	_ =	swait.ge [sflag:s17], $0x4000  }
0x28: {  	p0 =	seq.s32 s30, $0x7800;
	[sflag:s17] =	ssyncset.done $0x0  }
0x29: {  	s31 =	simm.s32 @!p0 $0x5;
	[sflag:s17] =	ssyncadd.s32 $0xFFFFC000  }
0x2a: {  	[hbm4b:s29+s1] =	stream.linear.scatter [tilespmem:s11], [sflag:$0x5], $0x4000, $0x38;
	[tilespmem:$0x12000] =	vst v63  }
0x2b: {  	_ =	swait.ge @!p0 [sflag:s31], $0x4000  }
0x2c: {  	[sflag:s31] =	ssyncset.done @!p0 $0x0  }
0x2d: {  	[sflag:s31] =	ssyncadd.s32 @!p0 $0xFFFFC000;
	s31 =	sshra.s32 @!p0 s30, $0x2  }
0x2e: {  	s2 =	simm.s32 @!p0 $0x80;
	s13 =	simm.s32 @!p0 $0x2000;
	s0 =	sadd.s32 @!p0 $0x200, s31  }
0x2f: {  	[tilespmem:s13], [sflag:$0x1] =	stream.indirect.gather @!p0 [hbm4b:s3+s2], $0x80, s0, s2, $0xb8;
	[tilespmem:$0x12000] =	vst v63  }
0x30: {  	_ =	swait.ge [sflag:s18], $0x4000  }
0x31: {  	[sflag:s18] =	ssyncset.done $0x0  }
0x32: {  	s13 =	sadd.s32 $0xFFFFF000, s28;
	s0 =	simm.s32 @!p0 $0x6;
	[sflag:s18] =	ssyncadd.s32 $0xFFFFC000  }
0x33: {  	[hbm4b:s13+s1] =	stream.linear.scatter [tilespmem:s12], [sflag:$0x6], $0x4000, $0x38;
	[tilespmem:$0x12000] =	vst v63  }
0x34: {  	_ =	swait.ge @!p0 [sflag:s0], $0x4000  }
0x35: {  	[sflag:s0] =	ssyncset.done @!p0 $0x0  }
0x36: {  	s13 =	simm.s32 @!p0 $0x6000;
	[sflag:s0] =	ssyncadd.s32 @!p0 $0xFFFFC000;
	s0 =	sadd.s32 @!p0 $0x280, s31  }
0x37: {  	[tilespmem:s13], [sflag:$0x2] =	stream.indirect.gather @!p0 [hbm4b:s3+s2], $0x80, s0, s2, $0xb8;
	[tilespmem:$0x12000] =	vst v63  }
0x38: {  	_ =	swait.ge [sflag:s19], $0x4000  }
0x39: {  	[sflag:s19] =	ssyncset.done $0x0  }
0x3a: {  	s0 =	simm.s32 @!p0 $0x7;
	[sflag:s19] =	ssyncadd.s32 $0xFFFFC000  }
0x3b: {  	[hbm4b:s26+s1] =	stream.linear.scatter [tilespmem:s14], [sflag:$0x7], $0x4000, $0x38;
	[tilespmem:$0x12000] =	vst v63  }
0x3c: {  	_ =	swait.ge @!p0 [sflag:s0], $0x4000  }
0x3d: {  	[sflag:s0] =	ssyncset.done @!p0 $0x0  }
0x3e: {  	s13 =	simm.s32 @!p0 $0xA000;
	[sflag:s0] =	ssyncadd.s32 @!p0 $0xFFFFC000;
	s0 =	sadd.s32 @!p0 $0x300, s31  }
0x3f: {  	[tilespmem:s13], [sflag:$0x3] =	stream.indirect.gather @!p0 [hbm4b:s3+s2], $0x80, s0, s2, $0xb8;
	[tilespmem:$0x12000] =	vst v63  }
.Ltmp2:
0x40: {  	_ = 	snop;
	(pc) =	sbr.rel @p0 .LBB2_4-.Ltmp2, $4  }
0x41: {  	_ =	swait.ge [sflag:s20], $0x4000  }
0x42: {  	[sflag:s20] =	ssyncset.done $0x0  }
0x43: {  	[sflag:s20] =	ssyncadd.s32 $0xFFFFC000  }
0x44: {  	[hbm4b:s28+s1] =	stream.linear.scatter [tilespmem:s16], [sflag:$0x8], $0x4000, $0x38;
	[tilespmem:$0x12000] =	vst v63  }
.Ltmp3:
0x45: {  	(pc) =	sbr.rel .LBB2_2-.Ltmp3, $4  }
0x46: {  	_ =	swait.ge [sflag:s24], $0x4000;
	s0 =	sshra.s32 s30, $0x2;
	s30 =	sadd.s32 $0x800, s30  }
0x47: {  	s29 =	sadd.s32 $0x2000, s29;
	s28 =	sadd.s32 $0x2000, s28;
	[sflag:s24] =	ssyncset.done $0x0  }
0x48: {  	s26 =	sadd.s32 $0x2000, s26;
	s0 =	sadd.s32 $0x380, s0;
	[sflag:s24] =	ssyncadd.s32 $0xFFFFC000  }
0x49: {  	[tilespmem:s16], [sflag:$0x4] =	stream.indirect.gather [hbm4b:s3+s10], $0x80, s0, s10, $0xb8;
	[tilespmem:$0x12000] =	vst v63  }
.LBB2_5:
0x4a: {  	_ =	sfence.sel $0x180000  }
0x4b: {  	[bflag:$0x0] =	sbarrier.arrive $0xFFFF  }
0x4c: {  	_ =	strace $0x9000004A  }
0x4d: {  	s0 =	stileid.u32;
	[bflag:$0x2] =	sbarrier.arrive $0xFFFF  }
0x4e: {  	p0 =	sne.s32 s0, $0x0;
	s0 =	rddreg [dreg:$0x2]  }
0x4f: {  	s0 =	sadd.s32 @!p0 $0x100000, s0  }
0x50: {  	[sflag:s0] =	ssyncadd.tile.s32 @!p0 $0x1;
	_ =	shalt  }
.Lfunc_end2:
_tile_overlayer_lowered:
.L_overlay_start_2:
0x51: {  	(tag) =	ssettag $0x2  }
0x52: {  	s0 =	rddreg [dreg:$0x0];
	s2 =	stileid.u32  }
0x53: {  	s1 =	rddreg [dreg:$0x1];
	p0 =	sne.s32 s2, $0x0  }
0x54: {  	s3 =	rddreg [dreg:$0x2];
	[bflag:$0x3] =	sbarrier.arrive $0xFFFF;
	s2 =	simm.s32 @!p0 $0x1C09  }
0x55: {  	[timem:s3], [sflag:s2] =	dma.local @!p0 [hbm:s0], s1  }
0x56: {  	s0 =	simm.s32 @!p0 $0x9  }
0x57: {  	_ =	swait.ge @!p0 [sflag:s0], s1  }
0x58: {  	s1 =	ssub.s32 @!p0 $0x0, s1;
	[sflag:s0] =	ssyncset.done @!p0 $0x0  }
0x59: {  	[sflag:s0] =	ssyncadd.s32 @!p0 s1  }
0x5a: {  	[bflag:$0x3] =	sbarrier.arrive $0xFFFF  }
0x5b: {  	_ =	shalt  }

</sc_bundles>
